<compile_context>
chip_gen: v7x
topology: tpu7x:2x2x1
jax: 0.10.2.dev20260603
libtpu: 0.0.44.dev20260713+nightly
codegen_flags: <defaults>
</compile_context>

<pallas_src>
import functools

import jax
import jax.numpy as jnp
from jax import lax
from jax.experimental import pallas as pl
from jax.experimental.pallas import tpu as pltpu
from jax.experimental.pallas import tpu_sc as plsc

B = 16384
F = 26
E = 128
VF = 1000
R = B * F
NW = 32
RW = R // NW
FH = F // 2
FS = 6
C = 64
NCH = RW // C
NBUF = 8

_mesh = plsc.VectorSubcoreMesh(core_axis_name="c", subcore_axis_name="s")


@functools.partial(
    pl.kernel,
    out_type=jax.ShapeDtypeStruct((R, E), jnp.float32),
    mesh=_mesh,
    scratch_types=[
        pltpu.VMEM((RW,), jnp.int32),
        pltpu.VMEM((NBUF, C, E), jnp.float32),
        pltpu.VMEM_SHARED((FS * VF, E), jnp.float32),
    ]
    + [pltpu.SemaphoreType.DMA] * (2 * NBUF + 1),
)
def _embed(x_hbm, w_hbm, out_hbm, idx_v, rows_v, table_sh, *sems):
    gsem = sems[:NBUF]
    osem = sems[NBUF:2 * NBUF]
    tsem = sems[2 * NBUF]
    cid = lax.axis_index("c")
    sid = lax.axis_index("s")
    wid = cid * 16 + sid

    @pl.when(sid < FS)
    def _():
        pltpu.async_copy(
            w_hbm.at[pl.ds((cid * FH + sid) * VF, VF)],
            table_sh.at[pl.ds(sid * VF, VF)],
            tsem,
        )

    pltpu.sync_copy(x_hbm.at[wid], idx_v)

    lanes = lax.iota(jnp.int32, 16)
    base = wid * RW
    hbase = cid * FH * VF

    def transform(g):
        for k in range(C // 16):
            q = base + g * C + k * 16 + lanes
            l = lax.shift_right_logical(q, 14) - cid * FH
            off = l * VF + jnp.where(l < FS, 0, hbase)
            sl = pl.ds(g * C + k * 16, 16)
            idx_v[sl] = idx_v[sl] + off

    def start_gather_spmem(g, b):
        l0 = lax.shift_right_logical(base + g * C, 14) - cid * FH

        @pl.when(l0 < FS)
        def _():
            pltpu.async_copy(
                table_sh.at[idx_v.at[pl.ds(g * C, C)]], rows_v.at[b], gsem[b]
            )

    def start_gather_hbm(g, b):
        l0 = lax.shift_right_logical(base + g * C, 14) - cid * FH

        @pl.when(l0 >= FS)
        def _():
            pltpu.async_copy(
                w_hbm.at[idx_v.at[pl.ds(g * C, C)]], rows_v.at[b], gsem[b]
            )

    def start_gather(g, b):
        start_gather_spmem(g, b)
        start_gather_hbm(g, b)

    def wait_gather(b):
        pltpu.make_async_copy(
            w_hbm.at[idx_v.at[pl.ds(0, C)]], rows_v.at[b], gsem[b]
        ).wait()

    def start_out(g, b):
        pltpu.async_copy(
            rows_v.at[b], out_hbm.at[pl.ds(base + g * C, C)], osem[b]
        )

    def wait_out(b):
        pltpu.make_async_copy(
            rows_v.at[b], out_hbm.at[pl.ds(0, C)], osem[b]
        ).wait()

    for b in range(NBUF):
        transform(b)
        start_gather_hbm(b, b)

    @pl.when(sid < FS)
    def _():
        pltpu.make_async_copy(
            w_hbm.at[pl.ds(0, VF)], table_sh.at[pl.ds(0, VF)], tsem
        ).wait()

    plsc.subcore_barrier()

    for b in range(NBUF):
        start_gather_spmem(b, b)

    @pl.loop(0, NCH, step=NBUF)
    def _chunks(g0):
        for b in range(NBUF):
            g = g0 + b
            wait_gather(b)
            start_out(g, b)

            @pl.when(g0 + NBUF < NCH)
            def _():
                transform(g + NBUF)
                wait_out(b)
                start_gather(g + NBUF, b)

    for b in range(NBUF):
        wait_out(b)


def kernel(x, weight):
    xq = x.T.reshape(NW, RW)
    out = _embed(xq, weight)
    return out.reshape(F, B, E).transpose(1, 0, 2)

# --- scband reference (transcript-rebuilt; emitter-appended) ---
"""Pipeline reference for scband-features-embedding-15994458211208 (READ-ONLY COPY).

The authoritative reference and input builder live on the scoring server;
editing this copy changes nothing except your own understanding.
"""

import jax, jax.numpy as jnp
import numpy as np

FIELD_DIMS = [1000] * 26
EMBED_DIM = 128
BATCH = 16384
NUM_EMB = sum(FIELD_DIMS)
OFFSETS = np.array((0, *np.cumsum(FIELD_DIMS)[:-1]), dtype=np.int32)


def setup_inputs(seed: int = 0) -> dict:
    key = jax.random.key(seed)
    k1, k2 = jax.random.split(key)
    # indices per field, each in [0, field_dim) -- all field dims are 1000 here
    x = jax.random.randint(k1, (BATCH, len(FIELD_DIMS)), 0, 1000, dtype=jnp.int32)
    # xavier_uniform init for embedding table of shape [NUM_EMB, EMBED_DIM]
    bound = float(np.sqrt(6.0 / (NUM_EMB + EMBED_DIM)))
    weight = jax.random.uniform(k2, (NUM_EMB, EMBED_DIM), dtype=jnp.float32, minval=-bound, maxval=bound)
    return {"x": x, "weight": weight}


def reference(x, weight):
    # x: int32[B, F]; add per-field offsets then gather rows from the fused table
    offsets = jnp.asarray(OFFSETS, dtype=x.dtype)
    idx = x + offsets[None, :]
    return jnp.take(weight, idx, axis=0)  # [B, F, EMBED_DIM]

if __name__ == "__main__":
    import jax
    _d = setup_inputs()
    print(jax.jit(kernel)(*tuple(_d.values())))

</pallas_src>

<mosaic_0001>
#map = affine_map<(d0, d1) -> (0, 0)>
module attributes {stable_mosaic.version = 14 : i64} {
  func.func @_embed(%arg0: i32, %arg1: i32, %arg2: memref<32x13312xi32, #tpu.memory_space<hbm>>, %arg3: memref<26000x128xf32, #tpu.memory_space<hbm>>, %arg4: memref<425984x128xf32, #tpu.memory_space<hbm>>, %arg5: memref<13312xi32, #tpu.memory_space<vmem>>, %arg6: memref<8x64x128xf32, #tpu.memory_space<vmem>>, %arg7: memref<6000x128xf32, #tpu.memory_space<vmem_shared>>, %arg8: memref<!tpu.dma_semaphore, #tpu.memory_space<semaphore_mem>>, %arg9: memref<!tpu.dma_semaphore, #tpu.memory_space<semaphore_mem>>, %arg10: memref<!tpu.dma_semaphore, #tpu.memory_space<semaphore_mem>>, %arg11: memref<!tpu.dma_semaphore, #tpu.memory_space<semaphore_mem>>, %arg12: memref<!tpu.dma_semaphore, #tpu.memory_space<semaphore_mem>>, %arg13: memref<!tpu.dma_semaphore, #tpu.memory_space<semaphore_mem>>, %arg14: memref<!tpu.dma_semaphore, #tpu.memory_space<semaphore_mem>>, %arg15: memref<!tpu.dma_semaphore, #tpu.memory_space<semaphore_mem>>, %arg16: memref<!tpu.dma_semaphore, #tpu.memory_space<semaphore_mem>>, %arg17: memref<!tpu.dma_semaphore, #tpu.memory_space<semaphore_mem>>, %arg18: memref<!tpu.dma_semaphore, #tpu.memory_space<semaphore_mem>>, %arg19: memref<!tpu.dma_semaphore, #tpu.memory_space<semaphore_mem>>, %arg20: memref<!tpu.dma_semaphore, #tpu.memory_space<semaphore_mem>>, %arg21: memref<!tpu.dma_semaphore, #tpu.memory_space<semaphore_mem>>, %arg22: memref<!tpu.dma_semaphore, #tpu.memory_space<semaphore_mem>>, %arg23: memref<!tpu.dma_semaphore, #tpu.memory_space<semaphore_mem>>, %arg24: memref<!tpu.dma_semaphore, #tpu.memory_space<semaphore_mem>>) attributes {dimension_semantics = [#tpu.dimension_semantics<core_parallel>, #tpu.dimension_semantics<subcore_parallel>], iteration_bounds = array<i64: 2, 16>, scalar_prefetch = 0 : i64, scratch_operands = 20 : i64, tpu.core_type = #tpu.core_type<sc_vector_subcore>, window_params = [{transform_indices = #map}, {transform_indices = #map}, {transform_indices = #map}]} {
    %mul3A = arith.constant 16 : i32
    %mul3A_0 = arith.muli %arg0, %mul3A : i32
    %add3A = arith.addi %mul3A_0, %arg1 : i32
    %lt3A = arith.constant 6 : i32
    %lt3A_1 = arith.cmpi slt, %arg1, %lt3A : i32
    %convert_element_type3A = arith.extui %lt3A_1 : i1 to i32
    %cond3A = arith.constant 0 : i32
    %cond3A_2 = arith.cmpi ne, %convert_element_type3A, %cond3A : i32
    scf.if %cond3A_2 {
      %mul3A_1345 = arith.constant 13 : i32
      %mul3A_1346 = arith.muli %arg0, %mul3A_1345 : i32
      %add3A_1347 = arith.addi %mul3A_1346, %arg1 : i32
      %mul3A_1348 = arith.constant 1000 : i32
      %mul3A_1349 = arith.muli %add3A_1347, %mul3A_1348 : i32
      %mul3A_1350 = arith.constant 1000 : i32
      %mul3A_1351 = arith.muli %arg1, %mul3A_1350 : i32
      %dma_start3A = arith.constant 0 : i32
      %dma_start3A_1352 = tpu.memref_slice %arg7[%mul3A_1351, %dma_start3A] : memref<6000x128xf32, #tpu.memory_space<vmem_shared>> -> memref<1000x128xf32, #tpu.memory_space<vmem_shared>>
      %dma_start3A_1353 = arith.constant 0 : i32
      %dma_start3A_1354 = tpu.memref_slice %arg3[%mul3A_1349, %dma_start3A_1353] : memref<26000x128xf32, #tpu.memory_space<hbm>> -> memref<1000x128xf32, #tpu.memory_space<hbm>>
      tpu.enqueue_dma source(%dma_start3A_1354 : memref<1000x128xf32, #tpu.memory_space<hbm>>) target(%dma_start3A_1352 : memref<1000x128xf32, #tpu.memory_space<vmem_shared>>) target_semaphore(%arg24 : memref<!tpu.dma_semaphore, #tpu.memory_space<semaphore_mem>>)
    } else {
    }
    "tpu.region"() ({
      %run_scoped3A = tpu.sem_alloc : memref<!tpu.dma_semaphore, #tpu.memory_space<semaphore_mem>>
      %dma_start3A = arith.constant 0 : i32
      %dma_start3A_1345 = tpu.memref_slice %arg2[%add3A, %dma_start3A] : memref<32x13312xi32, #tpu.memory_space<hbm>> -> memref<1x13312xi32, #tpu.memory_space<hbm>>
      %dma_start3A_1346 = tpu.memref_squeeze %dma_start3A_1345 : memref<1x13312xi32, #tpu.memory_space<hbm>> -> memref<13312xi32, #tpu.memory_space<hbm>>
      %dma_start3A_1347 = arith.constant 0 : i32
      %dma_start3A_1348 = tpu.memref_slice %arg2[%add3A, %dma_start3A_1347] : memref<32x13312xi32, #tpu.memory_space<hbm>> -> memref<1x13312xi32, #tpu.memory_space<hbm>>
      %dma_start3A_1349 = tpu.memref_squeeze %dma_start3A_1348 : memref<1x13312xi32, #tpu.memory_space<hbm>> -> memref<13312xi32, #tpu.memory_space<hbm>>
      tpu.enqueue_dma source(%dma_start3A_1349 : memref<13312xi32, #tpu.memory_space<hbm>>) target(%arg5 : memref<13312xi32, #tpu.memory_space<vmem>>) target_semaphore(%run_scoped3A : memref<!tpu.dma_semaphore, #tpu.memory_space<semaphore_mem>>)
      %dma_wait3A_1350 = arith.constant 0 : i32
      %dma_wait3A_1351 = tpu.memref_slice %arg2[%add3A, %dma_wait3A_1350] : memref<32x13312xi32, #tpu.memory_space<hbm>> -> memref<1x13312xi32, #tpu.memory_space<hbm>>
      %dma_wait3A_1352 = tpu.memref_squeeze %dma_wait3A_1351 : memref<1x13312xi32, #tpu.memory_space<hbm>> -> memref<13312xi32, #tpu.memory_space<hbm>>
      %dma_wait3A_1353 = arith.constant 0 : i32
      %dma_wait3A_1354 = tpu.memref_slice %arg2[%add3A, %dma_wait3A_1353] : memref<32x13312xi32, #tpu.memory_space<hbm>> -> memref<1x13312xi32, #tpu.memory_space<hbm>>
      %dma_wait3A_1355 = tpu.memref_squeeze %dma_wait3A_1354 : memref<1x13312xi32, #tpu.memory_space<hbm>> -> memref<13312xi32, #tpu.memory_space<hbm>>
      tpu.wait_dma2 semaphore(%run_scoped3A : memref<!tpu.dma_semaphore, #tpu.memory_space<semaphore_mem>>) src(%dma_wait3A_1355 : memref<13312xi32, #tpu.memory_space<hbm>>) dst(%arg5 : memref<13312xi32, #tpu.memory_space<vmem>>)
      tpu.yield
    }) : () -> ()
    %iota3A = tpu.iota {dimensions = array<i32: 0>} : vector<16xi32>
    %mul3A_3 = arith.constant 13312 : i32
    %mul3A_4 = arith.muli %add3A, %mul3A_3 : i32
    %mul3A_5 = arith.constant 13 : i32
    %mul3A_6 = arith.muli %arg0, %mul3A_5 : i32
    %mul3A_7 = arith.constant 1000 : i32
    %mul3A_8 = arith.muli %mul3A_6, %mul3A_7 : i32
    %add3A_9 = arith.constant 0 : i32
    %add3A_10 = arith.addi %mul3A_4, %add3A_9 : i32
    %add3A_11 = arith.constant 0 : i32
    %add3A_12 = arith.addi %add3A_10, %add3A_11 : i32
    %add3A_13 = vector.broadcast %add3A_12 : i32 to vector<16xi32>
    %add3A_14 = arith.addi %add3A_13, %iota3A : vector<16xi32>
    %shift_right_logical3A = arith.constant 14 : i32
    %shift_right_logical3A_15 = vector.broadcast %shift_right_logical3A : i32 to vector<16xi32>
    %shift_right_logical3A_16 = arith.shrui %add3A_14, %shift_right_logical3A_15 : vector<16xi32>
    %mul3A_17 = arith.constant 13 : i32
    %mul3A_18 = arith.muli %arg0, %mul3A_17 : i32
    %sub3A = vector.broadcast %mul3A_18 : i32 to vector<16xi32>
    %sub3A_19 = arith.subi %shift_right_logical3A_16, %sub3A : vector<16xi32>
    %mul3A_20 = arith.constant 1000 : i32
    %mul3A_21 = vector.broadcast %mul3A_20 : i32 to vector<16xi32>
    %mul3A_22 = arith.muli %sub3A_19, %mul3A_21 : vector<16xi32>
    %lt3A_23 = arith.constant 6 : i32
    %lt3A_24 = vector.broadcast %lt3A_23 : i32 to vector<16xi32>
    %lt3A_25 = arith.cmpi slt, %sub3A_19, %lt3A_24 : vector<16xi32>
    %jit3A = arith.constant 0 : i32
    %broadcast_in_dim3A = vector.broadcast %jit3A : i32 to vector<16xi32>
    %broadcast_in_dim3A_26 = vector.broadcast %mul3A_8 : i32 to vector<16xi32>
    %select_n3A = arith.select %lt3A_25, %broadcast_in_dim3A, %broadcast_in_dim3A_26 : vector<16xi1>, vector<16xi32>
    %add3A_27 = arith.addi %mul3A_22, %select_n3A : vector<16xi32>
    %get3A = arith.constant 0 : index
    %get3A_28 = tpu.vector_load %arg5[%get3A] {strides = array<i32>} : memref<13312xi32, #tpu.memory_space<vmem>>, vector<16xi32>,
    %get3A_29 = vector.shape_cast %get3A_28 : vector<16xi32> to vector<16xi32>
    %add3A_30 = arith.addi %get3A_29, %add3A_27 : vector<16xi32>
    %swap3A = arith.constant 0 : index
    %swap3A_31 = tpu.vector_load %arg5[%swap3A] {strides = array<i32>} : memref<13312xi32, #tpu.memory_space<vmem>>, vector<16xi32>,
    %swap3A_32 = vector.shape_cast %swap3A_31 : vector<16xi32> to vector<16xi32>
    %swap3A_33 = vector.shape_cast %add3A_30 : vector<16xi32> to vector<16xi32>
    tpu.vector_store %arg5[%swap3A], %swap3A_33 {strides = array<i32>} : memref<13312xi32, #tpu.memory_space<vmem>>, vector<16xi32>,
    %add3A_34 = arith.constant 0 : i32
    %add3A_35 = arith.addi %mul3A_4, %add3A_34 : i32
    %add3A_36 = arith.constant 16 : i32
    %add3A_37 = arith.addi %add3A_35, %add3A_36 : i32
    %add3A_38 = vector.broadcast %add3A_37 : i32 to vector<16xi32>
    %add3A_39 = arith.addi %add3A_38, %iota3A : vector<16xi32>
    %shift_right_logical3A_40 = arith.constant 14 : i32
    %shift_right_logical3A_41 = vector.broadcast %shift_right_logical3A_40 : i32 to vector<16xi32>
    %shift_right_logical3A_42 = arith.shrui %add3A_39, %shift_right_logical3A_41 : vector<16xi32>
    %mul3A_43 = arith.constant 13 : i32
    %mul3A_44 = arith.muli %arg0, %mul3A_43 : i32
    %sub3A_45 = vector.broadcast %mul3A_44 : i32 to vector<16xi32>
    %sub3A_46 = arith.subi %shift_right_logical3A_42, %sub3A_45 : vector<16xi32>
    %mul3A_47 = arith.constant 1000 : i32
    %mul3A_48 = vector.broadcast %mul3A_47 : i32 to vector<16xi32>
    %mul3A_49 = arith.muli %sub3A_46, %mul3A_48 : vector<16xi32>
    %lt3A_50 = arith.constant 6 : i32
    %lt3A_51 = vector.broadcast %lt3A_50 : i32 to vector<16xi32>
    %lt3A_52 = arith.cmpi slt, %sub3A_46, %lt3A_51 : vector<16xi32>
    %jit3A_53 = arith.constant 0 : i32
    %broadcast_in_dim3A_54 = vector.broadcast %jit3A_53 : i32 to vector<16xi32>
    %broadcast_in_dim3A_55 = vector.broadcast %mul3A_8 : i32 to vector<16xi32>
    %select_n3A_56 = arith.select %lt3A_52, %broadcast_in_dim3A_54, %broadcast_in_dim3A_55 : vector<16xi1>, vector<16xi32>
    %add3A_57 = arith.addi %mul3A_49, %select_n3A_56 : vector<16xi32>
    %get3A_58 = arith.constant 16 : index
    %get3A_59 = tpu.vector_load %arg5[%get3A_58] {strides = array<i32>} : memref<13312xi32, #tpu.memory_space<vmem>>, vector<16xi32>,
    %get3A_60 = vector.shape_cast %get3A_59 : vector<16xi32> to vector<16xi32>
    %add3A_61 = arith.addi %get3A_60, %add3A_57 : vector<16xi32>
    %swap3A_62 = arith.constant 16 : index
    %swap3A_63 = tpu.vector_load %arg5[%swap3A_62] {strides = array<i32>} : memref<13312xi32, #tpu.memory_space<vmem>>, vector<16xi32>,
    %swap3A_64 = vector.shape_cast %swap3A_63 : vector<16xi32> to vector<16xi32>
    %swap3A_65 = vector.shape_cast %add3A_61 : vector<16xi32> to vector<16xi32>
    tpu.vector_store %arg5[%swap3A_62], %swap3A_65 {strides = array<i32>} : memref<13312xi32, #tpu.memory_space<vmem>>, vector<16xi32>,
    %add3A_66 = arith.constant 0 : i32
    %add3A_67 = arith.addi %mul3A_4, %add3A_66 : i32
    %add3A_68 = arith.constant 32 : i32
    %add3A_69 = arith.addi %add3A_67, %add3A_68 : i32
    %add3A_70 = vector.broadcast %add3A_69 : i32 to vector<16xi32>
    %add3A_71 = arith.addi %add3A_70, %iota3A : vector<16xi32>
    %shift_right_logical3A_72 = arith.constant 14 : i32
    %shift_right_logical3A_73 = vector.broadcast %shift_right_logical3A_72 : i32 to vector<16xi32>
    %shift_right_logical3A_74 = arith.shrui %add3A_71, %shift_right_logical3A_73 : vector<16xi32>
    %mul3A_75 = arith.constant 13 : i32
    %mul3A_76 = arith.muli %arg0, %mul3A_75 : i32
    %sub3A_77 = vector.broadcast %mul3A_76 : i32 to vector<16xi32>
    %sub3A_78 = arith.subi %shift_right_logical3A_74, %sub3A_77 : vector<16xi32>
    %mul3A_79 = arith.constant 1000 : i32
    %mul3A_80 = vector.broadcast %mul3A_79 : i32 to vector<16xi32>
    %mul3A_81 = arith.muli %sub3A_78, %mul3A_80 : vector<16xi32>
    %lt3A_82 = arith.constant 6 : i32
    %lt3A_83 = vector.broadcast %lt3A_82 : i32 to vector<16xi32>
    %lt3A_84 = arith.cmpi slt, %sub3A_78, %lt3A_83 : vector<16xi32>
    %jit3A_85 = arith.constant 0 : i32
    %broadcast_in_dim3A_86 = vector.broadcast %jit3A_85 : i32 to vector<16xi32>
    %broadcast_in_dim3A_87 = vector.broadcast %mul3A_8 : i32 to vector<16xi32>
    %select_n3A_88 = arith.select %lt3A_84, %broadcast_in_dim3A_86, %broadcast_in_dim3A_87 : vector<16xi1>, vector<16xi32>
    %add3A_89 = arith.addi %mul3A_81, %select_n3A_88 : vector<16xi32>
    %get3A_90 = arith.constant 32 : index
    %get3A_91 = tpu.vector_load %arg5[%get3A_90] {strides = array<i32>} : memref<13312xi32, #tpu.memory_space<vmem>>, vector<16xi32>,
    %get3A_92 = vector.shape_cast %get3A_91 : vector<16xi32> to vector<16xi32>
    %add3A_93 = arith.addi %get3A_92, %add3A_89 : vector<16xi32>
    %swap3A_94 = arith.constant 32 : index
    %swap3A_95 = tpu.vector_load %arg5[%swap3A_94] {strides = array<i32>} : memref<13312xi32, #tpu.memory_space<vmem>>, vector<16xi32>,
    %swap3A_96 = vector.shape_cast %swap3A_95 : vector<16xi32> to vector<16xi32>
    %swap3A_97 = vector.shape_cast %add3A_93 : vector<16xi32> to vector<16xi32>
    tpu.vector_store %arg5[%swap3A_94], %swap3A_97 {strides = array<i32>} : memref<13312xi32, #tpu.memory_space<vmem>>, vector<16xi32>,
    %add3A_98 = arith.constant 0 : i32
    %add3A_99 = arith.addi %mul3A_4, %add3A_98 : i32
    %add3A_100 = arith.constant 48 : i32
    %add3A_101 = arith.addi %add3A_99, %add3A_100 : i32
    %add3A_102 = vector.broadcast %add3A_101 : i32 to vector<16xi32>
    %add3A_103 = arith.addi %add3A_102, %iota3A : vector<16xi32>
    %shift_right_logical3A_104 = arith.constant 14 : i32
    %shift_right_logical3A_105 = vector.broadcast %shift_right_logical3A_104 : i32 to vector<16xi32>
    %shift_right_logical3A_106 = arith.shrui %add3A_103, %shift_right_logical3A_105 : vector<16xi32>
    %mul3A_107 = arith.constant 13 : i32
    %mul3A_108 = arith.muli %arg0, %mul3A_107 : i32
    %sub3A_109 = vector.broadcast %mul3A_108 : i32 to vector<16xi32>
    %sub3A_110 = arith.subi %shift_right_logical3A_106, %sub3A_109 : vector<16xi32>
    %mul3A_111 = arith.constant 1000 : i32
    %mul3A_112 = vector.broadcast %mul3A_111 : i32 to vector<16xi32>
    %mul3A_113 = arith.muli %sub3A_110, %mul3A_112 : vector<16xi32>
    %lt3A_114 = arith.constant 6 : i32
    %lt3A_115 = vector.broadcast %lt3A_114 : i32 to vector<16xi32>
    %lt3A_116 = arith.cmpi slt, %sub3A_110, %lt3A_115 : vector<16xi32>
    %jit3A_117 = arith.constant 0 : i32
    %broadcast_in_dim3A_118 = vector.broadcast %jit3A_117 : i32 to vector<16xi32>
    %broadcast_in_dim3A_119 = vector.broadcast %mul3A_8 : i32 to vector<16xi32>
    %select_n3A_120 = arith.select %lt3A_116, %broadcast_in_dim3A_118, %broadcast_in_dim3A_119 : vector<16xi1>, vector<16xi32>
    %add3A_121 = arith.addi %mul3A_113, %select_n3A_120 : vector<16xi32>
    %get3A_122 = arith.constant 48 : index
    %get3A_123 = tpu.vector_load %arg5[%get3A_122] {strides = array<i32>} : memref<13312xi32, #tpu.memory_space<vmem>>, vector<16xi32>,
    %get3A_124 = vector.shape_cast %get3A_123 : vector<16xi32> to vector<16xi32>
    %add3A_125 = arith.addi %get3A_124, %add3A_121 : vector<16xi32>
    %swap3A_126 = arith.constant 48 : index
    %swap3A_127 = tpu.vector_load %arg5[%swap3A_126] {strides = array<i32>} : memref<13312xi32, #tpu.memory_space<vmem>>, vector<16xi32>,
    %swap3A_128 = vector.shape_cast %swap3A_127 : vector<16xi32> to vector<16xi32>
    %swap3A_129 = vector.shape_cast %add3A_125 : vector<16xi32> to vector<16xi32>
    tpu.vector_store %arg5[%swap3A_126], %swap3A_129 {strides = array<i32>} : memref<13312xi32, #tpu.memory_space<vmem>>, vector<16xi32>,
    %add3A_130 = arith.constant 0 : i32
    %add3A_131 = arith.addi %mul3A_4, %add3A_130 : i32
    %shift_right_logical3A_132 = arith.constant 14 : i32
    %shift_right_logical3A_133 = arith.shrui %add3A_131, %shift_right_logical3A_132 : i32
    %mul3A_134 = arith.constant 13 : i32
    %mul3A_135 = arith.muli %arg0, %mul3A_134 : i32
    %sub3A_136 = arith.subi %shift_right_logical3A_133, %mul3A_135 : i32
    %ge3A = arith.constant 6 : i32
    %ge3A_137 = arith.cmpi sge, %sub3A_136, %ge3A : i32
    %convert_element_type3A_138 = arith.extui %ge3A_137 : i1 to i32
    %cond3A_139 = arith.constant 0 : i32
    %cond3A_140 = arith.cmpi ne, %convert_element_type3A_138, %cond3A_139 : i32
    scf.if %cond3A_140 {
      %dma_start3A = arith.constant 0 : i32
      %dma_start3A_1345 = arith.constant 0 : i32
      %dma_start3A_1346 = arith.constant 0 : i32
      %dma_start3A_1347 = tpu.memref_slice %arg6[%dma_start3A, %dma_start3A_1345, %dma_start3A_1346] : memref<8x64x128xf32, #tpu.memory_space<vmem>> -> memref<1x64x128xf32, #tpu.memory_space<vmem>>
      %dma_start3A_1348 = tpu.memref_squeeze %dma_start3A_1347 : memref<1x64x128xf32, #tpu.memory_space<vmem>> -> memref<64x128xf32, #tpu.memory_space<vmem>>
      %dma_start3A_1349 = arith.constant 0 : i32
      %dma_start3A_1350 = tpu.memref_slice %arg5[%dma_start3A_1349] : memref<13312xi32, #tpu.memory_space<vmem>> -> memref<64xi32, #tpu.memory_space<vmem>>
      %dma_start3A_1351 = arith.constant 0 : i32
      %dma_start3A_1352 = arith.constant 0 : i32
      %dma_start3A_1353 = tpu.memref_slice %arg3[%dma_start3A_1351, %dma_start3A_1352] : memref<26000x128xf32, #tpu.memory_space<hbm>> -> memref<26000x128xf32, #tpu.memory_space<hbm>>
      tpu.enqueue_indirect_dma source(%dma_start3A_1353 : memref<26000x128xf32, #tpu.memory_space<hbm>>) target(%dma_start3A_1348 : memref<64x128xf32, #tpu.memory_space<vmem>>) offsets(%dma_start3A_1350 : memref<64xi32, #tpu.memory_space<vmem>>) semaphore(%arg8 : memref<!tpu.dma_semaphore, #tpu.memory_space<semaphore_mem>>)
    } else {
    }
    %add3A_141 = arith.constant 64 : i32
    %add3A_142 = arith.addi %mul3A_4, %add3A_141 : i32
    %add3A_143 = arith.constant 0 : i32
    %add3A_144 = arith.addi %add3A_142, %add3A_143 : i32
    %add3A_145 = vector.broadcast %add3A_144 : i32 to vector<16xi32>
    %add3A_146 = arith.addi %add3A_145, %iota3A : vector<16xi32>
    %shift_right_logical3A_147 = arith.constant 14 : i32
    %shift_right_logical3A_148 = vector.broadcast %shift_right_logical3A_147 : i32 to vector<16xi32>
    %shift_right_logical3A_149 = arith.shrui %add3A_146, %shift_right_logical3A_148 : vector<16xi32>
    %mul3A_150 = arith.constant 13 : i32
    %mul3A_151 = arith.muli %arg0, %mul3A_150 : i32
    %sub3A_152 = vector.broadcast %mul3A_151 : i32 to vector<16xi32>
    %sub3A_153 = arith.subi %shift_right_logical3A_149, %sub3A_152 : vector<16xi32>
    %mul3A_154 = arith.constant 1000 : i32
    %mul3A_155 = vector.broadcast %mul3A_154 : i32 to vector<16xi32>
    %mul3A_156 = arith.muli %sub3A_153, %mul3A_155 : vector<16xi32>
    %lt3A_157 = arith.constant 6 : i32
    %lt3A_158 = vector.broadcast %lt3A_157 : i32 to vector<16xi32>
    %lt3A_159 = arith.cmpi slt, %sub3A_153, %lt3A_158 : vector<16xi32>
    %jit3A_160 = arith.constant 0 : i32
    %broadcast_in_dim3A_161 = vector.broadcast %jit3A_160 : i32 to vector<16xi32>
    %broadcast_in_dim3A_162 = vector.broadcast %mul3A_8 : i32 to vector<16xi32>
    %select_n3A_163 = arith.select %lt3A_159, %broadcast_in_dim3A_161, %broadcast_in_dim3A_162 : vector<16xi1>, vector<16xi32>
    %add3A_164 = arith.addi %mul3A_156, %select_n3A_163 : vector<16xi32>
    %get3A_165 = arith.constant 64 : index
    %get3A_166 = tpu.vector_load %arg5[%get3A_165] {strides = array<i32>} : memref<13312xi32, #tpu.memory_space<vmem>>, vector<16xi32>,
    %get3A_167 = vector.shape_cast %get3A_166 : vector<16xi32> to vector<16xi32>
    %add3A_168 = arith.addi %get3A_167, %add3A_164 : vector<16xi32>
    %swap3A_169 = arith.constant 64 : index
    %swap3A_170 = tpu.vector_load %arg5[%swap3A_169] {strides = array<i32>} : memref<13312xi32, #tpu.memory_space<vmem>>, vector<16xi32>,
    %swap3A_171 = vector.shape_cast %swap3A_170 : vector<16xi32> to vector<16xi32>
    %swap3A_172 = vector.shape_cast %add3A_168 : vector<16xi32> to vector<16xi32>
    tpu.vector_store %arg5[%swap3A_169], %swap3A_172 {strides = array<i32>} : memref<13312xi32, #tpu.memory_space<vmem>>, vector<16xi32>,
    %add3A_173 = arith.constant 64 : i32
    %add3A_174 = arith.addi %mul3A_4, %add3A_173 : i32
    %add3A_175 = arith.constant 16 : i32
    %add3A_176 = arith.addi %add3A_174, %add3A_175 : i32
    %add3A_177 = vector.broadcast %add3A_176 : i32 to vector<16xi32>
    %add3A_178 = arith.addi %add3A_177, %iota3A : vector<16xi32>
    %shift_right_logical3A_179 = arith.constant 14 : i32
    %shift_right_logical3A_180 = vector.broadcast %shift_right_logical3A_179 : i32 to vector<16xi32>
    %shift_right_logical3A_181 = arith.shrui %add3A_178, %shift_right_logical3A_180 : vector<16xi32>
    %mul3A_182 = arith.constant 13 : i32
    %mul3A_183 = arith.muli %arg0, %mul3A_182 : i32
    %sub3A_184 = vector.broadcast %mul3A_183 : i32 to vector<16xi32>
    %sub3A_185 = arith.subi %shift_right_logical3A_181, %sub3A_184 : vector<16xi32>
    %mul3A_186 = arith.constant 1000 : i32
    %mul3A_187 = vector.broadcast %mul3A_186 : i32 to vector<16xi32>
    %mul3A_188 = arith.muli %sub3A_185, %mul3A_187 : vector<16xi32>
    %lt3A_189 = arith.constant 6 : i32
    %lt3A_190 = vector.broadcast %lt3A_189 : i32 to vector<16xi32>
    %lt3A_191 = arith.cmpi slt, %sub3A_185, %lt3A_190 : vector<16xi32>
    %jit3A_192 = arith.constant 0 : i32
    %broadcast_in_dim3A_193 = vector.broadcast %jit3A_192 : i32 to vector<16xi32>
    %broadcast_in_dim3A_194 = vector.broadcast %mul3A_8 : i32 to vector<16xi32>
    %select_n3A_195 = arith.select %lt3A_191, %broadcast_in_dim3A_193, %broadcast_in_dim3A_194 : vector<16xi1>, vector<16xi32>
    %add3A_196 = arith.addi %mul3A_188, %select_n3A_195 : vector<16xi32>
    %get3A_197 = arith.constant 80 : index
    %get3A_198 = tpu.vector_load %arg5[%get3A_197] {strides = array<i32>} : memref<13312xi32, #tpu.memory_space<vmem>>, vector<16xi32>,
    %get3A_199 = vector.shape_cast %get3A_198 : vector<16xi32> to vector<16xi32>
    %add3A_200 = arith.addi %get3A_199, %add3A_196 : vector<16xi32>
    %swap3A_201 = arith.constant 80 : index
    %swap3A_202 = tpu.vector_load %arg5[%swap3A_201] {strides = array<i32>} : memref<13312xi32, #tpu.memory_space<vmem>>, vector<16xi32>,
    %swap3A_203 = vector.shape_cast %swap3A_202 : vector<16xi32> to vector<16xi32>
    %swap3A_204 = vector.shape_cast %add3A_200 : vector<16xi32> to vector<16xi32>
    tpu.vector_store %arg5[%swap3A_201], %swap3A_204 {strides = array<i32>} : memref<13312xi32, #tpu.memory_space<vmem>>, vector<16xi32>,
    %add3A_205 = arith.constant 64 : i32
    %add3A_206 = arith.addi %mul3A_4, %add3A_205 : i32
    %add3A_207 = arith.constant 32 : i32
    %add3A_208 = arith.addi %add3A_206, %add3A_207 : i32
    %add3A_209 = vector.broadcast %add3A_208 : i32 to vector<16xi32>
    %add3A_210 = arith.addi %add3A_209, %iota3A : vector<16xi32>
    %shift_right_logical3A_211 = arith.constant 14 : i32
    %shift_right_logical3A_212 = vector.broadcast %shift_right_logical3A_211 : i32 to vector<16xi32>
    %shift_right_logical3A_213 = arith.shrui %add3A_210, %shift_right_logical3A_212 : vector<16xi32>
    %mul3A_214 = arith.constant 13 : i32
    %mul3A_215 = arith.muli %arg0, %mul3A_214 : i32
    %sub3A_216 = vector.broadcast %mul3A_215 : i32 to vector<16xi32>
    %sub3A_217 = arith.subi %shift_right_logical3A_213, %sub3A_216 : vector<16xi32>
    %mul3A_218 = arith.constant 1000 : i32
    %mul3A_219 = vector.broadcast %mul3A_218 : i32 to vector<16xi32>
    %mul3A_220 = arith.muli %sub3A_217, %mul3A_219 : vector<16xi32>
    %lt3A_221 = arith.constant 6 : i32
    %lt3A_222 = vector.broadcast %lt3A_221 : i32 to vector<16xi32>
    %lt3A_223 = arith.cmpi slt, %sub3A_217, %lt3A_222 : vector<16xi32>
    %jit3A_224 = arith.constant 0 : i32
    %broadcast_in_dim3A_225 = vector.broadcast %jit3A_224 : i32 to vector<16xi32>
    %broadcast_in_dim3A_226 = vector.broadcast %mul3A_8 : i32 to vector<16xi32>
    %select_n3A_227 = arith.select %lt3A_223, %broadcast_in_dim3A_225, %broadcast_in_dim3A_226 : vector<16xi1>, vector<16xi32>
    %add3A_228 = arith.addi %mul3A_220, %select_n3A_227 : vector<16xi32>
    %get3A_229 = arith.constant 96 : index
    %get3A_230 = tpu.vector_load %arg5[%get3A_229] {strides = array<i32>} : memref<13312xi32, #tpu.memory_space<vmem>>, vector<16xi32>,
    %get3A_231 = vector.shape_cast %get3A_230 : vector<16xi32> to vector<16xi32>
    %add3A_232 = arith.addi %get3A_231, %add3A_228 : vector<16xi32>
    %swap3A_233 = arith.constant 96 : index
    %swap3A_234 = tpu.vector_load %arg5[%swap3A_233] {strides = array<i32>} : memref<13312xi32, #tpu.memory_space<vmem>>, vector<16xi32>,
    %swap3A_235 = vector.shape_cast %swap3A_234 : vector<16xi32> to vector<16xi32>
    %swap3A_236 = vector.shape_cast %add3A_232 : vector<16xi32> to vector<16xi32>
    tpu.vector_store %arg5[%swap3A_233], %swap3A_236 {strides = array<i32>} : memref<13312xi32, #tpu.memory_space<vmem>>, vector<16xi32>,
    %add3A_237 = arith.constant 64 : i32
    %add3A_238 = arith.addi %mul3A_4, %add3A_237 : i32
    %add3A_239 = arith.constant 48 : i32
    %add3A_240 = arith.addi %add3A_238, %add3A_239 : i32
    %add3A_241 = vector.broadcast %add3A_240 : i32 to vector<16xi32>
    %add3A_242 = arith.addi %add3A_241, %iota3A : vector<16xi32>
    %shift_right_logical3A_243 = arith.constant 14 : i32
    %shift_right_logical3A_244 = vector.broadcast %shift_right_logical3A_243 : i32 to vector<16xi32>
    %shift_right_logical3A_245 = arith.shrui %add3A_242, %shift_right_logical3A_244 : vector<16xi32>
    %mul3A_246 = arith.constant 13 : i32
    %mul3A_247 = arith.muli %arg0, %mul3A_246 : i32
    %sub3A_248 = vector.broadcast %mul3A_247 : i32 to vector<16xi32>
    %sub3A_249 = arith.subi %shift_right_logical3A_245, %sub3A_248 : vector<16xi32>
    %mul3A_250 = arith.constant 1000 : i32
    %mul3A_251 = vector.broadcast %mul3A_250 : i32 to vector<16xi32>
    %mul3A_252 = arith.muli %sub3A_249, %mul3A_251 : vector<16xi32>
    %lt3A_253 = arith.constant 6 : i32
    %lt3A_254 = vector.broadcast %lt3A_253 : i32 to vector<16xi32>
    %lt3A_255 = arith.cmpi slt, %sub3A_249, %lt3A_254 : vector<16xi32>
    %jit3A_256 = arith.constant 0 : i32
    %broadcast_in_dim3A_257 = vector.broadcast %jit3A_256 : i32 to vector<16xi32>
    %broadcast_in_dim3A_258 = vector.broadcast %mul3A_8 : i32 to vector<16xi32>
    %select_n3A_259 = arith.select %lt3A_255, %broadcast_in_dim3A_257, %broadcast_in_dim3A_258 : vector<16xi1>, vector<16xi32>
    %add3A_260 = arith.addi %mul3A_252, %select_n3A_259 : vector<16xi32>
    %get3A_261 = arith.constant 112 : index
    %get3A_262 = tpu.vector_load %arg5[%get3A_261] {strides = array<i32>} : memref<13312xi32, #tpu.memory_space<vmem>>, vector<16xi32>,
    %get3A_263 = vector.shape_cast %get3A_262 : vector<16xi32> to vector<16xi32>
    %add3A_264 = arith.addi %get3A_263, %add3A_260 : vector<16xi32>
    %swap3A_265 = arith.constant 112 : index
    %swap3A_266 = tpu.vector_load %arg5[%swap3A_265] {strides = array<i32>} : memref<13312xi32, #tpu.memory_space<vmem>>, vector<16xi32>,
    %swap3A_267 = vector.shape_cast %swap3A_266 : vector<16xi32> to vector<16xi32>
    %swap3A_268 = vector.shape_cast %add3A_264 : vector<16xi32> to vector<16xi32>
    tpu.vector_store %arg5[%swap3A_265], %swap3A_268 {strides = array<i32>} : memref<13312xi32, #tpu.memory_space<vmem>>, vector<16xi32>,
    %add3A_269 = arith.constant 64 : i32
    %add3A_270 = arith.addi %mul3A_4, %add3A_269 : i32
    %shift_right_logical3A_271 = arith.constant 14 : i32
    %shift_right_logical3A_272 = arith.shrui %add3A_270, %shift_right_logical3A_271 : i32
    %mul3A_273 = arith.constant 13 : i32
    %mul3A_274 = arith.muli %arg0, %mul3A_273 : i32
    %sub3A_275 = arith.subi %shift_right_logical3A_272, %mul3A_274 : i32
    %ge3A_276 = arith.constant 6 : i32
    %ge3A_277 = arith.cmpi sge, %sub3A_275, %ge3A_276 : i32
    %convert_element_type3A_278 = arith.extui %ge3A_277 : i1 to i32
    %cond3A_279 = arith.constant 0 : i32
    %cond3A_280 = arith.cmpi ne, %convert_element_type3A_278, %cond3A_279 : i32
    scf.if %cond3A_280 {
      %dma_start3A = arith.constant 1 : i32
      %dma_start3A_1345 = arith.constant 0 : i32
      %dma_start3A_1346 = arith.constant 0 : i32
      %dma_start3A_1347 = tpu.memref_slice %arg6[%dma_start3A, %dma_start3A_1345, %dma_start3A_1346] : memref<8x64x128xf32, #tpu.memory_space<vmem>> -> memref<1x64x128xf32, #tpu.memory_space<vmem>>
      %dma_start3A_1348 = tpu.memref_squeeze %dma_start3A_1347 : memref<1x64x128xf32, #tpu.memory_space<vmem>> -> memref<64x128xf32, #tpu.memory_space<vmem>>
      %dma_start3A_1349 = arith.constant 64 : i32
      %dma_start3A_1350 = tpu.memref_slice %arg5[%dma_start3A_1349] : memref<13312xi32, #tpu.memory_space<vmem>> -> memref<64xi32, #tpu.memory_space<vmem>>
      %dma_start3A_1351 = arith.constant 0 : i32
      %dma_start3A_1352 = arith.constant 0 : i32
      %dma_start3A_1353 = tpu.memref_slice %arg3[%dma_start3A_1351, %dma_start3A_1352] : memref<26000x128xf32, #tpu.memory_space<hbm>> -> memref<26000x128xf32, #tpu.memory_space<hbm>>
      tpu.enqueue_indirect_dma source(%dma_start3A_1353 : memref<26000x128xf32, #tpu.memory_space<hbm>>) target(%dma_start3A_1348 : memref<64x128xf32, #tpu.memory_space<vmem>>) offsets(%dma_start3A_1350 : memref<64xi32, #tpu.memory_space<vmem>>) semaphore(%arg9 : memref<!tpu.dma_semaphore, #tpu.memory_space<semaphore_mem>>)
    } else {
    }
    %add3A_281 = arith.constant 128 : i32
    %add3A_282 = arith.addi %mul3A_4, %add3A_281 : i32
    %add3A_283 = arith.constant 0 : i32
    %add3A_284 = arith.addi %add3A_282, %add3A_283 : i32
    %add3A_285 = vector.broadcast %add3A_284 : i32 to vector<16xi32>
    %add3A_286 = arith.addi %add3A_285, %iota3A : vector<16xi32>
    %shift_right_logical3A_287 = arith.constant 14 : i32
    %shift_right_logical3A_288 = vector.broadcast %shift_right_logical3A_287 : i32 to vector<16xi32>
    %shift_right_logical3A_289 = arith.shrui %add3A_286, %shift_right_logical3A_288 : vector<16xi32>
    %mul3A_290 = arith.constant 13 : i32
    %mul3A_291 = arith.muli %arg0, %mul3A_290 : i32
    %sub3A_292 = vector.broadcast %mul3A_291 : i32 to vector<16xi32>
    %sub3A_293 = arith.subi %shift_right_logical3A_289, %sub3A_292 : vector<16xi32>
    %mul3A_294 = arith.constant 1000 : i32
    %mul3A_295 = vector.broadcast %mul3A_294 : i32 to vector<16xi32>
    %mul3A_296 = arith.muli %sub3A_293, %mul3A_295 : vector<16xi32>
    %lt3A_297 = arith.constant 6 : i32
    %lt3A_298 = vector.broadcast %lt3A_297 : i32 to vector<16xi32>
    %lt3A_299 = arith.cmpi slt, %sub3A_293, %lt3A_298 : vector<16xi32>
    %jit3A_300 = arith.constant 0 : i32
    %broadcast_in_dim3A_301 = vector.broadcast %jit3A_300 : i32 to vector<16xi32>
    %broadcast_in_dim3A_302 = vector.broadcast %mul3A_8 : i32 to vector<16xi32>
    %select_n3A_303 = arith.select %lt3A_299, %broadcast_in_dim3A_301, %broadcast_in_dim3A_302 : vector<16xi1>, vector<16xi32>
    %add3A_304 = arith.addi %mul3A_296, %select_n3A_303 : vector<16xi32>
    %get3A_305 = arith.constant 128 : index
    %get3A_306 = tpu.vector_load %arg5[%get3A_305] {strides = array<i32>} : memref<13312xi32, #tpu.memory_space<vmem>>, vector<16xi32>,
    %get3A_307 = vector.shape_cast %get3A_306 : vector<16xi32> to vector<16xi32>
    %add3A_308 = arith.addi %get3A_307, %add3A_304 : vector<16xi32>
    %swap3A_309 = arith.constant 128 : index
    %swap3A_310 = tpu.vector_load %arg5[%swap3A_309] {strides = array<i32>} : memref<13312xi32, #tpu.memory_space<vmem>>, vector<16xi32>,
    %swap3A_311 = vector.shape_cast %swap3A_310 : vector<16xi32> to vector<16xi32>
    %swap3A_312 = vector.shape_cast %add3A_308 : vector<16xi32> to vector<16xi32>
    tpu.vector_store %arg5[%swap3A_309], %swap3A_312 {strides = array<i32>} : memref<13312xi32, #tpu.memory_space<vmem>>, vector<16xi32>,
    %add3A_313 = arith.constant 128 : i32
    %add3A_314 = arith.addi %mul3A_4, %add3A_313 : i32
    %add3A_315 = arith.constant 16 : i32
    %add3A_316 = arith.addi %add3A_314, %add3A_315 : i32
    %add3A_317 = vector.broadcast %add3A_316 : i32 to vector<16xi32>
    %add3A_318 = arith.addi %add3A_317, %iota3A : vector<16xi32>
    %shift_right_logical3A_319 = arith.constant 14 : i32
    %shift_right_logical3A_320 = vector.broadcast %shift_right_logical3A_319 : i32 to vector<16xi32>
    %shift_right_logical3A_321 = arith.shrui %add3A_318, %shift_right_logical3A_320 : vector<16xi32>
    %mul3A_322 = arith.constant 13 : i32
    %mul3A_323 = arith.muli %arg0, %mul3A_322 : i32
    %sub3A_324 = vector.broadcast %mul3A_323 : i32 to vector<16xi32>
    %sub3A_325 = arith.subi %shift_right_logical3A_321, %sub3A_324 : vector<16xi32>
    %mul3A_326 = arith.constant 1000 : i32
    %mul3A_327 = vector.broadcast %mul3A_326 : i32 to vector<16xi32>
    %mul3A_328 = arith.muli %sub3A_325, %mul3A_327 : vector<16xi32>
    %lt3A_329 = arith.constant 6 : i32
    %lt3A_330 = vector.broadcast %lt3A_329 : i32 to vector<16xi32>
    %lt3A_331 = arith.cmpi slt, %sub3A_325, %lt3A_330 : vector<16xi32>
    %jit3A_332 = arith.constant 0 : i32
    %broadcast_in_dim3A_333 = vector.broadcast %jit3A_332 : i32 to vector<16xi32>
    %broadcast_in_dim3A_334 = vector.broadcast %mul3A_8 : i32 to vector<16xi32>
    %select_n3A_335 = arith.select %lt3A_331, %broadcast_in_dim3A_333, %broadcast_in_dim3A_334 : vector<16xi1>, vector<16xi32>
    %add3A_336 = arith.addi %mul3A_328, %select_n3A_335 : vector<16xi32>
    %get3A_337 = arith.constant 144 : index
    %get3A_338 = tpu.vector_load %arg5[%get3A_337] {strides = array<i32>} : memref<13312xi32, #tpu.memory_space<vmem>>, vector<16xi32>,
    %get3A_339 = vector.shape_cast %get3A_338 : vector<16xi32> to vector<16xi32>
    %add3A_340 = arith.addi %get3A_339, %add3A_336 : vector<16xi32>
    %swap3A_341 = arith.constant 144 : index
    %swap3A_342 = tpu.vector_load %arg5[%swap3A_341] {strides = array<i32>} : memref<13312xi32, #tpu.memory_space<vmem>>, vector<16xi32>,
    %swap3A_343 = vector.shape_cast %swap3A_342 : vector<16xi32> to vector<16xi32>
    %swap3A_344 = vector.shape_cast %add3A_340 : vector<16xi32> to vector<16xi32>
    tpu.vector_store %arg5[%swap3A_341], %swap3A_344 {strides = array<i32>} : memref<13312xi32, #tpu.memory_space<vmem>>, vector<16xi32>,
    %add3A_345 = arith.constant 128 : i32
    %add3A_346 = arith.addi %mul3A_4, %add3A_345 : i32
    %add3A_347 = arith.constant 32 : i32
    %add3A_348 = arith.addi %add3A_346, %add3A_347 : i32
    %add3A_349 = vector.broadcast %add3A_348 : i32 to vector<16xi32>
    %add3A_350 = arith.addi %add3A_349, %iota3A : vector<16xi32>
    %shift_right_logical3A_351 = arith.constant 14 : i32
    %shift_right_logical3A_352 = vector.broadcast %shift_right_logical3A_351 : i32 to vector<16xi32>
    %shift_right_logical3A_353 = arith.shrui %add3A_350, %shift_right_logical3A_352 : vector<16xi32>
    %mul3A_354 = arith.constant 13 : i32
    %mul3A_355 = arith.muli %arg0, %mul3A_354 : i32
    %sub3A_356 = vector.broadcast %mul3A_355 : i32 to vector<16xi32>
    %sub3A_357 = arith.subi %shift_right_logical3A_353, %sub3A_356 : vector<16xi32>
    %mul3A_358 = arith.constant 1000 : i32
    %mul3A_359 = vector.broadcast %mul3A_358 : i32 to vector<16xi32>
    %mul3A_360 = arith.muli %sub3A_357, %mul3A_359 : vector<16xi32>
    %lt3A_361 = arith.constant 6 : i32
    %lt3A_362 = vector.broadcast %lt3A_361 : i32 to vector<16xi32>
    %lt3A_363 = arith.cmpi slt, %sub3A_357, %lt3A_362 : vector<16xi32>
    %jit3A_364 = arith.constant 0 : i32
    %broadcast_in_dim3A_365 = vector.broadcast %jit3A_364 : i32 to vector<16xi32>
    %broadcast_in_dim3A_366 = vector.broadcast %mul3A_8 : i32 to vector<16xi32>
    %select_n3A_367 = arith.select %lt3A_363, %broadcast_in_dim3A_365, %broadcast_in_dim3A_366 : vector<16xi1>, vector<16xi32>
    %add3A_368 = arith.addi %mul3A_360, %select_n3A_367 : vector<16xi32>
    %get3A_369 = arith.constant 160 : index
    %get3A_370 = tpu.vector_load %arg5[%get3A_369] {strides = array<i32>} : memref<13312xi32, #tpu.memory_space<vmem>>, vector<16xi32>,
    %get3A_371 = vector.shape_cast %get3A_370 : vector<16xi32> to vector<16xi32>
    %add3A_372 = arith.addi %get3A_371, %add3A_368 : vector<16xi32>
    %swap3A_373 = arith.constant 160 : index
    %swap3A_374 = tpu.vector_load %arg5[%swap3A_373] {strides = array<i32>} : memref<13312xi32, #tpu.memory_space<vmem>>, vector<16xi32>,
    %swap3A_375 = vector.shape_cast %swap3A_374 : vector<16xi32> to vector<16xi32>
    %swap3A_376 = vector.shape_cast %add3A_372 : vector<16xi32> to vector<16xi32>
    tpu.vector_store %arg5[%swap3A_373], %swap3A_376 {strides = array<i32>} : memref<13312xi32, #tpu.memory_space<vmem>>, vector<16xi32>,
    %add3A_377 = arith.constant 128 : i32
    %add3A_378 = arith.addi %mul3A_4, %add3A_377 : i32
    %add3A_379 = arith.constant 48 : i32
    %add3A_380 = arith.addi %add3A_378, %add3A_379 : i32
    %add3A_381 = vector.broadcast %add3A_380 : i32 to vector<16xi32>
    %add3A_382 = arith.addi %add3A_381, %iota3A : vector<16xi32>
    %shift_right_logical3A_383 = arith.constant 14 : i32
    %shift_right_logical3A_384 = vector.broadcast %shift_right_logical3A_383 : i32 to vector<16xi32>
    %shift_right_logical3A_385 = arith.shrui %add3A_382, %shift_right_logical3A_384 : vector<16xi32>
    %mul3A_386 = arith.constant 13 : i32
    %mul3A_387 = arith.muli %arg0, %mul3A_386 : i32
    %sub3A_388 = vector.broadcast %mul3A_387 : i32 to vector<16xi32>
    %sub3A_389 = arith.subi %shift_right_logical3A_385, %sub3A_388 : vector<16xi32>
    %mul3A_390 = arith.constant 1000 : i32
    %mul3A_391 = vector.broadcast %mul3A_390 : i32 to vector<16xi32>
    %mul3A_392 = arith.muli %sub3A_389, %mul3A_391 : vector<16xi32>
    %lt3A_393 = arith.constant 6 : i32
    %lt3A_394 = vector.broadcast %lt3A_393 : i32 to vector<16xi32>
    %lt3A_395 = arith.cmpi slt, %sub3A_389, %lt3A_394 : vector<16xi32>
    %jit3A_396 = arith.constant 0 : i32
    %broadcast_in_dim3A_397 = vector.broadcast %jit3A_396 : i32 to vector<16xi32>
    %broadcast_in_dim3A_398 = vector.broadcast %mul3A_8 : i32 to vector<16xi32>
    %select_n3A_399 = arith.select %lt3A_395, %broadcast_in_dim3A_397, %broadcast_in_dim3A_398 : vector<16xi1>, vector<16xi32>
    %add3A_400 = arith.addi %mul3A_392, %select_n3A_399 : vector<16xi32>
    %get3A_401 = arith.constant 176 : index
    %get3A_402 = tpu.vector_load %arg5[%get3A_401] {strides = array<i32>} : memref<13312xi32, #tpu.memory_space<vmem>>, vector<16xi32>,
    %get3A_403 = vector.shape_cast %get3A_402 : vector<16xi32> to vector<16xi32>
    %add3A_404 = arith.addi %get3A_403, %add3A_400 : vector<16xi32>
    %swap3A_405 = arith.constant 176 : index
    %swap3A_406 = tpu.vector_load %arg5[%swap3A_405] {strides = array<i32>} : memref<13312xi32, #tpu.memory_space<vmem>>, vector<16xi32>,
    %swap3A_407 = vector.shape_cast %swap3A_406 : vector<16xi32> to vector<16xi32>
    %swap3A_408 = vector.shape_cast %add3A_404 : vector<16xi32> to vector<16xi32>
    tpu.vector_store %arg5[%swap3A_405], %swap3A_408 {strides = array<i32>} : memref<13312xi32, #tpu.memory_space<vmem>>, vector<16xi32>,
    %add3A_409 = arith.constant 128 : i32
    %add3A_410 = arith.addi %mul3A_4, %add3A_409 : i32
    %shift_right_logical3A_411 = arith.constant 14 : i32
    %shift_right_logical3A_412 = arith.shrui %add3A_410, %shift_right_logical3A_411 : i32
    %mul3A_413 = arith.constant 13 : i32
    %mul3A_414 = arith.muli %arg0, %mul3A_413 : i32
    %sub3A_415 = arith.subi %shift_right_logical3A_412, %mul3A_414 : i32
    %ge3A_416 = arith.constant 6 : i32
    %ge3A_417 = arith.cmpi sge, %sub3A_415, %ge3A_416 : i32
    %convert_element_type3A_418 = arith.extui %ge3A_417 : i1 to i32
    %cond3A_419 = arith.constant 0 : i32
    %cond3A_420 = arith.cmpi ne, %convert_element_type3A_418, %cond3A_419 : i32
    scf.if %cond3A_420 {
      %dma_start3A = arith.constant 2 : i32
      %dma_start3A_1345 = arith.constant 0 : i32
      %dma_start3A_1346 = arith.constant 0 : i32
      %dma_start3A_1347 = tpu.memref_slice %arg6[%dma_start3A, %dma_start3A_1345, %dma_start3A_1346] : memref<8x64x128xf32, #tpu.memory_space<vmem>> -> memref<1x64x128xf32, #tpu.memory_space<vmem>>
      %dma_start3A_1348 = tpu.memref_squeeze %dma_start3A_1347 : memref<1x64x128xf32, #tpu.memory_space<vmem>> -> memref<64x128xf32, #tpu.memory_space<vmem>>
      %dma_start3A_1349 = arith.constant 128 : i32
      %dma_start3A_1350 = tpu.memref_slice %arg5[%dma_start3A_1349] : memref<13312xi32, #tpu.memory_space<vmem>> -> memref<64xi32, #tpu.memory_space<vmem>>
      %dma_start3A_1351 = arith.constant 0 : i32
      %dma_start3A_1352 = arith.constant 0 : i32
      %dma_start3A_1353 = tpu.memref_slice %arg3[%dma_start3A_1351, %dma_start3A_1352] : memref<26000x128xf32, #tpu.memory_space<hbm>> -> memref<26000x128xf32, #tpu.memory_space<hbm>>
      tpu.enqueue_indirect_dma source(%dma_start3A_1353 : memref<26000x128xf32, #tpu.memory_space<hbm>>) target(%dma_start3A_1348 : memref<64x128xf32, #tpu.memory_space<vmem>>) offsets(%dma_start3A_1350 : memref<64xi32, #tpu.memory_space<vmem>>) semaphore(%arg10 : memref<!tpu.dma_semaphore, #tpu.memory_space<semaphore_mem>>)
    } else {
    }
    %add3A_421 = arith.constant 192 : i32
    %add3A_422 = arith.addi %mul3A_4, %add3A_421 : i32
    %add3A_423 = arith.constant 0 : i32
    %add3A_424 = arith.addi %add3A_422, %add3A_423 : i32
    %add3A_425 = vector.broadcast %add3A_424 : i32 to vector<16xi32>
    %add3A_426 = arith.addi %add3A_425, %iota3A : vector<16xi32>
    %shift_right_logical3A_427 = arith.constant 14 : i32
    %shift_right_logical3A_428 = vector.broadcast %shift_right_logical3A_427 : i32 to vector<16xi32>
    %shift_right_logical3A_429 = arith.shrui %add3A_426, %shift_right_logical3A_428 : vector<16xi32>
    %mul3A_430 = arith.constant 13 : i32
    %mul3A_431 = arith.muli %arg0, %mul3A_430 : i32
    %sub3A_432 = vector.broadcast %mul3A_431 : i32 to vector<16xi32>
    %sub3A_433 = arith.subi %shift_right_logical3A_429, %sub3A_432 : vector<16xi32>
    %mul3A_434 = arith.constant 1000 : i32
    %mul3A_435 = vector.broadcast %mul3A_434 : i32 to vector<16xi32>
    %mul3A_436 = arith.muli %sub3A_433, %mul3A_435 : vector<16xi32>
    %lt3A_437 = arith.constant 6 : i32
    %lt3A_438 = vector.broadcast %lt3A_437 : i32 to vector<16xi32>
    %lt3A_439 = arith.cmpi slt, %sub3A_433, %lt3A_438 : vector<16xi32>
    %jit3A_440 = arith.constant 0 : i32
    %broadcast_in_dim3A_441 = vector.broadcast %jit3A_440 : i32 to vector<16xi32>
    %broadcast_in_dim3A_442 = vector.broadcast %mul3A_8 : i32 to vector<16xi32>
    %select_n3A_443 = arith.select %lt3A_439, %broadcast_in_dim3A_441, %broadcast_in_dim3A_442 : vector<16xi1>, vector<16xi32>
    %add3A_444 = arith.addi %mul3A_436, %select_n3A_443 : vector<16xi32>
    %get3A_445 = arith.constant 192 : index
    %get3A_446 = tpu.vector_load %arg5[%get3A_445] {strides = array<i32>} : memref<13312xi32, #tpu.memory_space<vmem>>, vector<16xi32>,
    %get3A_447 = vector.shape_cast %get3A_446 : vector<16xi32> to vector<16xi32>
    %add3A_448 = arith.addi %get3A_447, %add3A_444 : vector<16xi32>
    %swap3A_449 = arith.constant 192 : index
    %swap3A_450 = tpu.vector_load %arg5[%swap3A_449] {strides = array<i32>} : memref<13312xi32, #tpu.memory_space<vmem>>, vector<16xi32>,
    %swap3A_451 = vector.shape_cast %swap3A_450 : vector<16xi32> to vector<16xi32>
    %swap3A_452 = vector.shape_cast %add3A_448 : vector<16xi32> to vector<16xi32>
    tpu.vector_store %arg5[%swap3A_449], %swap3A_452 {strides = array<i32>} : memref<13312xi32, #tpu.memory_space<vmem>>, vector<16xi32>,
    %add3A_453 = arith.constant 192 : i32
    %add3A_454 = arith.addi %mul3A_4, %add3A_453 : i32
    %add3A_455 = arith.constant 16 : i32
    %add3A_456 = arith.addi %add3A_454, %add3A_455 : i32
    %add3A_457 = vector.broadcast %add3A_456 : i32 to vector<16xi32>
    %add3A_458 = arith.addi %add3A_457, %iota3A : vector<16xi32>
    %shift_right_logical3A_459 = arith.constant 14 : i32
    %shift_right_logical3A_460 = vector.broadcast %shift_right_logical3A_459 : i32 to vector<16xi32>
    %shift_right_logical3A_461 = arith.shrui %add3A_458, %shift_right_logical3A_460 : vector<16xi32>
    %mul3A_462 = arith.constant 13 : i32
    %mul3A_463 = arith.muli %arg0, %mul3A_462 : i32
    %sub3A_464 = vector.broadcast %mul3A_463 : i32 to vector<16xi32>
    %sub3A_465 = arith.subi %shift_right_logical3A_461, %sub3A_464 : vector<16xi32>
    %mul3A_466 = arith.constant 1000 : i32
    %mul3A_467 = vector.broadcast %mul3A_466 : i32 to vector<16xi32>
    %mul3A_468 = arith.muli %sub3A_465, %mul3A_467 : vector<16xi32>
    %lt3A_469 = arith.constant 6 : i32
    %lt3A_470 = vector.broadcast %lt3A_469 : i32 to vector<16xi32>
    %lt3A_471 = arith.cmpi slt, %sub3A_465, %lt3A_470 : vector<16xi32>
    %jit3A_472 = arith.constant 0 : i32
    %broadcast_in_dim3A_473 = vector.broadcast %jit3A_472 : i32 to vector<16xi32>
    %broadcast_in_dim3A_474 = vector.broadcast %mul3A_8 : i32 to vector<16xi32>
    %select_n3A_475 = arith.select %lt3A_471, %broadcast_in_dim3A_473, %broadcast_in_dim3A_474 : vector<16xi1>, vector<16xi32>
    %add3A_476 = arith.addi %mul3A_468, %select_n3A_475 : vector<16xi32>
    %get3A_477 = arith.constant 208 : index
    %get3A_478 = tpu.vector_load %arg5[%get3A_477] {strides = array<i32>} : memref<13312xi32, #tpu.memory_space<vmem>>, vector<16xi32>,
    %get3A_479 = vector.shape_cast %get3A_478 : vector<16xi32> to vector<16xi32>
    %add3A_480 = arith.addi %get3A_479, %add3A_476 : vector<16xi32>
    %swap3A_481 = arith.constant 208 : index
    %swap3A_482 = tpu.vector_load %arg5[%swap3A_481] {strides = array<i32>} : memref<13312xi32, #tpu.memory_space<vmem>>, vector<16xi32>,
    %swap3A_483 = vector.shape_cast %swap3A_482 : vector<16xi32> to vector<16xi32>
    %swap3A_484 = vector.shape_cast %add3A_480 : vector<16xi32> to vector<16xi32>
    tpu.vector_store %arg5[%swap3A_481], %swap3A_484 {strides = array<i32>} : memref<13312xi32, #tpu.memory_space<vmem>>, vector<16xi32>,
    %add3A_485 = arith.constant 192 : i32
    %add3A_486 = arith.addi %mul3A_4, %add3A_485 : i32
    %add3A_487 = arith.constant 32 : i32
    %add3A_488 = arith.addi %add3A_486, %add3A_487 : i32
    %add3A_489 = vector.broadcast %add3A_488 : i32 to vector<16xi32>
    %add3A_490 = arith.addi %add3A_489, %iota3A : vector<16xi32>
    %shift_right_logical3A_491 = arith.constant 14 : i32
    %shift_right_logical3A_492 = vector.broadcast %shift_right_logical3A_491 : i32 to vector<16xi32>
    %shift_right_logical3A_493 = arith.shrui %add3A_490, %shift_right_logical3A_492 : vector<16xi32>
    %mul3A_494 = arith.constant 13 : i32
    %mul3A_495 = arith.muli %arg0, %mul3A_494 : i32
    %sub3A_496 = vector.broadcast %mul3A_495 : i32 to vector<16xi32>
    %sub3A_497 = arith.subi %shift_right_logical3A_493, %sub3A_496 : vector<16xi32>
    %mul3A_498 = arith.constant 1000 : i32
    %mul3A_499 = vector.broadcast %mul3A_498 : i32 to vector<16xi32>
    %mul3A_500 = arith.muli %sub3A_497, %mul3A_499 : vector<16xi32>
    %lt3A_501 = arith.constant 6 : i32
    %lt3A_502 = vector.broadcast %lt3A_501 : i32 to vector<16xi32>
    %lt3A_503 = arith.cmpi slt, %sub3A_497, %lt3A_502 : vector<16xi32>
    %jit3A_504 = arith.constant 0 : i32
    %broadcast_in_dim3A_505 = vector.broadcast %jit3A_504 : i32 to vector<16xi32>
    %broadcast_in_dim3A_506 = vector.broadcast %mul3A_8 : i32 to vector<16xi32>
    %select_n3A_507 = arith.select %lt3A_503, %broadcast_in_dim3A_505, %broadcast_in_dim3A_506 : vector<16xi1>, vector<16xi32>
    %add3A_508 = arith.addi %mul3A_500, %select_n3A_507 : vector<16xi32>
    %get3A_509 = arith.constant 224 : index
    %get3A_510 = tpu.vector_load %arg5[%get3A_509] {strides = array<i32>} : memref<13312xi32, #tpu.memory_space<vmem>>, vector<16xi32>,
    %get3A_511 = vector.shape_cast %get3A_510 : vector<16xi32> to vector<16xi32>
    %add3A_512 = arith.addi %get3A_511, %add3A_508 : vector<16xi32>
    %swap3A_513 = arith.constant 224 : index
    %swap3A_514 = tpu.vector_load %arg5[%swap3A_513] {strides = array<i32>} : memref<13312xi32, #tpu.memory_space<vmem>>, vector<16xi32>,
    %swap3A_515 = vector.shape_cast %swap3A_514 : vector<16xi32> to vector<16xi32>
    %swap3A_516 = vector.shape_cast %add3A_512 : vector<16xi32> to vector<16xi32>
    tpu.vector_store %arg5[%swap3A_513], %swap3A_516 {strides = array<i32>} : memref<13312xi32, #tpu.memory_space<vmem>>, vector<16xi32>,
    %add3A_517 = arith.constant 192 : i32
    %add3A_518 = arith.addi %mul3A_4, %add3A_517 : i32
    %add3A_519 = arith.constant 48 : i32
    %add3A_520 = arith.addi %add3A_518, %add3A_519 : i32
    %add3A_521 = vector.broadcast %add3A_520 : i32 to vector<16xi32>
    %add3A_522 = arith.addi %add3A_521, %iota3A : vector<16xi32>
    %shift_right_logical3A_523 = arith.constant 14 : i32
    %shift_right_logical3A_524 = vector.broadcast %shift_right_logical3A_523 : i32 to vector<16xi32>
    %shift_right_logical3A_525 = arith.shrui %add3A_522, %shift_right_logical3A_524 : vector<16xi32>
    %mul3A_526 = arith.constant 13 : i32
    %mul3A_527 = arith.muli %arg0, %mul3A_526 : i32
    %sub3A_528 = vector.broadcast %mul3A_527 : i32 to vector<16xi32>
    %sub3A_529 = arith.subi %shift_right_logical3A_525, %sub3A_528 : vector<16xi32>
    %mul3A_530 = arith.constant 1000 : i32
    %mul3A_531 = vector.broadcast %mul3A_530 : i32 to vector<16xi32>
    %mul3A_532 = arith.muli %sub3A_529, %mul3A_531 : vector<16xi32>
    %lt3A_533 = arith.constant 6 : i32
    %lt3A_534 = vector.broadcast %lt3A_533 : i32 to vector<16xi32>
    %lt3A_535 = arith.cmpi slt, %sub3A_529, %lt3A_534 : vector<16xi32>
    %jit3A_536 = arith.constant 0 : i32
    %broadcast_in_dim3A_537 = vector.broadcast %jit3A_536 : i32 to vector<16xi32>
    %broadcast_in_dim3A_538 = vector.broadcast %mul3A_8 : i32 to vector<16xi32>
    %select_n3A_539 = arith.select %lt3A_535, %broadcast_in_dim3A_537, %broadcast_in_dim3A_538 : vector<16xi1>, vector<16xi32>
    %add3A_540 = arith.addi %mul3A_532, %select_n3A_539 : vector<16xi32>
    %get3A_541 = arith.constant 240 : index
    %get3A_542 = tpu.vector_load %arg5[%get3A_541] {strides = array<i32>} : memref<13312xi32, #tpu.memory_space<vmem>>, vector<16xi32>,
    %get3A_543 = vector.shape_cast %get3A_542 : vector<16xi32> to vector<16xi32>
    %add3A_544 = arith.addi %get3A_543, %add3A_540 : vector<16xi32>
    %swap3A_545 = arith.constant 240 : index
    %swap3A_546 = tpu.vector_load %arg5[%swap3A_545] {strides = array<i32>} : memref<13312xi32, #tpu.memory_space<vmem>>, vector<16xi32>,
    %swap3A_547 = vector.shape_cast %swap3A_546 : vector<16xi32> to vector<16xi32>
    %swap3A_548 = vector.shape_cast %add3A_544 : vector<16xi32> to vector<16xi32>
    tpu.vector_store %arg5[%swap3A_545], %swap3A_548 {strides = array<i32>} : memref<13312xi32, #tpu.memory_space<vmem>>, vector<16xi32>,
    %add3A_549 = arith.constant 192 : i32
    %add3A_550 = arith.addi %mul3A_4, %add3A_549 : i32
    %shift_right_logical3A_551 = arith.constant 14 : i32
    %shift_right_logical3A_552 = arith.shrui %add3A_550, %shift_right_logical3A_551 : i32
    %mul3A_553 = arith.constant 13 : i32
    %mul3A_554 = arith.muli %arg0, %mul3A_553 : i32
    %sub3A_555 = arith.subi %shift_right_logical3A_552, %mul3A_554 : i32
    %ge3A_556 = arith.constant 6 : i32
    %ge3A_557 = arith.cmpi sge, %sub3A_555, %ge3A_556 : i32
    %convert_element_type3A_558 = arith.extui %ge3A_557 : i1 to i32
    %cond3A_559 = arith.constant 0 : i32
    %cond3A_560 = arith.cmpi ne, %convert_element_type3A_558, %cond3A_559 : i32
    scf.if %cond3A_560 {
      %dma_start3A = arith.constant 3 : i32
      %dma_start3A_1345 = arith.constant 0 : i32
      %dma_start3A_1346 = arith.constant 0 : i32
      %dma_start3A_1347 = tpu.memref_slice %arg6[%dma_start3A, %dma_start3A_1345, %dma_start3A_1346] : memref<8x64x128xf32, #tpu.memory_space<vmem>> -> memref<1x64x128xf32, #tpu.memory_space<vmem>>
      %dma_start3A_1348 = tpu.memref_squeeze %dma_start3A_1347 : memref<1x64x128xf32, #tpu.memory_space<vmem>> -> memref<64x128xf32, #tpu.memory_space<vmem>>
      %dma_start3A_1349 = arith.constant 192 : i32
      %dma_start3A_1350 = tpu.memref_slice %arg5[%dma_start3A_1349] : memref<13312xi32, #tpu.memory_space<vmem>> -> memref<64xi32, #tpu.memory_space<vmem>>
      %dma_start3A_1351 = arith.constant 0 : i32
      %dma_start3A_1352 = arith.constant 0 : i32
      %dma_start3A_1353 = tpu.memref_slice %arg3[%dma_start3A_1351, %dma_start3A_1352] : memref<26000x128xf32, #tpu.memory_space<hbm>> -> memref<26000x128xf32, #tpu.memory_space<hbm>>
      tpu.enqueue_indirect_dma source(%dma_start3A_1353 : memref<26000x128xf32, #tpu.memory_space<hbm>>) target(%dma_start3A_1348 : memref<64x128xf32, #tpu.memory_space<vmem>>) offsets(%dma_start3A_1350 : memref<64xi32, #tpu.memory_space<vmem>>) semaphore(%arg11 : memref<!tpu.dma_semaphore, #tpu.memory_space<semaphore_mem>>)
    } else {
    }
    %add3A_561 = arith.constant 256 : i32
    %add3A_562 = arith.addi %mul3A_4, %add3A_561 : i32
    %add3A_563 = arith.constant 0 : i32
    %add3A_564 = arith.addi %add3A_562, %add3A_563 : i32
    %add3A_565 = vector.broadcast %add3A_564 : i32 to vector<16xi32>
    %add3A_566 = arith.addi %add3A_565, %iota3A : vector<16xi32>
    %shift_right_logical3A_567 = arith.constant 14 : i32
    %shift_right_logical3A_568 = vector.broadcast %shift_right_logical3A_567 : i32 to vector<16xi32>
    %shift_right_logical3A_569 = arith.shrui %add3A_566, %shift_right_logical3A_568 : vector<16xi32>
    %mul3A_570 = arith.constant 13 : i32
    %mul3A_571 = arith.muli %arg0, %mul3A_570 : i32
    %sub3A_572 = vector.broadcast %mul3A_571 : i32 to vector<16xi32>
    %sub3A_573 = arith.subi %shift_right_logical3A_569, %sub3A_572 : vector<16xi32>
    %mul3A_574 = arith.constant 1000 : i32
    %mul3A_575 = vector.broadcast %mul3A_574 : i32 to vector<16xi32>
    %mul3A_576 = arith.muli %sub3A_573, %mul3A_575 : vector<16xi32>
    %lt3A_577 = arith.constant 6 : i32
    %lt3A_578 = vector.broadcast %lt3A_577 : i32 to vector<16xi32>
    %lt3A_579 = arith.cmpi slt, %sub3A_573, %lt3A_578 : vector<16xi32>
    %jit3A_580 = arith.constant 0 : i32
    %broadcast_in_dim3A_581 = vector.broadcast %jit3A_580 : i32 to vector<16xi32>
    %broadcast_in_dim3A_582 = vector.broadcast %mul3A_8 : i32 to vector<16xi32>
    %select_n3A_583 = arith.select %lt3A_579, %broadcast_in_dim3A_581, %broadcast_in_dim3A_582 : vector<16xi1>, vector<16xi32>
    %add3A_584 = arith.addi %mul3A_576, %select_n3A_583 : vector<16xi32>
    %get3A_585 = arith.constant 256 : index
    %get3A_586 = tpu.vector_load %arg5[%get3A_585] {strides = array<i32>} : memref<13312xi32, #tpu.memory_space<vmem>>, vector<16xi32>,
    %get3A_587 = vector.shape_cast %get3A_586 : vector<16xi32> to vector<16xi32>
    %add3A_588 = arith.addi %get3A_587, %add3A_584 : vector<16xi32>
    %swap3A_589 = arith.constant 256 : index
    %swap3A_590 = tpu.vector_load %arg5[%swap3A_589] {strides = array<i32>} : memref<13312xi32, #tpu.memory_space<vmem>>, vector<16xi32>,
    %swap3A_591 = vector.shape_cast %swap3A_590 : vector<16xi32> to vector<16xi32>
    %swap3A_592 = vector.shape_cast %add3A_588 : vector<16xi32> to vector<16xi32>
    tpu.vector_store %arg5[%swap3A_589], %swap3A_592 {strides = array<i32>} : memref<13312xi32, #tpu.memory_space<vmem>>, vector<16xi32>,
    %add3A_593 = arith.constant 256 : i32
    %add3A_594 = arith.addi %mul3A_4, %add3A_593 : i32
    %add3A_595 = arith.constant 16 : i32
    %add3A_596 = arith.addi %add3A_594, %add3A_595 : i32
    %add3A_597 = vector.broadcast %add3A_596 : i32 to vector<16xi32>
    %add3A_598 = arith.addi %add3A_597, %iota3A : vector<16xi32>
    %shift_right_logical3A_599 = arith.constant 14 : i32
    %shift_right_logical3A_600 = vector.broadcast %shift_right_logical3A_599 : i32 to vector<16xi32>
    %shift_right_logical3A_601 = arith.shrui %add3A_598, %shift_right_logical3A_600 : vector<16xi32>
    %mul3A_602 = arith.constant 13 : i32
    %mul3A_603 = arith.muli %arg0, %mul3A_602 : i32
    %sub3A_604 = vector.broadcast %mul3A_603 : i32 to vector<16xi32>
    %sub3A_605 = arith.subi %shift_right_logical3A_601, %sub3A_604 : vector<16xi32>
    %mul3A_606 = arith.constant 1000 : i32
    %mul3A_607 = vector.broadcast %mul3A_606 : i32 to vector<16xi32>
    %mul3A_608 = arith.muli %sub3A_605, %mul3A_607 : vector<16xi32>
    %lt3A_609 = arith.constant 6 : i32
    %lt3A_610 = vector.broadcast %lt3A_609 : i32 to vector<16xi32>
    %lt3A_611 = arith.cmpi slt, %sub3A_605, %lt3A_610 : vector<16xi32>
    %jit3A_612 = arith.constant 0 : i32
    %broadcast_in_dim3A_613 = vector.broadcast %jit3A_612 : i32 to vector<16xi32>
    %broadcast_in_dim3A_614 = vector.broadcast %mul3A_8 : i32 to vector<16xi32>
    %select_n3A_615 = arith.select %lt3A_611, %broadcast_in_dim3A_613, %broadcast_in_dim3A_614 : vector<16xi1>, vector<16xi32>
    %add3A_616 = arith.addi %mul3A_608, %select_n3A_615 : vector<16xi32>
    %get3A_617 = arith.constant 272 : index
    %get3A_618 = tpu.vector_load %arg5[%get3A_617] {strides = array<i32>} : memref<13312xi32, #tpu.memory_space<vmem>>, vector<16xi32>,
    %get3A_619 = vector.shape_cast %get3A_618 : vector<16xi32> to vector<16xi32>
    %add3A_620 = arith.addi %get3A_619, %add3A_616 : vector<16xi32>
    %swap3A_621 = arith.constant 272 : index
    %swap3A_622 = tpu.vector_load %arg5[%swap3A_621] {strides = array<i32>} : memref<13312xi32, #tpu.memory_space<vmem>>, vector<16xi32>,
    %swap3A_623 = vector.shape_cast %swap3A_622 : vector<16xi32> to vector<16xi32>
    %swap3A_624 = vector.shape_cast %add3A_620 : vector<16xi32> to vector<16xi32>
    tpu.vector_store %arg5[%swap3A_621], %swap3A_624 {strides = array<i32>} : memref<13312xi32, #tpu.memory_space<vmem>>, vector<16xi32>,
    %add3A_625 = arith.constant 256 : i32
    %add3A_626 = arith.addi %mul3A_4, %add3A_625 : i32
    %add3A_627 = arith.constant 32 : i32
    %add3A_628 = arith.addi %add3A_626, %add3A_627 : i32
    %add3A_629 = vector.broadcast %add3A_628 : i32 to vector<16xi32>
    %add3A_630 = arith.addi %add3A_629, %iota3A : vector<16xi32>
    %shift_right_logical3A_631 = arith.constant 14 : i32
    %shift_right_logical3A_632 = vector.broadcast %shift_right_logical3A_631 : i32 to vector<16xi32>
    %shift_right_logical3A_633 = arith.shrui %add3A_630, %shift_right_logical3A_632 : vector<16xi32>
    %mul3A_634 = arith.constant 13 : i32
    %mul3A_635 = arith.muli %arg0, %mul3A_634 : i32
    %sub3A_636 = vector.broadcast %mul3A_635 : i32 to vector<16xi32>
    %sub3A_637 = arith.subi %shift_right_logical3A_633, %sub3A_636 : vector<16xi32>
    %mul3A_638 = arith.constant 1000 : i32
    %mul3A_639 = vector.broadcast %mul3A_638 : i32 to vector<16xi32>
    %mul3A_640 = arith.muli %sub3A_637, %mul3A_639 : vector<16xi32>
    %lt3A_641 = arith.constant 6 : i32
    %lt3A_642 = vector.broadcast %lt3A_641 : i32 to vector<16xi32>
    %lt3A_643 = arith.cmpi slt, %sub3A_637, %lt3A_642 : vector<16xi32>
    %jit3A_644 = arith.constant 0 : i32
    %broadcast_in_dim3A_645 = vector.broadcast %jit3A_644 : i32 to vector<16xi32>
    %broadcast_in_dim3A_646 = vector.broadcast %mul3A_8 : i32 to vector<16xi32>
    %select_n3A_647 = arith.select %lt3A_643, %broadcast_in_dim3A_645, %broadcast_in_dim3A_646 : vector<16xi1>, vector<16xi32>
    %add3A_648 = arith.addi %mul3A_640, %select_n3A_647 : vector<16xi32>
    %get3A_649 = arith.constant 288 : index
    %get3A_650 = tpu.vector_load %arg5[%get3A_649] {strides = array<i32>} : memref<13312xi32, #tpu.memory_space<vmem>>, vector<16xi32>,
    %get3A_651 = vector.shape_cast %get3A_650 : vector<16xi32> to vector<16xi32>
    %add3A_652 = arith.addi %get3A_651, %add3A_648 : vector<16xi32>
    %swap3A_653 = arith.constant 288 : index
    %swap3A_654 = tpu.vector_load %arg5[%swap3A_653] {strides = array<i32>} : memref<13312xi32, #tpu.memory_space<vmem>>, vector<16xi32>,
    %swap3A_655 = vector.shape_cast %swap3A_654 : vector<16xi32> to vector<16xi32>
    %swap3A_656 = vector.shape_cast %add3A_652 : vector<16xi32> to vector<16xi32>
    tpu.vector_store %arg5[%swap3A_653], %swap3A_656 {strides = array<i32>} : memref<13312xi32, #tpu.memory_space<vmem>>, vector<16xi32>,
    %add3A_657 = arith.constant 256 : i32
    %add3A_658 = arith.addi %mul3A_4, %add3A_657 : i32
    %add3A_659 = arith.constant 48 : i32
    %add3A_660 = arith.addi %add3A_658, %add3A_659 : i32
    %add3A_661 = vector.broadcast %add3A_660 : i32 to vector<16xi32>
    %add3A_662 = arith.addi %add3A_661, %iota3A : vector<16xi32>
    %shift_right_logical3A_663 = arith.constant 14 : i32
    %shift_right_logical3A_664 = vector.broadcast %shift_right_logical3A_663 : i32 to vector<16xi32>
    %shift_right_logical3A_665 = arith.shrui %add3A_662, %shift_right_logical3A_664 : vector<16xi32>
    %mul3A_666 = arith.constant 13 : i32
    %mul3A_667 = arith.muli %arg0, %mul3A_666 : i32
    %sub3A_668 = vector.broadcast %mul3A_667 : i32 to vector<16xi32>
    %sub3A_669 = arith.subi %shift_right_logical3A_665, %sub3A_668 : vector<16xi32>
    %mul3A_670 = arith.constant 1000 : i32
    %mul3A_671 = vector.broadcast %mul3A_670 : i32 to vector<16xi32>
    %mul3A_672 = arith.muli %sub3A_669, %mul3A_671 : vector<16xi32>
    %lt3A_673 = arith.constant 6 : i32
    %lt3A_674 = vector.broadcast %lt3A_673 : i32 to vector<16xi32>
    %lt3A_675 = arith.cmpi slt, %sub3A_669, %lt3A_674 : vector<16xi32>
    %jit3A_676 = arith.constant 0 : i32
    %broadcast_in_dim3A_677 = vector.broadcast %jit3A_676 : i32 to vector<16xi32>
    %broadcast_in_dim3A_678 = vector.broadcast %mul3A_8 : i32 to vector<16xi32>
    %select_n3A_679 = arith.select %lt3A_675, %broadcast_in_dim3A_677, %broadcast_in_dim3A_678 : vector<16xi1>, vector<16xi32>
    %add3A_680 = arith.addi %mul3A_672, %select_n3A_679 : vector<16xi32>
    %get3A_681 = arith.constant 304 : index
    %get3A_682 = tpu.vector_load %arg5[%get3A_681] {strides = array<i32>} : memref<13312xi32, #tpu.memory_space<vmem>>, vector<16xi32>,
    %get3A_683 = vector.shape_cast %get3A_682 : vector<16xi32> to vector<16xi32>
    %add3A_684 = arith.addi %get3A_683, %add3A_680 : vector<16xi32>
    %swap3A_685 = arith.constant 304 : index
    %swap3A_686 = tpu.vector_load %arg5[%swap3A_685] {strides = array<i32>} : memref<13312xi32, #tpu.memory_space<vmem>>, vector<16xi32>,
    %swap3A_687 = vector.shape_cast %swap3A_686 : vector<16xi32> to vector<16xi32>
    %swap3A_688 = vector.shape_cast %add3A_684 : vector<16xi32> to vector<16xi32>
    tpu.vector_store %arg5[%swap3A_685], %swap3A_688 {strides = array<i32>} : memref<13312xi32, #tpu.memory_space<vmem>>, vector<16xi32>,
    %add3A_689 = arith.constant 256 : i32
    %add3A_690 = arith.addi %mul3A_4, %add3A_689 : i32
    %shift_right_logical3A_691 = arith.constant 14 : i32
    %shift_right_logical3A_692 = arith.shrui %add3A_690, %shift_right_logical3A_691 : i32
    %mul3A_693 = arith.constant 13 : i32
    %mul3A_694 = arith.muli %arg0, %mul3A_693 : i32
    %sub3A_695 = arith.subi %shift_right_logical3A_692, %mul3A_694 : i32
    %ge3A_696 = arith.constant 6 : i32
    %ge3A_697 = arith.cmpi sge, %sub3A_695, %ge3A_696 : i32
    %convert_element_type3A_698 = arith.extui %ge3A_697 : i1 to i32
    %cond3A_699 = arith.constant 0 : i32
    %cond3A_700 = arith.cmpi ne, %convert_element_type3A_698, %cond3A_699 : i32
    scf.if %cond3A_700 {
      %dma_start3A = arith.constant 4 : i32
      %dma_start3A_1345 = arith.constant 0 : i32
      %dma_start3A_1346 = arith.constant 0 : i32
      %dma_start3A_1347 = tpu.memref_slice %arg6[%dma_start3A, %dma_start3A_1345, %dma_start3A_1346] : memref<8x64x128xf32, #tpu.memory_space<vmem>> -> memref<1x64x128xf32, #tpu.memory_space<vmem>>
      %dma_start3A_1348 = tpu.memref_squeeze %dma_start3A_1347 : memref<1x64x128xf32, #tpu.memory_space<vmem>> -> memref<64x128xf32, #tpu.memory_space<vmem>>
      %dma_start3A_1349 = arith.constant 256 : i32
      %dma_start3A_1350 = tpu.memref_slice %arg5[%dma_start3A_1349] : memref<13312xi32, #tpu.memory_space<vmem>> -> memref<64xi32, #tpu.memory_space<vmem>>
      %dma_start3A_1351 = arith.constant 0 : i32
      %dma_start3A_1352 = arith.constant 0 : i32
      %dma_start3A_1353 = tpu.memref_slice %arg3[%dma_start3A_1351, %dma_start3A_1352] : memref<26000x128xf32, #tpu.memory_space<hbm>> -> memref<26000x128xf32, #tpu.memory_space<hbm>>
      tpu.enqueue_indirect_dma source(%dma_start3A_1353 : memref<26000x128xf32, #tpu.memory_space<hbm>>) target(%dma_start3A_1348 : memref<64x128xf32, #tpu.memory_space<vmem>>) offsets(%dma_start3A_1350 : memref<64xi32, #tpu.memory_space<vmem>>) semaphore(%arg12 : memref<!tpu.dma_semaphore, #tpu.memory_space<semaphore_mem>>)
    } else {
    }
    %add3A_701 = arith.constant 320 : i32
    %add3A_702 = arith.addi %mul3A_4, %add3A_701 : i32
    %add3A_703 = arith.constant 0 : i32
    %add3A_704 = arith.addi %add3A_702, %add3A_703 : i32
    %add3A_705 = vector.broadcast %add3A_704 : i32 to vector<16xi32>
    %add3A_706 = arith.addi %add3A_705, %iota3A : vector<16xi32>
    %shift_right_logical3A_707 = arith.constant 14 : i32
    %shift_right_logical3A_708 = vector.broadcast %shift_right_logical3A_707 : i32 to vector<16xi32>
    %shift_right_logical3A_709 = arith.shrui %add3A_706, %shift_right_logical3A_708 : vector<16xi32>
    %mul3A_710 = arith.constant 13 : i32
    %mul3A_711 = arith.muli %arg0, %mul3A_710 : i32
    %sub3A_712 = vector.broadcast %mul3A_711 : i32 to vector<16xi32>
    %sub3A_713 = arith.subi %shift_right_logical3A_709, %sub3A_712 : vector<16xi32>
    %mul3A_714 = arith.constant 1000 : i32
    %mul3A_715 = vector.broadcast %mul3A_714 : i32 to vector<16xi32>
    %mul3A_716 = arith.muli %sub3A_713, %mul3A_715 : vector<16xi32>
    %lt3A_717 = arith.constant 6 : i32
    %lt3A_718 = vector.broadcast %lt3A_717 : i32 to vector<16xi32>
    %lt3A_719 = arith.cmpi slt, %sub3A_713, %lt3A_718 : vector<16xi32>
    %jit3A_720 = arith.constant 0 : i32
    %broadcast_in_dim3A_721 = vector.broadcast %jit3A_720 : i32 to vector<16xi32>
    %broadcast_in_dim3A_722 = vector.broadcast %mul3A_8 : i32 to vector<16xi32>
    %select_n3A_723 = arith.select %lt3A_719, %broadcast_in_dim3A_721, %broadcast_in_dim3A_722 : vector<16xi1>, vector<16xi32>
    %add3A_724 = arith.addi %mul3A_716, %select_n3A_723 : vector<16xi32>
    %get3A_725 = arith.constant 320 : index
    %get3A_726 = tpu.vector_load %arg5[%get3A_725] {strides = array<i32>} : memref<13312xi32, #tpu.memory_space<vmem>>, vector<16xi32>,
    %get3A_727 = vector.shape_cast %get3A_726 : vector<16xi32> to vector<16xi32>
    %add3A_728 = arith.addi %get3A_727, %add3A_724 : vector<16xi32>
    %swap3A_729 = arith.constant 320 : index
    %swap3A_730 = tpu.vector_load %arg5[%swap3A_729] {strides = array<i32>} : memref<13312xi32, #tpu.memory_space<vmem>>, vector<16xi32>,
    %swap3A_731 = vector.shape_cast %swap3A_730 : vector<16xi32> to vector<16xi32>
    %swap3A_732 = vector.shape_cast %add3A_728 : vector<16xi32> to vector<16xi32>
    tpu.vector_store %arg5[%swap3A_729], %swap3A_732 {strides = array<i32>} : memref<13312xi32, #tpu.memory_space<vmem>>, vector<16xi32>,
    %add3A_733 = arith.constant 320 : i32
    %add3A_734 = arith.addi %mul3A_4, %add3A_733 : i32
    %add3A_735 = arith.constant 16 : i32
    %add3A_736 = arith.addi %add3A_734, %add3A_735 : i32
    %add3A_737 = vector.broadcast %add3A_736 : i32 to vector<16xi32>
    %add3A_738 = arith.addi %add3A_737, %iota3A : vector<16xi32>
    %shift_right_logical3A_739 = arith.constant 14 : i32
    %shift_right_logical3A_740 = vector.broadcast %shift_right_logical3A_739 : i32 to vector<16xi32>
    %shift_right_logical3A_741 = arith.shrui %add3A_738, %shift_right_logical3A_740 : vector<16xi32>
    %mul3A_742 = arith.constant 13 : i32
    %mul3A_743 = arith.muli %arg0, %mul3A_742 : i32
    %sub3A_744 = vector.broadcast %mul3A_743 : i32 to vector<16xi32>
    %sub3A_745 = arith.subi %shift_right_logical3A_741, %sub3A_744 : vector<16xi32>
    %mul3A_746 = arith.constant 1000 : i32
    %mul3A_747 = vector.broadcast %mul3A_746 : i32 to vector<16xi32>
    %mul3A_748 = arith.muli %sub3A_745, %mul3A_747 : vector<16xi32>
    %lt3A_749 = arith.constant 6 : i32
    %lt3A_750 = vector.broadcast %lt3A_749 : i32 to vector<16xi32>
    %lt3A_751 = arith.cmpi slt, %sub3A_745, %lt3A_750 : vector<16xi32>
    %jit3A_752 = arith.constant 0 : i32
    %broadcast_in_dim3A_753 = vector.broadcast %jit3A_752 : i32 to vector<16xi32>
    %broadcast_in_dim3A_754 = vector.broadcast %mul3A_8 : i32 to vector<16xi32>
    %select_n3A_755 = arith.select %lt3A_751, %broadcast_in_dim3A_753, %broadcast_in_dim3A_754 : vector<16xi1>, vector<16xi32>
    %add3A_756 = arith.addi %mul3A_748, %select_n3A_755 : vector<16xi32>
    %get3A_757 = arith.constant 336 : index
    %get3A_758 = tpu.vector_load %arg5[%get3A_757] {strides = array<i32>} : memref<13312xi32, #tpu.memory_space<vmem>>, vector<16xi32>,
    %get3A_759 = vector.shape_cast %get3A_758 : vector<16xi32> to vector<16xi32>
    %add3A_760 = arith.addi %get3A_759, %add3A_756 : vector<16xi32>
    %swap3A_761 = arith.constant 336 : index
    %swap3A_762 = tpu.vector_load %arg5[%swap3A_761] {strides = array<i32>} : memref<13312xi32, #tpu.memory_space<vmem>>, vector<16xi32>,
    %swap3A_763 = vector.shape_cast %swap3A_762 : vector<16xi32> to vector<16xi32>
    %swap3A_764 = vector.shape_cast %add3A_760 : vector<16xi32> to vector<16xi32>
    tpu.vector_store %arg5[%swap3A_761], %swap3A_764 {strides = array<i32>} : memref<13312xi32, #tpu.memory_space<vmem>>, vector<16xi32>,
    %add3A_765 = arith.constant 320 : i32
    %add3A_766 = arith.addi %mul3A_4, %add3A_765 : i32
    %add3A_767 = arith.constant 32 : i32
    %add3A_768 = arith.addi %add3A_766, %add3A_767 : i32
    %add3A_769 = vector.broadcast %add3A_768 : i32 to vector<16xi32>
    %add3A_770 = arith.addi %add3A_769, %iota3A : vector<16xi32>
    %shift_right_logical3A_771 = arith.constant 14 : i32
    %shift_right_logical3A_772 = vector.broadcast %shift_right_logical3A_771 : i32 to vector<16xi32>
    %shift_right_logical3A_773 = arith.shrui %add3A_770, %shift_right_logical3A_772 : vector<16xi32>
    %mul3A_774 = arith.constant 13 : i32
    %mul3A_775 = arith.muli %arg0, %mul3A_774 : i32
    %sub3A_776 = vector.broadcast %mul3A_775 : i32 to vector<16xi32>
    %sub3A_777 = arith.subi %shift_right_logical3A_773, %sub3A_776 : vector<16xi32>
    %mul3A_778 = arith.constant 1000 : i32
    %mul3A_779 = vector.broadcast %mul3A_778 : i32 to vector<16xi32>
    %mul3A_780 = arith.muli %sub3A_777, %mul3A_779 : vector<16xi32>
    %lt3A_781 = arith.constant 6 : i32
    %lt3A_782 = vector.broadcast %lt3A_781 : i32 to vector<16xi32>
    %lt3A_783 = arith.cmpi slt, %sub3A_777, %lt3A_782 : vector<16xi32>
    %jit3A_784 = arith.constant 0 : i32
    %broadcast_in_dim3A_785 = vector.broadcast %jit3A_784 : i32 to vector<16xi32>
    %broadcast_in_dim3A_786 = vector.broadcast %mul3A_8 : i32 to vector<16xi32>
    %select_n3A_787 = arith.select %lt3A_783, %broadcast_in_dim3A_785, %broadcast_in_dim3A_786 : vector<16xi1>, vector<16xi32>
    %add3A_788 = arith.addi %mul3A_780, %select_n3A_787 : vector<16xi32>
    %get3A_789 = arith.constant 352 : index
    %get3A_790 = tpu.vector_load %arg5[%get3A_789] {strides = array<i32>} : memref<13312xi32, #tpu.memory_space<vmem>>, vector<16xi32>,
    %get3A_791 = vector.shape_cast %get3A_790 : vector<16xi32> to vector<16xi32>
    %add3A_792 = arith.addi %get3A_791, %add3A_788 : vector<16xi32>
    %swap3A_793 = arith.constant 352 : index
    %swap3A_794 = tpu.vector_load %arg5[%swap3A_793] {strides = array<i32>} : memref<13312xi32, #tpu.memory_space<vmem>>, vector<16xi32>,
    %swap3A_795 = vector.shape_cast %swap3A_794 : vector<16xi32> to vector<16xi32>
    %swap3A_796 = vector.shape_cast %add3A_792 : vector<16xi32> to vector<16xi32>
    tpu.vector_store %arg5[%swap3A_793], %swap3A_796 {strides = array<i32>} : memref<13312xi32, #tpu.memory_space<vmem>>, vector<16xi32>,
    %add3A_797 = arith.constant 320 : i32
    %add3A_798 = arith.addi %mul3A_4, %add3A_797 : i32
    %add3A_799 = arith.constant 48 : i32
    %add3A_800 = arith.addi %add3A_798, %add3A_799 : i32
    %add3A_801 = vector.broadcast %add3A_800 : i32 to vector<16xi32>
    %add3A_802 = arith.addi %add3A_801, %iota3A : vector<16xi32>
    %shift_right_logical3A_803 = arith.constant 14 : i32
    %shift_right_logical3A_804 = vector.broadcast %shift_right_logical3A_803 : i32 to vector<16xi32>
    %shift_right_logical3A_805 = arith.shrui %add3A_802, %shift_right_logical3A_804 : vector<16xi32>
    %mul3A_806 = arith.constant 13 : i32
    %mul3A_807 = arith.muli %arg0, %mul3A_806 : i32
    %sub3A_808 = vector.broadcast %mul3A_807 : i32 to vector<16xi32>
    %sub3A_809 = arith.subi %shift_right_logical3A_805, %sub3A_808 : vector<16xi32>
    %mul3A_810 = arith.constant 1000 : i32
    %mul3A_811 = vector.broadcast %mul3A_810 : i32 to vector<16xi32>
    %mul3A_812 = arith.muli %sub3A_809, %mul3A_811 : vector<16xi32>
    %lt3A_813 = arith.constant 6 : i32
    %lt3A_814 = vector.broadcast %lt3A_813 : i32 to vector<16xi32>
    %lt3A_815 = arith.cmpi slt, %sub3A_809, %lt3A_814 : vector<16xi32>
    %jit3A_816 = arith.constant 0 : i32
    %broadcast_in_dim3A_817 = vector.broadcast %jit3A_816 : i32 to vector<16xi32>
    %broadcast_in_dim3A_818 = vector.broadcast %mul3A_8 : i32 to vector<16xi32>
    %select_n3A_819 = arith.select %lt3A_815, %broadcast_in_dim3A_817, %broadcast_in_dim3A_818 : vector<16xi1>, vector<16xi32>
    %add3A_820 = arith.addi %mul3A_812, %select_n3A_819 : vector<16xi32>
    %get3A_821 = arith.constant 368 : index
    %get3A_822 = tpu.vector_load %arg5[%get3A_821] {strides = array<i32>} : memref<13312xi32, #tpu.memory_space<vmem>>, vector<16xi32>,
    %get3A_823 = vector.shape_cast %get3A_822 : vector<16xi32> to vector<16xi32>
    %add3A_824 = arith.addi %get3A_823, %add3A_820 : vector<16xi32>
    %swap3A_825 = arith.constant 368 : index
    %swap3A_826 = tpu.vector_load %arg5[%swap3A_825] {strides = array<i32>} : memref<13312xi32, #tpu.memory_space<vmem>>, vector<16xi32>,
    %swap3A_827 = vector.shape_cast %swap3A_826 : vector<16xi32> to vector<16xi32>
    %swap3A_828 = vector.shape_cast %add3A_824 : vector<16xi32> to vector<16xi32>
    tpu.vector_store %arg5[%swap3A_825], %swap3A_828 {strides = array<i32>} : memref<13312xi32, #tpu.memory_space<vmem>>, vector<16xi32>,
    %add3A_829 = arith.constant 320 : i32
    %add3A_830 = arith.addi %mul3A_4, %add3A_829 : i32
    %shift_right_logical3A_831 = arith.constant 14 : i32
    %shift_right_logical3A_832 = arith.shrui %add3A_830, %shift_right_logical3A_831 : i32
    %mul3A_833 = arith.constant 13 : i32
    %mul3A_834 = arith.muli %arg0, %mul3A_833 : i32
    %sub3A_835 = arith.subi %shift_right_logical3A_832, %mul3A_834 : i32
    %ge3A_836 = arith.constant 6 : i32
    %ge3A_837 = arith.cmpi sge, %sub3A_835, %ge3A_836 : i32
    %convert_element_type3A_838 = arith.extui %ge3A_837 : i1 to i32
    %cond3A_839 = arith.constant 0 : i32
    %cond3A_840 = arith.cmpi ne, %convert_element_type3A_838, %cond3A_839 : i32
    scf.if %cond3A_840 {
      %dma_start3A = arith.constant 5 : i32
      %dma_start3A_1345 = arith.constant 0 : i32
      %dma_start3A_1346 = arith.constant 0 : i32
      %dma_start3A_1347 = tpu.memref_slice %arg6[%dma_start3A, %dma_start3A_1345, %dma_start3A_1346] : memref<8x64x128xf32, #tpu.memory_space<vmem>> -> memref<1x64x128xf32, #tpu.memory_space<vmem>>
      %dma_start3A_1348 = tpu.memref_squeeze %dma_start3A_1347 : memref<1x64x128xf32, #tpu.memory_space<vmem>> -> memref<64x128xf32, #tpu.memory_space<vmem>>
      %dma_start3A_1349 = arith.constant 320 : i32
      %dma_start3A_1350 = tpu.memref_slice %arg5[%dma_start3A_1349] : memref<13312xi32, #tpu.memory_space<vmem>> -> memref<64xi32, #tpu.memory_space<vmem>>
      %dma_start3A_1351 = arith.constant 0 : i32
      %dma_start3A_1352 = arith.constant 0 : i32
      %dma_start3A_1353 = tpu.memref_slice %arg3[%dma_start3A_1351, %dma_start3A_1352] : memref<26000x128xf32, #tpu.memory_space<hbm>> -> memref<26000x128xf32, #tpu.memory_space<hbm>>
      tpu.enqueue_indirect_dma source(%dma_start3A_1353 : memref<26000x128xf32, #tpu.memory_space<hbm>>) target(%dma_start3A_1348 : memref<64x128xf32, #tpu.memory_space<vmem>>) offsets(%dma_start3A_1350 : memref<64xi32, #tpu.memory_space<vmem>>) semaphore(%arg13 : memref<!tpu.dma_semaphore, #tpu.memory_space<semaphore_mem>>)
    } else {
    }
    %add3A_841 = arith.constant 384 : i32
    %add3A_842 = arith.addi %mul3A_4, %add3A_841 : i32
    %add3A_843 = arith.constant 0 : i32
    %add3A_844 = arith.addi %add3A_842, %add3A_843 : i32
    %add3A_845 = vector.broadcast %add3A_844 : i32 to vector<16xi32>
    %add3A_846 = arith.addi %add3A_845, %iota3A : vector<16xi32>
    %shift_right_logical3A_847 = arith.constant 14 : i32
    %shift_right_logical3A_848 = vector.broadcast %shift_right_logical3A_847 : i32 to vector<16xi32>
    %shift_right_logical3A_849 = arith.shrui %add3A_846, %shift_right_logical3A_848 : vector<16xi32>
    %mul3A_850 = arith.constant 13 : i32
    %mul3A_851 = arith.muli %arg0, %mul3A_850 : i32
    %sub3A_852 = vector.broadcast %mul3A_851 : i32 to vector<16xi32>
    %sub3A_853 = arith.subi %shift_right_logical3A_849, %sub3A_852 : vector<16xi32>
    %mul3A_854 = arith.constant 1000 : i32
    %mul3A_855 = vector.broadcast %mul3A_854 : i32 to vector<16xi32>
    %mul3A_856 = arith.muli %sub3A_853, %mul3A_855 : vector<16xi32>
    %lt3A_857 = arith.constant 6 : i32
    %lt3A_858 = vector.broadcast %lt3A_857 : i32 to vector<16xi32>
    %lt3A_859 = arith.cmpi slt, %sub3A_853, %lt3A_858 : vector<16xi32>
    %jit3A_860 = arith.constant 0 : i32
    %broadcast_in_dim3A_861 = vector.broadcast %jit3A_860 : i32 to vector<16xi32>
    %broadcast_in_dim3A_862 = vector.broadcast %mul3A_8 : i32 to vector<16xi32>
    %select_n3A_863 = arith.select %lt3A_859, %broadcast_in_dim3A_861, %broadcast_in_dim3A_862 : vector<16xi1>, vector<16xi32>
    %add3A_864 = arith.addi %mul3A_856, %select_n3A_863 : vector<16xi32>
    %get3A_865 = arith.constant 384 : index
    %get3A_866 = tpu.vector_load %arg5[%get3A_865] {strides = array<i32>} : memref<13312xi32, #tpu.memory_space<vmem>>, vector<16xi32>,
    %get3A_867 = vector.shape_cast %get3A_866 : vector<16xi32> to vector<16xi32>
    %add3A_868 = arith.addi %get3A_867, %add3A_864 : vector<16xi32>
    %swap3A_869 = arith.constant 384 : index
    %swap3A_870 = tpu.vector_load %arg5[%swap3A_869] {strides = array<i32>} : memref<13312xi32, #tpu.memory_space<vmem>>, vector<16xi32>,
    %swap3A_871 = vector.shape_cast %swap3A_870 : vector<16xi32> to vector<16xi32>
    %swap3A_872 = vector.shape_cast %add3A_868 : vector<16xi32> to vector<16xi32>
    tpu.vector_store %arg5[%swap3A_869], %swap3A_872 {strides = array<i32>} : memref<13312xi32, #tpu.memory_space<vmem>>, vector<16xi32>,
    %add3A_873 = arith.constant 384 : i32
    %add3A_874 = arith.addi %mul3A_4, %add3A_873 : i32
    %add3A_875 = arith.constant 16 : i32
    %add3A_876 = arith.addi %add3A_874, %add3A_875 : i32
    %add3A_877 = vector.broadcast %add3A_876 : i32 to vector<16xi32>
    %add3A_878 = arith.addi %add3A_877, %iota3A : vector<16xi32>
    %shift_right_logical3A_879 = arith.constant 14 : i32
    %shift_right_logical3A_880 = vector.broadcast %shift_right_logical3A_879 : i32 to vector<16xi32>
    %shift_right_logical3A_881 = arith.shrui %add3A_878, %shift_right_logical3A_880 : vector<16xi32>
    %mul3A_882 = arith.constant 13 : i32
    %mul3A_883 = arith.muli %arg0, %mul3A_882 : i32
    %sub3A_884 = vector.broadcast %mul3A_883 : i32 to vector<16xi32>
    %sub3A_885 = arith.subi %shift_right_logical3A_881, %sub3A_884 : vector<16xi32>
    %mul3A_886 = arith.constant 1000 : i32
    %mul3A_887 = vector.broadcast %mul3A_886 : i32 to vector<16xi32>
    %mul3A_888 = arith.muli %sub3A_885, %mul3A_887 : vector<16xi32>
    %lt3A_889 = arith.constant 6 : i32
    %lt3A_890 = vector.broadcast %lt3A_889 : i32 to vector<16xi32>
    %lt3A_891 = arith.cmpi slt, %sub3A_885, %lt3A_890 : vector<16xi32>
    %jit3A_892 = arith.constant 0 : i32
    %broadcast_in_dim3A_893 = vector.broadcast %jit3A_892 : i32 to vector<16xi32>
    %broadcast_in_dim3A_894 = vector.broadcast %mul3A_8 : i32 to vector<16xi32>
    %select_n3A_895 = arith.select %lt3A_891, %broadcast_in_dim3A_893, %broadcast_in_dim3A_894 : vector<16xi1>, vector<16xi32>
    %add3A_896 = arith.addi %mul3A_888, %select_n3A_895 : vector<16xi32>
    %get3A_897 = arith.constant 400 : index
    %get3A_898 = tpu.vector_load %arg5[%get3A_897] {strides = array<i32>} : memref<13312xi32, #tpu.memory_space<vmem>>, vector<16xi32>,
    %get3A_899 = vector.shape_cast %get3A_898 : vector<16xi32> to vector<16xi32>
    %add3A_900 = arith.addi %get3A_899, %add3A_896 : vector<16xi32>
    %swap3A_901 = arith.constant 400 : index
    %swap3A_902 = tpu.vector_load %arg5[%swap3A_901] {strides = array<i32>} : memref<13312xi32, #tpu.memory_space<vmem>>, vector<16xi32>,
    %swap3A_903 = vector.shape_cast %swap3A_902 : vector<16xi32> to vector<16xi32>
    %swap3A_904 = vector.shape_cast %add3A_900 : vector<16xi32> to vector<16xi32>
    tpu.vector_store %arg5[%swap3A_901], %swap3A_904 {strides = array<i32>} : memref<13312xi32, #tpu.memory_space<vmem>>, vector<16xi32>,
    %add3A_905 = arith.constant 384 : i32
    %add3A_906 = arith.addi %mul3A_4, %add3A_905 : i32
    %add3A_907 = arith.constant 32 : i32
    %add3A_908 = arith.addi %add3A_906, %add3A_907 : i32
    %add3A_909 = vector.broadcast %add3A_908 : i32 to vector<16xi32>
    %add3A_910 = arith.addi %add3A_909, %iota3A : vector<16xi32>
    %shift_right_logical3A_911 = arith.constant 14 : i32
    %shift_right_logical3A_912 = vector.broadcast %shift_right_logical3A_911 : i32 to vector<16xi32>
    %shift_right_logical3A_913 = arith.shrui %add3A_910, %shift_right_logical3A_912 : vector<16xi32>
    %mul3A_914 = arith.constant 13 : i32
    %mul3A_915 = arith.muli %arg0, %mul3A_914 : i32
    %sub3A_916 = vector.broadcast %mul3A_915 : i32 to vector<16xi32>
    %sub3A_917 = arith.subi %shift_right_logical3A_913, %sub3A_916 : vector<16xi32>
    %mul3A_918 = arith.constant 1000 : i32
    %mul3A_919 = vector.broadcast %mul3A_918 : i32 to vector<16xi32>
    %mul3A_920 = arith.muli %sub3A_917, %mul3A_919 : vector<16xi32>
    %lt3A_921 = arith.constant 6 : i32
    %lt3A_922 = vector.broadcast %lt3A_921 : i32 to vector<16xi32>
    %lt3A_923 = arith.cmpi slt, %sub3A_917, %lt3A_922 : vector<16xi32>
    %jit3A_924 = arith.constant 0 : i32
    %broadcast_in_dim3A_925 = vector.broadcast %jit3A_924 : i32 to vector<16xi32>
    %broadcast_in_dim3A_926 = vector.broadcast %mul3A_8 : i32 to vector<16xi32>
    %select_n3A_927 = arith.select %lt3A_923, %broadcast_in_dim3A_925, %broadcast_in_dim3A_926 : vector<16xi1>, vector<16xi32>
    %add3A_928 = arith.addi %mul3A_920, %select_n3A_927 : vector<16xi32>
    %get3A_929 = arith.constant 416 : index
    %get3A_930 = tpu.vector_load %arg5[%get3A_929] {strides = array<i32>} : memref<13312xi32, #tpu.memory_space<vmem>>, vector<16xi32>,
    %get3A_931 = vector.shape_cast %get3A_930 : vector<16xi32> to vector<16xi32>
    %add3A_932 = arith.addi %get3A_931, %add3A_928 : vector<16xi32>
    %swap3A_933 = arith.constant 416 : index
    %swap3A_934 = tpu.vector_load %arg5[%swap3A_933] {strides = array<i32>} : memref<13312xi32, #tpu.memory_space<vmem>>, vector<16xi32>,
    %swap3A_935 = vector.shape_cast %swap3A_934 : vector<16xi32> to vector<16xi32>
    %swap3A_936 = vector.shape_cast %add3A_932 : vector<16xi32> to vector<16xi32>
    tpu.vector_store %arg5[%swap3A_933], %swap3A_936 {strides = array<i32>} : memref<13312xi32, #tpu.memory_space<vmem>>, vector<16xi32>,
    %add3A_937 = arith.constant 384 : i32
    %add3A_938 = arith.addi %mul3A_4, %add3A_937 : i32
    %add3A_939 = arith.constant 48 : i32
    %add3A_940 = arith.addi %add3A_938, %add3A_939 : i32
    %add3A_941 = vector.broadcast %add3A_940 : i32 to vector<16xi32>
    %add3A_942 = arith.addi %add3A_941, %iota3A : vector<16xi32>
    %shift_right_logical3A_943 = arith.constant 14 : i32
    %shift_right_logical3A_944 = vector.broadcast %shift_right_logical3A_943 : i32 to vector<16xi32>
    %shift_right_logical3A_945 = arith.shrui %add3A_942, %shift_right_logical3A_944 : vector<16xi32>
    %mul3A_946 = arith.constant 13 : i32
    %mul3A_947 = arith.muli %arg0, %mul3A_946 : i32
    %sub3A_948 = vector.broadcast %mul3A_947 : i32 to vector<16xi32>
    %sub3A_949 = arith.subi %shift_right_logical3A_945, %sub3A_948 : vector<16xi32>
    %mul3A_950 = arith.constant 1000 : i32
    %mul3A_951 = vector.broadcast %mul3A_950 : i32 to vector<16xi32>
    %mul3A_952 = arith.muli %sub3A_949, %mul3A_951 : vector<16xi32>
    %lt3A_953 = arith.constant 6 : i32
    %lt3A_954 = vector.broadcast %lt3A_953 : i32 to vector<16xi32>
    %lt3A_955 = arith.cmpi slt, %sub3A_949, %lt3A_954 : vector<16xi32>
    %jit3A_956 = arith.constant 0 : i32
    %broadcast_in_dim3A_957 = vector.broadcast %jit3A_956 : i32 to vector<16xi32>
    %broadcast_in_dim3A_958 = vector.broadcast %mul3A_8 : i32 to vector<16xi32>
    %select_n3A_959 = arith.select %lt3A_955, %broadcast_in_dim3A_957, %broadcast_in_dim3A_958 : vector<16xi1>, vector<16xi32>
    %add3A_960 = arith.addi %mul3A_952, %select_n3A_959 : vector<16xi32>
    %get3A_961 = arith.constant 432 : index
    %get3A_962 = tpu.vector_load %arg5[%get3A_961] {strides = array<i32>} : memref<13312xi32, #tpu.memory_space<vmem>>, vector<16xi32>,
    %get3A_963 = vector.shape_cast %get3A_962 : vector<16xi32> to vector<16xi32>
    %add3A_964 = arith.addi %get3A_963, %add3A_960 : vector<16xi32>
    %swap3A_965 = arith.constant 432 : index
    %swap3A_966 = tpu.vector_load %arg5[%swap3A_965] {strides = array<i32>} : memref<13312xi32, #tpu.memory_space<vmem>>, vector<16xi32>,
    %swap3A_967 = vector.shape_cast %swap3A_966 : vector<16xi32> to vector<16xi32>
    %swap3A_968 = vector.shape_cast %add3A_964 : vector<16xi32> to vector<16xi32>
    tpu.vector_store %arg5[%swap3A_965], %swap3A_968 {strides = array<i32>} : memref<13312xi32, #tpu.memory_space<vmem>>, vector<16xi32>,
    %add3A_969 = arith.constant 384 : i32
    %add3A_970 = arith.addi %mul3A_4, %add3A_969 : i32
    %shift_right_logical3A_971 = arith.constant 14 : i32
    %shift_right_logical3A_972 = arith.shrui %add3A_970, %shift_right_logical3A_971 : i32
    %mul3A_973 = arith.constant 13 : i32
    %mul3A_974 = arith.muli %arg0, %mul3A_973 : i32
    %sub3A_975 = arith.subi %shift_right_logical3A_972, %mul3A_974 : i32
    %ge3A_976 = arith.constant 6 : i32
    %ge3A_977 = arith.cmpi sge, %sub3A_975, %ge3A_976 : i32
    %convert_element_type3A_978 = arith.extui %ge3A_977 : i1 to i32
    %cond3A_979 = arith.constant 0 : i32
    %cond3A_980 = arith.cmpi ne, %convert_element_type3A_978, %cond3A_979 : i32
    scf.if %cond3A_980 {
      %dma_start3A = arith.constant 6 : i32
      %dma_start3A_1345 = arith.constant 0 : i32
      %dma_start3A_1346 = arith.constant 0 : i32
      %dma_start3A_1347 = tpu.memref_slice %arg6[%dma_start3A, %dma_start3A_1345, %dma_start3A_1346] : memref<8x64x128xf32, #tpu.memory_space<vmem>> -> memref<1x64x128xf32, #tpu.memory_space<vmem>>
      %dma_start3A_1348 = tpu.memref_squeeze %dma_start3A_1347 : memref<1x64x128xf32, #tpu.memory_space<vmem>> -> memref<64x128xf32, #tpu.memory_space<vmem>>
      %dma_start3A_1349 = arith.constant 384 : i32
      %dma_start3A_1350 = tpu.memref_slice %arg5[%dma_start3A_1349] : memref<13312xi32, #tpu.memory_space<vmem>> -> memref<64xi32, #tpu.memory_space<vmem>>
      %dma_start3A_1351 = arith.constant 0 : i32
      %dma_start3A_1352 = arith.constant 0 : i32
      %dma_start3A_1353 = tpu.memref_slice %arg3[%dma_start3A_1351, %dma_start3A_1352] : memref<26000x128xf32, #tpu.memory_space<hbm>> -> memref<26000x128xf32, #tpu.memory_space<hbm>>
      tpu.enqueue_indirect_dma source(%dma_start3A_1353 : memref<26000x128xf32, #tpu.memory_space<hbm>>) target(%dma_start3A_1348 : memref<64x128xf32, #tpu.memory_space<vmem>>) offsets(%dma_start3A_1350 : memref<64xi32, #tpu.memory_space<vmem>>) semaphore(%arg14 : memref<!tpu.dma_semaphore, #tpu.memory_space<semaphore_mem>>)
    } else {
    }
    %add3A_981 = arith.constant 448 : i32
    %add3A_982 = arith.addi %mul3A_4, %add3A_981 : i32
    %add3A_983 = arith.constant 0 : i32
    %add3A_984 = arith.addi %add3A_982, %add3A_983 : i32
    %add3A_985 = vector.broadcast %add3A_984 : i32 to vector<16xi32>
    %add3A_986 = arith.addi %add3A_985, %iota3A : vector<16xi32>
    %shift_right_logical3A_987 = arith.constant 14 : i32
    %shift_right_logical3A_988 = vector.broadcast %shift_right_logical3A_987 : i32 to vector<16xi32>
    %shift_right_logical3A_989 = arith.shrui %add3A_986, %shift_right_logical3A_988 : vector<16xi32>
    %mul3A_990 = arith.constant 13 : i32
    %mul3A_991 = arith.muli %arg0, %mul3A_990 : i32
    %sub3A_992 = vector.broadcast %mul3A_991 : i32 to vector<16xi32>
    %sub3A_993 = arith.subi %shift_right_logical3A_989, %sub3A_992 : vector<16xi32>
    %mul3A_994 = arith.constant 1000 : i32
    %mul3A_995 = vector.broadcast %mul3A_994 : i32 to vector<16xi32>
    %mul3A_996 = arith.muli %sub3A_993, %mul3A_995 : vector<16xi32>
    %lt3A_997 = arith.constant 6 : i32
    %lt3A_998 = vector.broadcast %lt3A_997 : i32 to vector<16xi32>
    %lt3A_999 = arith.cmpi slt, %sub3A_993, %lt3A_998 : vector<16xi32>
    %jit3A_1000 = arith.constant 0 : i32
    %broadcast_in_dim3A_1001 = vector.broadcast %jit3A_1000 : i32 to vector<16xi32>
    %broadcast_in_dim3A_1002 = vector.broadcast %mul3A_8 : i32 to vector<16xi32>
    %select_n3A_1003 = arith.select %lt3A_999, %broadcast_in_dim3A_1001, %broadcast_in_dim3A_1002 : vector<16xi1>, vector<16xi32>
    %add3A_1004 = arith.addi %mul3A_996, %select_n3A_1003 : vector<16xi32>
    %get3A_1005 = arith.constant 448 : index
    %get3A_1006 = tpu.vector_load %arg5[%get3A_1005] {strides = array<i32>} : memref<13312xi32, #tpu.memory_space<vmem>>, vector<16xi32>,
    %get3A_1007 = vector.shape_cast %get3A_1006 : vector<16xi32> to vector<16xi32>
    %add3A_1008 = arith.addi %get3A_1007, %add3A_1004 : vector<16xi32>
    %swap3A_1009 = arith.constant 448 : index
    %swap3A_1010 = tpu.vector_load %arg5[%swap3A_1009] {strides = array<i32>} : memref<13312xi32, #tpu.memory_space<vmem>>, vector<16xi32>,
    %swap3A_1011 = vector.shape_cast %swap3A_1010 : vector<16xi32> to vector<16xi32>
    %swap3A_1012 = vector.shape_cast %add3A_1008 : vector<16xi32> to vector<16xi32>
    tpu.vector_store %arg5[%swap3A_1009], %swap3A_1012 {strides = array<i32>} : memref<13312xi32, #tpu.memory_space<vmem>>, vector<16xi32>,
    %add3A_1013 = arith.constant 448 : i32
    %add3A_1014 = arith.addi %mul3A_4, %add3A_1013 : i32
    %add3A_1015 = arith.constant 16 : i32
    %add3A_1016 = arith.addi %add3A_1014, %add3A_1015 : i32
    %add3A_1017 = vector.broadcast %add3A_1016 : i32 to vector<16xi32>
    %add3A_1018 = arith.addi %add3A_1017, %iota3A : vector<16xi32>
    %shift_right_logical3A_1019 = arith.constant 14 : i32
    %shift_right_logical3A_1020 = vector.broadcast %shift_right_logical3A_1019 : i32 to vector<16xi32>
    %shift_right_logical3A_1021 = arith.shrui %add3A_1018, %shift_right_logical3A_1020 : vector<16xi32>
    %mul3A_1022 = arith.constant 13 : i32
    %mul3A_1023 = arith.muli %arg0, %mul3A_1022 : i32
    %sub3A_1024 = vector.broadcast %mul3A_1023 : i32 to vector<16xi32>
    %sub3A_1025 = arith.subi %shift_right_logical3A_1021, %sub3A_1024 : vector<16xi32>
    %mul3A_1026 = arith.constant 1000 : i32
    %mul3A_1027 = vector.broadcast %mul3A_1026 : i32 to vector<16xi32>
    %mul3A_1028 = arith.muli %sub3A_1025, %mul3A_1027 : vector<16xi32>
    %lt3A_1029 = arith.constant 6 : i32
    %lt3A_1030 = vector.broadcast %lt3A_1029 : i32 to vector<16xi32>
    %lt3A_1031 = arith.cmpi slt, %sub3A_1025, %lt3A_1030 : vector<16xi32>
    %jit3A_1032 = arith.constant 0 : i32
    %broadcast_in_dim3A_1033 = vector.broadcast %jit3A_1032 : i32 to vector<16xi32>
    %broadcast_in_dim3A_1034 = vector.broadcast %mul3A_8 : i32 to vector<16xi32>
    %select_n3A_1035 = arith.select %lt3A_1031, %broadcast_in_dim3A_1033, %broadcast_in_dim3A_1034 : vector<16xi1>, vector<16xi32>
    %add3A_1036 = arith.addi %mul3A_1028, %select_n3A_1035 : vector<16xi32>
    %get3A_1037 = arith.constant 464 : index
    %get3A_1038 = tpu.vector_load %arg5[%get3A_1037] {strides = array<i32>} : memref<13312xi32, #tpu.memory_space<vmem>>, vector<16xi32>,
    %get3A_1039 = vector.shape_cast %get3A_1038 : vector<16xi32> to vector<16xi32>
    %add3A_1040 = arith.addi %get3A_1039, %add3A_1036 : vector<16xi32>
    %swap3A_1041 = arith.constant 464 : index
    %swap3A_1042 = tpu.vector_load %arg5[%swap3A_1041] {strides = array<i32>} : memref<13312xi32, #tpu.memory_space<vmem>>, vector<16xi32>,
    %swap3A_1043 = vector.shape_cast %swap3A_1042 : vector<16xi32> to vector<16xi32>
    %swap3A_1044 = vector.shape_cast %add3A_1040 : vector<16xi32> to vector<16xi32>
    tpu.vector_store %arg5[%swap3A_1041], %swap3A_1044 {strides = array<i32>} : memref<13312xi32, #tpu.memory_space<vmem>>, vector<16xi32>,
    %add3A_1045 = arith.constant 448 : i32
    %add3A_1046 = arith.addi %mul3A_4, %add3A_1045 : i32
    %add3A_1047 = arith.constant 32 : i32
    %add3A_1048 = arith.addi %add3A_1046, %add3A_1047 : i32
    %add3A_1049 = vector.broadcast %add3A_1048 : i32 to vector<16xi32>
    %add3A_1050 = arith.addi %add3A_1049, %iota3A : vector<16xi32>
    %shift_right_logical3A_1051 = arith.constant 14 : i32
    %shift_right_logical3A_1052 = vector.broadcast %shift_right_logical3A_1051 : i32 to vector<16xi32>
    %shift_right_logical3A_1053 = arith.shrui %add3A_1050, %shift_right_logical3A_1052 : vector<16xi32>
    %mul3A_1054 = arith.constant 13 : i32
    %mul3A_1055 = arith.muli %arg0, %mul3A_1054 : i32
    %sub3A_1056 = vector.broadcast %mul3A_1055 : i32 to vector<16xi32>
    %sub3A_1057 = arith.subi %shift_right_logical3A_1053, %sub3A_1056 : vector<16xi32>
    %mul3A_1058 = arith.constant 1000 : i32
    %mul3A_1059 = vector.broadcast %mul3A_1058 : i32 to vector<16xi32>
    %mul3A_1060 = arith.muli %sub3A_1057, %mul3A_1059 : vector<16xi32>
    %lt3A_1061 = arith.constant 6 : i32
    %lt3A_1062 = vector.broadcast %lt3A_1061 : i32 to vector<16xi32>
    %lt3A_1063 = arith.cmpi slt, %sub3A_1057, %lt3A_1062 : vector<16xi32>
    %jit3A_1064 = arith.constant 0 : i32
    %broadcast_in_dim3A_1065 = vector.broadcast %jit3A_1064 : i32 to vector<16xi32>
    %broadcast_in_dim3A_1066 = vector.broadcast %mul3A_8 : i32 to vector<16xi32>
    %select_n3A_1067 = arith.select %lt3A_1063, %broadcast_in_dim3A_1065, %broadcast_in_dim3A_1066 : vector<16xi1>, vector<16xi32>
    %add3A_1068 = arith.addi %mul3A_1060, %select_n3A_1067 : vector<16xi32>
    %get3A_1069 = arith.constant 480 : index
    %get3A_1070 = tpu.vector_load %arg5[%get3A_1069] {strides = array<i32>} : memref<13312xi32, #tpu.memory_space<vmem>>, vector<16xi32>,
    %get3A_1071 = vector.shape_cast %get3A_1070 : vector<16xi32> to vector<16xi32>
    %add3A_1072 = arith.addi %get3A_1071, %add3A_1068 : vector<16xi32>
    %swap3A_1073 = arith.constant 480 : index
    %swap3A_1074 = tpu.vector_load %arg5[%swap3A_1073] {strides = array<i32>} : memref<13312xi32, #tpu.memory_space<vmem>>, vector<16xi32>,
    %swap3A_1075 = vector.shape_cast %swap3A_1074 : vector<16xi32> to vector<16xi32>
    %swap3A_1076 = vector.shape_cast %add3A_1072 : vector<16xi32> to vector<16xi32>
    tpu.vector_store %arg5[%swap3A_1073], %swap3A_1076 {strides = array<i32>} : memref<13312xi32, #tpu.memory_space<vmem>>, vector<16xi32>,
    %add3A_1077 = arith.constant 448 : i32
    %add3A_1078 = arith.addi %mul3A_4, %add3A_1077 : i32
    %add3A_1079 = arith.constant 48 : i32
    %add3A_1080 = arith.addi %add3A_1078, %add3A_1079 : i32
    %add3A_1081 = vector.broadcast %add3A_1080 : i32 to vector<16xi32>
    %add3A_1082 = arith.addi %add3A_1081, %iota3A : vector<16xi32>
    %shift_right_logical3A_1083 = arith.constant 14 : i32
    %shift_right_logical3A_1084 = vector.broadcast %shift_right_logical3A_1083 : i32 to vector<16xi32>
    %shift_right_logical3A_1085 = arith.shrui %add3A_1082, %shift_right_logical3A_1084 : vector<16xi32>
    %mul3A_1086 = arith.constant 13 : i32
    %mul3A_1087 = arith.muli %arg0, %mul3A_1086 : i32
    %sub3A_1088 = vector.broadcast %mul3A_1087 : i32 to vector<16xi32>
    %sub3A_1089 = arith.subi %shift_right_logical3A_1085, %sub3A_1088 : vector<16xi32>
    %mul3A_1090 = arith.constant 1000 : i32
    %mul3A_1091 = vector.broadcast %mul3A_1090 : i32 to vector<16xi32>
    %mul3A_1092 = arith.muli %sub3A_1089, %mul3A_1091 : vector<16xi32>
    %lt3A_1093 = arith.constant 6 : i32
    %lt3A_1094 = vector.broadcast %lt3A_1093 : i32 to vector<16xi32>
    %lt3A_1095 = arith.cmpi slt, %sub3A_1089, %lt3A_1094 : vector<16xi32>
    %jit3A_1096 = arith.constant 0 : i32
    %broadcast_in_dim3A_1097 = vector.broadcast %jit3A_1096 : i32 to vector<16xi32>
    %broadcast_in_dim3A_1098 = vector.broadcast %mul3A_8 : i32 to vector<16xi32>
    %select_n3A_1099 = arith.select %lt3A_1095, %broadcast_in_dim3A_1097, %broadcast_in_dim3A_1098 : vector<16xi1>, vector<16xi32>
    %add3A_1100 = arith.addi %mul3A_1092, %select_n3A_1099 : vector<16xi32>
    %get3A_1101 = arith.constant 496 : index
    %get3A_1102 = tpu.vector_load %arg5[%get3A_1101] {strides = array<i32>} : memref<13312xi32, #tpu.memory_space<vmem>>, vector<16xi32>,
    %get3A_1103 = vector.shape_cast %get3A_1102 : vector<16xi32> to vector<16xi32>
    %add3A_1104 = arith.addi %get3A_1103, %add3A_1100 : vector<16xi32>
    %swap3A_1105 = arith.constant 496 : index
    %swap3A_1106 = tpu.vector_load %arg5[%swap3A_1105] {strides = array<i32>} : memref<13312xi32, #tpu.memory_space<vmem>>, vector<16xi32>,
    %swap3A_1107 = vector.shape_cast %swap3A_1106 : vector<16xi32> to vector<16xi32>
    %swap3A_1108 = vector.shape_cast %add3A_1104 : vector<16xi32> to vector<16xi32>
    tpu.vector_store %arg5[%swap3A_1105], %swap3A_1108 {strides = array<i32>} : memref<13312xi32, #tpu.memory_space<vmem>>, vector<16xi32>,
    %add3A_1109 = arith.constant 448 : i32
    %add3A_1110 = arith.addi %mul3A_4, %add3A_1109 : i32
    %shift_right_logical3A_1111 = arith.constant 14 : i32
    %shift_right_logical3A_1112 = arith.shrui %add3A_1110, %shift_right_logical3A_1111 : i32
    %mul3A_1113 = arith.constant 13 : i32
    %mul3A_1114 = arith.muli %arg0, %mul3A_1113 : i32
    %sub3A_1115 = arith.subi %shift_right_logical3A_1112, %mul3A_1114 : i32
    %ge3A_1116 = arith.constant 6 : i32
    %ge3A_1117 = arith.cmpi sge, %sub3A_1115, %ge3A_1116 : i32
    %convert_element_type3A_1118 = arith.extui %ge3A_1117 : i1 to i32
    %cond3A_1119 = arith.constant 0 : i32
    %cond3A_1120 = arith.cmpi ne, %convert_element_type3A_1118, %cond3A_1119 : i32
    scf.if %cond3A_1120 {
      %dma_start3A = arith.constant 7 : i32
      %dma_start3A_1345 = arith.constant 0 : i32
      %dma_start3A_1346 = arith.constant 0 : i32
      %dma_start3A_1347 = tpu.memref_slice %arg6[%dma_start3A, %dma_start3A_1345, %dma_start3A_1346] : memref<8x64x128xf32, #tpu.memory_space<vmem>> -> memref<1x64x128xf32, #tpu.memory_space<vmem>>
      %dma_start3A_1348 = tpu.memref_squeeze %dma_start3A_1347 : memref<1x64x128xf32, #tpu.memory_space<vmem>> -> memref<64x128xf32, #tpu.memory_space<vmem>>
      %dma_start3A_1349 = arith.constant 448 : i32
      %dma_start3A_1350 = tpu.memref_slice %arg5[%dma_start3A_1349] : memref<13312xi32, #tpu.memory_space<vmem>> -> memref<64xi32, #tpu.memory_space<vmem>>
      %dma_start3A_1351 = arith.constant 0 : i32
      %dma_start3A_1352 = arith.constant 0 : i32
      %dma_start3A_1353 = tpu.memref_slice %arg3[%dma_start3A_1351, %dma_start3A_1352] : memref<26000x128xf32, #tpu.memory_space<hbm>> -> memref<26000x128xf32, #tpu.memory_space<hbm>>
      tpu.enqueue_indirect_dma source(%dma_start3A_1353 : memref<26000x128xf32, #tpu.memory_space<hbm>>) target(%dma_start3A_1348 : memref<64x128xf32, #tpu.memory_space<vmem>>) offsets(%dma_start3A_1350 : memref<64xi32, #tpu.memory_space<vmem>>) semaphore(%arg15 : memref<!tpu.dma_semaphore, #tpu.memory_space<semaphore_mem>>)
    } else {
    }
    %lt3A_1121 = arith.constant 6 : i32
    %lt3A_1122 = arith.cmpi slt, %arg1, %lt3A_1121 : i32
    %convert_element_type3A_1123 = arith.extui %lt3A_1122 : i1 to i32
    %cond3A_1124 = arith.constant 0 : i32
    %cond3A_1125 = arith.cmpi ne, %convert_element_type3A_1123, %cond3A_1124 : i32
    scf.if %cond3A_1125 {
      %dma_wait3A_1345 = arith.constant 0 : i32
      %dma_wait3A_1346 = arith.constant 0 : i32
      %dma_wait3A_1347 = tpu.memref_slice %arg7[%dma_wait3A_1345, %dma_wait3A_1346] : memref<6000x128xf32, #tpu.memory_space<vmem_shared>> -> memref<1000x128xf32, #tpu.memory_space<vmem_shared>>
      %dma_wait3A_1348 = arith.constant 0 : i32
      %dma_wait3A_1349 = arith.constant 0 : i32
      %dma_wait3A_1350 = tpu.memref_slice %arg3[%dma_wait3A_1348, %dma_wait3A_1349] : memref<26000x128xf32, #tpu.memory_space<hbm>> -> memref<1000x128xf32, #tpu.memory_space<hbm>>
      tpu.wait_dma2 semaphore(%arg24 : memref<!tpu.dma_semaphore, #tpu.memory_space<semaphore_mem>>) src(%dma_wait3A_1350 : memref<1000x128xf32, #tpu.memory_space<hbm>>) dst(%dma_wait3A_1347 : memref<1000x128xf32, #tpu.memory_space<vmem_shared>>)
    } else {
    }
    %barrier3A = arith.constant 0 : index
    tpu.barrier barrier_id(%barrier3A)
    %add3A_1126 = arith.constant 0 : i32
    %add3A_1127 = arith.addi %mul3A_4, %add3A_1126 : i32
    %shift_right_logical3A_1128 = arith.constant 14 : i32
    %shift_right_logical3A_1129 = arith.shrui %add3A_1127, %shift_right_logical3A_1128 : i32
    %mul3A_1130 = arith.constant 13 : i32
    %mul3A_1131 = arith.muli %arg0, %mul3A_1130 : i32
    %sub3A_1132 = arith.subi %shift_right_logical3A_1129, %mul3A_1131 : i32
    %lt3A_1133 = arith.constant 6 : i32
    %lt3A_1134 = arith.cmpi slt, %sub3A_1132, %lt3A_1133 : i32
    %convert_element_type3A_1135 = arith.extui %lt3A_1134 : i1 to i32
    %cond3A_1136 = arith.constant 0 : i32
    %cond3A_1137 = arith.cmpi ne, %convert_element_type3A_1135, %cond3A_1136 : i32
    scf.if %cond3A_1137 {
      %dma_start3A = arith.constant 0 : i32
      %dma_start3A_1345 = arith.constant 0 : i32
      %dma_start3A_1346 = arith.constant 0 : i32
      %dma_start3A_1347 = tpu.memref_slice %arg6[%dma_start3A, %dma_start3A_1345, %dma_start3A_1346] : memref<8x64x128xf32, #tpu.memory_space<vmem>> -> memref<1x64x128xf32, #tpu.memory_space<vmem>>
      %dma_start3A_1348 = tpu.memref_squeeze %dma_start3A_1347 : memref<1x64x128xf32, #tpu.memory_space<vmem>> -> memref<64x128xf32, #tpu.memory_space<vmem>>
      %dma_start3A_1349 = arith.constant 0 : i32
      %dma_start3A_1350 = tpu.memref_slice %arg5[%dma_start3A_1349] : memref<13312xi32, #tpu.memory_space<vmem>> -> memref<64xi32, #tpu.memory_space<vmem>>
      %dma_start3A_1351 = arith.constant 0 : i32
      %dma_start3A_1352 = arith.constant 0 : i32
      %dma_start3A_1353 = tpu.memref_slice %arg7[%dma_start3A_1351, %dma_start3A_1352] : memref<6000x128xf32, #tpu.memory_space<vmem_shared>> -> memref<6000x128xf32, #tpu.memory_space<vmem_shared>>
      tpu.enqueue_indirect_dma source(%dma_start3A_1353 : memref<6000x128xf32, #tpu.memory_space<vmem_shared>>) target(%dma_start3A_1348 : memref<64x128xf32, #tpu.memory_space<vmem>>) offsets(%dma_start3A_1350 : memref<64xi32, #tpu.memory_space<vmem>>) semaphore(%arg8 : memref<!tpu.dma_semaphore, #tpu.memory_space<semaphore_mem>>)
    } else {
    }
    %add3A_1138 = arith.constant 64 : i32
    %add3A_1139 = arith.addi %mul3A_4, %add3A_1138 : i32
    %shift_right_logical3A_1140 = arith.constant 14 : i32
    %shift_right_logical3A_1141 = arith.shrui %add3A_1139, %shift_right_logical3A_1140 : i32
    %mul3A_1142 = arith.constant 13 : i32
    %mul3A_1143 = arith.muli %arg0, %mul3A_1142 : i32
    %sub3A_1144 = arith.subi %shift_right_logical3A_1141, %mul3A_1143 : i32
    %lt3A_1145 = arith.constant 6 : i32
    %lt3A_1146 = arith.cmpi slt, %sub3A_1144, %lt3A_1145 : i32
    %convert_element_type3A_1147 = arith.extui %lt3A_1146 : i1 to i32
    %cond3A_1148 = arith.constant 0 : i32
    %cond3A_1149 = arith.cmpi ne, %convert_element_type3A_1147, %cond3A_1148 : i32
    scf.if %cond3A_1149 {
      %dma_start3A = arith.constant 1 : i32
      %dma_start3A_1345 = arith.constant 0 : i32
      %dma_start3A_1346 = arith.constant 0 : i32
      %dma_start3A_1347 = tpu.memref_slice %arg6[%dma_start3A, %dma_start3A_1345, %dma_start3A_1346] : memref<8x64x128xf32, #tpu.memory_space<vmem>> -> memref<1x64x128xf32, #tpu.memory_space<vmem>>
      %dma_start3A_1348 = tpu.memref_squeeze %dma_start3A_1347 : memref<1x64x128xf32, #tpu.memory_space<vmem>> -> memref<64x128xf32, #tpu.memory_space<vmem>>
      %dma_start3A_1349 = arith.constant 64 : i32
      %dma_start3A_1350 = tpu.memref_slice %arg5[%dma_start3A_1349] : memref<13312xi32, #tpu.memory_space<vmem>> -> memref<64xi32, #tpu.memory_space<vmem>>
      %dma_start3A_1351 = arith.constant 0 : i32
      %dma_start3A_1352 = arith.constant 0 : i32
      %dma_start3A_1353 = tpu.memref_slice %arg7[%dma_start3A_1351, %dma_start3A_1352] : memref<6000x128xf32, #tpu.memory_space<vmem_shared>> -> memref<6000x128xf32, #tpu.memory_space<vmem_shared>>
      tpu.enqueue_indirect_dma source(%dma_start3A_1353 : memref<6000x128xf32, #tpu.memory_space<vmem_shared>>) target(%dma_start3A_1348 : memref<64x128xf32, #tpu.memory_space<vmem>>) offsets(%dma_start3A_1350 : memref<64xi32, #tpu.memory_space<vmem>>) semaphore(%arg9 : memref<!tpu.dma_semaphore, #tpu.memory_space<semaphore_mem>>)
    } else {
    }
    %add3A_1150 = arith.constant 128 : i32
    %add3A_1151 = arith.addi %mul3A_4, %add3A_1150 : i32
    %shift_right_logical3A_1152 = arith.constant 14 : i32
    %shift_right_logical3A_1153 = arith.shrui %add3A_1151, %shift_right_logical3A_1152 : i32
    %mul3A_1154 = arith.constant 13 : i32
    %mul3A_1155 = arith.muli %arg0, %mul3A_1154 : i32
    %sub3A_1156 = arith.subi %shift_right_logical3A_1153, %mul3A_1155 : i32
    %lt3A_1157 = arith.constant 6 : i32
    %lt3A_1158 = arith.cmpi slt, %sub3A_1156, %lt3A_1157 : i32
    %convert_element_type3A_1159 = arith.extui %lt3A_1158 : i1 to i32
    %cond3A_1160 = arith.constant 0 : i32
    %cond3A_1161 = arith.cmpi ne, %convert_element_type3A_1159, %cond3A_1160 : i32
    scf.if %cond3A_1161 {
      %dma_start3A = arith.constant 2 : i32
      %dma_start3A_1345 = arith.constant 0 : i32
      %dma_start3A_1346 = arith.constant 0 : i32
      %dma_start3A_1347 = tpu.memref_slice %arg6[%dma_start3A, %dma_start3A_1345, %dma_start3A_1346] : memref<8x64x128xf32, #tpu.memory_space<vmem>> -> memref<1x64x128xf32, #tpu.memory_space<vmem>>
      %dma_start3A_1348 = tpu.memref_squeeze %dma_start3A_1347 : memref<1x64x128xf32, #tpu.memory_space<vmem>> -> memref<64x128xf32, #tpu.memory_space<vmem>>
      %dma_start3A_1349 = arith.constant 128 : i32
      %dma_start3A_1350 = tpu.memref_slice %arg5[%dma_start3A_1349] : memref<13312xi32, #tpu.memory_space<vmem>> -> memref<64xi32, #tpu.memory_space<vmem>>
      %dma_start3A_1351 = arith.constant 0 : i32
      %dma_start3A_1352 = arith.constant 0 : i32
      %dma_start3A_1353 = tpu.memref_slice %arg7[%dma_start3A_1351, %dma_start3A_1352] : memref<6000x128xf32, #tpu.memory_space<vmem_shared>> -> memref<6000x128xf32, #tpu.memory_space<vmem_shared>>
      tpu.enqueue_indirect_dma source(%dma_start3A_1353 : memref<6000x128xf32, #tpu.memory_space<vmem_shared>>) target(%dma_start3A_1348 : memref<64x128xf32, #tpu.memory_space<vmem>>) offsets(%dma_start3A_1350 : memref<64xi32, #tpu.memory_space<vmem>>) semaphore(%arg10 : memref<!tpu.dma_semaphore, #tpu.memory_space<semaphore_mem>>)
    } else {
    }
    %add3A_1162 = arith.constant 192 : i32
    %add3A_1163 = arith.addi %mul3A_4, %add3A_1162 : i32
    %shift_right_logical3A_1164 = arith.constant 14 : i32
    %shift_right_logical3A_1165 = arith.shrui %add3A_1163, %shift_right_logical3A_1164 : i32
    %mul3A_1166 = arith.constant 13 : i32
    %mul3A_1167 = arith.muli %arg0, %mul3A_1166 : i32
    %sub3A_1168 = arith.subi %shift_right_logical3A_1165, %mul3A_1167 : i32
    %lt3A_1169 = arith.constant 6 : i32
    %lt3A_1170 = arith.cmpi slt, %sub3A_1168, %lt3A_1169 : i32
    %convert_element_type3A_1171 = arith.extui %lt3A_1170 : i1 to i32
    %cond3A_1172 = arith.constant 0 : i32
    %cond3A_1173 = arith.cmpi ne, %convert_element_type3A_1171, %cond3A_1172 : i32
    scf.if %cond3A_1173 {
      %dma_start3A = arith.constant 3 : i32
      %dma_start3A_1345 = arith.constant 0 : i32
      %dma_start3A_1346 = arith.constant 0 : i32
      %dma_start3A_1347 = tpu.memref_slice %arg6[%dma_start3A, %dma_start3A_1345, %dma_start3A_1346] : memref<8x64x128xf32, #tpu.memory_space<vmem>> -> memref<1x64x128xf32, #tpu.memory_space<vmem>>
      %dma_start3A_1348 = tpu.memref_squeeze %dma_start3A_1347 : memref<1x64x128xf32, #tpu.memory_space<vmem>> -> memref<64x128xf32, #tpu.memory_space<vmem>>
      %dma_start3A_1349 = arith.constant 192 : i32
      %dma_start3A_1350 = tpu.memref_slice %arg5[%dma_start3A_1349] : memref<13312xi32, #tpu.memory_space<vmem>> -> memref<64xi32, #tpu.memory_space<vmem>>
      %dma_start3A_1351 = arith.constant 0 : i32
      %dma_start3A_1352 = arith.constant 0 : i32
      %dma_start3A_1353 = tpu.memref_slice %arg7[%dma_start3A_1351, %dma_start3A_1352] : memref<6000x128xf32, #tpu.memory_space<vmem_shared>> -> memref<6000x128xf32, #tpu.memory_space<vmem_shared>>
      tpu.enqueue_indirect_dma source(%dma_start3A_1353 : memref<6000x128xf32, #tpu.memory_space<vmem_shared>>) target(%dma_start3A_1348 : memref<64x128xf32, #tpu.memory_space<vmem>>) offsets(%dma_start3A_1350 : memref<64xi32, #tpu.memory_space<vmem>>) semaphore(%arg11 : memref<!tpu.dma_semaphore, #tpu.memory_space<semaphore_mem>>)
    } else {
    }
    %add3A_1174 = arith.constant 256 : i32
    %add3A_1175 = arith.addi %mul3A_4, %add3A_1174 : i32
    %shift_right_logical3A_1176 = arith.constant 14 : i32
    %shift_right_logical3A_1177 = arith.shrui %add3A_1175, %shift_right_logical3A_1176 : i32
    %mul3A_1178 = arith.constant 13 : i32
    %mul3A_1179 = arith.muli %arg0, %mul3A_1178 : i32
    %sub3A_1180 = arith.subi %shift_right_logical3A_1177, %mul3A_1179 : i32
    %lt3A_1181 = arith.constant 6 : i32
    %lt3A_1182 = arith.cmpi slt, %sub3A_1180, %lt3A_1181 : i32
    %convert_element_type3A_1183 = arith.extui %lt3A_1182 : i1 to i32
    %cond3A_1184 = arith.constant 0 : i32
    %cond3A_1185 = arith.cmpi ne, %convert_element_type3A_1183, %cond3A_1184 : i32
    scf.if %cond3A_1185 {
      %dma_start3A = arith.constant 4 : i32
      %dma_start3A_1345 = arith.constant 0 : i32
      %dma_start3A_1346 = arith.constant 0 : i32
      %dma_start3A_1347 = tpu.memref_slice %arg6[%dma_start3A, %dma_start3A_1345, %dma_start3A_1346] : memref<8x64x128xf32, #tpu.memory_space<vmem>> -> memref<1x64x128xf32, #tpu.memory_space<vmem>>
      %dma_start3A_1348 = tpu.memref_squeeze %dma_start3A_1347 : memref<1x64x128xf32, #tpu.memory_space<vmem>> -> memref<64x128xf32, #tpu.memory_space<vmem>>
      %dma_start3A_1349 = arith.constant 256 : i32
      %dma_start3A_1350 = tpu.memref_slice %arg5[%dma_start3A_1349] : memref<13312xi32, #tpu.memory_space<vmem>> -> memref<64xi32, #tpu.memory_space<vmem>>
      %dma_start3A_1351 = arith.constant 0 : i32
      %dma_start3A_1352 = arith.constant 0 : i32
      %dma_start3A_1353 = tpu.memref_slice %arg7[%dma_start3A_1351, %dma_start3A_1352] : memref<6000x128xf32, #tpu.memory_space<vmem_shared>> -> memref<6000x128xf32, #tpu.memory_space<vmem_shared>>
      tpu.enqueue_indirect_dma source(%dma_start3A_1353 : memref<6000x128xf32, #tpu.memory_space<vmem_shared>>) target(%dma_start3A_1348 : memref<64x128xf32, #tpu.memory_space<vmem>>) offsets(%dma_start3A_1350 : memref<64xi32, #tpu.memory_space<vmem>>) semaphore(%arg12 : memref<!tpu.dma_semaphore, #tpu.memory_space<semaphore_mem>>)
    } else {
    }
    %add3A_1186 = arith.constant 320 : i32
    %add3A_1187 = arith.addi %mul3A_4, %add3A_1186 : i32
    %shift_right_logical3A_1188 = arith.constant 14 : i32
    %shift_right_logical3A_1189 = arith.shrui %add3A_1187, %shift_right_logical3A_1188 : i32
    %mul3A_1190 = arith.constant 13 : i32
    %mul3A_1191 = arith.muli %arg0, %mul3A_1190 : i32
    %sub3A_1192 = arith.subi %shift_right_logical3A_1189, %mul3A_1191 : i32
    %lt3A_1193 = arith.constant 6 : i32
    %lt3A_1194 = arith.cmpi slt, %sub3A_1192, %lt3A_1193 : i32
    %convert_element_type3A_1195 = arith.extui %lt3A_1194 : i1 to i32
    %cond3A_1196 = arith.constant 0 : i32
    %cond3A_1197 = arith.cmpi ne, %convert_element_type3A_1195, %cond3A_1196 : i32
    scf.if %cond3A_1197 {
      %dma_start3A = arith.constant 5 : i32
      %dma_start3A_1345 = arith.constant 0 : i32
      %dma_start3A_1346 = arith.constant 0 : i32
      %dma_start3A_1347 = tpu.memref_slice %arg6[%dma_start3A, %dma_start3A_1345, %dma_start3A_1346] : memref<8x64x128xf32, #tpu.memory_space<vmem>> -> memref<1x64x128xf32, #tpu.memory_space<vmem>>
      %dma_start3A_1348 = tpu.memref_squeeze %dma_start3A_1347 : memref<1x64x128xf32, #tpu.memory_space<vmem>> -> memref<64x128xf32, #tpu.memory_space<vmem>>
      %dma_start3A_1349 = arith.constant 320 : i32
      %dma_start3A_1350 = tpu.memref_slice %arg5[%dma_start3A_1349] : memref<13312xi32, #tpu.memory_space<vmem>> -> memref<64xi32, #tpu.memory_space<vmem>>
      %dma_start3A_1351 = arith.constant 0 : i32
      %dma_start3A_1352 = arith.constant 0 : i32
      %dma_start3A_1353 = tpu.memref_slice %arg7[%dma_start3A_1351, %dma_start3A_1352] : memref<6000x128xf32, #tpu.memory_space<vmem_shared>> -> memref<6000x128xf32, #tpu.memory_space<vmem_shared>>
      tpu.enqueue_indirect_dma source(%dma_start3A_1353 : memref<6000x128xf32, #tpu.memory_space<vmem_shared>>) target(%dma_start3A_1348 : memref<64x128xf32, #tpu.memory_space<vmem>>) offsets(%dma_start3A_1350 : memref<64xi32, #tpu.memory_space<vmem>>) semaphore(%arg13 : memref<!tpu.dma_semaphore, #tpu.memory_space<semaphore_mem>>)
    } else {
    }
    %add3A_1198 = arith.constant 384 : i32
    %add3A_1199 = arith.addi %mul3A_4, %add3A_1198 : i32
    %shift_right_logical3A_1200 = arith.constant 14 : i32
    %shift_right_logical3A_1201 = arith.shrui %add3A_1199, %shift_right_logical3A_1200 : i32
    %mul3A_1202 = arith.constant 13 : i32
    %mul3A_1203 = arith.muli %arg0, %mul3A_1202 : i32
    %sub3A_1204 = arith.subi %shift_right_logical3A_1201, %mul3A_1203 : i32
    %lt3A_1205 = arith.constant 6 : i32
    %lt3A_1206 = arith.cmpi slt, %sub3A_1204, %lt3A_1205 : i32
    %convert_element_type3A_1207 = arith.extui %lt3A_1206 : i1 to i32
    %cond3A_1208 = arith.constant 0 : i32
    %cond3A_1209 = arith.cmpi ne, %convert_element_type3A_1207, %cond3A_1208 : i32
    scf.if %cond3A_1209 {
      %dma_start3A = arith.constant 6 : i32
      %dma_start3A_1345 = arith.constant 0 : i32
      %dma_start3A_1346 = arith.constant 0 : i32
      %dma_start3A_1347 = tpu.memref_slice %arg6[%dma_start3A, %dma_start3A_1345, %dma_start3A_1346] : memref<8x64x128xf32, #tpu.memory_space<vmem>> -> memref<1x64x128xf32, #tpu.memory_space<vmem>>
      %dma_start3A_1348 = tpu.memref_squeeze %dma_start3A_1347 : memref<1x64x128xf32, #tpu.memory_space<vmem>> -> memref<64x128xf32, #tpu.memory_space<vmem>>
      %dma_start3A_1349 = arith.constant 384 : i32
      %dma_start3A_1350 = tpu.memref_slice %arg5[%dma_start3A_1349] : memref<13312xi32, #tpu.memory_space<vmem>> -> memref<64xi32, #tpu.memory_space<vmem>>
      %dma_start3A_1351 = arith.constant 0 : i32
      %dma_start3A_1352 = arith.constant 0 : i32
      %dma_start3A_1353 = tpu.memref_slice %arg7[%dma_start3A_1351, %dma_start3A_1352] : memref<6000x128xf32, #tpu.memory_space<vmem_shared>> -> memref<6000x128xf32, #tpu.memory_space<vmem_shared>>
      tpu.enqueue_indirect_dma source(%dma_start3A_1353 : memref<6000x128xf32, #tpu.memory_space<vmem_shared>>) target(%dma_start3A_1348 : memref<64x128xf32, #tpu.memory_space<vmem>>) offsets(%dma_start3A_1350 : memref<64xi32, #tpu.memory_space<vmem>>) semaphore(%arg14 : memref<!tpu.dma_semaphore, #tpu.memory_space<semaphore_mem>>)
    } else {
    }
    %add3A_1210 = arith.constant 448 : i32
    %add3A_1211 = arith.addi %mul3A_4, %add3A_1210 : i32
    %shift_right_logical3A_1212 = arith.constant 14 : i32
    %shift_right_logical3A_1213 = arith.shrui %add3A_1211, %shift_right_logical3A_1212 : i32
    %mul3A_1214 = arith.constant 13 : i32
    %mul3A_1215 = arith.muli %arg0, %mul3A_1214 : i32
    %sub3A_1216 = arith.subi %shift_right_logical3A_1213, %mul3A_1215 : i32
    %lt3A_1217 = arith.constant 6 : i32
    %lt3A_1218 = arith.cmpi slt, %sub3A_1216, %lt3A_1217 : i32
    %convert_element_type3A_1219 = arith.extui %lt3A_1218 : i1 to i32
    %cond3A_1220 = arith.constant 0 : i32
    %cond3A_1221 = arith.cmpi ne, %convert_element_type3A_1219, %cond3A_1220 : i32
    scf.if %cond3A_1221 {
      %dma_start3A = arith.constant 7 : i32
      %dma_start3A_1345 = arith.constant 0 : i32
      %dma_start3A_1346 = arith.constant 0 : i32
      %dma_start3A_1347 = tpu.memref_slice %arg6[%dma_start3A, %dma_start3A_1345, %dma_start3A_1346] : memref<8x64x128xf32, #tpu.memory_space<vmem>> -> memref<1x64x128xf32, #tpu.memory_space<vmem>>
      %dma_start3A_1348 = tpu.memref_squeeze %dma_start3A_1347 : memref<1x64x128xf32, #tpu.memory_space<vmem>> -> memref<64x128xf32, #tpu.memory_space<vmem>>
      %dma_start3A_1349 = arith.constant 448 : i32
      %dma_start3A_1350 = tpu.memref_slice %arg5[%dma_start3A_1349] : memref<13312xi32, #tpu.memory_space<vmem>> -> memref<64xi32, #tpu.memory_space<vmem>>
      %dma_start3A_1351 = arith.constant 0 : i32
      %dma_start3A_1352 = arith.constant 0 : i32
      %dma_start3A_1353 = tpu.memref_slice %arg7[%dma_start3A_1351, %dma_start3A_1352] : memref<6000x128xf32, #tpu.memory_space<vmem_shared>> -> memref<6000x128xf32, #tpu.memory_space<vmem_shared>>
      tpu.enqueue_indirect_dma source(%dma_start3A_1353 : memref<6000x128xf32, #tpu.memory_space<vmem_shared>>) target(%dma_start3A_1348 : memref<64x128xf32, #tpu.memory_space<vmem>>) offsets(%dma_start3A_1350 : memref<64xi32, #tpu.memory_space<vmem>>) semaphore(%arg15 : memref<!tpu.dma_semaphore, #tpu.memory_space<semaphore_mem>>)
    } else {
    }
    %scan3A = arith.constant 0 : i32
    %scan3A_1222 = arith.constant 26 : i32
    %scan3A_1223 = arith.addi %scan3A, %scan3A_1222 : i32
    %scan3A_1224 = arith.constant 1 : i32
    scf.for %scan3A_1345 = %scan3A to %scan3A_1223 step %scan3A_1224  : i32 {
      %mul3A_1346 = arith.constant 8 : i32
      %mul3A_1347 = arith.muli %scan3A_1345, %mul3A_1346 : i32
      %add3A_1348 = arith.constant 0 : i32
      %add3A_1349 = arith.addi %add3A_1348, %mul3A_1347 : i32
      %add3A_1350 = arith.constant 0 : i32
      %add3A_1351 = arith.addi %add3A_1349, %add3A_1350 : i32
      %dma_wait3A_1352 = arith.constant 0 : i32
      %dma_wait3A_1353 = arith.constant 0 : i32
      %dma_wait3A_1354 = arith.constant 0 : i32
      %dma_wait3A_1355 = tpu.memref_slice %arg6[%dma_wait3A_1352, %dma_wait3A_1353, %dma_wait3A_1354] : memref<8x64x128xf32, #tpu.memory_space<vmem>> -> memref<1x64x128xf32, #tpu.memory_space<vmem>>
      %dma_wait3A_1356 = tpu.memref_squeeze %dma_wait3A_1355 : memref<1x64x128xf32, #tpu.memory_space<vmem>> -> memref<64x128xf32, #tpu.memory_space<vmem>>
      %dma_wait3A_1357 = arith.constant 0 : i32
      %dma_wait3A_1358 = tpu.memref_slice %arg5[%dma_wait3A_1357] : memref<13312xi32, #tpu.memory_space<vmem>> -> memref<64xi32, #tpu.memory_space<vmem>>
      %dma_wait3A_1359 = arith.constant 0 : i32
      %dma_wait3A_1360 = arith.constant 0 : i32
      %dma_wait3A_1361 = tpu.memref_slice %arg3[%dma_wait3A_1359, %dma_wait3A_1360] : memref<26000x128xf32, #tpu.memory_space<hbm>> -> memref<26000x128xf32, #tpu.memory_space<hbm>>
      tpu.wait_indirect_dma semaphore(%arg8 : memref<!tpu.dma_semaphore, #tpu.memory_space<semaphore_mem>>) src(%dma_wait3A_1361 : memref<26000x128xf32, #tpu.memory_space<hbm>>) dst(%dma_wait3A_1356 : memref<64x128xf32, #tpu.memory_space<vmem>>)
      %mul3A_1362 = arith.constant 64 : i32
      %mul3A_1363 = arith.muli %add3A_1351, %mul3A_1362 : i32
      %add3A_1364 = arith.addi %mul3A_4, %mul3A_1363 : i32
      %dma_start3A = arith.constant 0 : i32
      %dma_start3A_1365 = arith.constant 0 : i32
      %dma_start3A_1366 = arith.constant 0 : i32
      %dma_start3A_1367 = tpu.memref_slice %arg6[%dma_start3A, %dma_start3A_1365, %dma_start3A_1366] : memref<8x64x128xf32, #tpu.memory_space<vmem>> -> memref<1x64x128xf32, #tpu.memory_space<vmem>>
      %dma_start3A_1368 = tpu.memref_squeeze %dma_start3A_1367 : memref<1x64x128xf32, #tpu.memory_space<vmem>> -> memref<64x128xf32, #tpu.memory_space<vmem>>
      %dma_start3A_1369 = arith.constant 0 : i32
      %dma_start3A_1370 = tpu.memref_slice %arg4[%add3A_1364, %dma_start3A_1369] : memref<425984x128xf32, #tpu.memory_space<hbm>> -> memref<64x128xf32, #tpu.memory_space<hbm>>
      %dma_start3A_1371 = arith.constant 0 : i32
      %dma_start3A_1372 = tpu.memref_slice %arg4[%add3A_1364, %dma_start3A_1371] : memref<425984x128xf32, #tpu.memory_space<hbm>> -> memref<64x128xf32, #tpu.memory_space<hbm>>
      %dma_start3A_1373 = arith.constant 0 : i32
      %dma_start3A_1374 = arith.constant 0 : i32
      %dma_start3A_1375 = tpu.memref_slice %arg6[%dma_start3A, %dma_start3A_1373, %dma_start3A_1374] : memref<8x64x128xf32, #tpu.memory_space<vmem>> -> memref<1x64x128xf32, #tpu.memory_space<vmem>>
      %dma_start3A_1376 = tpu.memref_squeeze %dma_start3A_1375 : memref<1x64x128xf32, #tpu.memory_space<vmem>> -> memref<64x128xf32, #tpu.memory_space<vmem>>
      tpu.enqueue_dma source(%dma_start3A_1376 : memref<64x128xf32, #tpu.memory_space<vmem>>) target(%dma_start3A_1372 : memref<64x128xf32, #tpu.memory_space<hbm>>) target_semaphore(%arg16 : memref<!tpu.dma_semaphore, #tpu.memory_space<semaphore_mem>>)
      %add3A_1377 = arith.constant 8 : i32
      %add3A_1378 = arith.addi %add3A_1349, %add3A_1377 : i32
      %lt3A_1379 = arith.constant 208 : i32
      %lt3A_1380 = arith.cmpi slt, %add3A_1378, %lt3A_1379 : i32
      %convert_element_type3A_1381 = arith.extui %lt3A_1380 : i1 to i32
      %cond3A_1382 = arith.constant 0 : i32
      %cond3A_1383 = arith.cmpi ne, %convert_element_type3A_1381, %cond3A_1382 : i32
      scf.if %cond3A_1383 {
        %add3A_1629 = arith.constant 8 : i32
        %add3A_1630 = arith.addi %add3A_1351, %add3A_1629 : i32
        %mul3A_1631 = arith.constant 64 : i32
        %mul3A_1632 = arith.muli %add3A_1630, %mul3A_1631 : i32
        %add3A_1633 = arith.addi %mul3A_4, %mul3A_1632 : i32
        %add3A_1634 = arith.constant 0 : i32
        %add3A_1635 = arith.addi %add3A_1633, %add3A_1634 : i32
        %add3A_1636 = vector.broadcast %add3A_1635 : i32 to vector<16xi32>
        %add3A_1637 = arith.addi %add3A_1636, %iota3A : vector<16xi32>
        %shift_right_logical3A_1638 = arith.constant 14 : i32
        %shift_right_logical3A_1639 = vector.broadcast %shift_right_logical3A_1638 : i32 to vector<16xi32>
        %shift_right_logical3A_1640 = arith.shrui %add3A_1637, %shift_right_logical3A_1639 : vector<16xi32>
        %mul3A_1641 = arith.constant 13 : i32
        %mul3A_1642 = arith.muli %arg0, %mul3A_1641 : i32
        %sub3A_1643 = vector.broadcast %mul3A_1642 : i32 to vector<16xi32>
        %sub3A_1644 = arith.subi %shift_right_logical3A_1640, %sub3A_1643 : vector<16xi32>
        %mul3A_1645 = arith.constant 1000 : i32
        %mul3A_1646 = vector.broadcast %mul3A_1645 : i32 to vector<16xi32>
        %mul3A_1647 = arith.muli %sub3A_1644, %mul3A_1646 : vector<16xi32>
        %lt3A_1648 = arith.constant 6 : i32
        %lt3A_1649 = vector.broadcast %lt3A_1648 : i32 to vector<16xi32>
        %lt3A_1650 = arith.cmpi slt, %sub3A_1644, %lt3A_1649 : vector<16xi32>
        %jit3A_1651 = arith.constant 0 : i32
        %broadcast_in_dim3A_1652 = vector.broadcast %jit3A_1651 : i32 to vector<16xi32>
        %broadcast_in_dim3A_1653 = vector.broadcast %mul3A_8 : i32 to vector<16xi32>
        %select_n3A_1654 = arith.select %lt3A_1650, %broadcast_in_dim3A_1652, %broadcast_in_dim3A_1653 : vector<16xi1>, vector<16xi32>
        %add3A_1655 = arith.addi %mul3A_1647, %select_n3A_1654 : vector<16xi32>
        %mul3A_1656 = arith.constant 64 : i32
        %mul3A_1657 = arith.muli %add3A_1630, %mul3A_1656 : i32
        %add3A_1658 = arith.constant 0 : i32
        %add3A_1659 = arith.addi %mul3A_1657, %add3A_1658 : i32
        %get3A_1660 = arith.index_cast %add3A_1659 : i32 to index
        %get3A_1661 = tpu.vector_load %arg5[%get3A_1660] {strides = array<i32>} : memref<13312xi32, #tpu.memory_space<vmem>>, vector<16xi32>,
        %get3A_1662 = vector.shape_cast %get3A_1661 : vector<16xi32> to vector<16xi32>
        %add3A_1663 = arith.addi %get3A_1662, %add3A_1655 : vector<16xi32>
        %swap3A_1664 = arith.index_cast %add3A_1659 : i32 to index
        %swap3A_1665 = tpu.vector_load %arg5[%swap3A_1664] {strides = array<i32>} : memref<13312xi32, #tpu.memory_space<vmem>>, vector<16xi32>,
        %swap3A_1666 = vector.shape_cast %swap3A_1665 : vector<16xi32> to vector<16xi32>
        %swap3A_1667 = vector.shape_cast %add3A_1663 : vector<16xi32> to vector<16xi32>
        tpu.vector_store %arg5[%swap3A_1664], %swap3A_1667 {strides = array<i32>} : memref<13312xi32, #tpu.memory_space<vmem>>, vector<16xi32>,
        %mul3A_1668 = arith.constant 64 : i32
        %mul3A_1669 = arith.muli %add3A_1630, %mul3A_1668 : i32
        %add3A_1670 = arith.addi %mul3A_4, %mul3A_1669 : i32
        %add3A_1671 = arith.constant 16 : i32
        %add3A_1672 = arith.addi %add3A_1670, %add3A_1671 : i32
        %add3A_1673 = vector.broadcast %add3A_1672 : i32 to vector<16xi32>
        %add3A_1674 = arith.addi %add3A_1673, %iota3A : vector<16xi32>
        %shift_right_logical3A_1675 = arith.constant 14 : i32
        %shift_right_logical3A_1676 = vector.broadcast %shift_right_logical3A_1675 : i32 to vector<16xi32>
        %shift_right_logical3A_1677 = arith.shrui %add3A_1674, %shift_right_logical3A_1676 : vector<16xi32>
        %mul3A_1678 = arith.constant 13 : i32
        %mul3A_1679 = arith.muli %arg0, %mul3A_1678 : i32
        %sub3A_1680 = vector.broadcast %mul3A_1679 : i32 to vector<16xi32>
        %sub3A_1681 = arith.subi %shift_right_logical3A_1677, %sub3A_1680 : vector<16xi32>
        %mul3A_1682 = arith.constant 1000 : i32
        %mul3A_1683 = vector.broadcast %mul3A_1682 : i32 to vector<16xi32>
        %mul3A_1684 = arith.muli %sub3A_1681, %mul3A_1683 : vector<16xi32>
        %lt3A_1685 = arith.constant 6 : i32
        %lt3A_1686 = vector.broadcast %lt3A_1685 : i32 to vector<16xi32>
        %lt3A_1687 = arith.cmpi slt, %sub3A_1681, %lt3A_1686 : vector<16xi32>
        %jit3A_1688 = arith.constant 0 : i32
        %broadcast_in_dim3A_1689 = vector.broadcast %jit3A_1688 : i32 to vector<16xi32>
        %broadcast_in_dim3A_1690 = vector.broadcast %mul3A_8 : i32 to vector<16xi32>
        %select_n3A_1691 = arith.select %lt3A_1687, %broadcast_in_dim3A_1689, %broadcast_in_dim3A_1690 : vector<16xi1>, vector<16xi32>
        %add3A_1692 = arith.addi %mul3A_1684, %select_n3A_1691 : vector<16xi32>
        %mul3A_1693 = arith.constant 64 : i32
        %mul3A_1694 = arith.muli %add3A_1630, %mul3A_1693 : i32
        %add3A_1695 = arith.constant 16 : i32
        %add3A_1696 = arith.addi %mul3A_1694, %add3A_1695 : i32
        %get3A_1697 = arith.index_cast %add3A_1696 : i32 to index
        %get3A_1698 = tpu.vector_load %arg5[%get3A_1697] {strides = array<i32>} : memref<13312xi32, #tpu.memory_space<vmem>>, vector<16xi32>,
        %get3A_1699 = vector.shape_cast %get3A_1698 : vector<16xi32> to vector<16xi32>
        %add3A_1700 = arith.addi %get3A_1699, %add3A_1692 : vector<16xi32>
        %swap3A_1701 = arith.index_cast %add3A_1696 : i32 to index
        %swap3A_1702 = tpu.vector_load %arg5[%swap3A_1701] {strides = array<i32>} : memref<13312xi32, #tpu.memory_space<vmem>>, vector<16xi32>,
        %swap3A_1703 = vector.shape_cast %swap3A_1702 : vector<16xi32> to vector<16xi32>
        %swap3A_1704 = vector.shape_cast %add3A_1700 : vector<16xi32> to vector<16xi32>
        tpu.vector_store %arg5[%swap3A_1701], %swap3A_1704 {strides = array<i32>} : memref<13312xi32, #tpu.memory_space<vmem>>, vector<16xi32>,
        %mul3A_1705 = arith.constant 64 : i32
        %mul3A_1706 = arith.muli %add3A_1630, %mul3A_1705 : i32
        %add3A_1707 = arith.addi %mul3A_4, %mul3A_1706 : i32
        %add3A_1708 = arith.constant 32 : i32
        %add3A_1709 = arith.addi %add3A_1707, %add3A_1708 : i32
        %add3A_1710 = vector.broadcast %add3A_1709 : i32 to vector<16xi32>
        %add3A_1711 = arith.addi %add3A_1710, %iota3A : vector<16xi32>
        %shift_right_logical3A_1712 = arith.constant 14 : i32
        %shift_right_logical3A_1713 = vector.broadcast %shift_right_logical3A_1712 : i32 to vector<16xi32>
        %shift_right_logical3A_1714 = arith.shrui %add3A_1711, %shift_right_logical3A_1713 : vector<16xi32>
        %mul3A_1715 = arith.constant 13 : i32
        %mul3A_1716 = arith.muli %arg0, %mul3A_1715 : i32
        %sub3A_1717 = vector.broadcast %mul3A_1716 : i32 to vector<16xi32>
        %sub3A_1718 = arith.subi %shift_right_logical3A_1714, %sub3A_1717 : vector<16xi32>
        %mul3A_1719 = arith.constant 1000 : i32
        %mul3A_1720 = vector.broadcast %mul3A_1719 : i32 to vector<16xi32>
        %mul3A_1721 = arith.muli %sub3A_1718, %mul3A_1720 : vector<16xi32>
        %lt3A_1722 = arith.constant 6 : i32
        %lt3A_1723 = vector.broadcast %lt3A_1722 : i32 to vector<16xi32>
        %lt3A_1724 = arith.cmpi slt, %sub3A_1718, %lt3A_1723 : vector<16xi32>
        %jit3A_1725 = arith.constant 0 : i32
        %broadcast_in_dim3A_1726 = vector.broadcast %jit3A_1725 : i32 to vector<16xi32>
        %broadcast_in_dim3A_1727 = vector.broadcast %mul3A_8 : i32 to vector<16xi32>
        %select_n3A_1728 = arith.select %lt3A_1724, %broadcast_in_dim3A_1726, %broadcast_in_dim3A_1727 : vector<16xi1>, vector<16xi32>
        %add3A_1729 = arith.addi %mul3A_1721, %select_n3A_1728 : vector<16xi32>
        %mul3A_1730 = arith.constant 64 : i32
        %mul3A_1731 = arith.muli %add3A_1630, %mul3A_1730 : i32
        %add3A_1732 = arith.constant 32 : i32
        %add3A_1733 = arith.addi %mul3A_1731, %add3A_1732 : i32
        %get3A_1734 = arith.index_cast %add3A_1733 : i32 to index
        %get3A_1735 = tpu.vector_load %arg5[%get3A_1734] {strides = array<i32>} : memref<13312xi32, #tpu.memory_space<vmem>>, vector<16xi32>,
        %get3A_1736 = vector.shape_cast %get3A_1735 : vector<16xi32> to vector<16xi32>
        %add3A_1737 = arith.addi %get3A_1736, %add3A_1729 : vector<16xi32>
        %swap3A_1738 = arith.index_cast %add3A_1733 : i32 to index
        %swap3A_1739 = tpu.vector_load %arg5[%swap3A_1738] {strides = array<i32>} : memref<13312xi32, #tpu.memory_space<vmem>>, vector<16xi32>,
        %swap3A_1740 = vector.shape_cast %swap3A_1739 : vector<16xi32> to vector<16xi32>
        %swap3A_1741 = vector.shape_cast %add3A_1737 : vector<16xi32> to vector<16xi32>
        tpu.vector_store %arg5[%swap3A_1738], %swap3A_1741 {strides = array<i32>} : memref<13312xi32, #tpu.memory_space<vmem>>, vector<16xi32>,
        %mul3A_1742 = arith.constant 64 : i32
        %mul3A_1743 = arith.muli %add3A_1630, %mul3A_1742 : i32
        %add3A_1744 = arith.addi %mul3A_4, %mul3A_1743 : i32
        %add3A_1745 = arith.constant 48 : i32
        %add3A_1746 = arith.addi %add3A_1744, %add3A_1745 : i32
        %add3A_1747 = vector.broadcast %add3A_1746 : i32 to vector<16xi32>
        %add3A_1748 = arith.addi %add3A_1747, %iota3A : vector<16xi32>
        %shift_right_logical3A_1749 = arith.constant 14 : i32
        %shift_right_logical3A_1750 = vector.broadcast %shift_right_logical3A_1749 : i32 to vector<16xi32>
        %shift_right_logical3A_1751 = arith.shrui %add3A_1748, %shift_right_logical3A_1750 : vector<16xi32>
        %mul3A_1752 = arith.constant 13 : i32
        %mul3A_1753 = arith.muli %arg0, %mul3A_1752 : i32
        %sub3A_1754 = vector.broadcast %mul3A_1753 : i32 to vector<16xi32>
        %sub3A_1755 = arith.subi %shift_right_logical3A_1751, %sub3A_1754 : vector<16xi32>
        %mul3A_1756 = arith.constant 1000 : i32
        %mul3A_1757 = vector.broadcast %mul3A_1756 : i32 to vector<16xi32>
        %mul3A_1758 = arith.muli %sub3A_1755, %mul3A_1757 : vector<16xi32>
        %lt3A_1759 = arith.constant 6 : i32
        %lt3A_1760 = vector.broadcast %lt3A_1759 : i32 to vector<16xi32>
        %lt3A_1761 = arith.cmpi slt, %sub3A_1755, %lt3A_1760 : vector<16xi32>
        %jit3A_1762 = arith.constant 0 : i32
        %broadcast_in_dim3A_1763 = vector.broadcast %jit3A_1762 : i32 to vector<16xi32>
        %broadcast_in_dim3A_1764 = vector.broadcast %mul3A_8 : i32 to vector<16xi32>
        %select_n3A_1765 = arith.select %lt3A_1761, %broadcast_in_dim3A_1763, %broadcast_in_dim3A_1764 : vector<16xi1>, vector<16xi32>
        %add3A_1766 = arith.addi %mul3A_1758, %select_n3A_1765 : vector<16xi32>
        %mul3A_1767 = arith.constant 64 : i32
        %mul3A_1768 = arith.muli %add3A_1630, %mul3A_1767 : i32
        %add3A_1769 = arith.constant 48 : i32
        %add3A_1770 = arith.addi %mul3A_1768, %add3A_1769 : i32
        %get3A_1771 = arith.index_cast %add3A_1770 : i32 to index
        %get3A_1772 = tpu.vector_load %arg5[%get3A_1771] {strides = array<i32>} : memref<13312xi32, #tpu.memory_space<vmem>>, vector<16xi32>,
        %get3A_1773 = vector.shape_cast %get3A_1772 : vector<16xi32> to vector<16xi32>
        %add3A_1774 = arith.addi %get3A_1773, %add3A_1766 : vector<16xi32>
        %swap3A_1775 = arith.index_cast %add3A_1770 : i32 to index
        %swap3A_1776 = tpu.vector_load %arg5[%swap3A_1775] {strides = array<i32>} : memref<13312xi32, #tpu.memory_space<vmem>>, vector<16xi32>,
        %swap3A_1777 = vector.shape_cast %swap3A_1776 : vector<16xi32> to vector<16xi32>
        %swap3A_1778 = vector.shape_cast %add3A_1774 : vector<16xi32> to vector<16xi32>
        tpu.vector_store %arg5[%swap3A_1775], %swap3A_1778 {strides = array<i32>} : memref<13312xi32, #tpu.memory_space<vmem>>, vector<16xi32>,
        %dma_wait3A_1779 = arith.constant 0 : i32
        %dma_wait3A_1780 = arith.constant 0 : i32
        %dma_wait3A_1781 = arith.constant 0 : i32
        %dma_wait3A_1782 = tpu.memref_slice %arg6[%dma_wait3A_1779, %dma_wait3A_1780, %dma_wait3A_1781] : memref<8x64x128xf32, #tpu.memory_space<vmem>> -> memref<1x64x128xf32, #tpu.memory_space<vmem>>
        %dma_wait3A_1783 = tpu.memref_squeeze %dma_wait3A_1782 : memref<1x64x128xf32, #tpu.memory_space<vmem>> -> memref<64x128xf32, #tpu.memory_space<vmem>>
        %dma_wait3A_1784 = arith.constant 0 : i32
        %dma_wait3A_1785 = arith.constant 0 : i32
        %dma_wait3A_1786 = tpu.memref_slice %arg4[%dma_wait3A_1784, %dma_wait3A_1785] : memref<425984x128xf32, #tpu.memory_space<hbm>> -> memref<64x128xf32, #tpu.memory_space<hbm>>
        %dma_wait3A_1787 = arith.constant 0 : i32
        %dma_wait3A_1788 = arith.constant 0 : i32
        %dma_wait3A_1789 = tpu.memref_slice %arg4[%dma_wait3A_1787, %dma_wait3A_1788] : memref<425984x128xf32, #tpu.memory_space<hbm>> -> memref<64x128xf32, #tpu.memory_space<hbm>>
        %dma_wait3A_1790 = arith.constant 0 : i32
        %dma_wait3A_1791 = arith.constant 0 : i32
        %dma_wait3A_1792 = tpu.memref_slice %arg6[%dma_wait3A_1779, %dma_wait3A_1790, %dma_wait3A_1791] : memref<8x64x128xf32, #tpu.memory_space<vmem>> -> memref<1x64x128xf32, #tpu.memory_space<vmem>>
        %dma_wait3A_1793 = tpu.memref_squeeze %dma_wait3A_1792 : memref<1x64x128xf32, #tpu.memory_space<vmem>> -> memref<64x128xf32, #tpu.memory_space<vmem>>
        tpu.wait_dma2 semaphore(%arg16 : memref<!tpu.dma_semaphore, #tpu.memory_space<semaphore_mem>>) src(%dma_wait3A_1793 : memref<64x128xf32, #tpu.memory_space<vmem>>) dst(%dma_wait3A_1789 : memref<64x128xf32, #tpu.memory_space<hbm>>)
        %add3A_1794 = arith.constant 8 : i32
        %add3A_1795 = arith.addi %add3A_1351, %add3A_1794 : i32
        %mul3A_1796 = arith.constant 64 : i32
        %mul3A_1797 = arith.muli %add3A_1795, %mul3A_1796 : i32
        %add3A_1798 = arith.addi %mul3A_4, %mul3A_1797 : i32
        %shift_right_logical3A_1799 = arith.constant 14 : i32
        %shift_right_logical3A_1800 = arith.shrui %add3A_1798, %shift_right_logical3A_1799 : i32
        %mul3A_1801 = arith.constant 13 : i32
        %mul3A_1802 = arith.muli %arg0, %mul3A_1801 : i32
        %sub3A_1803 = arith.subi %shift_right_logical3A_1800, %mul3A_1802 : i32
        %lt3A_1804 = arith.constant 6 : i32
        %lt3A_1805 = arith.cmpi slt, %sub3A_1803, %lt3A_1804 : i32
        %convert_element_type3A_1806 = arith.extui %lt3A_1805 : i1 to i32
        %cond3A_1807 = arith.constant 0 : i32
        %cond3A_1808 = arith.cmpi ne, %convert_element_type3A_1806, %cond3A_1807 : i32
        scf.if %cond3A_1808 {
          %mul3A_1822 = arith.constant 64 : i32
          %mul3A_1823 = arith.muli %add3A_1795, %mul3A_1822 : i32
          %dma_start3A_1824 = arith.constant 0 : i32
          %dma_start3A_1825 = arith.constant 0 : i32
          %dma_start3A_1826 = arith.constant 0 : i32
          %dma_start3A_1827 = tpu.memref_slice %arg6[%dma_start3A_1824, %dma_start3A_1825, %dma_start3A_1826] : memref<8x64x128xf32, #tpu.memory_space<vmem>> -> memref<1x64x128xf32, #tpu.memory_space<vmem>>
          %dma_start3A_1828 = tpu.memref_squeeze %dma_start3A_1827 : memref<1x64x128xf32, #tpu.memory_space<vmem>> -> memref<64x128xf32, #tpu.memory_space<vmem>>
          %dma_start3A_1829 = tpu.memref_slice %arg5[%mul3A_1823] : memref<13312xi32, #tpu.memory_space<vmem>> -> memref<64xi32, #tpu.memory_space<vmem>>
          %dma_start3A_1830 = arith.constant 0 : i32
          %dma_start3A_1831 = arith.constant 0 : i32
          %dma_start3A_1832 = tpu.memref_slice %arg7[%dma_start3A_1830, %dma_start3A_1831] : memref<6000x128xf32, #tpu.memory_space<vmem_shared>> -> memref<6000x128xf32, #tpu.memory_space<vmem_shared>>
          tpu.enqueue_indirect_dma source(%dma_start3A_1832 : memref<6000x128xf32, #tpu.memory_space<vmem_shared>>) target(%dma_start3A_1828 : memref<64x128xf32, #tpu.memory_space<vmem>>) offsets(%dma_start3A_1829 : memref<64xi32, #tpu.memory_space<vmem>>) semaphore(%arg8 : memref<!tpu.dma_semaphore, #tpu.memory_space<semaphore_mem>>)
        } else {
        }
        %mul3A_1809 = arith.constant 64 : i32
        %mul3A_1810 = arith.muli %add3A_1795, %mul3A_1809 : i32
        %add3A_1811 = arith.addi %mul3A_4, %mul3A_1810 : i32
        %shift_right_logical3A_1812 = arith.constant 14 : i32
        %shift_right_logical3A_1813 = arith.shrui %add3A_1811, %shift_right_logical3A_1812 : i32
        %mul3A_1814 = arith.constant 13 : i32
        %mul3A_1815 = arith.muli %arg0, %mul3A_1814 : i32
        %sub3A_1816 = arith.subi %shift_right_logical3A_1813, %mul3A_1815 : i32
        %ge3A_1817 = arith.constant 6 : i32
        %ge3A_1818 = arith.cmpi sge, %sub3A_1816, %ge3A_1817 : i32
        %convert_element_type3A_1819 = arith.extui %ge3A_1818 : i1 to i32
        %cond3A_1820 = arith.constant 0 : i32
        %cond3A_1821 = arith.cmpi ne, %convert_element_type3A_1819, %cond3A_1820 : i32
        scf.if %cond3A_1821 {
          %mul3A_1822 = arith.constant 64 : i32
          %mul3A_1823 = arith.muli %add3A_1795, %mul3A_1822 : i32
          %dma_start3A_1824 = arith.constant 0 : i32
          %dma_start3A_1825 = arith.constant 0 : i32
          %dma_start3A_1826 = arith.constant 0 : i32
          %dma_start3A_1827 = tpu.memref_slice %arg6[%dma_start3A_1824, %dma_start3A_1825, %dma_start3A_1826] : memref<8x64x128xf32, #tpu.memory_space<vmem>> -> memref<1x64x128xf32, #tpu.memory_space<vmem>>
          %dma_start3A_1828 = tpu.memref_squeeze %dma_start3A_1827 : memref<1x64x128xf32, #tpu.memory_space<vmem>> -> memref<64x128xf32, #tpu.memory_space<vmem>>
          %dma_start3A_1829 = tpu.memref_slice %arg5[%mul3A_1823] : memref<13312xi32, #tpu.memory_space<vmem>> -> memref<64xi32, #tpu.memory_space<vmem>>
          %dma_start3A_1830 = arith.constant 0 : i32
          %dma_start3A_1831 = arith.constant 0 : i32
          %dma_start3A_1832 = tpu.memref_slice %arg3[%dma_start3A_1830, %dma_start3A_1831] : memref<26000x128xf32, #tpu.memory_space<hbm>> -> memref<26000x128xf32, #tpu.memory_space<hbm>>
          tpu.enqueue_indirect_dma source(%dma_start3A_1832 : memref<26000x128xf32, #tpu.memory_space<hbm>>) target(%dma_start3A_1828 : memref<64x128xf32, #tpu.memory_space<vmem>>) offsets(%dma_start3A_1829 : memref<64xi32, #tpu.memory_space<vmem>>) semaphore(%arg8 : memref<!tpu.dma_semaphore, #tpu.memory_space<semaphore_mem>>)
        } else {
        }
      } else {
      }
      %add3A_1384 = arith.constant 1 : i32
      %add3A_1385 = arith.addi %add3A_1349, %add3A_1384 : i32
      %dma_wait3A_1386 = arith.constant 1 : i32
      %dma_wait3A_1387 = arith.constant 0 : i32
      %dma_wait3A_1388 = arith.constant 0 : i32
      %dma_wait3A_1389 = tpu.memref_slice %arg6[%dma_wait3A_1386, %dma_wait3A_1387, %dma_wait3A_1388] : memref<8x64x128xf32, #tpu.memory_space<vmem>> -> memref<1x64x128xf32, #tpu.memory_space<vmem>>
      %dma_wait3A_1390 = tpu.memref_squeeze %dma_wait3A_1389 : memref<1x64x128xf32, #tpu.memory_space<vmem>> -> memref<64x128xf32, #tpu.memory_space<vmem>>
      %dma_wait3A_1391 = arith.constant 0 : i32
      %dma_wait3A_1392 = tpu.memref_slice %arg5[%dma_wait3A_1391] : memref<13312xi32, #tpu.memory_space<vmem>> -> memref<64xi32, #tpu.memory_space<vmem>>
      %dma_wait3A_1393 = arith.constant 0 : i32
      %dma_wait3A_1394 = arith.constant 0 : i32
      %dma_wait3A_1395 = tpu.memref_slice %arg3[%dma_wait3A_1393, %dma_wait3A_1394] : memref<26000x128xf32, #tpu.memory_space<hbm>> -> memref<26000x128xf32, #tpu.memory_space<hbm>>
      tpu.wait_indirect_dma semaphore(%arg9 : memref<!tpu.dma_semaphore, #tpu.memory_space<semaphore_mem>>) src(%dma_wait3A_1395 : memref<26000x128xf32, #tpu.memory_space<hbm>>) dst(%dma_wait3A_1390 : memref<64x128xf32, #tpu.memory_space<vmem>>)
      %mul3A_1396 = arith.constant 64 : i32
      %mul3A_1397 = arith.muli %add3A_1385, %mul3A_1396 : i32
      %add3A_1398 = arith.addi %mul3A_4, %mul3A_1397 : i32
      %dma_start3A_1399 = arith.constant 1 : i32
      %dma_start3A_1400 = arith.constant 0 : i32
      %dma_start3A_1401 = arith.constant 0 : i32
      %dma_start3A_1402 = tpu.memref_slice %arg6[%dma_start3A_1399, %dma_start3A_1400, %dma_start3A_1401] : memref<8x64x128xf32, #tpu.memory_space<vmem>> -> memref<1x64x128xf32, #tpu.memory_space<vmem>>
      %dma_start3A_1403 = tpu.memref_squeeze %dma_start3A_1402 : memref<1x64x128xf32, #tpu.memory_space<vmem>> -> memref<64x128xf32, #tpu.memory_space<vmem>>
      %dma_start3A_1404 = arith.constant 0 : i32
      %dma_start3A_1405 = tpu.memref_slice %arg4[%add3A_1398, %dma_start3A_1404] : memref<425984x128xf32, #tpu.memory_space<hbm>> -> memref<64x128xf32, #tpu.memory_space<hbm>>
      %dma_start3A_1406 = arith.constant 0 : i32
      %dma_start3A_1407 = tpu.memref_slice %arg4[%add3A_1398, %dma_start3A_1406] : memref<425984x128xf32, #tpu.memory_space<hbm>> -> memref<64x128xf32, #tpu.memory_space<hbm>>
      %dma_start3A_1408 = arith.constant 0 : i32
      %dma_start3A_1409 = arith.constant 0 : i32
      %dma_start3A_1410 = tpu.memref_slice %arg6[%dma_start3A_1399, %dma_start3A_1408, %dma_start3A_1409] : memref<8x64x128xf32, #tpu.memory_space<vmem>> -> memref<1x64x128xf32, #tpu.memory_space<vmem>>
      %dma_start3A_1411 = tpu.memref_squeeze %dma_start3A_1410 : memref<1x64x128xf32, #tpu.memory_space<vmem>> -> memref<64x128xf32, #tpu.memory_space<vmem>>
      tpu.enqueue_dma source(%dma_start3A_1411 : memref<64x128xf32, #tpu.memory_space<vmem>>) target(%dma_start3A_1407 : memref<64x128xf32, #tpu.memory_space<hbm>>) target_semaphore(%arg17 : memref<!tpu.dma_semaphore, #tpu.memory_space<semaphore_mem>>)
      %add3A_1412 = arith.constant 8 : i32
      %add3A_1413 = arith.addi %add3A_1349, %add3A_1412 : i32
      %lt3A_1414 = arith.constant 208 : i32
      %lt3A_1415 = arith.cmpi slt, %add3A_1413, %lt3A_1414 : i32
      %convert_element_type3A_1416 = arith.extui %lt3A_1415 : i1 to i32
      %cond3A_1417 = arith.constant 0 : i32
      %cond3A_1418 = arith.cmpi ne, %convert_element_type3A_1416, %cond3A_1417 : i32
      scf.if %cond3A_1418 {
        %add3A_1629 = arith.constant 8 : i32
        %add3A_1630 = arith.addi %add3A_1385, %add3A_1629 : i32
        %mul3A_1631 = arith.constant 64 : i32
        %mul3A_1632 = arith.muli %add3A_1630, %mul3A_1631 : i32
        %add3A_1633 = arith.addi %mul3A_4, %mul3A_1632 : i32
        %add3A_1634 = arith.constant 0 : i32
        %add3A_1635 = arith.addi %add3A_1633, %add3A_1634 : i32
        %add3A_1636 = vector.broadcast %add3A_1635 : i32 to vector<16xi32>
        %add3A_1637 = arith.addi %add3A_1636, %iota3A : vector<16xi32>
        %shift_right_logical3A_1638 = arith.constant 14 : i32
        %shift_right_logical3A_1639 = vector.broadcast %shift_right_logical3A_1638 : i32 to vector<16xi32>
        %shift_right_logical3A_1640 = arith.shrui %add3A_1637, %shift_right_logical3A_1639 : vector<16xi32>
        %mul3A_1641 = arith.constant 13 : i32
        %mul3A_1642 = arith.muli %arg0, %mul3A_1641 : i32
        %sub3A_1643 = vector.broadcast %mul3A_1642 : i32 to vector<16xi32>
        %sub3A_1644 = arith.subi %shift_right_logical3A_1640, %sub3A_1643 : vector<16xi32>
        %mul3A_1645 = arith.constant 1000 : i32
        %mul3A_1646 = vector.broadcast %mul3A_1645 : i32 to vector<16xi32>
        %mul3A_1647 = arith.muli %sub3A_1644, %mul3A_1646 : vector<16xi32>
        %lt3A_1648 = arith.constant 6 : i32
        %lt3A_1649 = vector.broadcast %lt3A_1648 : i32 to vector<16xi32>
        %lt3A_1650 = arith.cmpi slt, %sub3A_1644, %lt3A_1649 : vector<16xi32>
        %jit3A_1651 = arith.constant 0 : i32
        %broadcast_in_dim3A_1652 = vector.broadcast %jit3A_1651 : i32 to vector<16xi32>
        %broadcast_in_dim3A_1653 = vector.broadcast %mul3A_8 : i32 to vector<16xi32>
        %select_n3A_1654 = arith.select %lt3A_1650, %broadcast_in_dim3A_1652, %broadcast_in_dim3A_1653 : vector<16xi1>, vector<16xi32>
        %add3A_1655 = arith.addi %mul3A_1647, %select_n3A_1654 : vector<16xi32>
        %mul3A_1656 = arith.constant 64 : i32
        %mul3A_1657 = arith.muli %add3A_1630, %mul3A_1656 : i32
        %add3A_1658 = arith.constant 0 : i32
        %add3A_1659 = arith.addi %mul3A_1657, %add3A_1658 : i32
        %get3A_1660 = arith.index_cast %add3A_1659 : i32 to index
        %get3A_1661 = tpu.vector_load %arg5[%get3A_1660] {strides = array<i32>} : memref<13312xi32, #tpu.memory_space<vmem>>, vector<16xi32>,
        %get3A_1662 = vector.shape_cast %get3A_1661 : vector<16xi32> to vector<16xi32>
        %add3A_1663 = arith.addi %get3A_1662, %add3A_1655 : vector<16xi32>
        %swap3A_1664 = arith.index_cast %add3A_1659 : i32 to index
        %swap3A_1665 = tpu.vector_load %arg5[%swap3A_1664] {strides = array<i32>} : memref<13312xi32, #tpu.memory_space<vmem>>, vector<16xi32>,
        %swap3A_1666 = vector.shape_cast %swap3A_1665 : vector<16xi32> to vector<16xi32>
        %swap3A_1667 = vector.shape_cast %add3A_1663 : vector<16xi32> to vector<16xi32>
        tpu.vector_store %arg5[%swap3A_1664], %swap3A_1667 {strides = array<i32>} : memref<13312xi32, #tpu.memory_space<vmem>>, vector<16xi32>,
        %mul3A_1668 = arith.constant 64 : i32
        %mul3A_1669 = arith.muli %add3A_1630, %mul3A_1668 : i32
        %add3A_1670 = arith.addi %mul3A_4, %mul3A_1669 : i32
        %add3A_1671 = arith.constant 16 : i32
        %add3A_1672 = arith.addi %add3A_1670, %add3A_1671 : i32
        %add3A_1673 = vector.broadcast %add3A_1672 : i32 to vector<16xi32>
        %add3A_1674 = arith.addi %add3A_1673, %iota3A : vector<16xi32>
        %shift_right_logical3A_1675 = arith.constant 14 : i32
        %shift_right_logical3A_1676 = vector.broadcast %shift_right_logical3A_1675 : i32 to vector<16xi32>
        %shift_right_logical3A_1677 = arith.shrui %add3A_1674, %shift_right_logical3A_1676 : vector<16xi32>
        %mul3A_1678 = arith.constant 13 : i32
        %mul3A_1679 = arith.muli %arg0, %mul3A_1678 : i32
        %sub3A_1680 = vector.broadcast %mul3A_1679 : i32 to vector<16xi32>
        %sub3A_1681 = arith.subi %shift_right_logical3A_1677, %sub3A_1680 : vector<16xi32>
        %mul3A_1682 = arith.constant 1000 : i32
        %mul3A_1683 = vector.broadcast %mul3A_1682 : i32 to vector<16xi32>
        %mul3A_1684 = arith.muli %sub3A_1681, %mul3A_1683 : vector<16xi32>
        %lt3A_1685 = arith.constant 6 : i32
        %lt3A_1686 = vector.broadcast %lt3A_1685 : i32 to vector<16xi32>
        %lt3A_1687 = arith.cmpi slt, %sub3A_1681, %lt3A_1686 : vector<16xi32>
        %jit3A_1688 = arith.constant 0 : i32
        %broadcast_in_dim3A_1689 = vector.broadcast %jit3A_1688 : i32 to vector<16xi32>
        %broadcast_in_dim3A_1690 = vector.broadcast %mul3A_8 : i32 to vector<16xi32>
        %select_n3A_1691 = arith.select %lt3A_1687, %broadcast_in_dim3A_1689, %broadcast_in_dim3A_1690 : vector<16xi1>, vector<16xi32>
        %add3A_1692 = arith.addi %mul3A_1684, %select_n3A_1691 : vector<16xi32>
        %mul3A_1693 = arith.constant 64 : i32
        %mul3A_1694 = arith.muli %add3A_1630, %mul3A_1693 : i32
        %add3A_1695 = arith.constant 16 : i32
        %add3A_1696 = arith.addi %mul3A_1694, %add3A_1695 : i32
        %get3A_1697 = arith.index_cast %add3A_1696 : i32 to index
        %get3A_1698 = tpu.vector_load %arg5[%get3A_1697] {strides = array<i32>} : memref<13312xi32, #tpu.memory_space<vmem>>, vector<16xi32>,
        %get3A_1699 = vector.shape_cast %get3A_1698 : vector<16xi32> to vector<16xi32>
        %add3A_1700 = arith.addi %get3A_1699, %add3A_1692 : vector<16xi32>
        %swap3A_1701 = arith.index_cast %add3A_1696 : i32 to index
        %swap3A_1702 = tpu.vector_load %arg5[%swap3A_1701] {strides = array<i32>} : memref<13312xi32, #tpu.memory_space<vmem>>, vector<16xi32>,
        %swap3A_1703 = vector.shape_cast %swap3A_1702 : vector<16xi32> to vector<16xi32>
        %swap3A_1704 = vector.shape_cast %add3A_1700 : vector<16xi32> to vector<16xi32>
        tpu.vector_store %arg5[%swap3A_1701], %swap3A_1704 {strides = array<i32>} : memref<13312xi32, #tpu.memory_space<vmem>>, vector<16xi32>,
        %mul3A_1705 = arith.constant 64 : i32
        %mul3A_1706 = arith.muli %add3A_1630, %mul3A_1705 : i32
        %add3A_1707 = arith.addi %mul3A_4, %mul3A_1706 : i32
        %add3A_1708 = arith.constant 32 : i32
        %add3A_1709 = arith.addi %add3A_1707, %add3A_1708 : i32
        %add3A_1710 = vector.broadcast %add3A_1709 : i32 to vector<16xi32>
        %add3A_1711 = arith.addi %add3A_1710, %iota3A : vector<16xi32>
        %shift_right_logical3A_1712 = arith.constant 14 : i32
        %shift_right_logical3A_1713 = vector.broadcast %shift_right_logical3A_1712 : i32 to vector<16xi32>
        %shift_right_logical3A_1714 = arith.shrui %add3A_1711, %shift_right_logical3A_1713 : vector<16xi32>
        %mul3A_1715 = arith.constant 13 : i32
        %mul3A_1716 = arith.muli %arg0, %mul3A_1715 : i32
        %sub3A_1717 = vector.broadcast %mul3A_1716 : i32 to vector<16xi32>
        %sub3A_1718 = arith.subi %shift_right_logical3A_1714, %sub3A_1717 : vector<16xi32>
        %mul3A_1719 = arith.constant 1000 : i32
        %mul3A_1720 = vector.broadcast %mul3A_1719 : i32 to vector<16xi32>
        %mul3A_1721 = arith.muli %sub3A_1718, %mul3A_1720 : vector<16xi32>
        %lt3A_1722 = arith.constant 6 : i32
        %lt3A_1723 = vector.broadcast %lt3A_1722 : i32 to vector<16xi32>
        %lt3A_1724 = arith.cmpi slt, %sub3A_1718, %lt3A_1723 : vector<16xi32>
        %jit3A_1725 = arith.constant 0 : i32
        %broadcast_in_dim3A_1726 = vector.broadcast %jit3A_1725 : i32 to vector<16xi32>
        %broadcast_in_dim3A_1727 = vector.broadcast %mul3A_8 : i32 to vector<16xi32>
        %select_n3A_1728 = arith.select %lt3A_1724, %broadcast_in_dim3A_1726, %broadcast_in_dim3A_1727 : vector<16xi1>, vector<16xi32>
        %add3A_1729 = arith.addi %mul3A_1721, %select_n3A_1728 : vector<16xi32>
        %mul3A_1730 = arith.constant 64 : i32
        %mul3A_1731 = arith.muli %add3A_1630, %mul3A_1730 : i32
        %add3A_1732 = arith.constant 32 : i32
        %add3A_1733 = arith.addi %mul3A_1731, %add3A_1732 : i32
        %get3A_1734 = arith.index_cast %add3A_1733 : i32 to index
        %get3A_1735 = tpu.vector_load %arg5[%get3A_1734] {strides = array<i32>} : memref<13312xi32, #tpu.memory_space<vmem>>, vector<16xi32>,
        %get3A_1736 = vector.shape_cast %get3A_1735 : vector<16xi32> to vector<16xi32>
        %add3A_1737 = arith.addi %get3A_1736, %add3A_1729 : vector<16xi32>
        %swap3A_1738 = arith.index_cast %add3A_1733 : i32 to index
        %swap3A_1739 = tpu.vector_load %arg5[%swap3A_1738] {strides = array<i32>} : memref<13312xi32, #tpu.memory_space<vmem>>, vector<16xi32>,
        %swap3A_1740 = vector.shape_cast %swap3A_1739 : vector<16xi32> to vector<16xi32>
        %swap3A_1741 = vector.shape_cast %add3A_1737 : vector<16xi32> to vector<16xi32>
        tpu.vector_store %arg5[%swap3A_1738], %swap3A_1741 {strides = array<i32>} : memref<13312xi32, #tpu.memory_space<vmem>>, vector<16xi32>,
        %mul3A_1742 = arith.constant 64 : i32
        %mul3A_1743 = arith.muli %add3A_1630, %mul3A_1742 : i32
        %add3A_1744 = arith.addi %mul3A_4, %mul3A_1743 : i32
        %add3A_1745 = arith.constant 48 : i32
        %add3A_1746 = arith.addi %add3A_1744, %add3A_1745 : i32
        %add3A_1747 = vector.broadcast %add3A_1746 : i32 to vector<16xi32>
        %add3A_1748 = arith.addi %add3A_1747, %iota3A : vector<16xi32>
        %shift_right_logical3A_1749 = arith.constant 14 : i32
        %shift_right_logical3A_1750 = vector.broadcast %shift_right_logical3A_1749 : i32 to vector<16xi32>
        %shift_right_logical3A_1751 = arith.shrui %add3A_1748, %shift_right_logical3A_1750 : vector<16xi32>
        %mul3A_1752 = arith.constant 13 : i32
        %mul3A_1753 = arith.muli %arg0, %mul3A_1752 : i32
        %sub3A_1754 = vector.broadcast %mul3A_1753 : i32 to vector<16xi32>
        %sub3A_1755 = arith.subi %shift_right_logical3A_1751, %sub3A_1754 : vector<16xi32>
        %mul3A_1756 = arith.constant 1000 : i32
        %mul3A_1757 = vector.broadcast %mul3A_1756 : i32 to vector<16xi32>
        %mul3A_1758 = arith.muli %sub3A_1755, %mul3A_1757 : vector<16xi32>
        %lt3A_1759 = arith.constant 6 : i32
        %lt3A_1760 = vector.broadcast %lt3A_1759 : i32 to vector<16xi32>
        %lt3A_1761 = arith.cmpi slt, %sub3A_1755, %lt3A_1760 : vector<16xi32>
        %jit3A_1762 = arith.constant 0 : i32
        %broadcast_in_dim3A_1763 = vector.broadcast %jit3A_1762 : i32 to vector<16xi32>
        %broadcast_in_dim3A_1764 = vector.broadcast %mul3A_8 : i32 to vector<16xi32>
        %select_n3A_1765 = arith.select %lt3A_1761, %broadcast_in_dim3A_1763, %broadcast_in_dim3A_1764 : vector<16xi1>, vector<16xi32>
        %add3A_1766 = arith.addi %mul3A_1758, %select_n3A_1765 : vector<16xi32>
        %mul3A_1767 = arith.constant 64 : i32
        %mul3A_1768 = arith.muli %add3A_1630, %mul3A_1767 : i32
        %add3A_1769 = arith.constant 48 : i32
        %add3A_1770 = arith.addi %mul3A_1768, %add3A_1769 : i32
        %get3A_1771 = arith.index_cast %add3A_1770 : i32 to index
        %get3A_1772 = tpu.vector_load %arg5[%get3A_1771] {strides = array<i32>} : memref<13312xi32, #tpu.memory_space<vmem>>, vector<16xi32>,
        %get3A_1773 = vector.shape_cast %get3A_1772 : vector<16xi32> to vector<16xi32>
        %add3A_1774 = arith.addi %get3A_1773, %add3A_1766 : vector<16xi32>
        %swap3A_1775 = arith.index_cast %add3A_1770 : i32 to index
        %swap3A_1776 = tpu.vector_load %arg5[%swap3A_1775] {strides = array<i32>} : memref<13312xi32, #tpu.memory_space<vmem>>, vector<16xi32>,
        %swap3A_1777 = vector.shape_cast %swap3A_1776 : vector<16xi32> to vector<16xi32>
        %swap3A_1778 = vector.shape_cast %add3A_1774 : vector<16xi32> to vector<16xi32>
        tpu.vector_store %arg5[%swap3A_1775], %swap3A_1778 {strides = array<i32>} : memref<13312xi32, #tpu.memory_space<vmem>>, vector<16xi32>,
        %dma_wait3A_1779 = arith.constant 1 : i32
        %dma_wait3A_1780 = arith.constant 0 : i32
        %dma_wait3A_1781 = arith.constant 0 : i32
        %dma_wait3A_1782 = tpu.memref_slice %arg6[%dma_wait3A_1779, %dma_wait3A_1780, %dma_wait3A_1781] : memref<8x64x128xf32, #tpu.memory_space<vmem>> -> memref<1x64x128xf32, #tpu.memory_space<vmem>>
        %dma_wait3A_1783 = tpu.memref_squeeze %dma_wait3A_1782 : memref<1x64x128xf32, #tpu.memory_space<vmem>> -> memref<64x128xf32, #tpu.memory_space<vmem>>
        %dma_wait3A_1784 = arith.constant 0 : i32
        %dma_wait3A_1785 = arith.constant 0 : i32
        %dma_wait3A_1786 = tpu.memref_slice %arg4[%dma_wait3A_1784, %dma_wait3A_1785] : memref<425984x128xf32, #tpu.memory_space<hbm>> -> memref<64x128xf32, #tpu.memory_space<hbm>>
        %dma_wait3A_1787 = arith.constant 0 : i32
        %dma_wait3A_1788 = arith.constant 0 : i32
        %dma_wait3A_1789 = tpu.memref_slice %arg4[%dma_wait3A_1787, %dma_wait3A_1788] : memref<425984x128xf32, #tpu.memory_space<hbm>> -> memref<64x128xf32, #tpu.memory_space<hbm>>
        %dma_wait3A_1790 = arith.constant 0 : i32
        %dma_wait3A_1791 = arith.constant 0 : i32
        %dma_wait3A_1792 = tpu.memref_slice %arg6[%dma_wait3A_1779, %dma_wait3A_1790, %dma_wait3A_1791] : memref<8x64x128xf32, #tpu.memory_space<vmem>> -> memref<1x64x128xf32, #tpu.memory_space<vmem>>
        %dma_wait3A_1793 = tpu.memref_squeeze %dma_wait3A_1792 : memref<1x64x128xf32, #tpu.memory_space<vmem>> -> memref<64x128xf32, #tpu.memory_space<vmem>>
        tpu.wait_dma2 semaphore(%arg17 : memref<!tpu.dma_semaphore, #tpu.memory_space<semaphore_mem>>) src(%dma_wait3A_1793 : memref<64x128xf32, #tpu.memory_space<vmem>>) dst(%dma_wait3A_1789 : memref<64x128xf32, #tpu.memory_space<hbm>>)
        %add3A_1794 = arith.constant 8 : i32
        %add3A_1795 = arith.addi %add3A_1385, %add3A_1794 : i32
        %mul3A_1796 = arith.constant 64 : i32
        %mul3A_1797 = arith.muli %add3A_1795, %mul3A_1796 : i32
        %add3A_1798 = arith.addi %mul3A_4, %mul3A_1797 : i32
        %shift_right_logical3A_1799 = arith.constant 14 : i32
        %shift_right_logical3A_1800 = arith.shrui %add3A_1798, %shift_right_logical3A_1799 : i32
        %mul3A_1801 = arith.constant 13 : i32
        %mul3A_1802 = arith.muli %arg0, %mul3A_1801 : i32
        %sub3A_1803 = arith.subi %shift_right_logical3A_1800, %mul3A_1802 : i32
        %lt3A_1804 = arith.constant 6 : i32
        %lt3A_1805 = arith.cmpi slt, %sub3A_1803, %lt3A_1804 : i32
        %convert_element_type3A_1806 = arith.extui %lt3A_1805 : i1 to i32
        %cond3A_1807 = arith.constant 0 : i32
        %cond3A_1808 = arith.cmpi ne, %convert_element_type3A_1806, %cond3A_1807 : i32
        scf.if %cond3A_1808 {
          %mul3A_1822 = arith.constant 64 : i32
          %mul3A_1823 = arith.muli %add3A_1795, %mul3A_1822 : i32
          %dma_start3A_1824 = arith.constant 1 : i32
          %dma_start3A_1825 = arith.constant 0 : i32
          %dma_start3A_1826 = arith.constant 0 : i32
          %dma_start3A_1827 = tpu.memref_slice %arg6[%dma_start3A_1824, %dma_start3A_1825, %dma_start3A_1826] : memref<8x64x128xf32, #tpu.memory_space<vmem>> -> memref<1x64x128xf32, #tpu.memory_space<vmem>>
          %dma_start3A_1828 = tpu.memref_squeeze %dma_start3A_1827 : memref<1x64x128xf32, #tpu.memory_space<vmem>> -> memref<64x128xf32, #tpu.memory_space<vmem>>
          %dma_start3A_1829 = tpu.memref_slice %arg5[%mul3A_1823] : memref<13312xi32, #tpu.memory_space<vmem>> -> memref<64xi32, #tpu.memory_space<vmem>>
          %dma_start3A_1830 = arith.constant 0 : i32
          %dma_start3A_1831 = arith.constant 0 : i32
          %dma_start3A_1832 = tpu.memref_slice %arg7[%dma_start3A_1830, %dma_start3A_1831] : memref<6000x128xf32, #tpu.memory_space<vmem_shared>> -> memref<6000x128xf32, #tpu.memory_space<vmem_shared>>
          tpu.enqueue_indirect_dma source(%dma_start3A_1832 : memref<6000x128xf32, #tpu.memory_space<vmem_shared>>) target(%dma_start3A_1828 : memref<64x128xf32, #tpu.memory_space<vmem>>) offsets(%dma_start3A_1829 : memref<64xi32, #tpu.memory_space<vmem>>) semaphore(%arg9 : memref<!tpu.dma_semaphore, #tpu.memory_space<semaphore_mem>>)
        } else {
        }
        %mul3A_1809 = arith.constant 64 : i32
        %mul3A_1810 = arith.muli %add3A_1795, %mul3A_1809 : i32
        %add3A_1811 = arith.addi %mul3A_4, %mul3A_1810 : i32
        %shift_right_logical3A_1812 = arith.constant 14 : i32
        %shift_right_logical3A_1813 = arith.shrui %add3A_1811, %shift_right_logical3A_1812 : i32
        %mul3A_1814 = arith.constant 13 : i32
        %mul3A_1815 = arith.muli %arg0, %mul3A_1814 : i32
        %sub3A_1816 = arith.subi %shift_right_logical3A_1813, %mul3A_1815 : i32
        %ge3A_1817 = arith.constant 6 : i32
        %ge3A_1818 = arith.cmpi sge, %sub3A_1816, %ge3A_1817 : i32
        %convert_element_type3A_1819 = arith.extui %ge3A_1818 : i1 to i32
        %cond3A_1820 = arith.constant 0 : i32
        %cond3A_1821 = arith.cmpi ne, %convert_element_type3A_1819, %cond3A_1820 : i32
        scf.if %cond3A_1821 {
          %mul3A_1822 = arith.constant 64 : i32
          %mul3A_1823 = arith.muli %add3A_1795, %mul3A_1822 : i32
          %dma_start3A_1824 = arith.constant 1 : i32
          %dma_start3A_1825 = arith.constant 0 : i32
          %dma_start3A_1826 = arith.constant 0 : i32
          %dma_start3A_1827 = tpu.memref_slice %arg6[%dma_start3A_1824, %dma_start3A_1825, %dma_start3A_1826] : memref<8x64x128xf32, #tpu.memory_space<vmem>> -> memref<1x64x128xf32, #tpu.memory_space<vmem>>
          %dma_start3A_1828 = tpu.memref_squeeze %dma_start3A_1827 : memref<1x64x128xf32, #tpu.memory_space<vmem>> -> memref<64x128xf32, #tpu.memory_space<vmem>>
          %dma_start3A_1829 = tpu.memref_slice %arg5[%mul3A_1823] : memref<13312xi32, #tpu.memory_space<vmem>> -> memref<64xi32, #tpu.memory_space<vmem>>
          %dma_start3A_1830 = arith.constant 0 : i32
          %dma_start3A_1831 = arith.constant 0 : i32
          %dma_start3A_1832 = tpu.memref_slice %arg3[%dma_start3A_1830, %dma_start3A_1831] : memref<26000x128xf32, #tpu.memory_space<hbm>> -> memref<26000x128xf32, #tpu.memory_space<hbm>>
          tpu.enqueue_indirect_dma source(%dma_start3A_1832 : memref<26000x128xf32, #tpu.memory_space<hbm>>) target(%dma_start3A_1828 : memref<64x128xf32, #tpu.memory_space<vmem>>) offsets(%dma_start3A_1829 : memref<64xi32, #tpu.memory_space<vmem>>) semaphore(%arg9 : memref<!tpu.dma_semaphore, #tpu.memory_space<semaphore_mem>>)
        } else {
        }
      } else {
      }
      %add3A_1419 = arith.constant 2 : i32
      %add3A_1420 = arith.addi %add3A_1349, %add3A_1419 : i32
      %dma_wait3A_1421 = arith.constant 2 : i32
      %dma_wait3A_1422 = arith.constant 0 : i32
      %dma_wait3A_1423 = arith.constant 0 : i32
      %dma_wait3A_1424 = tpu.memref_slice %arg6[%dma_wait3A_1421, %dma_wait3A_1422, %dma_wait3A_1423] : memref<8x64x128xf32, #tpu.memory_space<vmem>> -> memref<1x64x128xf32, #tpu.memory_space<vmem>>
      %dma_wait3A_1425 = tpu.memref_squeeze %dma_wait3A_1424 : memref<1x64x128xf32, #tpu.memory_space<vmem>> -> memref<64x128xf32, #tpu.memory_space<vmem>>
      %dma_wait3A_1426 = arith.constant 0 : i32
      %dma_wait3A_1427 = tpu.memref_slice %arg5[%dma_wait3A_1426] : memref<13312xi32, #tpu.memory_space<vmem>> -> memref<64xi32, #tpu.memory_space<vmem>>
      %dma_wait3A_1428 = arith.constant 0 : i32
      %dma_wait3A_1429 = arith.constant 0 : i32
      %dma_wait3A_1430 = tpu.memref_slice %arg3[%dma_wait3A_1428, %dma_wait3A_1429] : memref<26000x128xf32, #tpu.memory_space<hbm>> -> memref<26000x128xf32, #tpu.memory_space<hbm>>
      tpu.wait_indirect_dma semaphore(%arg10 : memref<!tpu.dma_semaphore, #tpu.memory_space<semaphore_mem>>) src(%dma_wait3A_1430 : memref<26000x128xf32, #tpu.memory_space<hbm>>) dst(%dma_wait3A_1425 : memref<64x128xf32, #tpu.memory_space<vmem>>)
      %mul3A_1431 = arith.constant 64 : i32
      %mul3A_1432 = arith.muli %add3A_1420, %mul3A_1431 : i32
      %add3A_1433 = arith.addi %mul3A_4, %mul3A_1432 : i32
      %dma_start3A_1434 = arith.constant 2 : i32
      %dma_start3A_1435 = arith.constant 0 : i32
      %dma_start3A_1436 = arith.constant 0 : i32
      %dma_start3A_1437 = tpu.memref_slice %arg6[%dma_start3A_1434, %dma_start3A_1435, %dma_start3A_1436] : memref<8x64x128xf32, #tpu.memory_space<vmem>> -> memref<1x64x128xf32, #tpu.memory_space<vmem>>
      %dma_start3A_1438 = tpu.memref_squeeze %dma_start3A_1437 : memref<1x64x128xf32, #tpu.memory_space<vmem>> -> memref<64x128xf32, #tpu.memory_space<vmem>>
      %dma_start3A_1439 = arith.constant 0 : i32
      %dma_start3A_1440 = tpu.memref_slice %arg4[%add3A_1433, %dma_start3A_1439] : memref<425984x128xf32, #tpu.memory_space<hbm>> -> memref<64x128xf32, #tpu.memory_space<hbm>>
      %dma_start3A_1441 = arith.constant 0 : i32
      %dma_start3A_1442 = tpu.memref_slice %arg4[%add3A_1433, %dma_start3A_1441] : memref<425984x128xf32, #tpu.memory_space<hbm>> -> memref<64x128xf32, #tpu.memory_space<hbm>>
      %dma_start3A_1443 = arith.constant 0 : i32
      %dma_start3A_1444 = arith.constant 0 : i32
      %dma_start3A_1445 = tpu.memref_slice %arg6[%dma_start3A_1434, %dma_start3A_1443, %dma_start3A_1444] : memref<8x64x128xf32, #tpu.memory_space<vmem>> -> memref<1x64x128xf32, #tpu.memory_space<vmem>>
      %dma_start3A_1446 = tpu.memref_squeeze %dma_start3A_1445 : memref<1x64x128xf32, #tpu.memory_space<vmem>> -> memref<64x128xf32, #tpu.memory_space<vmem>>
      tpu.enqueue_dma source(%dma_start3A_1446 : memref<64x128xf32, #tpu.memory_space<vmem>>) target(%dma_start3A_1442 : memref<64x128xf32, #tpu.memory_space<hbm>>) target_semaphore(%arg18 : memref<!tpu.dma_semaphore, #tpu.memory_space<semaphore_mem>>)
      %add3A_1447 = arith.constant 8 : i32
      %add3A_1448 = arith.addi %add3A_1349, %add3A_1447 : i32
      %lt3A_1449 = arith.constant 208 : i32
      %lt3A_1450 = arith.cmpi slt, %add3A_1448, %lt3A_1449 : i32
      %convert_element_type3A_1451 = arith.extui %lt3A_1450 : i1 to i32
      %cond3A_1452 = arith.constant 0 : i32
      %cond3A_1453 = arith.cmpi ne, %convert_element_type3A_1451, %cond3A_1452 : i32
      scf.if %cond3A_1453 {
        %add3A_1629 = arith.constant 8 : i32
        %add3A_1630 = arith.addi %add3A_1420, %add3A_1629 : i32
        %mul3A_1631 = arith.constant 64 : i32
        %mul3A_1632 = arith.muli %add3A_1630, %mul3A_1631 : i32
        %add3A_1633 = arith.addi %mul3A_4, %mul3A_1632 : i32
        %add3A_1634 = arith.constant 0 : i32
        %add3A_1635 = arith.addi %add3A_1633, %add3A_1634 : i32
        %add3A_1636 = vector.broadcast %add3A_1635 : i32 to vector<16xi32>
        %add3A_1637 = arith.addi %add3A_1636, %iota3A : vector<16xi32>
        %shift_right_logical3A_1638 = arith.constant 14 : i32
        %shift_right_logical3A_1639 = vector.broadcast %shift_right_logical3A_1638 : i32 to vector<16xi32>
        %shift_right_logical3A_1640 = arith.shrui %add3A_1637, %shift_right_logical3A_1639 : vector<16xi32>
        %mul3A_1641 = arith.constant 13 : i32
        %mul3A_1642 = arith.muli %arg0, %mul3A_1641 : i32
        %sub3A_1643 = vector.broadcast %mul3A_1642 : i32 to vector<16xi32>
        %sub3A_1644 = arith.subi %shift_right_logical3A_1640, %sub3A_1643 : vector<16xi32>
        %mul3A_1645 = arith.constant 1000 : i32
        %mul3A_1646 = vector.broadcast %mul3A_1645 : i32 to vector<16xi32>
        %mul3A_1647 = arith.muli %sub3A_1644, %mul3A_1646 : vector<16xi32>
        %lt3A_1648 = arith.constant 6 : i32
        %lt3A_1649 = vector.broadcast %lt3A_1648 : i32 to vector<16xi32>
        %lt3A_1650 = arith.cmpi slt, %sub3A_1644, %lt3A_1649 : vector<16xi32>
        %jit3A_1651 = arith.constant 0 : i32
        %broadcast_in_dim3A_1652 = vector.broadcast %jit3A_1651 : i32 to vector<16xi32>
        %broadcast_in_dim3A_1653 = vector.broadcast %mul3A_8 : i32 to vector<16xi32>
        %select_n3A_1654 = arith.select %lt3A_1650, %broadcast_in_dim3A_1652, %broadcast_in_dim3A_1653 : vector<16xi1>, vector<16xi32>
        %add3A_1655 = arith.addi %mul3A_1647, %select_n3A_1654 : vector<16xi32>
        %mul3A_1656 = arith.constant 64 : i32
        %mul3A_1657 = arith.muli %add3A_1630, %mul3A_1656 : i32
        %add3A_1658 = arith.constant 0 : i32
        %add3A_1659 = arith.addi %mul3A_1657, %add3A_1658 : i32
        %get3A_1660 = arith.index_cast %add3A_1659 : i32 to index
        %get3A_1661 = tpu.vector_load %arg5[%get3A_1660] {strides = array<i32>} : memref<13312xi32, #tpu.memory_space<vmem>>, vector<16xi32>,
        %get3A_1662 = vector.shape_cast %get3A_1661 : vector<16xi32> to vector<16xi32>
        %add3A_1663 = arith.addi %get3A_1662, %add3A_1655 : vector<16xi32>
        %swap3A_1664 = arith.index_cast %add3A_1659 : i32 to index
        %swap3A_1665 = tpu.vector_load %arg5[%swap3A_1664] {strides = array<i32>} : memref<13312xi32, #tpu.memory_space<vmem>>, vector<16xi32>,
        %swap3A_1666 = vector.shape_cast %swap3A_1665 : vector<16xi32> to vector<16xi32>
        %swap3A_1667 = vector.shape_cast %add3A_1663 : vector<16xi32> to vector<16xi32>
        tpu.vector_store %arg5[%swap3A_1664], %swap3A_1667 {strides = array<i32>} : memref<13312xi32, #tpu.memory_space<vmem>>, vector<16xi32>,
        %mul3A_1668 = arith.constant 64 : i32
        %mul3A_1669 = arith.muli %add3A_1630, %mul3A_1668 : i32
        %add3A_1670 = arith.addi %mul3A_4, %mul3A_1669 : i32
        %add3A_1671 = arith.constant 16 : i32
        %add3A_1672 = arith.addi %add3A_1670, %add3A_1671 : i32
        %add3A_1673 = vector.broadcast %add3A_1672 : i32 to vector<16xi32>
        %add3A_1674 = arith.addi %add3A_1673, %iota3A : vector<16xi32>
        %shift_right_logical3A_1675 = arith.constant 14 : i32
        %shift_right_logical3A_1676 = vector.broadcast %shift_right_logical3A_1675 : i32 to vector<16xi32>
        %shift_right_logical3A_1677 = arith.shrui %add3A_1674, %shift_right_logical3A_1676 : vector<16xi32>
        %mul3A_1678 = arith.constant 13 : i32
        %mul3A_1679 = arith.muli %arg0, %mul3A_1678 : i32
        %sub3A_1680 = vector.broadcast %mul3A_1679 : i32 to vector<16xi32>
        %sub3A_1681 = arith.subi %shift_right_logical3A_1677, %sub3A_1680 : vector<16xi32>
        %mul3A_1682 = arith.constant 1000 : i32
        %mul3A_1683 = vector.broadcast %mul3A_1682 : i32 to vector<16xi32>
        %mul3A_1684 = arith.muli %sub3A_1681, %mul3A_1683 : vector<16xi32>
        %lt3A_1685 = arith.constant 6 : i32
        %lt3A_1686 = vector.broadcast %lt3A_1685 : i32 to vector<16xi32>
        %lt3A_1687 = arith.cmpi slt, %sub3A_1681, %lt3A_1686 : vector<16xi32>
        %jit3A_1688 = arith.constant 0 : i32
        %broadcast_in_dim3A_1689 = vector.broadcast %jit3A_1688 : i32 to vector<16xi32>
        %broadcast_in_dim3A_1690 = vector.broadcast %mul3A_8 : i32 to vector<16xi32>
        %select_n3A_1691 = arith.select %lt3A_1687, %broadcast_in_dim3A_1689, %broadcast_in_dim3A_1690 : vector<16xi1>, vector<16xi32>
        %add3A_1692 = arith.addi %mul3A_1684, %select_n3A_1691 : vector<16xi32>
        %mul3A_1693 = arith.constant 64 : i32
        %mul3A_1694 = arith.muli %add3A_1630, %mul3A_1693 : i32
        %add3A_1695 = arith.constant 16 : i32
        %add3A_1696 = arith.addi %mul3A_1694, %add3A_1695 : i32
        %get3A_1697 = arith.index_cast %add3A_1696 : i32 to index
        %get3A_1698 = tpu.vector_load %arg5[%get3A_1697] {strides = array<i32>} : memref<13312xi32, #tpu.memory_space<vmem>>, vector<16xi32>,
        %get3A_1699 = vector.shape_cast %get3A_1698 : vector<16xi32> to vector<16xi32>
        %add3A_1700 = arith.addi %get3A_1699, %add3A_1692 : vector<16xi32>
        %swap3A_1701 = arith.index_cast %add3A_1696 : i32 to index
        %swap3A_1702 = tpu.vector_load %arg5[%swap3A_1701] {strides = array<i32>} : memref<13312xi32, #tpu.memory_space<vmem>>, vector<16xi32>,
        %swap3A_1703 = vector.shape_cast %swap3A_1702 : vector<16xi32> to vector<16xi32>
        %swap3A_1704 = vector.shape_cast %add3A_1700 : vector<16xi32> to vector<16xi32>
        tpu.vector_store %arg5[%swap3A_1701], %swap3A_1704 {strides = array<i32>} : memref<13312xi32, #tpu.memory_space<vmem>>, vector<16xi32>,
        %mul3A_1705 = arith.constant 64 : i32
        %mul3A_1706 = arith.muli %add3A_1630, %mul3A_1705 : i32
        %add3A_1707 = arith.addi %mul3A_4, %mul3A_1706 : i32
        %add3A_1708 = arith.constant 32 : i32
        %add3A_1709 = arith.addi %add3A_1707, %add3A_1708 : i32
        %add3A_1710 = vector.broadcast %add3A_1709 : i32 to vector<16xi32>
        %add3A_1711 = arith.addi %add3A_1710, %iota3A : vector<16xi32>
        %shift_right_logical3A_1712 = arith.constant 14 : i32
        %shift_right_logical3A_1713 = vector.broadcast %shift_right_logical3A_1712 : i32 to vector<16xi32>
        %shift_right_logical3A_1714 = arith.shrui %add3A_1711, %shift_right_logical3A_1713 : vector<16xi32>
        %mul3A_1715 = arith.constant 13 : i32
        %mul3A_1716 = arith.muli %arg0, %mul3A_1715 : i32
        %sub3A_1717 = vector.broadcast %mul3A_1716 : i32 to vector<16xi32>
        %sub3A_1718 = arith.subi %shift_right_logical3A_1714, %sub3A_1717 : vector<16xi32>
        %mul3A_1719 = arith.constant 1000 : i32
        %mul3A_1720 = vector.broadcast %mul3A_1719 : i32 to vector<16xi32>
        %mul3A_1721 = arith.muli %sub3A_1718, %mul3A_1720 : vector<16xi32>
        %lt3A_1722 = arith.constant 6 : i32
        %lt3A_1723 = vector.broadcast %lt3A_1722 : i32 to vector<16xi32>
        %lt3A_1724 = arith.cmpi slt, %sub3A_1718, %lt3A_1723 : vector<16xi32>
        %jit3A_1725 = arith.constant 0 : i32
        %broadcast_in_dim3A_1726 = vector.broadcast %jit3A_1725 : i32 to vector<16xi32>
        %broadcast_in_dim3A_1727 = vector.broadcast %mul3A_8 : i32 to vector<16xi32>
        %select_n3A_1728 = arith.select %lt3A_1724, %broadcast_in_dim3A_1726, %broadcast_in_dim3A_1727 : vector<16xi1>, vector<16xi32>
        %add3A_1729 = arith.addi %mul3A_1721, %select_n3A_1728 : vector<16xi32>
        %mul3A_1730 = arith.constant 64 : i32
        %mul3A_1731 = arith.muli %add3A_1630, %mul3A_1730 : i32
        %add3A_1732 = arith.constant 32 : i32
        %add3A_1733 = arith.addi %mul3A_1731, %add3A_1732 : i32
        %get3A_1734 = arith.index_cast %add3A_1733 : i32 to index
        %get3A_1735 = tpu.vector_load %arg5[%get3A_1734] {strides = array<i32>} : memref<13312xi32, #tpu.memory_space<vmem>>, vector<16xi32>,
        %get3A_1736 = vector.shape_cast %get3A_1735 : vector<16xi32> to vector<16xi32>
        %add3A_1737 = arith.addi %get3A_1736, %add3A_1729 : vector<16xi32>
        %swap3A_1738 = arith.index_cast %add3A_1733 : i32 to index
        %swap3A_1739 = tpu.vector_load %arg5[%swap3A_1738] {strides = array<i32>} : memref<13312xi32, #tpu.memory_space<vmem>>, vector<16xi32>,
        %swap3A_1740 = vector.shape_cast %swap3A_1739 : vector<16xi32> to vector<16xi32>
        %swap3A_1741 = vector.shape_cast %add3A_1737 : vector<16xi32> to vector<16xi32>
        tpu.vector_store %arg5[%swap3A_1738], %swap3A_1741 {strides = array<i32>} : memref<13312xi32, #tpu.memory_space<vmem>>, vector<16xi32>,
        %mul3A_1742 = arith.constant 64 : i32
        %mul3A_1743 = arith.muli %add3A_1630, %mul3A_1742 : i32
        %add3A_1744 = arith.addi %mul3A_4, %mul3A_1743 : i32
        %add3A_1745 = arith.constant 48 : i32
        %add3A_1746 = arith.addi %add3A_1744, %add3A_1745 : i32
        %add3A_1747 = vector.broadcast %add3A_1746 : i32 to vector<16xi32>
        %add3A_1748 = arith.addi %add3A_1747, %iota3A : vector<16xi32>
        %shift_right_logical3A_1749 = arith.constant 14 : i32
        %shift_right_logical3A_1750 = vector.broadcast %shift_right_logical3A_1749 : i32 to vector<16xi32>
        %shift_right_logical3A_1751 = arith.shrui %add3A_1748, %shift_right_logical3A_1750 : vector<16xi32>
        %mul3A_1752 = arith.constant 13 : i32
        %mul3A_1753 = arith.muli %arg0, %mul3A_1752 : i32
        %sub3A_1754 = vector.broadcast %mul3A_1753 : i32 to vector<16xi32>
        %sub3A_1755 = arith.subi %shift_right_logical3A_1751, %sub3A_1754 : vector<16xi32>
        %mul3A_1756 = arith.constant 1000 : i32
        %mul3A_1757 = vector.broadcast %mul3A_1756 : i32 to vector<16xi32>
        %mul3A_1758 = arith.muli %sub3A_1755, %mul3A_1757 : vector<16xi32>
        %lt3A_1759 = arith.constant 6 : i32
        %lt3A_1760 = vector.broadcast %lt3A_1759 : i32 to vector<16xi32>
        %lt3A_1761 = arith.cmpi slt, %sub3A_1755, %lt3A_1760 : vector<16xi32>
        %jit3A_1762 = arith.constant 0 : i32
        %broadcast_in_dim3A_1763 = vector.broadcast %jit3A_1762 : i32 to vector<16xi32>
        %broadcast_in_dim3A_1764 = vector.broadcast %mul3A_8 : i32 to vector<16xi32>
        %select_n3A_1765 = arith.select %lt3A_1761, %broadcast_in_dim3A_1763, %broadcast_in_dim3A_1764 : vector<16xi1>, vector<16xi32>
        %add3A_1766 = arith.addi %mul3A_1758, %select_n3A_1765 : vector<16xi32>
        %mul3A_1767 = arith.constant 64 : i32
        %mul3A_1768 = arith.muli %add3A_1630, %mul3A_1767 : i32
        %add3A_1769 = arith.constant 48 : i32
        %add3A_1770 = arith.addi %mul3A_1768, %add3A_1769 : i32
        %get3A_1771 = arith.index_cast %add3A_1770 : i32 to index
        %get3A_1772 = tpu.vector_load %arg5[%get3A_1771] {strides = array<i32>} : memref<13312xi32, #tpu.memory_space<vmem>>, vector<16xi32>,
        %get3A_1773 = vector.shape_cast %get3A_1772 : vector<16xi32> to vector<16xi32>
        %add3A_1774 = arith.addi %get3A_1773, %add3A_1766 : vector<16xi32>
        %swap3A_1775 = arith.index_cast %add3A_1770 : i32 to index
        %swap3A_1776 = tpu.vector_load %arg5[%swap3A_1775] {strides = array<i32>} : memref<13312xi32, #tpu.memory_space<vmem>>, vector<16xi32>,
        %swap3A_1777 = vector.shape_cast %swap3A_1776 : vector<16xi32> to vector<16xi32>
        %swap3A_1778 = vector.shape_cast %add3A_1774 : vector<16xi32> to vector<16xi32>
        tpu.vector_store %arg5[%swap3A_1775], %swap3A_1778 {strides = array<i32>} : memref<13312xi32, #tpu.memory_space<vmem>>, vector<16xi32>,
        %dma_wait3A_1779 = arith.constant 2 : i32
        %dma_wait3A_1780 = arith.constant 0 : i32
        %dma_wait3A_1781 = arith.constant 0 : i32
        %dma_wait3A_1782 = tpu.memref_slice %arg6[%dma_wait3A_1779, %dma_wait3A_1780, %dma_wait3A_1781] : memref<8x64x128xf32, #tpu.memory_space<vmem>> -> memref<1x64x128xf32, #tpu.memory_space<vmem>>
        %dma_wait3A_1783 = tpu.memref_squeeze %dma_wait3A_1782 : memref<1x64x128xf32, #tpu.memory_space<vmem>> -> memref<64x128xf32, #tpu.memory_space<vmem>>
        %dma_wait3A_1784 = arith.constant 0 : i32
        %dma_wait3A_1785 = arith.constant 0 : i32
        %dma_wait3A_1786 = tpu.memref_slice %arg4[%dma_wait3A_1784, %dma_wait3A_1785] : memref<425984x128xf32, #tpu.memory_space<hbm>> -> memref<64x128xf32, #tpu.memory_space<hbm>>
        %dma_wait3A_1787 = arith.constant 0 : i32
        %dma_wait3A_1788 = arith.constant 0 : i32
        %dma_wait3A_1789 = tpu.memref_slice %arg4[%dma_wait3A_1787, %dma_wait3A_1788] : memref<425984x128xf32, #tpu.memory_space<hbm>> -> memref<64x128xf32, #tpu.memory_space<hbm>>
        %dma_wait3A_1790 = arith.constant 0 : i32
        %dma_wait3A_1791 = arith.constant 0 : i32
        %dma_wait3A_1792 = tpu.memref_slice %arg6[%dma_wait3A_1779, %dma_wait3A_1790, %dma_wait3A_1791] : memref<8x64x128xf32, #tpu.memory_space<vmem>> -> memref<1x64x128xf32, #tpu.memory_space<vmem>>
        %dma_wait3A_1793 = tpu.memref_squeeze %dma_wait3A_1792 : memref<1x64x128xf32, #tpu.memory_space<vmem>> -> memref<64x128xf32, #tpu.memory_space<vmem>>
        tpu.wait_dma2 semaphore(%arg18 : memref<!tpu.dma_semaphore, #tpu.memory_space<semaphore_mem>>) src(%dma_wait3A_1793 : memref<64x128xf32, #tpu.memory_space<vmem>>) dst(%dma_wait3A_1789 : memref<64x128xf32, #tpu.memory_space<hbm>>)
        %add3A_1794 = arith.constant 8 : i32
        %add3A_1795 = arith.addi %add3A_1420, %add3A_1794 : i32
        %mul3A_1796 = arith.constant 64 : i32
        %mul3A_1797 = arith.muli %add3A_1795, %mul3A_1796 : i32
        %add3A_1798 = arith.addi %mul3A_4, %mul3A_1797 : i32
        %shift_right_logical3A_1799 = arith.constant 14 : i32
        %shift_right_logical3A_1800 = arith.shrui %add3A_1798, %shift_right_logical3A_1799 : i32
        %mul3A_1801 = arith.constant 13 : i32
        %mul3A_1802 = arith.muli %arg0, %mul3A_1801 : i32
        %sub3A_1803 = arith.subi %shift_right_logical3A_1800, %mul3A_1802 : i32
        %lt3A_1804 = arith.constant 6 : i32
        %lt3A_1805 = arith.cmpi slt, %sub3A_1803, %lt3A_1804 : i32
        %convert_element_type3A_1806 = arith.extui %lt3A_1805 : i1 to i32
        %cond3A_1807 = arith.constant 0 : i32
        %cond3A_1808 = arith.cmpi ne, %convert_element_type3A_1806, %cond3A_1807 : i32
        scf.if %cond3A_1808 {
          %mul3A_1822 = arith.constant 64 : i32
          %mul3A_1823 = arith.muli %add3A_1795, %mul3A_1822 : i32
          %dma_start3A_1824 = arith.constant 2 : i32
          %dma_start3A_1825 = arith.constant 0 : i32
          %dma_start3A_1826 = arith.constant 0 : i32
          %dma_start3A_1827 = tpu.memref_slice %arg6[%dma_start3A_1824, %dma_start3A_1825, %dma_start3A_1826] : memref<8x64x128xf32, #tpu.memory_space<vmem>> -> memref<1x64x128xf32, #tpu.memory_space<vmem>>
          %dma_start3A_1828 = tpu.memref_squeeze %dma_start3A_1827 : memref<1x64x128xf32, #tpu.memory_space<vmem>> -> memref<64x128xf32, #tpu.memory_space<vmem>>
          %dma_start3A_1829 = tpu.memref_slice %arg5[%mul3A_1823] : memref<13312xi32, #tpu.memory_space<vmem>> -> memref<64xi32, #tpu.memory_space<vmem>>
          %dma_start3A_1830 = arith.constant 0 : i32
          %dma_start3A_1831 = arith.constant 0 : i32
          %dma_start3A_1832 = tpu.memref_slice %arg7[%dma_start3A_1830, %dma_start3A_1831] : memref<6000x128xf32, #tpu.memory_space<vmem_shared>> -> memref<6000x128xf32, #tpu.memory_space<vmem_shared>>
          tpu.enqueue_indirect_dma source(%dma_start3A_1832 : memref<6000x128xf32, #tpu.memory_space<vmem_shared>>) target(%dma_start3A_1828 : memref<64x128xf32, #tpu.memory_space<vmem>>) offsets(%dma_start3A_1829 : memref<64xi32, #tpu.memory_space<vmem>>) semaphore(%arg10 : memref<!tpu.dma_semaphore, #tpu.memory_space<semaphore_mem>>)
        } else {
        }
        %mul3A_1809 = arith.constant 64 : i32
        %mul3A_1810 = arith.muli %add3A_1795, %mul3A_1809 : i32
        %add3A_1811 = arith.addi %mul3A_4, %mul3A_1810 : i32
        %shift_right_logical3A_1812 = arith.constant 14 : i32
        %shift_right_logical3A_1813 = arith.shrui %add3A_1811, %shift_right_logical3A_1812 : i32
        %mul3A_1814 = arith.constant 13 : i32
        %mul3A_1815 = arith.muli %arg0, %mul3A_1814 : i32
        %sub3A_1816 = arith.subi %shift_right_logical3A_1813, %mul3A_1815 : i32
        %ge3A_1817 = arith.constant 6 : i32
        %ge3A_1818 = arith.cmpi sge, %sub3A_1816, %ge3A_1817 : i32
        %convert_element_type3A_1819 = arith.extui %ge3A_1818 : i1 to i32
        %cond3A_1820 = arith.constant 0 : i32
        %cond3A_1821 = arith.cmpi ne, %convert_element_type3A_1819, %cond3A_1820 : i32
        scf.if %cond3A_1821 {
          %mul3A_1822 = arith.constant 64 : i32
          %mul3A_1823 = arith.muli %add3A_1795, %mul3A_1822 : i32
          %dma_start3A_1824 = arith.constant 2 : i32
          %dma_start3A_1825 = arith.constant 0 : i32
          %dma_start3A_1826 = arith.constant 0 : i32
          %dma_start3A_1827 = tpu.memref_slice %arg6[%dma_start3A_1824, %dma_start3A_1825, %dma_start3A_1826] : memref<8x64x128xf32, #tpu.memory_space<vmem>> -> memref<1x64x128xf32, #tpu.memory_space<vmem>>
          %dma_start3A_1828 = tpu.memref_squeeze %dma_start3A_1827 : memref<1x64x128xf32, #tpu.memory_space<vmem>> -> memref<64x128xf32, #tpu.memory_space<vmem>>
          %dma_start3A_1829 = tpu.memref_slice %arg5[%mul3A_1823] : memref<13312xi32, #tpu.memory_space<vmem>> -> memref<64xi32, #tpu.memory_space<vmem>>
          %dma_start3A_1830 = arith.constant 0 : i32
          %dma_start3A_1831 = arith.constant 0 : i32
          %dma_start3A_1832 = tpu.memref_slice %arg3[%dma_start3A_1830, %dma_start3A_1831] : memref<26000x128xf32, #tpu.memory_space<hbm>> -> memref<26000x128xf32, #tpu.memory_space<hbm>>
          tpu.enqueue_indirect_dma source(%dma_start3A_1832 : memref<26000x128xf32, #tpu.memory_space<hbm>>) target(%dma_start3A_1828 : memref<64x128xf32, #tpu.memory_space<vmem>>) offsets(%dma_start3A_1829 : memref<64xi32, #tpu.memory_space<vmem>>) semaphore(%arg10 : memref<!tpu.dma_semaphore, #tpu.memory_space<semaphore_mem>>)
        } else {
        }
      } else {
      }
      %add3A_1454 = arith.constant 3 : i32
      %add3A_1455 = arith.addi %add3A_1349, %add3A_1454 : i32
      %dma_wait3A_1456 = arith.constant 3 : i32
      %dma_wait3A_1457 = arith.constant 0 : i32
      %dma_wait3A_1458 = arith.constant 0 : i32
      %dma_wait3A_1459 = tpu.memref_slice %arg6[%dma_wait3A_1456, %dma_wait3A_1457, %dma_wait3A_1458] : memref<8x64x128xf32, #tpu.memory_space<vmem>> -> memref<1x64x128xf32, #tpu.memory_space<vmem>>
      %dma_wait3A_1460 = tpu.memref_squeeze %dma_wait3A_1459 : memref<1x64x128xf32, #tpu.memory_space<vmem>> -> memref<64x128xf32, #tpu.memory_space<vmem>>
      %dma_wait3A_1461 = arith.constant 0 : i32
      %dma_wait3A_1462 = tpu.memref_slice %arg5[%dma_wait3A_1461] : memref<13312xi32, #tpu.memory_space<vmem>> -> memref<64xi32, #tpu.memory_space<vmem>>
      %dma_wait3A_1463 = arith.constant 0 : i32
      %dma_wait3A_1464 = arith.constant 0 : i32
      %dma_wait3A_1465 = tpu.memref_slice %arg3[%dma_wait3A_1463, %dma_wait3A_1464] : memref<26000x128xf32, #tpu.memory_space<hbm>> -> memref<26000x128xf32, #tpu.memory_space<hbm>>
      tpu.wait_indirect_dma semaphore(%arg11 : memref<!tpu.dma_semaphore, #tpu.memory_space<semaphore_mem>>) src(%dma_wait3A_1465 : memref<26000x128xf32, #tpu.memory_space<hbm>>) dst(%dma_wait3A_1460 : memref<64x128xf32, #tpu.memory_space<vmem>>)
      %mul3A_1466 = arith.constant 64 : i32
      %mul3A_1467 = arith.muli %add3A_1455, %mul3A_1466 : i32
      %add3A_1468 = arith.addi %mul3A_4, %mul3A_1467 : i32
      %dma_start3A_1469 = arith.constant 3 : i32
      %dma_start3A_1470 = arith.constant 0 : i32
      %dma_start3A_1471 = arith.constant 0 : i32
      %dma_start3A_1472 = tpu.memref_slice %arg6[%dma_start3A_1469, %dma_start3A_1470, %dma_start3A_1471] : memref<8x64x128xf32, #tpu.memory_space<vmem>> -> memref<1x64x128xf32, #tpu.memory_space<vmem>>
      %dma_start3A_1473 = tpu.memref_squeeze %dma_start3A_1472 : memref<1x64x128xf32, #tpu.memory_space<vmem>> -> memref<64x128xf32, #tpu.memory_space<vmem>>
      %dma_start3A_1474 = arith.constant 0 : i32
      %dma_start3A_1475 = tpu.memref_slice %arg4[%add3A_1468, %dma_start3A_1474] : memref<425984x128xf32, #tpu.memory_space<hbm>> -> memref<64x128xf32, #tpu.memory_space<hbm>>
      %dma_start3A_1476 = arith.constant 0 : i32
      %dma_start3A_1477 = tpu.memref_slice %arg4[%add3A_1468, %dma_start3A_1476] : memref<425984x128xf32, #tpu.memory_space<hbm>> -> memref<64x128xf32, #tpu.memory_space<hbm>>
      %dma_start3A_1478 = arith.constant 0 : i32
      %dma_start3A_1479 = arith.constant 0 : i32
      %dma_start3A_1480 = tpu.memref_slice %arg6[%dma_start3A_1469, %dma_start3A_1478, %dma_start3A_1479] : memref<8x64x128xf32, #tpu.memory_space<vmem>> -> memref<1x64x128xf32, #tpu.memory_space<vmem>>
      %dma_start3A_1481 = tpu.memref_squeeze %dma_start3A_1480 : memref<1x64x128xf32, #tpu.memory_space<vmem>> -> memref<64x128xf32, #tpu.memory_space<vmem>>
      tpu.enqueue_dma source(%dma_start3A_1481 : memref<64x128xf32, #tpu.memory_space<vmem>>) target(%dma_start3A_1477 : memref<64x128xf32, #tpu.memory_space<hbm>>) target_semaphore(%arg19 : memref<!tpu.dma_semaphore, #tpu.memory_space<semaphore_mem>>)
      %add3A_1482 = arith.constant 8 : i32
      %add3A_1483 = arith.addi %add3A_1349, %add3A_1482 : i32
      %lt3A_1484 = arith.constant 208 : i32
      %lt3A_1485 = arith.cmpi slt, %add3A_1483, %lt3A_1484 : i32
      %convert_element_type3A_1486 = arith.extui %lt3A_1485 : i1 to i32
      %cond3A_1487 = arith.constant 0 : i32
      %cond3A_1488 = arith.cmpi ne, %convert_element_type3A_1486, %cond3A_1487 : i32
      scf.if %cond3A_1488 {
        %add3A_1629 = arith.constant 8 : i32
        %add3A_1630 = arith.addi %add3A_1455, %add3A_1629 : i32
        %mul3A_1631 = arith.constant 64 : i32
        %mul3A_1632 = arith.muli %add3A_1630, %mul3A_1631 : i32
        %add3A_1633 = arith.addi %mul3A_4, %mul3A_1632 : i32
        %add3A_1634 = arith.constant 0 : i32
        %add3A_1635 = arith.addi %add3A_1633, %add3A_1634 : i32
        %add3A_1636 = vector.broadcast %add3A_1635 : i32 to vector<16xi32>
        %add3A_1637 = arith.addi %add3A_1636, %iota3A : vector<16xi32>
        %shift_right_logical3A_1638 = arith.constant 14 : i32
        %shift_right_logical3A_1639 = vector.broadcast %shift_right_logical3A_1638 : i32 to vector<16xi32>
        %shift_right_logical3A_1640 = arith.shrui %add3A_1637, %shift_right_logical3A_1639 : vector<16xi32>
        %mul3A_1641 = arith.constant 13 : i32
        %mul3A_1642 = arith.muli %arg0, %mul3A_1641 : i32
        %sub3A_1643 = vector.broadcast %mul3A_1642 : i32 to vector<16xi32>
        %sub3A_1644 = arith.subi %shift_right_logical3A_1640, %sub3A_1643 : vector<16xi32>
        %mul3A_1645 = arith.constant 1000 : i32
        %mul3A_1646 = vector.broadcast %mul3A_1645 : i32 to vector<16xi32>
        %mul3A_1647 = arith.muli %sub3A_1644, %mul3A_1646 : vector<16xi32>
        %lt3A_1648 = arith.constant 6 : i32
        %lt3A_1649 = vector.broadcast %lt3A_1648 : i32 to vector<16xi32>
        %lt3A_1650 = arith.cmpi slt, %sub3A_1644, %lt3A_1649 : vector<16xi32>
        %jit3A_1651 = arith.constant 0 : i32
        %broadcast_in_dim3A_1652 = vector.broadcast %jit3A_1651 : i32 to vector<16xi32>
        %broadcast_in_dim3A_1653 = vector.broadcast %mul3A_8 : i32 to vector<16xi32>
        %select_n3A_1654 = arith.select %lt3A_1650, %broadcast_in_dim3A_1652, %broadcast_in_dim3A_1653 : vector<16xi1>, vector<16xi32>
        %add3A_1655 = arith.addi %mul3A_1647, %select_n3A_1654 : vector<16xi32>
        %mul3A_1656 = arith.constant 64 : i32
        %mul3A_1657 = arith.muli %add3A_1630, %mul3A_1656 : i32
        %add3A_1658 = arith.constant 0 : i32
        %add3A_1659 = arith.addi %mul3A_1657, %add3A_1658 : i32
        %get3A_1660 = arith.index_cast %add3A_1659 : i32 to index
        %get3A_1661 = tpu.vector_load %arg5[%get3A_1660] {strides = array<i32>} : memref<13312xi32, #tpu.memory_space<vmem>>, vector<16xi32>,
        %get3A_1662 = vector.shape_cast %get3A_1661 : vector<16xi32> to vector<16xi32>
        %add3A_1663 = arith.addi %get3A_1662, %add3A_1655 : vector<16xi32>
        %swap3A_1664 = arith.index_cast %add3A_1659 : i32 to index
        %swap3A_1665 = tpu.vector_load %arg5[%swap3A_1664] {strides = array<i32>} : memref<13312xi32, #tpu.memory_space<vmem>>, vector<16xi32>,
        %swap3A_1666 = vector.shape_cast %swap3A_1665 : vector<16xi32> to vector<16xi32>
        %swap3A_1667 = vector.shape_cast %add3A_1663 : vector<16xi32> to vector<16xi32>
        tpu.vector_store %arg5[%swap3A_1664], %swap3A_1667 {strides = array<i32>} : memref<13312xi32, #tpu.memory_space<vmem>>, vector<16xi32>,
        %mul3A_1668 = arith.constant 64 : i32
        %mul3A_1669 = arith.muli %add3A_1630, %mul3A_1668 : i32
        %add3A_1670 = arith.addi %mul3A_4, %mul3A_1669 : i32
        %add3A_1671 = arith.constant 16 : i32
        %add3A_1672 = arith.addi %add3A_1670, %add3A_1671 : i32
        %add3A_1673 = vector.broadcast %add3A_1672 : i32 to vector<16xi32>
        %add3A_1674 = arith.addi %add3A_1673, %iota3A : vector<16xi32>
        %shift_right_logical3A_1675 = arith.constant 14 : i32
        %shift_right_logical3A_1676 = vector.broadcast %shift_right_logical3A_1675 : i32 to vector<16xi32>
        %shift_right_logical3A_1677 = arith.shrui %add3A_1674, %shift_right_logical3A_1676 : vector<16xi32>
        %mul3A_1678 = arith.constant 13 : i32
        %mul3A_1679 = arith.muli %arg0, %mul3A_1678 : i32
        %sub3A_1680 = vector.broadcast %mul3A_1679 : i32 to vector<16xi32>
        %sub3A_1681 = arith.subi %shift_right_logical3A_1677, %sub3A_1680 : vector<16xi32>
        %mul3A_1682 = arith.constant 1000 : i32
        %mul3A_1683 = vector.broadcast %mul3A_1682 : i32 to vector<16xi32>
        %mul3A_1684 = arith.muli %sub3A_1681, %mul3A_1683 : vector<16xi32>
        %lt3A_1685 = arith.constant 6 : i32
        %lt3A_1686 = vector.broadcast %lt3A_1685 : i32 to vector<16xi32>
        %lt3A_1687 = arith.cmpi slt, %sub3A_1681, %lt3A_1686 : vector<16xi32>
        %jit3A_1688 = arith.constant 0 : i32
        %broadcast_in_dim3A_1689 = vector.broadcast %jit3A_1688 : i32 to vector<16xi32>
        %broadcast_in_dim3A_1690 = vector.broadcast %mul3A_8 : i32 to vector<16xi32>
        %select_n3A_1691 = arith.select %lt3A_1687, %broadcast_in_dim3A_1689, %broadcast_in_dim3A_1690 : vector<16xi1>, vector<16xi32>
        %add3A_1692 = arith.addi %mul3A_1684, %select_n3A_1691 : vector<16xi32>
        %mul3A_1693 = arith.constant 64 : i32
        %mul3A_1694 = arith.muli %add3A_1630, %mul3A_1693 : i32
        %add3A_1695 = arith.constant 16 : i32
        %add3A_1696 = arith.addi %mul3A_1694, %add3A_1695 : i32
        %get3A_1697 = arith.index_cast %add3A_1696 : i32 to index
        %get3A_1698 = tpu.vector_load %arg5[%get3A_1697] {strides = array<i32>} : memref<13312xi32, #tpu.memory_space<vmem>>, vector<16xi32>,
        %get3A_1699 = vector.shape_cast %get3A_1698 : vector<16xi32> to vector<16xi32>
        %add3A_1700 = arith.addi %get3A_1699, %add3A_1692 : vector<16xi32>
        %swap3A_1701 = arith.index_cast %add3A_1696 : i32 to index
        %swap3A_1702 = tpu.vector_load %arg5[%swap3A_1701] {strides = array<i32>} : memref<13312xi32, #tpu.memory_space<vmem>>, vector<16xi32>,
        %swap3A_1703 = vector.shape_cast %swap3A_1702 : vector<16xi32> to vector<16xi32>
        %swap3A_1704 = vector.shape_cast %add3A_1700 : vector<16xi32> to vector<16xi32>
        tpu.vector_store %arg5[%swap3A_1701], %swap3A_1704 {strides = array<i32>} : memref<13312xi32, #tpu.memory_space<vmem>>, vector<16xi32>,
        %mul3A_1705 = arith.constant 64 : i32
        %mul3A_1706 = arith.muli %add3A_1630, %mul3A_1705 : i32
        %add3A_1707 = arith.addi %mul3A_4, %mul3A_1706 : i32
        %add3A_1708 = arith.constant 32 : i32
        %add3A_1709 = arith.addi %add3A_1707, %add3A_1708 : i32
        %add3A_1710 = vector.broadcast %add3A_1709 : i32 to vector<16xi32>
        %add3A_1711 = arith.addi %add3A_1710, %iota3A : vector<16xi32>
        %shift_right_logical3A_1712 = arith.constant 14 : i32
        %shift_right_logical3A_1713 = vector.broadcast %shift_right_logical3A_1712 : i32 to vector<16xi32>
        %shift_right_logical3A_1714 = arith.shrui %add3A_1711, %shift_right_logical3A_1713 : vector<16xi32>
        %mul3A_1715 = arith.constant 13 : i32
        %mul3A_1716 = arith.muli %arg0, %mul3A_1715 : i32
        %sub3A_1717 = vector.broadcast %mul3A_1716 : i32 to vector<16xi32>
        %sub3A_1718 = arith.subi %shift_right_logical3A_1714, %sub3A_1717 : vector<16xi32>
        %mul3A_1719 = arith.constant 1000 : i32
        %mul3A_1720 = vector.broadcast %mul3A_1719 : i32 to vector<16xi32>
        %mul3A_1721 = arith.muli %sub3A_1718, %mul3A_1720 : vector<16xi32>
        %lt3A_1722 = arith.constant 6 : i32
        %lt3A_1723 = vector.broadcast %lt3A_1722 : i32 to vector<16xi32>
        %lt3A_1724 = arith.cmpi slt, %sub3A_1718, %lt3A_1723 : vector<16xi32>
        %jit3A_1725 = arith.constant 0 : i32
        %broadcast_in_dim3A_1726 = vector.broadcast %jit3A_1725 : i32 to vector<16xi32>
        %broadcast_in_dim3A_1727 = vector.broadcast %mul3A_8 : i32 to vector<16xi32>
        %select_n3A_1728 = arith.select %lt3A_1724, %broadcast_in_dim3A_1726, %broadcast_in_dim3A_1727 : vector<16xi1>, vector<16xi32>
        %add3A_1729 = arith.addi %mul3A_1721, %select_n3A_1728 : vector<16xi32>
        %mul3A_1730 = arith.constant 64 : i32
        %mul3A_1731 = arith.muli %add3A_1630, %mul3A_1730 : i32
        %add3A_1732 = arith.constant 32 : i32
        %add3A_1733 = arith.addi %mul3A_1731, %add3A_1732 : i32
        %get3A_1734 = arith.index_cast %add3A_1733 : i32 to index
        %get3A_1735 = tpu.vector_load %arg5[%get3A_1734] {strides = array<i32>} : memref<13312xi32, #tpu.memory_space<vmem>>, vector<16xi32>,
        %get3A_1736 = vector.shape_cast %get3A_1735 : vector<16xi32> to vector<16xi32>
        %add3A_1737 = arith.addi %get3A_1736, %add3A_1729 : vector<16xi32>
        %swap3A_1738 = arith.index_cast %add3A_1733 : i32 to index
        %swap3A_1739 = tpu.vector_load %arg5[%swap3A_1738] {strides = array<i32>} : memref<13312xi32, #tpu.memory_space<vmem>>, vector<16xi32>,
        %swap3A_1740 = vector.shape_cast %swap3A_1739 : vector<16xi32> to vector<16xi32>
        %swap3A_1741 = vector.shape_cast %add3A_1737 : vector<16xi32> to vector<16xi32>
        tpu.vector_store %arg5[%swap3A_1738], %swap3A_1741 {strides = array<i32>} : memref<13312xi32, #tpu.memory_space<vmem>>, vector<16xi32>,
        %mul3A_1742 = arith.constant 64 : i32
        %mul3A_1743 = arith.muli %add3A_1630, %mul3A_1742 : i32
        %add3A_1744 = arith.addi %mul3A_4, %mul3A_1743 : i32
        %add3A_1745 = arith.constant 48 : i32
        %add3A_1746 = arith.addi %add3A_1744, %add3A_1745 : i32
        %add3A_1747 = vector.broadcast %add3A_1746 : i32 to vector<16xi32>
        %add3A_1748 = arith.addi %add3A_1747, %iota3A : vector<16xi32>
        %shift_right_logical3A_1749 = arith.constant 14 : i32
        %shift_right_logical3A_1750 = vector.broadcast %shift_right_logical3A_1749 : i32 to vector<16xi32>
        %shift_right_logical3A_1751 = arith.shrui %add3A_1748, %shift_right_logical3A_1750 : vector<16xi32>
        %mul3A_1752 = arith.constant 13 : i32
        %mul3A_1753 = arith.muli %arg0, %mul3A_1752 : i32
        %sub3A_1754 = vector.broadcast %mul3A_1753 : i32 to vector<16xi32>
        %sub3A_1755 = arith.subi %shift_right_logical3A_1751, %sub3A_1754 : vector<16xi32>
        %mul3A_1756 = arith.constant 1000 : i32
        %mul3A_1757 = vector.broadcast %mul3A_1756 : i32 to vector<16xi32>
        %mul3A_1758 = arith.muli %sub3A_1755, %mul3A_1757 : vector<16xi32>
        %lt3A_1759 = arith.constant 6 : i32
        %lt3A_1760 = vector.broadcast %lt3A_1759 : i32 to vector<16xi32>
        %lt3A_1761 = arith.cmpi slt, %sub3A_1755, %lt3A_1760 : vector<16xi32>
        %jit3A_1762 = arith.constant 0 : i32
        %broadcast_in_dim3A_1763 = vector.broadcast %jit3A_1762 : i32 to vector<16xi32>
        %broadcast_in_dim3A_1764 = vector.broadcast %mul3A_8 : i32 to vector<16xi32>
        %select_n3A_1765 = arith.select %lt3A_1761, %broadcast_in_dim3A_1763, %broadcast_in_dim3A_1764 : vector<16xi1>, vector<16xi32>
        %add3A_1766 = arith.addi %mul3A_1758, %select_n3A_1765 : vector<16xi32>
        %mul3A_1767 = arith.constant 64 : i32
        %mul3A_1768 = arith.muli %add3A_1630, %mul3A_1767 : i32
        %add3A_1769 = arith.constant 48 : i32
        %add3A_1770 = arith.addi %mul3A_1768, %add3A_1769 : i32
        %get3A_1771 = arith.index_cast %add3A_1770 : i32 to index
        %get3A_1772 = tpu.vector_load %arg5[%get3A_1771] {strides = array<i32>} : memref<13312xi32, #tpu.memory_space<vmem>>, vector<16xi32>,
        %get3A_1773 = vector.shape_cast %get3A_1772 : vector<16xi32> to vector<16xi32>
        %add3A_1774 = arith.addi %get3A_1773, %add3A_1766 : vector<16xi32>
        %swap3A_1775 = arith.index_cast %add3A_1770 : i32 to index
        %swap3A_1776 = tpu.vector_load %arg5[%swap3A_1775] {strides = array<i32>} : memref<13312xi32, #tpu.memory_space<vmem>>, vector<16xi32>,
        %swap3A_1777 = vector.shape_cast %swap3A_1776 : vector<16xi32> to vector<16xi32>
        %swap3A_1778 = vector.shape_cast %add3A_1774 : vector<16xi32> to vector<16xi32>
        tpu.vector_store %arg5[%swap3A_1775], %swap3A_1778 {strides = array<i32>} : memref<13312xi32, #tpu.memory_space<vmem>>, vector<16xi32>,
        %dma_wait3A_1779 = arith.constant 3 : i32
        %dma_wait3A_1780 = arith.constant 0 : i32
        %dma_wait3A_1781 = arith.constant 0 : i32
        %dma_wait3A_1782 = tpu.memref_slice %arg6[%dma_wait3A_1779, %dma_wait3A_1780, %dma_wait3A_1781] : memref<8x64x128xf32, #tpu.memory_space<vmem>> -> memref<1x64x128xf32, #tpu.memory_space<vmem>>
        %dma_wait3A_1783 = tpu.memref_squeeze %dma_wait3A_1782 : memref<1x64x128xf32, #tpu.memory_space<vmem>> -> memref<64x128xf32, #tpu.memory_space<vmem>>
        %dma_wait3A_1784 = arith.constant 0 : i32
        %dma_wait3A_1785 = arith.constant 0 : i32
        %dma_wait3A_1786 = tpu.memref_slice %arg4[%dma_wait3A_1784, %dma_wait3A_1785] : memref<425984x128xf32, #tpu.memory_space<hbm>> -> memref<64x128xf32, #tpu.memory_space<hbm>>
        %dma_wait3A_1787 = arith.constant 0 : i32
        %dma_wait3A_1788 = arith.constant 0 : i32
        %dma_wait3A_1789 = tpu.memref_slice %arg4[%dma_wait3A_1787, %dma_wait3A_1788] : memref<425984x128xf32, #tpu.memory_space<hbm>> -> memref<64x128xf32, #tpu.memory_space<hbm>>
        %dma_wait3A_1790 = arith.constant 0 : i32
        %dma_wait3A_1791 = arith.constant 0 : i32
        %dma_wait3A_1792 = tpu.memref_slice %arg6[%dma_wait3A_1779, %dma_wait3A_1790, %dma_wait3A_1791] : memref<8x64x128xf32, #tpu.memory_space<vmem>> -> memref<1x64x128xf32, #tpu.memory_space<vmem>>
        %dma_wait3A_1793 = tpu.memref_squeeze %dma_wait3A_1792 : memref<1x64x128xf32, #tpu.memory_space<vmem>> -> memref<64x128xf32, #tpu.memory_space<vmem>>
        tpu.wait_dma2 semaphore(%arg19 : memref<!tpu.dma_semaphore, #tpu.memory_space<semaphore_mem>>) src(%dma_wait3A_1793 : memref<64x128xf32, #tpu.memory_space<vmem>>) dst(%dma_wait3A_1789 : memref<64x128xf32, #tpu.memory_space<hbm>>)
        %add3A_1794 = arith.constant 8 : i32
        %add3A_1795 = arith.addi %add3A_1455, %add3A_1794 : i32
        %mul3A_1796 = arith.constant 64 : i32
        %mul3A_1797 = arith.muli %add3A_1795, %mul3A_1796 : i32
        %add3A_1798 = arith.addi %mul3A_4, %mul3A_1797 : i32
        %shift_right_logical3A_1799 = arith.constant 14 : i32
        %shift_right_logical3A_1800 = arith.shrui %add3A_1798, %shift_right_logical3A_1799 : i32
        %mul3A_1801 = arith.constant 13 : i32
        %mul3A_1802 = arith.muli %arg0, %mul3A_1801 : i32
        %sub3A_1803 = arith.subi %shift_right_logical3A_1800, %mul3A_1802 : i32
        %lt3A_1804 = arith.constant 6 : i32
        %lt3A_1805 = arith.cmpi slt, %sub3A_1803, %lt3A_1804 : i32
        %convert_element_type3A_1806 = arith.extui %lt3A_1805 : i1 to i32
        %cond3A_1807 = arith.constant 0 : i32
        %cond3A_1808 = arith.cmpi ne, %convert_element_type3A_1806, %cond3A_1807 : i32
        scf.if %cond3A_1808 {
          %mul3A_1822 = arith.constant 64 : i32
          %mul3A_1823 = arith.muli %add3A_1795, %mul3A_1822 : i32
          %dma_start3A_1824 = arith.constant 3 : i32
          %dma_start3A_1825 = arith.constant 0 : i32
          %dma_start3A_1826 = arith.constant 0 : i32
          %dma_start3A_1827 = tpu.memref_slice %arg6[%dma_start3A_1824, %dma_start3A_1825, %dma_start3A_1826] : memref<8x64x128xf32, #tpu.memory_space<vmem>> -> memref<1x64x128xf32, #tpu.memory_space<vmem>>
          %dma_start3A_1828 = tpu.memref_squeeze %dma_start3A_1827 : memref<1x64x128xf32, #tpu.memory_space<vmem>> -> memref<64x128xf32, #tpu.memory_space<vmem>>
          %dma_start3A_1829 = tpu.memref_slice %arg5[%mul3A_1823] : memref<13312xi32, #tpu.memory_space<vmem>> -> memref<64xi32, #tpu.memory_space<vmem>>
          %dma_start3A_1830 = arith.constant 0 : i32
          %dma_start3A_1831 = arith.constant 0 : i32
          %dma_start3A_1832 = tpu.memref_slice %arg7[%dma_start3A_1830, %dma_start3A_1831] : memref<6000x128xf32, #tpu.memory_space<vmem_shared>> -> memref<6000x128xf32, #tpu.memory_space<vmem_shared>>
          tpu.enqueue_indirect_dma source(%dma_start3A_1832 : memref<6000x128xf32, #tpu.memory_space<vmem_shared>>) target(%dma_start3A_1828 : memref<64x128xf32, #tpu.memory_space<vmem>>) offsets(%dma_start3A_1829 : memref<64xi32, #tpu.memory_space<vmem>>) semaphore(%arg11 : memref<!tpu.dma_semaphore, #tpu.memory_space<semaphore_mem>>)
        } else {
        }
        %mul3A_1809 = arith.constant 64 : i32
        %mul3A_1810 = arith.muli %add3A_1795, %mul3A_1809 : i32
        %add3A_1811 = arith.addi %mul3A_4, %mul3A_1810 : i32
        %shift_right_logical3A_1812 = arith.constant 14 : i32
        %shift_right_logical3A_1813 = arith.shrui %add3A_1811, %shift_right_logical3A_1812 : i32
        %mul3A_1814 = arith.constant 13 : i32
        %mul3A_1815 = arith.muli %arg0, %mul3A_1814 : i32
        %sub3A_1816 = arith.subi %shift_right_logical3A_1813, %mul3A_1815 : i32
        %ge3A_1817 = arith.constant 6 : i32
        %ge3A_1818 = arith.cmpi sge, %sub3A_1816, %ge3A_1817 : i32
        %convert_element_type3A_1819 = arith.extui %ge3A_1818 : i1 to i32
        %cond3A_1820 = arith.constant 0 : i32
        %cond3A_1821 = arith.cmpi ne, %convert_element_type3A_1819, %cond3A_1820 : i32
        scf.if %cond3A_1821 {
          %mul3A_1822 = arith.constant 64 : i32
          %mul3A_1823 = arith.muli %add3A_1795, %mul3A_1822 : i32
          %dma_start3A_1824 = arith.constant 3 : i32
          %dma_start3A_1825 = arith.constant 0 : i32
          %dma_start3A_1826 = arith.constant 0 : i32
          %dma_start3A_1827 = tpu.memref_slice %arg6[%dma_start3A_1824, %dma_start3A_1825, %dma_start3A_1826] : memref<8x64x128xf32, #tpu.memory_space<vmem>> -> memref<1x64x128xf32, #tpu.memory_space<vmem>>
          %dma_start3A_1828 = tpu.memref_squeeze %dma_start3A_1827 : memref<1x64x128xf32, #tpu.memory_space<vmem>> -> memref<64x128xf32, #tpu.memory_space<vmem>>
          %dma_start3A_1829 = tpu.memref_slice %arg5[%mul3A_1823] : memref<13312xi32, #tpu.memory_space<vmem>> -> memref<64xi32, #tpu.memory_space<vmem>>
          %dma_start3A_1830 = arith.constant 0 : i32
          %dma_start3A_1831 = arith.constant 0 : i32
          %dma_start3A_1832 = tpu.memref_slice %arg3[%dma_start3A_1830, %dma_start3A_1831] : memref<26000x128xf32, #tpu.memory_space<hbm>> -> memref<26000x128xf32, #tpu.memory_space<hbm>>
          tpu.enqueue_indirect_dma source(%dma_start3A_1832 : memref<26000x128xf32, #tpu.memory_space<hbm>>) target(%dma_start3A_1828 : memref<64x128xf32, #tpu.memory_space<vmem>>) offsets(%dma_start3A_1829 : memref<64xi32, #tpu.memory_space<vmem>>) semaphore(%arg11 : memref<!tpu.dma_semaphore, #tpu.memory_space<semaphore_mem>>)
        } else {
        }
      } else {
      }
      %add3A_1489 = arith.constant 4 : i32
      %add3A_1490 = arith.addi %add3A_1349, %add3A_1489 : i32
      %dma_wait3A_1491 = arith.constant 4 : i32
      %dma_wait3A_1492 = arith.constant 0 : i32
      %dma_wait3A_1493 = arith.constant 0 : i32
      %dma_wait3A_1494 = tpu.memref_slice %arg6[%dma_wait3A_1491, %dma_wait3A_1492, %dma_wait3A_1493] : memref<8x64x128xf32, #tpu.memory_space<vmem>> -> memref<1x64x128xf32, #tpu.memory_space<vmem>>
      %dma_wait3A_1495 = tpu.memref_squeeze %dma_wait3A_1494 : memref<1x64x128xf32, #tpu.memory_space<vmem>> -> memref<64x128xf32, #tpu.memory_space<vmem>>
      %dma_wait3A_1496 = arith.constant 0 : i32
      %dma_wait3A_1497 = tpu.memref_slice %arg5[%dma_wait3A_1496] : memref<13312xi32, #tpu.memory_space<vmem>> -> memref<64xi32, #tpu.memory_space<vmem>>
      %dma_wait3A_1498 = arith.constant 0 : i32
      %dma_wait3A_1499 = arith.constant 0 : i32
      %dma_wait3A_1500 = tpu.memref_slice %arg3[%dma_wait3A_1498, %dma_wait3A_1499] : memref<26000x128xf32, #tpu.memory_space<hbm>> -> memref<26000x128xf32, #tpu.memory_space<hbm>>
      tpu.wait_indirect_dma semaphore(%arg12 : memref<!tpu.dma_semaphore, #tpu.memory_space<semaphore_mem>>) src(%dma_wait3A_1500 : memref<26000x128xf32, #tpu.memory_space<hbm>>) dst(%dma_wait3A_1495 : memref<64x128xf32, #tpu.memory_space<vmem>>)
      %mul3A_1501 = arith.constant 64 : i32
      %mul3A_1502 = arith.muli %add3A_1490, %mul3A_1501 : i32
      %add3A_1503 = arith.addi %mul3A_4, %mul3A_1502 : i32
      %dma_start3A_1504 = arith.constant 4 : i32
      %dma_start3A_1505 = arith.constant 0 : i32
      %dma_start3A_1506 = arith.constant 0 : i32
      %dma_start3A_1507 = tpu.memref_slice %arg6[%dma_start3A_1504, %dma_start3A_1505, %dma_start3A_1506] : memref<8x64x128xf32, #tpu.memory_space<vmem>> -> memref<1x64x128xf32, #tpu.memory_space<vmem>>
      %dma_start3A_1508 = tpu.memref_squeeze %dma_start3A_1507 : memref<1x64x128xf32, #tpu.memory_space<vmem>> -> memref<64x128xf32, #tpu.memory_space<vmem>>
      %dma_start3A_1509 = arith.constant 0 : i32
      %dma_start3A_1510 = tpu.memref_slice %arg4[%add3A_1503, %dma_start3A_1509] : memref<425984x128xf32, #tpu.memory_space<hbm>> -> memref<64x128xf32, #tpu.memory_space<hbm>>
      %dma_start3A_1511 = arith.constant 0 : i32
      %dma_start3A_1512 = tpu.memref_slice %arg4[%add3A_1503, %dma_start3A_1511] : memref<425984x128xf32, #tpu.memory_space<hbm>> -> memref<64x128xf32, #tpu.memory_space<hbm>>
      %dma_start3A_1513 = arith.constant 0 : i32
      %dma_start3A_1514 = arith.constant 0 : i32
      %dma_start3A_1515 = tpu.memref_slice %arg6[%dma_start3A_1504, %dma_start3A_1513, %dma_start3A_1514] : memref<8x64x128xf32, #tpu.memory_space<vmem>> -> memref<1x64x128xf32, #tpu.memory_space<vmem>>
      %dma_start3A_1516 = tpu.memref_squeeze %dma_start3A_1515 : memref<1x64x128xf32, #tpu.memory_space<vmem>> -> memref<64x128xf32, #tpu.memory_space<vmem>>
      tpu.enqueue_dma source(%dma_start3A_1516 : memref<64x128xf32, #tpu.memory_space<vmem>>) target(%dma_start3A_1512 : memref<64x128xf32, #tpu.memory_space<hbm>>) target_semaphore(%arg20 : memref<!tpu.dma_semaphore, #tpu.memory_space<semaphore_mem>>)
      %add3A_1517 = arith.constant 8 : i32
      %add3A_1518 = arith.addi %add3A_1349, %add3A_1517 : i32
      %lt3A_1519 = arith.constant 208 : i32
      %lt3A_1520 = arith.cmpi slt, %add3A_1518, %lt3A_1519 : i32
      %convert_element_type3A_1521 = arith.extui %lt3A_1520 : i1 to i32
      %cond3A_1522 = arith.constant 0 : i32
      %cond3A_1523 = arith.cmpi ne, %convert_element_type3A_1521, %cond3A_1522 : i32
      scf.if %cond3A_1523 {
        %add3A_1629 = arith.constant 8 : i32
        %add3A_1630 = arith.addi %add3A_1490, %add3A_1629 : i32
        %mul3A_1631 = arith.constant 64 : i32
        %mul3A_1632 = arith.muli %add3A_1630, %mul3A_1631 : i32
        %add3A_1633 = arith.addi %mul3A_4, %mul3A_1632 : i32
        %add3A_1634 = arith.constant 0 : i32
        %add3A_1635 = arith.addi %add3A_1633, %add3A_1634 : i32
        %add3A_1636 = vector.broadcast %add3A_1635 : i32 to vector<16xi32>
        %add3A_1637 = arith.addi %add3A_1636, %iota3A : vector<16xi32>
        %shift_right_logical3A_1638 = arith.constant 14 : i32
        %shift_right_logical3A_1639 = vector.broadcast %shift_right_logical3A_1638 : i32 to vector<16xi32>
        %shift_right_logical3A_1640 = arith.shrui %add3A_1637, %shift_right_logical3A_1639 : vector<16xi32>
        %mul3A_1641 = arith.constant 13 : i32
        %mul3A_1642 = arith.muli %arg0, %mul3A_1641 : i32
        %sub3A_1643 = vector.broadcast %mul3A_1642 : i32 to vector<16xi32>
        %sub3A_1644 = arith.subi %shift_right_logical3A_1640, %sub3A_1643 : vector<16xi32>
        %mul3A_1645 = arith.constant 1000 : i32
        %mul3A_1646 = vector.broadcast %mul3A_1645 : i32 to vector<16xi32>
        %mul3A_1647 = arith.muli %sub3A_1644, %mul3A_1646 : vector<16xi32>
        %lt3A_1648 = arith.constant 6 : i32
        %lt3A_1649 = vector.broadcast %lt3A_1648 : i32 to vector<16xi32>
        %lt3A_1650 = arith.cmpi slt, %sub3A_1644, %lt3A_1649 : vector<16xi32>
        %jit3A_1651 = arith.constant 0 : i32
        %broadcast_in_dim3A_1652 = vector.broadcast %jit3A_1651 : i32 to vector<16xi32>
        %broadcast_in_dim3A_1653 = vector.broadcast %mul3A_8 : i32 to vector<16xi32>
        %select_n3A_1654 = arith.select %lt3A_1650, %broadcast_in_dim3A_1652, %broadcast_in_dim3A_1653 : vector<16xi1>, vector<16xi32>
        %add3A_1655 = arith.addi %mul3A_1647, %select_n3A_1654 : vector<16xi32>
        %mul3A_1656 = arith.constant 64 : i32
        %mul3A_1657 = arith.muli %add3A_1630, %mul3A_1656 : i32
        %add3A_1658 = arith.constant 0 : i32
        %add3A_1659 = arith.addi %mul3A_1657, %add3A_1658 : i32
        %get3A_1660 = arith.index_cast %add3A_1659 : i32 to index
        %get3A_1661 = tpu.vector_load %arg5[%get3A_1660] {strides = array<i32>} : memref<13312xi32, #tpu.memory_space<vmem>>, vector<16xi32>,
        %get3A_1662 = vector.shape_cast %get3A_1661 : vector<16xi32> to vector<16xi32>
        %add3A_1663 = arith.addi %get3A_1662, %add3A_1655 : vector<16xi32>
        %swap3A_1664 = arith.index_cast %add3A_1659 : i32 to index
        %swap3A_1665 = tpu.vector_load %arg5[%swap3A_1664] {strides = array<i32>} : memref<13312xi32, #tpu.memory_space<vmem>>, vector<16xi32>,
        %swap3A_1666 = vector.shape_cast %swap3A_1665 : vector<16xi32> to vector<16xi32>
        %swap3A_1667 = vector.shape_cast %add3A_1663 : vector<16xi32> to vector<16xi32>
        tpu.vector_store %arg5[%swap3A_1664], %swap3A_1667 {strides = array<i32>} : memref<13312xi32, #tpu.memory_space<vmem>>, vector<16xi32>,
        %mul3A_1668 = arith.constant 64 : i32
        %mul3A_1669 = arith.muli %add3A_1630, %mul3A_1668 : i32
        %add3A_1670 = arith.addi %mul3A_4, %mul3A_1669 : i32
        %add3A_1671 = arith.constant 16 : i32
        %add3A_1672 = arith.addi %add3A_1670, %add3A_1671 : i32
        %add3A_1673 = vector.broadcast %add3A_1672 : i32 to vector<16xi32>
        %add3A_1674 = arith.addi %add3A_1673, %iota3A : vector<16xi32>
        %shift_right_logical3A_1675 = arith.constant 14 : i32
        %shift_right_logical3A_1676 = vector.broadcast %shift_right_logical3A_1675 : i32 to vector<16xi32>
        %shift_right_logical3A_1677 = arith.shrui %add3A_1674, %shift_right_logical3A_1676 : vector<16xi32>
        %mul3A_1678 = arith.constant 13 : i32
        %mul3A_1679 = arith.muli %arg0, %mul3A_1678 : i32
        %sub3A_1680 = vector.broadcast %mul3A_1679 : i32 to vector<16xi32>
        %sub3A_1681 = arith.subi %shift_right_logical3A_1677, %sub3A_1680 : vector<16xi32>
        %mul3A_1682 = arith.constant 1000 : i32
        %mul3A_1683 = vector.broadcast %mul3A_1682 : i32 to vector<16xi32>
        %mul3A_1684 = arith.muli %sub3A_1681, %mul3A_1683 : vector<16xi32>
        %lt3A_1685 = arith.constant 6 : i32
        %lt3A_1686 = vector.broadcast %lt3A_1685 : i32 to vector<16xi32>
        %lt3A_1687 = arith.cmpi slt, %sub3A_1681, %lt3A_1686 : vector<16xi32>
        %jit3A_1688 = arith.constant 0 : i32
        %broadcast_in_dim3A_1689 = vector.broadcast %jit3A_1688 : i32 to vector<16xi32>
        %broadcast_in_dim3A_1690 = vector.broadcast %mul3A_8 : i32 to vector<16xi32>
        %select_n3A_1691 = arith.select %lt3A_1687, %broadcast_in_dim3A_1689, %broadcast_in_dim3A_1690 : vector<16xi1>, vector<16xi32>
        %add3A_1692 = arith.addi %mul3A_1684, %select_n3A_1691 : vector<16xi32>
        %mul3A_1693 = arith.constant 64 : i32
        %mul3A_1694 = arith.muli %add3A_1630, %mul3A_1693 : i32
        %add3A_1695 = arith.constant 16 : i32
        %add3A_1696 = arith.addi %mul3A_1694, %add3A_1695 : i32
        %get3A_1697 = arith.index_cast %add3A_1696 : i32 to index
        %get3A_1698 = tpu.vector_load %arg5[%get3A_1697] {strides = array<i32>} : memref<13312xi32, #tpu.memory_space<vmem>>, vector<16xi32>,
        %get3A_1699 = vector.shape_cast %get3A_1698 : vector<16xi32> to vector<16xi32>
        %add3A_1700 = arith.addi %get3A_1699, %add3A_1692 : vector<16xi32>
        %swap3A_1701 = arith.index_cast %add3A_1696 : i32 to index
        %swap3A_1702 = tpu.vector_load %arg5[%swap3A_1701] {strides = array<i32>} : memref<13312xi32, #tpu.memory_space<vmem>>, vector<16xi32>,
        %swap3A_1703 = vector.shape_cast %swap3A_1702 : vector<16xi32> to vector<16xi32>
        %swap3A_1704 = vector.shape_cast %add3A_1700 : vector<16xi32> to vector<16xi32>
        tpu.vector_store %arg5[%swap3A_1701], %swap3A_1704 {strides = array<i32>} : memref<13312xi32, #tpu.memory_space<vmem>>, vector<16xi32>,
        %mul3A_1705 = arith.constant 64 : i32
        %mul3A_1706 = arith.muli %add3A_1630, %mul3A_1705 : i32
        %add3A_1707 = arith.addi %mul3A_4, %mul3A_1706 : i32
        %add3A_1708 = arith.constant 32 : i32
        %add3A_1709 = arith.addi %add3A_1707, %add3A_1708 : i32
        %add3A_1710 = vector.broadcast %add3A_1709 : i32 to vector<16xi32>
        %add3A_1711 = arith.addi %add3A_1710, %iota3A : vector<16xi32>
        %shift_right_logical3A_1712 = arith.constant 14 : i32
        %shift_right_logical3A_1713 = vector.broadcast %shift_right_logical3A_1712 : i32 to vector<16xi32>
        %shift_right_logical3A_1714 = arith.shrui %add3A_1711, %shift_right_logical3A_1713 : vector<16xi32>
        %mul3A_1715 = arith.constant 13 : i32
        %mul3A_1716 = arith.muli %arg0, %mul3A_1715 : i32
        %sub3A_1717 = vector.broadcast %mul3A_1716 : i32 to vector<16xi32>
        %sub3A_1718 = arith.subi %shift_right_logical3A_1714, %sub3A_1717 : vector<16xi32>
        %mul3A_1719 = arith.constant 1000 : i32
        %mul3A_1720 = vector.broadcast %mul3A_1719 : i32 to vector<16xi32>
        %mul3A_1721 = arith.muli %sub3A_1718, %mul3A_1720 : vector<16xi32>
        %lt3A_1722 = arith.constant 6 : i32
        %lt3A_1723 = vector.broadcast %lt3A_1722 : i32 to vector<16xi32>
        %lt3A_1724 = arith.cmpi slt, %sub3A_1718, %lt3A_1723 : vector<16xi32>
        %jit3A_1725 = arith.constant 0 : i32
        %broadcast_in_dim3A_1726 = vector.broadcast %jit3A_1725 : i32 to vector<16xi32>
        %broadcast_in_dim3A_1727 = vector.broadcast %mul3A_8 : i32 to vector<16xi32>
        %select_n3A_1728 = arith.select %lt3A_1724, %broadcast_in_dim3A_1726, %broadcast_in_dim3A_1727 : vector<16xi1>, vector<16xi32>
        %add3A_1729 = arith.addi %mul3A_1721, %select_n3A_1728 : vector<16xi32>
        %mul3A_1730 = arith.constant 64 : i32
        %mul3A_1731 = arith.muli %add3A_1630, %mul3A_1730 : i32
        %add3A_1732 = arith.constant 32 : i32
        %add3A_1733 = arith.addi %mul3A_1731, %add3A_1732 : i32
        %get3A_1734 = arith.index_cast %add3A_1733 : i32 to index
        %get3A_1735 = tpu.vector_load %arg5[%get3A_1734] {strides = array<i32>} : memref<13312xi32, #tpu.memory_space<vmem>>, vector<16xi32>,
        %get3A_1736 = vector.shape_cast %get3A_1735 : vector<16xi32> to vector<16xi32>
        %add3A_1737 = arith.addi %get3A_1736, %add3A_1729 : vector<16xi32>
        %swap3A_1738 = arith.index_cast %add3A_1733 : i32 to index
        %swap3A_1739 = tpu.vector_load %arg5[%swap3A_1738] {strides = array<i32>} : memref<13312xi32, #tpu.memory_space<vmem>>, vector<16xi32>,
        %swap3A_1740 = vector.shape_cast %swap3A_1739 : vector<16xi32> to vector<16xi32>
        %swap3A_1741 = vector.shape_cast %add3A_1737 : vector<16xi32> to vector<16xi32>
        tpu.vector_store %arg5[%swap3A_1738], %swap3A_1741 {strides = array<i32>} : memref<13312xi32, #tpu.memory_space<vmem>>, vector<16xi32>,
        %mul3A_1742 = arith.constant 64 : i32
        %mul3A_1743 = arith.muli %add3A_1630, %mul3A_1742 : i32
        %add3A_1744 = arith.addi %mul3A_4, %mul3A_1743 : i32
        %add3A_1745 = arith.constant 48 : i32
        %add3A_1746 = arith.addi %add3A_1744, %add3A_1745 : i32
        %add3A_1747 = vector.broadcast %add3A_1746 : i32 to vector<16xi32>
        %add3A_1748 = arith.addi %add3A_1747, %iota3A : vector<16xi32>
        %shift_right_logical3A_1749 = arith.constant 14 : i32
        %shift_right_logical3A_1750 = vector.broadcast %shift_right_logical3A_1749 : i32 to vector<16xi32>
        %shift_right_logical3A_1751 = arith.shrui %add3A_1748, %shift_right_logical3A_1750 : vector<16xi32>
        %mul3A_1752 = arith.constant 13 : i32
        %mul3A_1753 = arith.muli %arg0, %mul3A_1752 : i32
        %sub3A_1754 = vector.broadcast %mul3A_1753 : i32 to vector<16xi32>
        %sub3A_1755 = arith.subi %shift_right_logical3A_1751, %sub3A_1754 : vector<16xi32>
        %mul3A_1756 = arith.constant 1000 : i32
        %mul3A_1757 = vector.broadcast %mul3A_1756 : i32 to vector<16xi32>
        %mul3A_1758 = arith.muli %sub3A_1755, %mul3A_1757 : vector<16xi32>
        %lt3A_1759 = arith.constant 6 : i32
        %lt3A_1760 = vector.broadcast %lt3A_1759 : i32 to vector<16xi32>
        %lt3A_1761 = arith.cmpi slt, %sub3A_1755, %lt3A_1760 : vector<16xi32>
        %jit3A_1762 = arith.constant 0 : i32
        %broadcast_in_dim3A_1763 = vector.broadcast %jit3A_1762 : i32 to vector<16xi32>
        %broadcast_in_dim3A_1764 = vector.broadcast %mul3A_8 : i32 to vector<16xi32>
        %select_n3A_1765 = arith.select %lt3A_1761, %broadcast_in_dim3A_1763, %broadcast_in_dim3A_1764 : vector<16xi1>, vector<16xi32>
        %add3A_1766 = arith.addi %mul3A_1758, %select_n3A_1765 : vector<16xi32>
        %mul3A_1767 = arith.constant 64 : i32
        %mul3A_1768 = arith.muli %add3A_1630, %mul3A_1767 : i32
        %add3A_1769 = arith.constant 48 : i32
        %add3A_1770 = arith.addi %mul3A_1768, %add3A_1769 : i32
        %get3A_1771 = arith.index_cast %add3A_1770 : i32 to index
        %get3A_1772 = tpu.vector_load %arg5[%get3A_1771] {strides = array<i32>} : memref<13312xi32, #tpu.memory_space<vmem>>, vector<16xi32>,
        %get3A_1773 = vector.shape_cast %get3A_1772 : vector<16xi32> to vector<16xi32>
        %add3A_1774 = arith.addi %get3A_1773, %add3A_1766 : vector<16xi32>
        %swap3A_1775 = arith.index_cast %add3A_1770 : i32 to index
        %swap3A_1776 = tpu.vector_load %arg5[%swap3A_1775] {strides = array<i32>} : memref<13312xi32, #tpu.memory_space<vmem>>, vector<16xi32>,
        %swap3A_1777 = vector.shape_cast %swap3A_1776 : vector<16xi32> to vector<16xi32>
        %swap3A_1778 = vector.shape_cast %add3A_1774 : vector<16xi32> to vector<16xi32>
        tpu.vector_store %arg5[%swap3A_1775], %swap3A_1778 {strides = array<i32>} : memref<13312xi32, #tpu.memory_space<vmem>>, vector<16xi32>,
        %dma_wait3A_1779 = arith.constant 4 : i32
        %dma_wait3A_1780 = arith.constant 0 : i32
        %dma_wait3A_1781 = arith.constant 0 : i32
        %dma_wait3A_1782 = tpu.memref_slice %arg6[%dma_wait3A_1779, %dma_wait3A_1780, %dma_wait3A_1781] : memref<8x64x128xf32, #tpu.memory_space<vmem>> -> memref<1x64x128xf32, #tpu.memory_space<vmem>>
        %dma_wait3A_1783 = tpu.memref_squeeze %dma_wait3A_1782 : memref<1x64x128xf32, #tpu.memory_space<vmem>> -> memref<64x128xf32, #tpu.memory_space<vmem>>
        %dma_wait3A_1784 = arith.constant 0 : i32
        %dma_wait3A_1785 = arith.constant 0 : i32
        %dma_wait3A_1786 = tpu.memref_slice %arg4[%dma_wait3A_1784, %dma_wait3A_1785] : memref<425984x128xf32, #tpu.memory_space<hbm>> -> memref<64x128xf32, #tpu.memory_space<hbm>>
        %dma_wait3A_1787 = arith.constant 0 : i32
        %dma_wait3A_1788 = arith.constant 0 : i32
        %dma_wait3A_1789 = tpu.memref_slice %arg4[%dma_wait3A_1787, %dma_wait3A_1788] : memref<425984x128xf32, #tpu.memory_space<hbm>> -> memref<64x128xf32, #tpu.memory_space<hbm>>
        %dma_wait3A_1790 = arith.constant 0 : i32
        %dma_wait3A_1791 = arith.constant 0 : i32
        %dma_wait3A_1792 = tpu.memref_slice %arg6[%dma_wait3A_1779, %dma_wait3A_1790, %dma_wait3A_1791] : memref<8x64x128xf32, #tpu.memory_space<vmem>> -> memref<1x64x128xf32, #tpu.memory_space<vmem>>
        %dma_wait3A_1793 = tpu.memref_squeeze %dma_wait3A_1792 : memref<1x64x128xf32, #tpu.memory_space<vmem>> -> memref<64x128xf32, #tpu.memory_space<vmem>>
        tpu.wait_dma2 semaphore(%arg20 : memref<!tpu.dma_semaphore, #tpu.memory_space<semaphore_mem>>) src(%dma_wait3A_1793 : memref<64x128xf32, #tpu.memory_space<vmem>>) dst(%dma_wait3A_1789 : memref<64x128xf32, #tpu.memory_space<hbm>>)
        %add3A_1794 = arith.constant 8 : i32
        %add3A_1795 = arith.addi %add3A_1490, %add3A_1794 : i32
        %mul3A_1796 = arith.constant 64 : i32
        %mul3A_1797 = arith.muli %add3A_1795, %mul3A_1796 : i32
        %add3A_1798 = arith.addi %mul3A_4, %mul3A_1797 : i32
        %shift_right_logical3A_1799 = arith.constant 14 : i32
        %shift_right_logical3A_1800 = arith.shrui %add3A_1798, %shift_right_logical3A_1799 : i32
        %mul3A_1801 = arith.constant 13 : i32
        %mul3A_1802 = arith.muli %arg0, %mul3A_1801 : i32
        %sub3A_1803 = arith.subi %shift_right_logical3A_1800, %mul3A_1802 : i32
        %lt3A_1804 = arith.constant 6 : i32
        %lt3A_1805 = arith.cmpi slt, %sub3A_1803, %lt3A_1804 : i32
        %convert_element_type3A_1806 = arith.extui %lt3A_1805 : i1 to i32
        %cond3A_1807 = arith.constant 0 : i32
        %cond3A_1808 = arith.cmpi ne, %convert_element_type3A_1806, %cond3A_1807 : i32
        scf.if %cond3A_1808 {
          %mul3A_1822 = arith.constant 64 : i32
          %mul3A_1823 = arith.muli %add3A_1795, %mul3A_1822 : i32
          %dma_start3A_1824 = arith.constant 4 : i32
          %dma_start3A_1825 = arith.constant 0 : i32
          %dma_start3A_1826 = arith.constant 0 : i32
          %dma_start3A_1827 = tpu.memref_slice %arg6[%dma_start3A_1824, %dma_start3A_1825, %dma_start3A_1826] : memref<8x64x128xf32, #tpu.memory_space<vmem>> -> memref<1x64x128xf32, #tpu.memory_space<vmem>>
          %dma_start3A_1828 = tpu.memref_squeeze %dma_start3A_1827 : memref<1x64x128xf32, #tpu.memory_space<vmem>> -> memref<64x128xf32, #tpu.memory_space<vmem>>
          %dma_start3A_1829 = tpu.memref_slice %arg5[%mul3A_1823] : memref<13312xi32, #tpu.memory_space<vmem>> -> memref<64xi32, #tpu.memory_space<vmem>>
          %dma_start3A_1830 = arith.constant 0 : i32
          %dma_start3A_1831 = arith.constant 0 : i32
          %dma_start3A_1832 = tpu.memref_slice %arg7[%dma_start3A_1830, %dma_start3A_1831] : memref<6000x128xf32, #tpu.memory_space<vmem_shared>> -> memref<6000x128xf32, #tpu.memory_space<vmem_shared>>
          tpu.enqueue_indirect_dma source(%dma_start3A_1832 : memref<6000x128xf32, #tpu.memory_space<vmem_shared>>) target(%dma_start3A_1828 : memref<64x128xf32, #tpu.memory_space<vmem>>) offsets(%dma_start3A_1829 : memref<64xi32, #tpu.memory_space<vmem>>) semaphore(%arg12 : memref<!tpu.dma_semaphore, #tpu.memory_space<semaphore_mem>>)
        } else {
        }
        %mul3A_1809 = arith.constant 64 : i32
        %mul3A_1810 = arith.muli %add3A_1795, %mul3A_1809 : i32
        %add3A_1811 = arith.addi %mul3A_4, %mul3A_1810 : i32
        %shift_right_logical3A_1812 = arith.constant 14 : i32
        %shift_right_logical3A_1813 = arith.shrui %add3A_1811, %shift_right_logical3A_1812 : i32
        %mul3A_1814 = arith.constant 13 : i32
        %mul3A_1815 = arith.muli %arg0, %mul3A_1814 : i32
        %sub3A_1816 = arith.subi %shift_right_logical3A_1813, %mul3A_1815 : i32
        %ge3A_1817 = arith.constant 6 : i32
        %ge3A_1818 = arith.cmpi sge, %sub3A_1816, %ge3A_1817 : i32
        %convert_element_type3A_1819 = arith.extui %ge3A_1818 : i1 to i32
        %cond3A_1820 = arith.constant 0 : i32
        %cond3A_1821 = arith.cmpi ne, %convert_element_type3A_1819, %cond3A_1820 : i32
        scf.if %cond3A_1821 {
          %mul3A_1822 = arith.constant 64 : i32
          %mul3A_1823 = arith.muli %add3A_1795, %mul3A_1822 : i32
          %dma_start3A_1824 = arith.constant 4 : i32
          %dma_start3A_1825 = arith.constant 0 : i32
          %dma_start3A_1826 = arith.constant 0 : i32
          %dma_start3A_1827 = tpu.memref_slice %arg6[%dma_start3A_1824, %dma_start3A_1825, %dma_start3A_1826] : memref<8x64x128xf32, #tpu.memory_space<vmem>> -> memref<1x64x128xf32, #tpu.memory_space<vmem>>
          %dma_start3A_1828 = tpu.memref_squeeze %dma_start3A_1827 : memref<1x64x128xf32, #tpu.memory_space<vmem>> -> memref<64x128xf32, #tpu.memory_space<vmem>>
          %dma_start3A_1829 = tpu.memref_slice %arg5[%mul3A_1823] : memref<13312xi32, #tpu.memory_space<vmem>> -> memref<64xi32, #tpu.memory_space<vmem>>
          %dma_start3A_1830 = arith.constant 0 : i32
          %dma_start3A_1831 = arith.constant 0 : i32
          %dma_start3A_1832 = tpu.memref_slice %arg3[%dma_start3A_1830, %dma_start3A_1831] : memref<26000x128xf32, #tpu.memory_space<hbm>> -> memref<26000x128xf32, #tpu.memory_space<hbm>>
          tpu.enqueue_indirect_dma source(%dma_start3A_1832 : memref<26000x128xf32, #tpu.memory_space<hbm>>) target(%dma_start3A_1828 : memref<64x128xf32, #tpu.memory_space<vmem>>) offsets(%dma_start3A_1829 : memref<64xi32, #tpu.memory_space<vmem>>) semaphore(%arg12 : memref<!tpu.dma_semaphore, #tpu.memory_space<semaphore_mem>>)
        } else {
        }
      } else {
      }
      %add3A_1524 = arith.constant 5 : i32
      %add3A_1525 = arith.addi %add3A_1349, %add3A_1524 : i32
      %dma_wait3A_1526 = arith.constant 5 : i32
      %dma_wait3A_1527 = arith.constant 0 : i32
      %dma_wait3A_1528 = arith.constant 0 : i32
      %dma_wait3A_1529 = tpu.memref_slice %arg6[%dma_wait3A_1526, %dma_wait3A_1527, %dma_wait3A_1528] : memref<8x64x128xf32, #tpu.memory_space<vmem>> -> memref<1x64x128xf32, #tpu.memory_space<vmem>>
      %dma_wait3A_1530 = tpu.memref_squeeze %dma_wait3A_1529 : memref<1x64x128xf32, #tpu.memory_space<vmem>> -> memref<64x128xf32, #tpu.memory_space<vmem>>
      %dma_wait3A_1531 = arith.constant 0 : i32
      %dma_wait3A_1532 = tpu.memref_slice %arg5[%dma_wait3A_1531] : memref<13312xi32, #tpu.memory_space<vmem>> -> memref<64xi32, #tpu.memory_space<vmem>>
      %dma_wait3A_1533 = arith.constant 0 : i32
      %dma_wait3A_1534 = arith.constant 0 : i32
      %dma_wait3A_1535 = tpu.memref_slice %arg3[%dma_wait3A_1533, %dma_wait3A_1534] : memref<26000x128xf32, #tpu.memory_space<hbm>> -> memref<26000x128xf32, #tpu.memory_space<hbm>>
      tpu.wait_indirect_dma semaphore(%arg13 : memref<!tpu.dma_semaphore, #tpu.memory_space<semaphore_mem>>) src(%dma_wait3A_1535 : memref<26000x128xf32, #tpu.memory_space<hbm>>) dst(%dma_wait3A_1530 : memref<64x128xf32, #tpu.memory_space<vmem>>)
      %mul3A_1536 = arith.constant 64 : i32
      %mul3A_1537 = arith.muli %add3A_1525, %mul3A_1536 : i32
      %add3A_1538 = arith.addi %mul3A_4, %mul3A_1537 : i32
      %dma_start3A_1539 = arith.constant 5 : i32
      %dma_start3A_1540 = arith.constant 0 : i32
      %dma_start3A_1541 = arith.constant 0 : i32
      %dma_start3A_1542 = tpu.memref_slice %arg6[%dma_start3A_1539, %dma_start3A_1540, %dma_start3A_1541] : memref<8x64x128xf32, #tpu.memory_space<vmem>> -> memref<1x64x128xf32, #tpu.memory_space<vmem>>
      %dma_start3A_1543 = tpu.memref_squeeze %dma_start3A_1542 : memref<1x64x128xf32, #tpu.memory_space<vmem>> -> memref<64x128xf32, #tpu.memory_space<vmem>>
      %dma_start3A_1544 = arith.constant 0 : i32
      %dma_start3A_1545 = tpu.memref_slice %arg4[%add3A_1538, %dma_start3A_1544] : memref<425984x128xf32, #tpu.memory_space<hbm>> -> memref<64x128xf32, #tpu.memory_space<hbm>>
      %dma_start3A_1546 = arith.constant 0 : i32
      %dma_start3A_1547 = tpu.memref_slice %arg4[%add3A_1538, %dma_start3A_1546] : memref<425984x128xf32, #tpu.memory_space<hbm>> -> memref<64x128xf32, #tpu.memory_space<hbm>>
      %dma_start3A_1548 = arith.constant 0 : i32
      %dma_start3A_1549 = arith.constant 0 : i32
      %dma_start3A_1550 = tpu.memref_slice %arg6[%dma_start3A_1539, %dma_start3A_1548, %dma_start3A_1549] : memref<8x64x128xf32, #tpu.memory_space<vmem>> -> memref<1x64x128xf32, #tpu.memory_space<vmem>>
      %dma_start3A_1551 = tpu.memref_squeeze %dma_start3A_1550 : memref<1x64x128xf32, #tpu.memory_space<vmem>> -> memref<64x128xf32, #tpu.memory_space<vmem>>
      tpu.enqueue_dma source(%dma_start3A_1551 : memref<64x128xf32, #tpu.memory_space<vmem>>) target(%dma_start3A_1547 : memref<64x128xf32, #tpu.memory_space<hbm>>) target_semaphore(%arg21 : memref<!tpu.dma_semaphore, #tpu.memory_space<semaphore_mem>>)
      %add3A_1552 = arith.constant 8 : i32
      %add3A_1553 = arith.addi %add3A_1349, %add3A_1552 : i32
      %lt3A_1554 = arith.constant 208 : i32
      %lt3A_1555 = arith.cmpi slt, %add3A_1553, %lt3A_1554 : i32
      %convert_element_type3A_1556 = arith.extui %lt3A_1555 : i1 to i32
      %cond3A_1557 = arith.constant 0 : i32
      %cond3A_1558 = arith.cmpi ne, %convert_element_type3A_1556, %cond3A_1557 : i32
      scf.if %cond3A_1558 {
        %add3A_1629 = arith.constant 8 : i32
        %add3A_1630 = arith.addi %add3A_1525, %add3A_1629 : i32
        %mul3A_1631 = arith.constant 64 : i32
        %mul3A_1632 = arith.muli %add3A_1630, %mul3A_1631 : i32
        %add3A_1633 = arith.addi %mul3A_4, %mul3A_1632 : i32
        %add3A_1634 = arith.constant 0 : i32
        %add3A_1635 = arith.addi %add3A_1633, %add3A_1634 : i32
        %add3A_1636 = vector.broadcast %add3A_1635 : i32 to vector<16xi32>
        %add3A_1637 = arith.addi %add3A_1636, %iota3A : vector<16xi32>
        %shift_right_logical3A_1638 = arith.constant 14 : i32
        %shift_right_logical3A_1639 = vector.broadcast %shift_right_logical3A_1638 : i32 to vector<16xi32>
        %shift_right_logical3A_1640 = arith.shrui %add3A_1637, %shift_right_logical3A_1639 : vector<16xi32>
        %mul3A_1641 = arith.constant 13 : i32
        %mul3A_1642 = arith.muli %arg0, %mul3A_1641 : i32
        %sub3A_1643 = vector.broadcast %mul3A_1642 : i32 to vector<16xi32>
        %sub3A_1644 = arith.subi %shift_right_logical3A_1640, %sub3A_1643 : vector<16xi32>
        %mul3A_1645 = arith.constant 1000 : i32
        %mul3A_1646 = vector.broadcast %mul3A_1645 : i32 to vector<16xi32>
        %mul3A_1647 = arith.muli %sub3A_1644, %mul3A_1646 : vector<16xi32>
        %lt3A_1648 = arith.constant 6 : i32
        %lt3A_1649 = vector.broadcast %lt3A_1648 : i32 to vector<16xi32>
        %lt3A_1650 = arith.cmpi slt, %sub3A_1644, %lt3A_1649 : vector<16xi32>
        %jit3A_1651 = arith.constant 0 : i32
        %broadcast_in_dim3A_1652 = vector.broadcast %jit3A_1651 : i32 to vector<16xi32>
        %broadcast_in_dim3A_1653 = vector.broadcast %mul3A_8 : i32 to vector<16xi32>
        %select_n3A_1654 = arith.select %lt3A_1650, %broadcast_in_dim3A_1652, %broadcast_in_dim3A_1653 : vector<16xi1>, vector<16xi32>
        %add3A_1655 = arith.addi %mul3A_1647, %select_n3A_1654 : vector<16xi32>
        %mul3A_1656 = arith.constant 64 : i32
        %mul3A_1657 = arith.muli %add3A_1630, %mul3A_1656 : i32
        %add3A_1658 = arith.constant 0 : i32
        %add3A_1659 = arith.addi %mul3A_1657, %add3A_1658 : i32
        %get3A_1660 = arith.index_cast %add3A_1659 : i32 to index
        %get3A_1661 = tpu.vector_load %arg5[%get3A_1660] {strides = array<i32>} : memref<13312xi32, #tpu.memory_space<vmem>>, vector<16xi32>,
        %get3A_1662 = vector.shape_cast %get3A_1661 : vector<16xi32> to vector<16xi32>
        %add3A_1663 = arith.addi %get3A_1662, %add3A_1655 : vector<16xi32>
        %swap3A_1664 = arith.index_cast %add3A_1659 : i32 to index
        %swap3A_1665 = tpu.vector_load %arg5[%swap3A_1664] {strides = array<i32>} : memref<13312xi32, #tpu.memory_space<vmem>>, vector<16xi32>,
        %swap3A_1666 = vector.shape_cast %swap3A_1665 : vector<16xi32> to vector<16xi32>
        %swap3A_1667 = vector.shape_cast %add3A_1663 : vector<16xi32> to vector<16xi32>
        tpu.vector_store %arg5[%swap3A_1664], %swap3A_1667 {strides = array<i32>} : memref<13312xi32, #tpu.memory_space<vmem>>, vector<16xi32>,
        %mul3A_1668 = arith.constant 64 : i32
        %mul3A_1669 = arith.muli %add3A_1630, %mul3A_1668 : i32
        %add3A_1670 = arith.addi %mul3A_4, %mul3A_1669 : i32
        %add3A_1671 = arith.constant 16 : i32
        %add3A_1672 = arith.addi %add3A_1670, %add3A_1671 : i32
        %add3A_1673 = vector.broadcast %add3A_1672 : i32 to vector<16xi32>
        %add3A_1674 = arith.addi %add3A_1673, %iota3A : vector<16xi32>
        %shift_right_logical3A_1675 = arith.constant 14 : i32
        %shift_right_logical3A_1676 = vector.broadcast %shift_right_logical3A_1675 : i32 to vector<16xi32>
        %shift_right_logical3A_1677 = arith.shrui %add3A_1674, %shift_right_logical3A_1676 : vector<16xi32>
        %mul3A_1678 = arith.constant 13 : i32
        %mul3A_1679 = arith.muli %arg0, %mul3A_1678 : i32
        %sub3A_1680 = vector.broadcast %mul3A_1679 : i32 to vector<16xi32>
        %sub3A_1681 = arith.subi %shift_right_logical3A_1677, %sub3A_1680 : vector<16xi32>
        %mul3A_1682 = arith.constant 1000 : i32
        %mul3A_1683 = vector.broadcast %mul3A_1682 : i32 to vector<16xi32>
        %mul3A_1684 = arith.muli %sub3A_1681, %mul3A_1683 : vector<16xi32>
        %lt3A_1685 = arith.constant 6 : i32
        %lt3A_1686 = vector.broadcast %lt3A_1685 : i32 to vector<16xi32>
        %lt3A_1687 = arith.cmpi slt, %sub3A_1681, %lt3A_1686 : vector<16xi32>
        %jit3A_1688 = arith.constant 0 : i32
        %broadcast_in_dim3A_1689 = vector.broadcast %jit3A_1688 : i32 to vector<16xi32>
        %broadcast_in_dim3A_1690 = vector.broadcast %mul3A_8 : i32 to vector<16xi32>
        %select_n3A_1691 = arith.select %lt3A_1687, %broadcast_in_dim3A_1689, %broadcast_in_dim3A_1690 : vector<16xi1>, vector<16xi32>
        %add3A_1692 = arith.addi %mul3A_1684, %select_n3A_1691 : vector<16xi32>
        %mul3A_1693 = arith.constant 64 : i32
        %mul3A_1694 = arith.muli %add3A_1630, %mul3A_1693 : i32
        %add3A_1695 = arith.constant 16 : i32
        %add3A_1696 = arith.addi %mul3A_1694, %add3A_1695 : i32
        %get3A_1697 = arith.index_cast %add3A_1696 : i32 to index
        %get3A_1698 = tpu.vector_load %arg5[%get3A_1697] {strides = array<i32>} : memref<13312xi32, #tpu.memory_space<vmem>>, vector<16xi32>,
        %get3A_1699 = vector.shape_cast %get3A_1698 : vector<16xi32> to vector<16xi32>
        %add3A_1700 = arith.addi %get3A_1699, %add3A_1692 : vector<16xi32>
        %swap3A_1701 = arith.index_cast %add3A_1696 : i32 to index
        %swap3A_1702 = tpu.vector_load %arg5[%swap3A_1701] {strides = array<i32>} : memref<13312xi32, #tpu.memory_space<vmem>>, vector<16xi32>,
        %swap3A_1703 = vector.shape_cast %swap3A_1702 : vector<16xi32> to vector<16xi32>
        %swap3A_1704 = vector.shape_cast %add3A_1700 : vector<16xi32> to vector<16xi32>
        tpu.vector_store %arg5[%swap3A_1701], %swap3A_1704 {strides = array<i32>} : memref<13312xi32, #tpu.memory_space<vmem>>, vector<16xi32>,
        %mul3A_1705 = arith.constant 64 : i32
        %mul3A_1706 = arith.muli %add3A_1630, %mul3A_1705 : i32
        %add3A_1707 = arith.addi %mul3A_4, %mul3A_1706 : i32
        %add3A_1708 = arith.constant 32 : i32
        %add3A_1709 = arith.addi %add3A_1707, %add3A_1708 : i32
        %add3A_1710 = vector.broadcast %add3A_1709 : i32 to vector<16xi32>
        %add3A_1711 = arith.addi %add3A_1710, %iota3A : vector<16xi32>
        %shift_right_logical3A_1712 = arith.constant 14 : i32
        %shift_right_logical3A_1713 = vector.broadcast %shift_right_logical3A_1712 : i32 to vector<16xi32>
        %shift_right_logical3A_1714 = arith.shrui %add3A_1711, %shift_right_logical3A_1713 : vector<16xi32>
        %mul3A_1715 = arith.constant 13 : i32
        %mul3A_1716 = arith.muli %arg0, %mul3A_1715 : i32
        %sub3A_1717 = vector.broadcast %mul3A_1716 : i32 to vector<16xi32>
        %sub3A_1718 = arith.subi %shift_right_logical3A_1714, %sub3A_1717 : vector<16xi32>
        %mul3A_1719 = arith.constant 1000 : i32
        %mul3A_1720 = vector.broadcast %mul3A_1719 : i32 to vector<16xi32>
        %mul3A_1721 = arith.muli %sub3A_1718, %mul3A_1720 : vector<16xi32>
        %lt3A_1722 = arith.constant 6 : i32
        %lt3A_1723 = vector.broadcast %lt3A_1722 : i32 to vector<16xi32>
        %lt3A_1724 = arith.cmpi slt, %sub3A_1718, %lt3A_1723 : vector<16xi32>
        %jit3A_1725 = arith.constant 0 : i32
        %broadcast_in_dim3A_1726 = vector.broadcast %jit3A_1725 : i32 to vector<16xi32>
        %broadcast_in_dim3A_1727 = vector.broadcast %mul3A_8 : i32 to vector<16xi32>
        %select_n3A_1728 = arith.select %lt3A_1724, %broadcast_in_dim3A_1726, %broadcast_in_dim3A_1727 : vector<16xi1>, vector<16xi32>
        %add3A_1729 = arith.addi %mul3A_1721, %select_n3A_1728 : vector<16xi32>
        %mul3A_1730 = arith.constant 64 : i32
        %mul3A_1731 = arith.muli %add3A_1630, %mul3A_1730 : i32
        %add3A_1732 = arith.constant 32 : i32
        %add3A_1733 = arith.addi %mul3A_1731, %add3A_1732 : i32
        %get3A_1734 = arith.index_cast %add3A_1733 : i32 to index
        %get3A_1735 = tpu.vector_load %arg5[%get3A_1734] {strides = array<i32>} : memref<13312xi32, #tpu.memory_space<vmem>>, vector<16xi32>,
        %get3A_1736 = vector.shape_cast %get3A_1735 : vector<16xi32> to vector<16xi32>
        %add3A_1737 = arith.addi %get3A_1736, %add3A_1729 : vector<16xi32>
        %swap3A_1738 = arith.index_cast %add3A_1733 : i32 to index
        %swap3A_1739 = tpu.vector_load %arg5[%swap3A_1738] {strides = array<i32>} : memref<13312xi32, #tpu.memory_space<vmem>>, vector<16xi32>,
        %swap3A_1740 = vector.shape_cast %swap3A_1739 : vector<16xi32> to vector<16xi32>
        %swap3A_1741 = vector.shape_cast %add3A_1737 : vector<16xi32> to vector<16xi32>
        tpu.vector_store %arg5[%swap3A_1738], %swap3A_1741 {strides = array<i32>} : memref<13312xi32, #tpu.memory_space<vmem>>, vector<16xi32>,
        %mul3A_1742 = arith.constant 64 : i32
        %mul3A_1743 = arith.muli %add3A_1630, %mul3A_1742 : i32
        %add3A_1744 = arith.addi %mul3A_4, %mul3A_1743 : i32
        %add3A_1745 = arith.constant 48 : i32
        %add3A_1746 = arith.addi %add3A_1744, %add3A_1745 : i32
        %add3A_1747 = vector.broadcast %add3A_1746 : i32 to vector<16xi32>
        %add3A_1748 = arith.addi %add3A_1747, %iota3A : vector<16xi32>
        %shift_right_logical3A_1749 = arith.constant 14 : i32
        %shift_right_logical3A_1750 = vector.broadcast %shift_right_logical3A_1749 : i32 to vector<16xi32>
        %shift_right_logical3A_1751 = arith.shrui %add3A_1748, %shift_right_logical3A_1750 : vector<16xi32>
        %mul3A_1752 = arith.constant 13 : i32
        %mul3A_1753 = arith.muli %arg0, %mul3A_1752 : i32
        %sub3A_1754 = vector.broadcast %mul3A_1753 : i32 to vector<16xi32>
        %sub3A_1755 = arith.subi %shift_right_logical3A_1751, %sub3A_1754 : vector<16xi32>
        %mul3A_1756 = arith.constant 1000 : i32
        %mul3A_1757 = vector.broadcast %mul3A_1756 : i32 to vector<16xi32>
        %mul3A_1758 = arith.muli %sub3A_1755, %mul3A_1757 : vector<16xi32>
        %lt3A_1759 = arith.constant 6 : i32
        %lt3A_1760 = vector.broadcast %lt3A_1759 : i32 to vector<16xi32>
        %lt3A_1761 = arith.cmpi slt, %sub3A_1755, %lt3A_1760 : vector<16xi32>
        %jit3A_1762 = arith.constant 0 : i32
        %broadcast_in_dim3A_1763 = vector.broadcast %jit3A_1762 : i32 to vector<16xi32>
        %broadcast_in_dim3A_1764 = vector.broadcast %mul3A_8 : i32 to vector<16xi32>
        %select_n3A_1765 = arith.select %lt3A_1761, %broadcast_in_dim3A_1763, %broadcast_in_dim3A_1764 : vector<16xi1>, vector<16xi32>
        %add3A_1766 = arith.addi %mul3A_1758, %select_n3A_1765 : vector<16xi32>
        %mul3A_1767 = arith.constant 64 : i32
        %mul3A_1768 = arith.muli %add3A_1630, %mul3A_1767 : i32
        %add3A_1769 = arith.constant 48 : i32
        %add3A_1770 = arith.addi %mul3A_1768, %add3A_1769 : i32
        %get3A_1771 = arith.index_cast %add3A_1770 : i32 to index
        %get3A_1772 = tpu.vector_load %arg5[%get3A_1771] {strides = array<i32>} : memref<13312xi32, #tpu.memory_space<vmem>>, vector<16xi32>,
        %get3A_1773 = vector.shape_cast %get3A_1772 : vector<16xi32> to vector<16xi32>
        %add3A_1774 = arith.addi %get3A_1773, %add3A_1766 : vector<16xi32>
        %swap3A_1775 = arith.index_cast %add3A_1770 : i32 to index
        %swap3A_1776 = tpu.vector_load %arg5[%swap3A_1775] {strides = array<i32>} : memref<13312xi32, #tpu.memory_space<vmem>>, vector<16xi32>,
        %swap3A_1777 = vector.shape_cast %swap3A_1776 : vector<16xi32> to vector<16xi32>
        %swap3A_1778 = vector.shape_cast %add3A_1774 : vector<16xi32> to vector<16xi32>
        tpu.vector_store %arg5[%swap3A_1775], %swap3A_1778 {strides = array<i32>} : memref<13312xi32, #tpu.memory_space<vmem>>, vector<16xi32>,
        %dma_wait3A_1779 = arith.constant 5 : i32
        %dma_wait3A_1780 = arith.constant 0 : i32
        %dma_wait3A_1781 = arith.constant 0 : i32
        %dma_wait3A_1782 = tpu.memref_slice %arg6[%dma_wait3A_1779, %dma_wait3A_1780, %dma_wait3A_1781] : memref<8x64x128xf32, #tpu.memory_space<vmem>> -> memref<1x64x128xf32, #tpu.memory_space<vmem>>
        %dma_wait3A_1783 = tpu.memref_squeeze %dma_wait3A_1782 : memref<1x64x128xf32, #tpu.memory_space<vmem>> -> memref<64x128xf32, #tpu.memory_space<vmem>>
        %dma_wait3A_1784 = arith.constant 0 : i32
        %dma_wait3A_1785 = arith.constant 0 : i32
        %dma_wait3A_1786 = tpu.memref_slice %arg4[%dma_wait3A_1784, %dma_wait3A_1785] : memref<425984x128xf32, #tpu.memory_space<hbm>> -> memref<64x128xf32, #tpu.memory_space<hbm>>
        %dma_wait3A_1787 = arith.constant 0 : i32
        %dma_wait3A_1788 = arith.constant 0 : i32
        %dma_wait3A_1789 = tpu.memref_slice %arg4[%dma_wait3A_1787, %dma_wait3A_1788] : memref<425984x128xf32, #tpu.memory_space<hbm>> -> memref<64x128xf32, #tpu.memory_space<hbm>>
        %dma_wait3A_1790 = arith.constant 0 : i32
        %dma_wait3A_1791 = arith.constant 0 : i32
        %dma_wait3A_1792 = tpu.memref_slice %arg6[%dma_wait3A_1779, %dma_wait3A_1790, %dma_wait3A_1791] : memref<8x64x128xf32, #tpu.memory_space<vmem>> -> memref<1x64x128xf32, #tpu.memory_space<vmem>>
        %dma_wait3A_1793 = tpu.memref_squeeze %dma_wait3A_1792 : memref<1x64x128xf32, #tpu.memory_space<vmem>> -> memref<64x128xf32, #tpu.memory_space<vmem>>
        tpu.wait_dma2 semaphore(%arg21 : memref<!tpu.dma_semaphore, #tpu.memory_space<semaphore_mem>>) src(%dma_wait3A_1793 : memref<64x128xf32, #tpu.memory_space<vmem>>) dst(%dma_wait3A_1789 : memref<64x128xf32, #tpu.memory_space<hbm>>)
        %add3A_1794 = arith.constant 8 : i32
        %add3A_1795 = arith.addi %add3A_1525, %add3A_1794 : i32
        %mul3A_1796 = arith.constant 64 : i32
        %mul3A_1797 = arith.muli %add3A_1795, %mul3A_1796 : i32
        %add3A_1798 = arith.addi %mul3A_4, %mul3A_1797 : i32
        %shift_right_logical3A_1799 = arith.constant 14 : i32
        %shift_right_logical3A_1800 = arith.shrui %add3A_1798, %shift_right_logical3A_1799 : i32
        %mul3A_1801 = arith.constant 13 : i32
        %mul3A_1802 = arith.muli %arg0, %mul3A_1801 : i32
        %sub3A_1803 = arith.subi %shift_right_logical3A_1800, %mul3A_1802 : i32
        %lt3A_1804 = arith.constant 6 : i32
        %lt3A_1805 = arith.cmpi slt, %sub3A_1803, %lt3A_1804 : i32
        %convert_element_type3A_1806 = arith.extui %lt3A_1805 : i1 to i32
        %cond3A_1807 = arith.constant 0 : i32
        %cond3A_1808 = arith.cmpi ne, %convert_element_type3A_1806, %cond3A_1807 : i32
        scf.if %cond3A_1808 {
          %mul3A_1822 = arith.constant 64 : i32
          %mul3A_1823 = arith.muli %add3A_1795, %mul3A_1822 : i32
          %dma_start3A_1824 = arith.constant 5 : i32
          %dma_start3A_1825 = arith.constant 0 : i32
          %dma_start3A_1826 = arith.constant 0 : i32
          %dma_start3A_1827 = tpu.memref_slice %arg6[%dma_start3A_1824, %dma_start3A_1825, %dma_start3A_1826] : memref<8x64x128xf32, #tpu.memory_space<vmem>> -> memref<1x64x128xf32, #tpu.memory_space<vmem>>
          %dma_start3A_1828 = tpu.memref_squeeze %dma_start3A_1827 : memref<1x64x128xf32, #tpu.memory_space<vmem>> -> memref<64x128xf32, #tpu.memory_space<vmem>>
          %dma_start3A_1829 = tpu.memref_slice %arg5[%mul3A_1823] : memref<13312xi32, #tpu.memory_space<vmem>> -> memref<64xi32, #tpu.memory_space<vmem>>
          %dma_start3A_1830 = arith.constant 0 : i32
          %dma_start3A_1831 = arith.constant 0 : i32
          %dma_start3A_1832 = tpu.memref_slice %arg7[%dma_start3A_1830, %dma_start3A_1831] : memref<6000x128xf32, #tpu.memory_space<vmem_shared>> -> memref<6000x128xf32, #tpu.memory_space<vmem_shared>>
          tpu.enqueue_indirect_dma source(%dma_start3A_1832 : memref<6000x128xf32, #tpu.memory_space<vmem_shared>>) target(%dma_start3A_1828 : memref<64x128xf32, #tpu.memory_space<vmem>>) offsets(%dma_start3A_1829 : memref<64xi32, #tpu.memory_space<vmem>>) semaphore(%arg13 : memref<!tpu.dma_semaphore, #tpu.memory_space<semaphore_mem>>)
        } else {
        }
        %mul3A_1809 = arith.constant 64 : i32
        %mul3A_1810 = arith.muli %add3A_1795, %mul3A_1809 : i32
        %add3A_1811 = arith.addi %mul3A_4, %mul3A_1810 : i32
        %shift_right_logical3A_1812 = arith.constant 14 : i32
        %shift_right_logical3A_1813 = arith.shrui %add3A_1811, %shift_right_logical3A_1812 : i32
        %mul3A_1814 = arith.constant 13 : i32
        %mul3A_1815 = arith.muli %arg0, %mul3A_1814 : i32
        %sub3A_1816 = arith.subi %shift_right_logical3A_1813, %mul3A_1815 : i32
        %ge3A_1817 = arith.constant 6 : i32
        %ge3A_1818 = arith.cmpi sge, %sub3A_1816, %ge3A_1817 : i32
        %convert_element_type3A_1819 = arith.extui %ge3A_1818 : i1 to i32
        %cond3A_1820 = arith.constant 0 : i32
        %cond3A_1821 = arith.cmpi ne, %convert_element_type3A_1819, %cond3A_1820 : i32
        scf.if %cond3A_1821 {
          %mul3A_1822 = arith.constant 64 : i32
          %mul3A_1823 = arith.muli %add3A_1795, %mul3A_1822 : i32
          %dma_start3A_1824 = arith.constant 5 : i32
          %dma_start3A_1825 = arith.constant 0 : i32
          %dma_start3A_1826 = arith.constant 0 : i32
          %dma_start3A_1827 = tpu.memref_slice %arg6[%dma_start3A_1824, %dma_start3A_1825, %dma_start3A_1826] : memref<8x64x128xf32, #tpu.memory_space<vmem>> -> memref<1x64x128xf32, #tpu.memory_space<vmem>>
          %dma_start3A_1828 = tpu.memref_squeeze %dma_start3A_1827 : memref<1x64x128xf32, #tpu.memory_space<vmem>> -> memref<64x128xf32, #tpu.memory_space<vmem>>
          %dma_start3A_1829 = tpu.memref_slice %arg5[%mul3A_1823] : memref<13312xi32, #tpu.memory_space<vmem>> -> memref<64xi32, #tpu.memory_space<vmem>>
          %dma_start3A_1830 = arith.constant 0 : i32
          %dma_start3A_1831 = arith.constant 0 : i32
          %dma_start3A_1832 = tpu.memref_slice %arg3[%dma_start3A_1830, %dma_start3A_1831] : memref<26000x128xf32, #tpu.memory_space<hbm>> -> memref<26000x128xf32, #tpu.memory_space<hbm>>
          tpu.enqueue_indirect_dma source(%dma_start3A_1832 : memref<26000x128xf32, #tpu.memory_space<hbm>>) target(%dma_start3A_1828 : memref<64x128xf32, #tpu.memory_space<vmem>>) offsets(%dma_start3A_1829 : memref<64xi32, #tpu.memory_space<vmem>>) semaphore(%arg13 : memref<!tpu.dma_semaphore, #tpu.memory_space<semaphore_mem>>)
        } else {
        }
      } else {
      }
      %add3A_1559 = arith.constant 6 : i32
      %add3A_1560 = arith.addi %add3A_1349, %add3A_1559 : i32
      %dma_wait3A_1561 = arith.constant 6 : i32
      %dma_wait3A_1562 = arith.constant 0 : i32
      %dma_wait3A_1563 = arith.constant 0 : i32
      %dma_wait3A_1564 = tpu.memref_slice %arg6[%dma_wait3A_1561, %dma_wait3A_1562, %dma_wait3A_1563] : memref<8x64x128xf32, #tpu.memory_space<vmem>> -> memref<1x64x128xf32, #tpu.memory_space<vmem>>
      %dma_wait3A_1565 = tpu.memref_squeeze %dma_wait3A_1564 : memref<1x64x128xf32, #tpu.memory_space<vmem>> -> memref<64x128xf32, #tpu.memory_space<vmem>>
      %dma_wait3A_1566 = arith.constant 0 : i32
      %dma_wait3A_1567 = tpu.memref_slice %arg5[%dma_wait3A_1566] : memref<13312xi32, #tpu.memory_space<vmem>> -> memref<64xi32, #tpu.memory_space<vmem>>
      %dma_wait3A_1568 = arith.constant 0 : i32
      %dma_wait3A_1569 = arith.constant 0 : i32
      %dma_wait3A_1570 = tpu.memref_slice %arg3[%dma_wait3A_1568, %dma_wait3A_1569] : memref<26000x128xf32, #tpu.memory_space<hbm>> -> memref<26000x128xf32, #tpu.memory_space<hbm>>
      tpu.wait_indirect_dma semaphore(%arg14 : memref<!tpu.dma_semaphore, #tpu.memory_space<semaphore_mem>>) src(%dma_wait3A_1570 : memref<26000x128xf32, #tpu.memory_space<hbm>>) dst(%dma_wait3A_1565 : memref<64x128xf32, #tpu.memory_space<vmem>>)
      %mul3A_1571 = arith.constant 64 : i32
      %mul3A_1572 = arith.muli %add3A_1560, %mul3A_1571 : i32
      %add3A_1573 = arith.addi %mul3A_4, %mul3A_1572 : i32
      %dma_start3A_1574 = arith.constant 6 : i32
      %dma_start3A_1575 = arith.constant 0 : i32
      %dma_start3A_1576 = arith.constant 0 : i32
      %dma_start3A_1577 = tpu.memref_slice %arg6[%dma_start3A_1574, %dma_start3A_1575, %dma_start3A_1576] : memref<8x64x128xf32, #tpu.memory_space<vmem>> -> memref<1x64x128xf32, #tpu.memory_space<vmem>>
      %dma_start3A_1578 = tpu.memref_squeeze %dma_start3A_1577 : memref<1x64x128xf32, #tpu.memory_space<vmem>> -> memref<64x128xf32, #tpu.memory_space<vmem>>
      %dma_start3A_1579 = arith.constant 0 : i32
      %dma_start3A_1580 = tpu.memref_slice %arg4[%add3A_1573, %dma_start3A_1579] : memref<425984x128xf32, #tpu.memory_space<hbm>> -> memref<64x128xf32, #tpu.memory_space<hbm>>
      %dma_start3A_1581 = arith.constant 0 : i32
      %dma_start3A_1582 = tpu.memref_slice %arg4[%add3A_1573, %dma_start3A_1581] : memref<425984x128xf32, #tpu.memory_space<hbm>> -> memref<64x128xf32, #tpu.memory_space<hbm>>
      %dma_start3A_1583 = arith.constant 0 : i32
      %dma_start3A_1584 = arith.constant 0 : i32
      %dma_start3A_1585 = tpu.memref_slice %arg6[%dma_start3A_1574, %dma_start3A_1583, %dma_start3A_1584] : memref<8x64x128xf32, #tpu.memory_space<vmem>> -> memref<1x64x128xf32, #tpu.memory_space<vmem>>
      %dma_start3A_1586 = tpu.memref_squeeze %dma_start3A_1585 : memref<1x64x128xf32, #tpu.memory_space<vmem>> -> memref<64x128xf32, #tpu.memory_space<vmem>>
      tpu.enqueue_dma source(%dma_start3A_1586 : memref<64x128xf32, #tpu.memory_space<vmem>>) target(%dma_start3A_1582 : memref<64x128xf32, #tpu.memory_space<hbm>>) target_semaphore(%arg22 : memref<!tpu.dma_semaphore, #tpu.memory_space<semaphore_mem>>)
      %add3A_1587 = arith.constant 8 : i32
      %add3A_1588 = arith.addi %add3A_1349, %add3A_1587 : i32
      %lt3A_1589 = arith.constant 208 : i32
      %lt3A_1590 = arith.cmpi slt, %add3A_1588, %lt3A_1589 : i32
      %convert_element_type3A_1591 = arith.extui %lt3A_1590 : i1 to i32
      %cond3A_1592 = arith.constant 0 : i32
      %cond3A_1593 = arith.cmpi ne, %convert_element_type3A_1591, %cond3A_1592 : i32
      scf.if %cond3A_1593 {
        %add3A_1629 = arith.constant 8 : i32
        %add3A_1630 = arith.addi %add3A_1560, %add3A_1629 : i32
        %mul3A_1631 = arith.constant 64 : i32
        %mul3A_1632 = arith.muli %add3A_1630, %mul3A_1631 : i32
        %add3A_1633 = arith.addi %mul3A_4, %mul3A_1632 : i32
        %add3A_1634 = arith.constant 0 : i32
        %add3A_1635 = arith.addi %add3A_1633, %add3A_1634 : i32
        %add3A_1636 = vector.broadcast %add3A_1635 : i32 to vector<16xi32>
        %add3A_1637 = arith.addi %add3A_1636, %iota3A : vector<16xi32>
        %shift_right_logical3A_1638 = arith.constant 14 : i32
        %shift_right_logical3A_1639 = vector.broadcast %shift_right_logical3A_1638 : i32 to vector<16xi32>
        %shift_right_logical3A_1640 = arith.shrui %add3A_1637, %shift_right_logical3A_1639 : vector<16xi32>
        %mul3A_1641 = arith.constant 13 : i32
        %mul3A_1642 = arith.muli %arg0, %mul3A_1641 : i32
        %sub3A_1643 = vector.broadcast %mul3A_1642 : i32 to vector<16xi32>
        %sub3A_1644 = arith.subi %shift_right_logical3A_1640, %sub3A_1643 : vector<16xi32>
        %mul3A_1645 = arith.constant 1000 : i32
        %mul3A_1646 = vector.broadcast %mul3A_1645 : i32 to vector<16xi32>
        %mul3A_1647 = arith.muli %sub3A_1644, %mul3A_1646 : vector<16xi32>
        %lt3A_1648 = arith.constant 6 : i32
        %lt3A_1649 = vector.broadcast %lt3A_1648 : i32 to vector<16xi32>
        %lt3A_1650 = arith.cmpi slt, %sub3A_1644, %lt3A_1649 : vector<16xi32>
        %jit3A_1651 = arith.constant 0 : i32
        %broadcast_in_dim3A_1652 = vector.broadcast %jit3A_1651 : i32 to vector<16xi32>
        %broadcast_in_dim3A_1653 = vector.broadcast %mul3A_8 : i32 to vector<16xi32>
        %select_n3A_1654 = arith.select %lt3A_1650, %broadcast_in_dim3A_1652, %broadcast_in_dim3A_1653 : vector<16xi1>, vector<16xi32>
        %add3A_1655 = arith.addi %mul3A_1647, %select_n3A_1654 : vector<16xi32>
        %mul3A_1656 = arith.constant 64 : i32
        %mul3A_1657 = arith.muli %add3A_1630, %mul3A_1656 : i32
        %add3A_1658 = arith.constant 0 : i32
        %add3A_1659 = arith.addi %mul3A_1657, %add3A_1658 : i32
        %get3A_1660 = arith.index_cast %add3A_1659 : i32 to index
        %get3A_1661 = tpu.vector_load %arg5[%get3A_1660] {strides = array<i32>} : memref<13312xi32, #tpu.memory_space<vmem>>, vector<16xi32>,
        %get3A_1662 = vector.shape_cast %get3A_1661 : vector<16xi32> to vector<16xi32>
        %add3A_1663 = arith.addi %get3A_1662, %add3A_1655 : vector<16xi32>
        %swap3A_1664 = arith.index_cast %add3A_1659 : i32 to index
        %swap3A_1665 = tpu.vector_load %arg5[%swap3A_1664] {strides = array<i32>} : memref<13312xi32, #tpu.memory_space<vmem>>, vector<16xi32>,
        %swap3A_1666 = vector.shape_cast %swap3A_1665 : vector<16xi32> to vector<16xi32>
        %swap3A_1667 = vector.shape_cast %add3A_1663 : vector<16xi32> to vector<16xi32>
        tpu.vector_store %arg5[%swap3A_1664], %swap3A_1667 {strides = array<i32>} : memref<13312xi32, #tpu.memory_space<vmem>>, vector<16xi32>,
        %mul3A_1668 = arith.constant 64 : i32
        %mul3A_1669 = arith.muli %add3A_1630, %mul3A_1668 : i32
        %add3A_1670 = arith.addi %mul3A_4, %mul3A_1669 : i32
        %add3A_1671 = arith.constant 16 : i32
        %add3A_1672 = arith.addi %add3A_1670, %add3A_1671 : i32
        %add3A_1673 = vector.broadcast %add3A_1672 : i32 to vector<16xi32>
        %add3A_1674 = arith.addi %add3A_1673, %iota3A : vector<16xi32>
        %shift_right_logical3A_1675 = arith.constant 14 : i32
        %shift_right_logical3A_1676 = vector.broadcast %shift_right_logical3A_1675 : i32 to vector<16xi32>
        %shift_right_logical3A_1677 = arith.shrui %add3A_1674, %shift_right_logical3A_1676 : vector<16xi32>
        %mul3A_1678 = arith.constant 13 : i32
        %mul3A_1679 = arith.muli %arg0, %mul3A_1678 : i32
        %sub3A_1680 = vector.broadcast %mul3A_1679 : i32 to vector<16xi32>
        %sub3A_1681 = arith.subi %shift_right_logical3A_1677, %sub3A_1680 : vector<16xi32>
        %mul3A_1682 = arith.constant 1000 : i32
        %mul3A_1683 = vector.broadcast %mul3A_1682 : i32 to vector<16xi32>
        %mul3A_1684 = arith.muli %sub3A_1681, %mul3A_1683 : vector<16xi32>
        %lt3A_1685 = arith.constant 6 : i32
        %lt3A_1686 = vector.broadcast %lt3A_1685 : i32 to vector<16xi32>
        %lt3A_1687 = arith.cmpi slt, %sub3A_1681, %lt3A_1686 : vector<16xi32>
        %jit3A_1688 = arith.constant 0 : i32
        %broadcast_in_dim3A_1689 = vector.broadcast %jit3A_1688 : i32 to vector<16xi32>
        %broadcast_in_dim3A_1690 = vector.broadcast %mul3A_8 : i32 to vector<16xi32>
        %select_n3A_1691 = arith.select %lt3A_1687, %broadcast_in_dim3A_1689, %broadcast_in_dim3A_1690 : vector<16xi1>, vector<16xi32>
        %add3A_1692 = arith.addi %mul3A_1684, %select_n3A_1691 : vector<16xi32>
        %mul3A_1693 = arith.constant 64 : i32
        %mul3A_1694 = arith.muli %add3A_1630, %mul3A_1693 : i32
        %add3A_1695 = arith.constant 16 : i32
        %add3A_1696 = arith.addi %mul3A_1694, %add3A_1695 : i32
        %get3A_1697 = arith.index_cast %add3A_1696 : i32 to index
        %get3A_1698 = tpu.vector_load %arg5[%get3A_1697] {strides = array<i32>} : memref<13312xi32, #tpu.memory_space<vmem>>, vector<16xi32>,
        %get3A_1699 = vector.shape_cast %get3A_1698 : vector<16xi32> to vector<16xi32>
        %add3A_1700 = arith.addi %get3A_1699, %add3A_1692 : vector<16xi32>
        %swap3A_1701 = arith.index_cast %add3A_1696 : i32 to index
        %swap3A_1702 = tpu.vector_load %arg5[%swap3A_1701] {strides = array<i32>} : memref<13312xi32, #tpu.memory_space<vmem>>, vector<16xi32>,
        %swap3A_1703 = vector.shape_cast %swap3A_1702 : vector<16xi32> to vector<16xi32>
        %swap3A_1704 = vector.shape_cast %add3A_1700 : vector<16xi32> to vector<16xi32>
        tpu.vector_store %arg5[%swap3A_1701], %swap3A_1704 {strides = array<i32>} : memref<13312xi32, #tpu.memory_space<vmem>>, vector<16xi32>,
        %mul3A_1705 = arith.constant 64 : i32
        %mul3A_1706 = arith.muli %add3A_1630, %mul3A_1705 : i32
        %add3A_1707 = arith.addi %mul3A_4, %mul3A_1706 : i32
        %add3A_1708 = arith.constant 32 : i32
        %add3A_1709 = arith.addi %add3A_1707, %add3A_1708 : i32
        %add3A_1710 = vector.broadcast %add3A_1709 : i32 to vector<16xi32>
        %add3A_1711 = arith.addi %add3A_1710, %iota3A : vector<16xi32>
        %shift_right_logical3A_1712 = arith.constant 14 : i32
        %shift_right_logical3A_1713 = vector.broadcast %shift_right_logical3A_1712 : i32 to vector<16xi32>
        %shift_right_logical3A_1714 = arith.shrui %add3A_1711, %shift_right_logical3A_1713 : vector<16xi32>
        %mul3A_1715 = arith.constant 13 : i32
        %mul3A_1716 = arith.muli %arg0, %mul3A_1715 : i32
        %sub3A_1717 = vector.broadcast %mul3A_1716 : i32 to vector<16xi32>
        %sub3A_1718 = arith.subi %shift_right_logical3A_1714, %sub3A_1717 : vector<16xi32>
        %mul3A_1719 = arith.constant 1000 : i32
        %mul3A_1720 = vector.broadcast %mul3A_1719 : i32 to vector<16xi32>
        %mul3A_1721 = arith.muli %sub3A_1718, %mul3A_1720 : vector<16xi32>
        %lt3A_1722 = arith.constant 6 : i32
        %lt3A_1723 = vector.broadcast %lt3A_1722 : i32 to vector<16xi32>
        %lt3A_1724 = arith.cmpi slt, %sub3A_1718, %lt3A_1723 : vector<16xi32>
        %jit3A_1725 = arith.constant 0 : i32
        %broadcast_in_dim3A_1726 = vector.broadcast %jit3A_1725 : i32 to vector<16xi32>
        %broadcast_in_dim3A_1727 = vector.broadcast %mul3A_8 : i32 to vector<16xi32>
        %select_n3A_1728 = arith.select %lt3A_1724, %broadcast_in_dim3A_1726, %broadcast_in_dim3A_1727 : vector<16xi1>, vector<16xi32>
        %add3A_1729 = arith.addi %mul3A_1721, %select_n3A_1728 : vector<16xi32>
        %mul3A_1730 = arith.constant 64 : i32
        %mul3A_1731 = arith.muli %add3A_1630, %mul3A_1730 : i32
        %add3A_1732 = arith.constant 32 : i32
        %add3A_1733 = arith.addi %mul3A_1731, %add3A_1732 : i32
        %get3A_1734 = arith.index_cast %add3A_1733 : i32 to index
        %get3A_1735 = tpu.vector_load %arg5[%get3A_1734] {strides = array<i32>} : memref<13312xi32, #tpu.memory_space<vmem>>, vector<16xi32>,
        %get3A_1736 = vector.shape_cast %get3A_1735 : vector<16xi32> to vector<16xi32>
        %add3A_1737 = arith.addi %get3A_1736, %add3A_1729 : vector<16xi32>
        %swap3A_1738 = arith.index_cast %add3A_1733 : i32 to index
        %swap3A_1739 = tpu.vector_load %arg5[%swap3A_1738] {strides = array<i32>} : memref<13312xi32, #tpu.memory_space<vmem>>, vector<16xi32>,
        %swap3A_1740 = vector.shape_cast %swap3A_1739 : vector<16xi32> to vector<16xi32>
        %swap3A_1741 = vector.shape_cast %add3A_1737 : vector<16xi32> to vector<16xi32>
        tpu.vector_store %arg5[%swap3A_1738], %swap3A_1741 {strides = array<i32>} : memref<13312xi32, #tpu.memory_space<vmem>>, vector<16xi32>,
        %mul3A_1742 = arith.constant 64 : i32
        %mul3A_1743 = arith.muli %add3A_1630, %mul3A_1742 : i32
        %add3A_1744 = arith.addi %mul3A_4, %mul3A_1743 : i32
        %add3A_1745 = arith.constant 48 : i32
        %add3A_1746 = arith.addi %add3A_1744, %add3A_1745 : i32
        %add3A_1747 = vector.broadcast %add3A_1746 : i32 to vector<16xi32>
        %add3A_1748 = arith.addi %add3A_1747, %iota3A : vector<16xi32>
        %shift_right_logical3A_1749 = arith.constant 14 : i32
        %shift_right_logical3A_1750 = vector.broadcast %shift_right_logical3A_1749 : i32 to vector<16xi32>
        %shift_right_logical3A_1751 = arith.shrui %add3A_1748, %shift_right_logical3A_1750 : vector<16xi32>
        %mul3A_1752 = arith.constant 13 : i32
        %mul3A_1753 = arith.muli %arg0, %mul3A_1752 : i32
        %sub3A_1754 = vector.broadcast %mul3A_1753 : i32 to vector<16xi32>
        %sub3A_1755 = arith.subi %shift_right_logical3A_1751, %sub3A_1754 : vector<16xi32>
        %mul3A_1756 = arith.constant 1000 : i32
        %mul3A_1757 = vector.broadcast %mul3A_1756 : i32 to vector<16xi32>
        %mul3A_1758 = arith.muli %sub3A_1755, %mul3A_1757 : vector<16xi32>
        %lt3A_1759 = arith.constant 6 : i32
        %lt3A_1760 = vector.broadcast %lt3A_1759 : i32 to vector<16xi32>
        %lt3A_1761 = arith.cmpi slt, %sub3A_1755, %lt3A_1760 : vector<16xi32>
        %jit3A_1762 = arith.constant 0 : i32
        %broadcast_in_dim3A_1763 = vector.broadcast %jit3A_1762 : i32 to vector<16xi32>
        %broadcast_in_dim3A_1764 = vector.broadcast %mul3A_8 : i32 to vector<16xi32>
        %select_n3A_1765 = arith.select %lt3A_1761, %broadcast_in_dim3A_1763, %broadcast_in_dim3A_1764 : vector<16xi1>, vector<16xi32>
        %add3A_1766 = arith.addi %mul3A_1758, %select_n3A_1765 : vector<16xi32>
        %mul3A_1767 = arith.constant 64 : i32
        %mul3A_1768 = arith.muli %add3A_1630, %mul3A_1767 : i32
        %add3A_1769 = arith.constant 48 : i32
        %add3A_1770 = arith.addi %mul3A_1768, %add3A_1769 : i32
        %get3A_1771 = arith.index_cast %add3A_1770 : i32 to index
        %get3A_1772 = tpu.vector_load %arg5[%get3A_1771] {strides = array<i32>} : memref<13312xi32, #tpu.memory_space<vmem>>, vector<16xi32>,
        %get3A_1773 = vector.shape_cast %get3A_1772 : vector<16xi32> to vector<16xi32>
        %add3A_1774 = arith.addi %get3A_1773, %add3A_1766 : vector<16xi32>
        %swap3A_1775 = arith.index_cast %add3A_1770 : i32 to index
        %swap3A_1776 = tpu.vector_load %arg5[%swap3A_1775] {strides = array<i32>} : memref<13312xi32, #tpu.memory_space<vmem>>, vector<16xi32>,
        %swap3A_1777 = vector.shape_cast %swap3A_1776 : vector<16xi32> to vector<16xi32>
        %swap3A_1778 = vector.shape_cast %add3A_1774 : vector<16xi32> to vector<16xi32>
        tpu.vector_store %arg5[%swap3A_1775], %swap3A_1778 {strides = array<i32>} : memref<13312xi32, #tpu.memory_space<vmem>>, vector<16xi32>,
        %dma_wait3A_1779 = arith.constant 6 : i32
        %dma_wait3A_1780 = arith.constant 0 : i32
        %dma_wait3A_1781 = arith.constant 0 : i32
        %dma_wait3A_1782 = tpu.memref_slice %arg6[%dma_wait3A_1779, %dma_wait3A_1780, %dma_wait3A_1781] : memref<8x64x128xf32, #tpu.memory_space<vmem>> -> memref<1x64x128xf32, #tpu.memory_space<vmem>>
        %dma_wait3A_1783 = tpu.memref_squeeze %dma_wait3A_1782 : memref<1x64x128xf32, #tpu.memory_space<vmem>> -> memref<64x128xf32, #tpu.memory_space<vmem>>
        %dma_wait3A_1784 = arith.constant 0 : i32
        %dma_wait3A_1785 = arith.constant 0 : i32
        %dma_wait3A_1786 = tpu.memref_slice %arg4[%dma_wait3A_1784, %dma_wait3A_1785] : memref<425984x128xf32, #tpu.memory_space<hbm>> -> memref<64x128xf32, #tpu.memory_space<hbm>>
        %dma_wait3A_1787 = arith.constant 0 : i32
        %dma_wait3A_1788 = arith.constant 0 : i32
        %dma_wait3A_1789 = tpu.memref_slice %arg4[%dma_wait3A_1787, %dma_wait3A_1788] : memref<425984x128xf32, #tpu.memory_space<hbm>> -> memref<64x128xf32, #tpu.memory_space<hbm>>
        %dma_wait3A_1790 = arith.constant 0 : i32
        %dma_wait3A_1791 = arith.constant 0 : i32
        %dma_wait3A_1792 = tpu.memref_slice %arg6[%dma_wait3A_1779, %dma_wait3A_1790, %dma_wait3A_1791] : memref<8x64x128xf32, #tpu.memory_space<vmem>> -> memref<1x64x128xf32, #tpu.memory_space<vmem>>
        %dma_wait3A_1793 = tpu.memref_squeeze %dma_wait3A_1792 : memref<1x64x128xf32, #tpu.memory_space<vmem>> -> memref<64x128xf32, #tpu.memory_space<vmem>>
        tpu.wait_dma2 semaphore(%arg22 : memref<!tpu.dma_semaphore, #tpu.memory_space<semaphore_mem>>) src(%dma_wait3A_1793 : memref<64x128xf32, #tpu.memory_space<vmem>>) dst(%dma_wait3A_1789 : memref<64x128xf32, #tpu.memory_space<hbm>>)
        %add3A_1794 = arith.constant 8 : i32
        %add3A_1795 = arith.addi %add3A_1560, %add3A_1794 : i32
        %mul3A_1796 = arith.constant 64 : i32
        %mul3A_1797 = arith.muli %add3A_1795, %mul3A_1796 : i32
        %add3A_1798 = arith.addi %mul3A_4, %mul3A_1797 : i32
        %shift_right_logical3A_1799 = arith.constant 14 : i32
        %shift_right_logical3A_1800 = arith.shrui %add3A_1798, %shift_right_logical3A_1799 : i32
        %mul3A_1801 = arith.constant 13 : i32
        %mul3A_1802 = arith.muli %arg0, %mul3A_1801 : i32
        %sub3A_1803 = arith.subi %shift_right_logical3A_1800, %mul3A_1802 : i32
        %lt3A_1804 = arith.constant 6 : i32
        %lt3A_1805 = arith.cmpi slt, %sub3A_1803, %lt3A_1804 : i32
        %convert_element_type3A_1806 = arith.extui %lt3A_1805 : i1 to i32
        %cond3A_1807 = arith.constant 0 : i32
        %cond3A_1808 = arith.cmpi ne, %convert_element_type3A_1806, %cond3A_1807 : i32
        scf.if %cond3A_1808 {
          %mul3A_1822 = arith.constant 64 : i32
          %mul3A_1823 = arith.muli %add3A_1795, %mul3A_1822 : i32
          %dma_start3A_1824 = arith.constant 6 : i32
          %dma_start3A_1825 = arith.constant 0 : i32
          %dma_start3A_1826 = arith.constant 0 : i32
          %dma_start3A_1827 = tpu.memref_slice %arg6[%dma_start3A_1824, %dma_start3A_1825, %dma_start3A_1826] : memref<8x64x128xf32, #tpu.memory_space<vmem>> -> memref<1x64x128xf32, #tpu.memory_space<vmem>>
          %dma_start3A_1828 = tpu.memref_squeeze %dma_start3A_1827 : memref<1x64x128xf32, #tpu.memory_space<vmem>> -> memref<64x128xf32, #tpu.memory_space<vmem>>
          %dma_start3A_1829 = tpu.memref_slice %arg5[%mul3A_1823] : memref<13312xi32, #tpu.memory_space<vmem>> -> memref<64xi32, #tpu.memory_space<vmem>>
          %dma_start3A_1830 = arith.constant 0 : i32
          %dma_start3A_1831 = arith.constant 0 : i32
          %dma_start3A_1832 = tpu.memref_slice %arg7[%dma_start3A_1830, %dma_start3A_1831] : memref<6000x128xf32, #tpu.memory_space<vmem_shared>> -> memref<6000x128xf32, #tpu.memory_space<vmem_shared>>
          tpu.enqueue_indirect_dma source(%dma_start3A_1832 : memref<6000x128xf32, #tpu.memory_space<vmem_shared>>) target(%dma_start3A_1828 : memref<64x128xf32, #tpu.memory_space<vmem>>) offsets(%dma_start3A_1829 : memref<64xi32, #tpu.memory_space<vmem>>) semaphore(%arg14 : memref<!tpu.dma_semaphore, #tpu.memory_space<semaphore_mem>>)
        } else {
        }
        %mul3A_1809 = arith.constant 64 : i32
        %mul3A_1810 = arith.muli %add3A_1795, %mul3A_1809 : i32
        %add3A_1811 = arith.addi %mul3A_4, %mul3A_1810 : i32
        %shift_right_logical3A_1812 = arith.constant 14 : i32
        %shift_right_logical3A_1813 = arith.shrui %add3A_1811, %shift_right_logical3A_1812 : i32
        %mul3A_1814 = arith.constant 13 : i32
        %mul3A_1815 = arith.muli %arg0, %mul3A_1814 : i32
        %sub3A_1816 = arith.subi %shift_right_logical3A_1813, %mul3A_1815 : i32
        %ge3A_1817 = arith.constant 6 : i32
        %ge3A_1818 = arith.cmpi sge, %sub3A_1816, %ge3A_1817 : i32
        %convert_element_type3A_1819 = arith.extui %ge3A_1818 : i1 to i32
        %cond3A_1820 = arith.constant 0 : i32
        %cond3A_1821 = arith.cmpi ne, %convert_element_type3A_1819, %cond3A_1820 : i32
        scf.if %cond3A_1821 {
          %mul3A_1822 = arith.constant 64 : i32
          %mul3A_1823 = arith.muli %add3A_1795, %mul3A_1822 : i32
          %dma_start3A_1824 = arith.constant 6 : i32
          %dma_start3A_1825 = arith.constant 0 : i32
          %dma_start3A_1826 = arith.constant 0 : i32
          %dma_start3A_1827 = tpu.memref_slice %arg6[%dma_start3A_1824, %dma_start3A_1825, %dma_start3A_1826] : memref<8x64x128xf32, #tpu.memory_space<vmem>> -> memref<1x64x128xf32, #tpu.memory_space<vmem>>
          %dma_start3A_1828 = tpu.memref_squeeze %dma_start3A_1827 : memref<1x64x128xf32, #tpu.memory_space<vmem>> -> memref<64x128xf32, #tpu.memory_space<vmem>>
          %dma_start3A_1829 = tpu.memref_slice %arg5[%mul3A_1823] : memref<13312xi32, #tpu.memory_space<vmem>> -> memref<64xi32, #tpu.memory_space<vmem>>
          %dma_start3A_1830 = arith.constant 0 : i32
          %dma_start3A_1831 = arith.constant 0 : i32
          %dma_start3A_1832 = tpu.memref_slice %arg3[%dma_start3A_1830, %dma_start3A_1831] : memref<26000x128xf32, #tpu.memory_space<hbm>> -> memref<26000x128xf32, #tpu.memory_space<hbm>>
          tpu.enqueue_indirect_dma source(%dma_start3A_1832 : memref<26000x128xf32, #tpu.memory_space<hbm>>) target(%dma_start3A_1828 : memref<64x128xf32, #tpu.memory_space<vmem>>) offsets(%dma_start3A_1829 : memref<64xi32, #tpu.memory_space<vmem>>) semaphore(%arg14 : memref<!tpu.dma_semaphore, #tpu.memory_space<semaphore_mem>>)
        } else {
        }
      } else {
      }
      %add3A_1594 = arith.constant 7 : i32
      %add3A_1595 = arith.addi %add3A_1349, %add3A_1594 : i32
      %dma_wait3A_1596 = arith.constant 7 : i32
      %dma_wait3A_1597 = arith.constant 0 : i32
      %dma_wait3A_1598 = arith.constant 0 : i32
      %dma_wait3A_1599 = tpu.memref_slice %arg6[%dma_wait3A_1596, %dma_wait3A_1597, %dma_wait3A_1598] : memref<8x64x128xf32, #tpu.memory_space<vmem>> -> memref<1x64x128xf32, #tpu.memory_space<vmem>>
      %dma_wait3A_1600 = tpu.memref_squeeze %dma_wait3A_1599 : memref<1x64x128xf32, #tpu.memory_space<vmem>> -> memref<64x128xf32, #tpu.memory_space<vmem>>
      %dma_wait3A_1601 = arith.constant 0 : i32
      %dma_wait3A_1602 = tpu.memref_slice %arg5[%dma_wait3A_1601] : memref<13312xi32, #tpu.memory_space<vmem>> -> memref<64xi32, #tpu.memory_space<vmem>>
      %dma_wait3A_1603 = arith.constant 0 : i32
      %dma_wait3A_1604 = arith.constant 0 : i32
      %dma_wait3A_1605 = tpu.memref_slice %arg3[%dma_wait3A_1603, %dma_wait3A_1604] : memref<26000x128xf32, #tpu.memory_space<hbm>> -> memref<26000x128xf32, #tpu.memory_space<hbm>>
      tpu.wait_indirect_dma semaphore(%arg15 : memref<!tpu.dma_semaphore, #tpu.memory_space<semaphore_mem>>) src(%dma_wait3A_1605 : memref<26000x128xf32, #tpu.memory_space<hbm>>) dst(%dma_wait3A_1600 : memref<64x128xf32, #tpu.memory_space<vmem>>)
      %mul3A_1606 = arith.constant 64 : i32
      %mul3A_1607 = arith.muli %add3A_1595, %mul3A_1606 : i32
      %add3A_1608 = arith.addi %mul3A_4, %mul3A_1607 : i32
      %dma_start3A_1609 = arith.constant 7 : i32
      %dma_start3A_1610 = arith.constant 0 : i32
      %dma_start3A_1611 = arith.constant 0 : i32
      %dma_start3A_1612 = tpu.memref_slice %arg6[%dma_start3A_1609, %dma_start3A_1610, %dma_start3A_1611] : memref<8x64x128xf32, #tpu.memory_space<vmem>> -> memref<1x64x128xf32, #tpu.memory_space<vmem>>
      %dma_start3A_1613 = tpu.memref_squeeze %dma_start3A_1612 : memref<1x64x128xf32, #tpu.memory_space<vmem>> -> memref<64x128xf32, #tpu.memory_space<vmem>>
      %dma_start3A_1614 = arith.constant 0 : i32
      %dma_start3A_1615 = tpu.memref_slice %arg4[%add3A_1608, %dma_start3A_1614] : memref<425984x128xf32, #tpu.memory_space<hbm>> -> memref<64x128xf32, #tpu.memory_space<hbm>>
      %dma_start3A_1616 = arith.constant 0 : i32
      %dma_start3A_1617 = tpu.memref_slice %arg4[%add3A_1608, %dma_start3A_1616] : memref<425984x128xf32, #tpu.memory_space<hbm>> -> memref<64x128xf32, #tpu.memory_space<hbm>>
      %dma_start3A_1618 = arith.constant 0 : i32
      %dma_start3A_1619 = arith.constant 0 : i32
      %dma_start3A_1620 = tpu.memref_slice %arg6[%dma_start3A_1609, %dma_start3A_1618, %dma_start3A_1619] : memref<8x64x128xf32, #tpu.memory_space<vmem>> -> memref<1x64x128xf32, #tpu.memory_space<vmem>>
      %dma_start3A_1621 = tpu.memref_squeeze %dma_start3A_1620 : memref<1x64x128xf32, #tpu.memory_space<vmem>> -> memref<64x128xf32, #tpu.memory_space<vmem>>
      tpu.enqueue_dma source(%dma_start3A_1621 : memref<64x128xf32, #tpu.memory_space<vmem>>) target(%dma_start3A_1617 : memref<64x128xf32, #tpu.memory_space<hbm>>) target_semaphore(%arg23 : memref<!tpu.dma_semaphore, #tpu.memory_space<semaphore_mem>>)
      %add3A_1622 = arith.constant 8 : i32
      %add3A_1623 = arith.addi %add3A_1349, %add3A_1622 : i32
      %lt3A_1624 = arith.constant 208 : i32
      %lt3A_1625 = arith.cmpi slt, %add3A_1623, %lt3A_1624 : i32
      %convert_element_type3A_1626 = arith.extui %lt3A_1625 : i1 to i32
      %cond3A_1627 = arith.constant 0 : i32
      %cond3A_1628 = arith.cmpi ne, %convert_element_type3A_1626, %cond3A_1627 : i32
      scf.if %cond3A_1628 {
        %add3A_1629 = arith.constant 8 : i32
        %add3A_1630 = arith.addi %add3A_1595, %add3A_1629 : i32
        %mul3A_1631 = arith.constant 64 : i32
        %mul3A_1632 = arith.muli %add3A_1630, %mul3A_1631 : i32
        %add3A_1633 = arith.addi %mul3A_4, %mul3A_1632 : i32
        %add3A_1634 = arith.constant 0 : i32
        %add3A_1635 = arith.addi %add3A_1633, %add3A_1634 : i32
        %add3A_1636 = vector.broadcast %add3A_1635 : i32 to vector<16xi32>
        %add3A_1637 = arith.addi %add3A_1636, %iota3A : vector<16xi32>
        %shift_right_logical3A_1638 = arith.constant 14 : i32
        %shift_right_logical3A_1639 = vector.broadcast %shift_right_logical3A_1638 : i32 to vector<16xi32>
        %shift_right_logical3A_1640 = arith.shrui %add3A_1637, %shift_right_logical3A_1639 : vector<16xi32>
        %mul3A_1641 = arith.constant 13 : i32
        %mul3A_1642 = arith.muli %arg0, %mul3A_1641 : i32
        %sub3A_1643 = vector.broadcast %mul3A_1642 : i32 to vector<16xi32>
        %sub3A_1644 = arith.subi %shift_right_logical3A_1640, %sub3A_1643 : vector<16xi32>
        %mul3A_1645 = arith.constant 1000 : i32
        %mul3A_1646 = vector.broadcast %mul3A_1645 : i32 to vector<16xi32>
        %mul3A_1647 = arith.muli %sub3A_1644, %mul3A_1646 : vector<16xi32>
        %lt3A_1648 = arith.constant 6 : i32
        %lt3A_1649 = vector.broadcast %lt3A_1648 : i32 to vector<16xi32>
        %lt3A_1650 = arith.cmpi slt, %sub3A_1644, %lt3A_1649 : vector<16xi32>
        %jit3A_1651 = arith.constant 0 : i32
        %broadcast_in_dim3A_1652 = vector.broadcast %jit3A_1651 : i32 to vector<16xi32>
        %broadcast_in_dim3A_1653 = vector.broadcast %mul3A_8 : i32 to vector<16xi32>
        %select_n3A_1654 = arith.select %lt3A_1650, %broadcast_in_dim3A_1652, %broadcast_in_dim3A_1653 : vector<16xi1>, vector<16xi32>
        %add3A_1655 = arith.addi %mul3A_1647, %select_n3A_1654 : vector<16xi32>
        %mul3A_1656 = arith.constant 64 : i32
        %mul3A_1657 = arith.muli %add3A_1630, %mul3A_1656 : i32
        %add3A_1658 = arith.constant 0 : i32
        %add3A_1659 = arith.addi %mul3A_1657, %add3A_1658 : i32
        %get3A_1660 = arith.index_cast %add3A_1659 : i32 to index
        %get3A_1661 = tpu.vector_load %arg5[%get3A_1660] {strides = array<i32>} : memref<13312xi32, #tpu.memory_space<vmem>>, vector<16xi32>,
        %get3A_1662 = vector.shape_cast %get3A_1661 : vector<16xi32> to vector<16xi32>
        %add3A_1663 = arith.addi %get3A_1662, %add3A_1655 : vector<16xi32>
        %swap3A_1664 = arith.index_cast %add3A_1659 : i32 to index
        %swap3A_1665 = tpu.vector_load %arg5[%swap3A_1664] {strides = array<i32>} : memref<13312xi32, #tpu.memory_space<vmem>>, vector<16xi32>,
        %swap3A_1666 = vector.shape_cast %swap3A_1665 : vector<16xi32> to vector<16xi32>
        %swap3A_1667 = vector.shape_cast %add3A_1663 : vector<16xi32> to vector<16xi32>
        tpu.vector_store %arg5[%swap3A_1664], %swap3A_1667 {strides = array<i32>} : memref<13312xi32, #tpu.memory_space<vmem>>, vector<16xi32>,
        %mul3A_1668 = arith.constant 64 : i32
        %mul3A_1669 = arith.muli %add3A_1630, %mul3A_1668 : i32
        %add3A_1670 = arith.addi %mul3A_4, %mul3A_1669 : i32
        %add3A_1671 = arith.constant 16 : i32
        %add3A_1672 = arith.addi %add3A_1670, %add3A_1671 : i32
        %add3A_1673 = vector.broadcast %add3A_1672 : i32 to vector<16xi32>
        %add3A_1674 = arith.addi %add3A_1673, %iota3A : vector<16xi32>
        %shift_right_logical3A_1675 = arith.constant 14 : i32
        %shift_right_logical3A_1676 = vector.broadcast %shift_right_logical3A_1675 : i32 to vector<16xi32>
        %shift_right_logical3A_1677 = arith.shrui %add3A_1674, %shift_right_logical3A_1676 : vector<16xi32>
        %mul3A_1678 = arith.constant 13 : i32
        %mul3A_1679 = arith.muli %arg0, %mul3A_1678 : i32
        %sub3A_1680 = vector.broadcast %mul3A_1679 : i32 to vector<16xi32>
        %sub3A_1681 = arith.subi %shift_right_logical3A_1677, %sub3A_1680 : vector<16xi32>
        %mul3A_1682 = arith.constant 1000 : i32
        %mul3A_1683 = vector.broadcast %mul3A_1682 : i32 to vector<16xi32>
        %mul3A_1684 = arith.muli %sub3A_1681, %mul3A_1683 : vector<16xi32>
        %lt3A_1685 = arith.constant 6 : i32
        %lt3A_1686 = vector.broadcast %lt3A_1685 : i32 to vector<16xi32>
        %lt3A_1687 = arith.cmpi slt, %sub3A_1681, %lt3A_1686 : vector<16xi32>
        %jit3A_1688 = arith.constant 0 : i32
        %broadcast_in_dim3A_1689 = vector.broadcast %jit3A_1688 : i32 to vector<16xi32>
        %broadcast_in_dim3A_1690 = vector.broadcast %mul3A_8 : i32 to vector<16xi32>
        %select_n3A_1691 = arith.select %lt3A_1687, %broadcast_in_dim3A_1689, %broadcast_in_dim3A_1690 : vector<16xi1>, vector<16xi32>
        %add3A_1692 = arith.addi %mul3A_1684, %select_n3A_1691 : vector<16xi32>
        %mul3A_1693 = arith.constant 64 : i32
        %mul3A_1694 = arith.muli %add3A_1630, %mul3A_1693 : i32
        %add3A_1695 = arith.constant 16 : i32
        %add3A_1696 = arith.addi %mul3A_1694, %add3A_1695 : i32
        %get3A_1697 = arith.index_cast %add3A_1696 : i32 to index
        %get3A_1698 = tpu.vector_load %arg5[%get3A_1697] {strides = array<i32>} : memref<13312xi32, #tpu.memory_space<vmem>>, vector<16xi32>,
        %get3A_1699 = vector.shape_cast %get3A_1698 : vector<16xi32> to vector<16xi32>
        %add3A_1700 = arith.addi %get3A_1699, %add3A_1692 : vector<16xi32>
        %swap3A_1701 = arith.index_cast %add3A_1696 : i32 to index
        %swap3A_1702 = tpu.vector_load %arg5[%swap3A_1701] {strides = array<i32>} : memref<13312xi32, #tpu.memory_space<vmem>>, vector<16xi32>,
        %swap3A_1703 = vector.shape_cast %swap3A_1702 : vector<16xi32> to vector<16xi32>
        %swap3A_1704 = vector.shape_cast %add3A_1700 : vector<16xi32> to vector<16xi32>
        tpu.vector_store %arg5[%swap3A_1701], %swap3A_1704 {strides = array<i32>} : memref<13312xi32, #tpu.memory_space<vmem>>, vector<16xi32>,
        %mul3A_1705 = arith.constant 64 : i32
        %mul3A_1706 = arith.muli %add3A_1630, %mul3A_1705 : i32
        %add3A_1707 = arith.addi %mul3A_4, %mul3A_1706 : i32
        %add3A_1708 = arith.constant 32 : i32
        %add3A_1709 = arith.addi %add3A_1707, %add3A_1708 : i32
        %add3A_1710 = vector.broadcast %add3A_1709 : i32 to vector<16xi32>
        %add3A_1711 = arith.addi %add3A_1710, %iota3A : vector<16xi32>
        %shift_right_logical3A_1712 = arith.constant 14 : i32
        %shift_right_logical3A_1713 = vector.broadcast %shift_right_logical3A_1712 : i32 to vector<16xi32>
        %shift_right_logical3A_1714 = arith.shrui %add3A_1711, %shift_right_logical3A_1713 : vector<16xi32>
        %mul3A_1715 = arith.constant 13 : i32
        %mul3A_1716 = arith.muli %arg0, %mul3A_1715 : i32
        %sub3A_1717 = vector.broadcast %mul3A_1716 : i32 to vector<16xi32>
        %sub3A_1718 = arith.subi %shift_right_logical3A_1714, %sub3A_1717 : vector<16xi32>
        %mul3A_1719 = arith.constant 1000 : i32
        %mul3A_1720 = vector.broadcast %mul3A_1719 : i32 to vector<16xi32>
        %mul3A_1721 = arith.muli %sub3A_1718, %mul3A_1720 : vector<16xi32>
        %lt3A_1722 = arith.constant 6 : i32
        %lt3A_1723 = vector.broadcast %lt3A_1722 : i32 to vector<16xi32>
        %lt3A_1724 = arith.cmpi slt, %sub3A_1718, %lt3A_1723 : vector<16xi32>
        %jit3A_1725 = arith.constant 0 : i32
        %broadcast_in_dim3A_1726 = vector.broadcast %jit3A_1725 : i32 to vector<16xi32>
        %broadcast_in_dim3A_1727 = vector.broadcast %mul3A_8 : i32 to vector<16xi32>
        %select_n3A_1728 = arith.select %lt3A_1724, %broadcast_in_dim3A_1726, %broadcast_in_dim3A_1727 : vector<16xi1>, vector<16xi32>
        %add3A_1729 = arith.addi %mul3A_1721, %select_n3A_1728 : vector<16xi32>
        %mul3A_1730 = arith.constant 64 : i32
        %mul3A_1731 = arith.muli %add3A_1630, %mul3A_1730 : i32
        %add3A_1732 = arith.constant 32 : i32
        %add3A_1733 = arith.addi %mul3A_1731, %add3A_1732 : i32
        %get3A_1734 = arith.index_cast %add3A_1733 : i32 to index
        %get3A_1735 = tpu.vector_load %arg5[%get3A_1734] {strides = array<i32>} : memref<13312xi32, #tpu.memory_space<vmem>>, vector<16xi32>,
        %get3A_1736 = vector.shape_cast %get3A_1735 : vector<16xi32> to vector<16xi32>
        %add3A_1737 = arith.addi %get3A_1736, %add3A_1729 : vector<16xi32>
        %swap3A_1738 = arith.index_cast %add3A_1733 : i32 to index
        %swap3A_1739 = tpu.vector_load %arg5[%swap3A_1738] {strides = array<i32>} : memref<13312xi32, #tpu.memory_space<vmem>>, vector<16xi32>,
        %swap3A_1740 = vector.shape_cast %swap3A_1739 : vector<16xi32> to vector<16xi32>
        %swap3A_1741 = vector.shape_cast %add3A_1737 : vector<16xi32> to vector<16xi32>
        tpu.vector_store %arg5[%swap3A_1738], %swap3A_1741 {strides = array<i32>} : memref<13312xi32, #tpu.memory_space<vmem>>, vector<16xi32>,
        %mul3A_1742 = arith.constant 64 : i32
        %mul3A_1743 = arith.muli %add3A_1630, %mul3A_1742 : i32
        %add3A_1744 = arith.addi %mul3A_4, %mul3A_1743 : i32
        %add3A_1745 = arith.constant 48 : i32
        %add3A_1746 = arith.addi %add3A_1744, %add3A_1745 : i32
        %add3A_1747 = vector.broadcast %add3A_1746 : i32 to vector<16xi32>
        %add3A_1748 = arith.addi %add3A_1747, %iota3A : vector<16xi32>
        %shift_right_logical3A_1749 = arith.constant 14 : i32
        %shift_right_logical3A_1750 = vector.broadcast %shift_right_logical3A_1749 : i32 to vector<16xi32>
        %shift_right_logical3A_1751 = arith.shrui %add3A_1748, %shift_right_logical3A_1750 : vector<16xi32>
        %mul3A_1752 = arith.constant 13 : i32
        %mul3A_1753 = arith.muli %arg0, %mul3A_1752 : i32
        %sub3A_1754 = vector.broadcast %mul3A_1753 : i32 to vector<16xi32>
        %sub3A_1755 = arith.subi %shift_right_logical3A_1751, %sub3A_1754 : vector<16xi32>
        %mul3A_1756 = arith.constant 1000 : i32
        %mul3A_1757 = vector.broadcast %mul3A_1756 : i32 to vector<16xi32>
        %mul3A_1758 = arith.muli %sub3A_1755, %mul3A_1757 : vector<16xi32>
        %lt3A_1759 = arith.constant 6 : i32
        %lt3A_1760 = vector.broadcast %lt3A_1759 : i32 to vector<16xi32>
        %lt3A_1761 = arith.cmpi slt, %sub3A_1755, %lt3A_1760 : vector<16xi32>
        %jit3A_1762 = arith.constant 0 : i32
        %broadcast_in_dim3A_1763 = vector.broadcast %jit3A_1762 : i32 to vector<16xi32>
        %broadcast_in_dim3A_1764 = vector.broadcast %mul3A_8 : i32 to vector<16xi32>
        %select_n3A_1765 = arith.select %lt3A_1761, %broadcast_in_dim3A_1763, %broadcast_in_dim3A_1764 : vector<16xi1>, vector<16xi32>
        %add3A_1766 = arith.addi %mul3A_1758, %select_n3A_1765 : vector<16xi32>
        %mul3A_1767 = arith.constant 64 : i32
        %mul3A_1768 = arith.muli %add3A_1630, %mul3A_1767 : i32
        %add3A_1769 = arith.constant 48 : i32
        %add3A_1770 = arith.addi %mul3A_1768, %add3A_1769 : i32
        %get3A_1771 = arith.index_cast %add3A_1770 : i32 to index
        %get3A_1772 = tpu.vector_load %arg5[%get3A_1771] {strides = array<i32>} : memref<13312xi32, #tpu.memory_space<vmem>>, vector<16xi32>,
        %get3A_1773 = vector.shape_cast %get3A_1772 : vector<16xi32> to vector<16xi32>
        %add3A_1774 = arith.addi %get3A_1773, %add3A_1766 : vector<16xi32>
        %swap3A_1775 = arith.index_cast %add3A_1770 : i32 to index
        %swap3A_1776 = tpu.vector_load %arg5[%swap3A_1775] {strides = array<i32>} : memref<13312xi32, #tpu.memory_space<vmem>>, vector<16xi32>,
        %swap3A_1777 = vector.shape_cast %swap3A_1776 : vector<16xi32> to vector<16xi32>
        %swap3A_1778 = vector.shape_cast %add3A_1774 : vector<16xi32> to vector<16xi32>
        tpu.vector_store %arg5[%swap3A_1775], %swap3A_1778 {strides = array<i32>} : memref<13312xi32, #tpu.memory_space<vmem>>, vector<16xi32>,
        %dma_wait3A_1779 = arith.constant 7 : i32
        %dma_wait3A_1780 = arith.constant 0 : i32
        %dma_wait3A_1781 = arith.constant 0 : i32
        %dma_wait3A_1782 = tpu.memref_slice %arg6[%dma_wait3A_1779, %dma_wait3A_1780, %dma_wait3A_1781] : memref<8x64x128xf32, #tpu.memory_space<vmem>> -> memref<1x64x128xf32, #tpu.memory_space<vmem>>
        %dma_wait3A_1783 = tpu.memref_squeeze %dma_wait3A_1782 : memref<1x64x128xf32, #tpu.memory_space<vmem>> -> memref<64x128xf32, #tpu.memory_space<vmem>>
        %dma_wait3A_1784 = arith.constant 0 : i32
        %dma_wait3A_1785 = arith.constant 0 : i32
        %dma_wait3A_1786 = tpu.memref_slice %arg4[%dma_wait3A_1784, %dma_wait3A_1785] : memref<425984x128xf32, #tpu.memory_space<hbm>> -> memref<64x128xf32, #tpu.memory_space<hbm>>
        %dma_wait3A_1787 = arith.constant 0 : i32
        %dma_wait3A_1788 = arith.constant 0 : i32
        %dma_wait3A_1789 = tpu.memref_slice %arg4[%dma_wait3A_1787, %dma_wait3A_1788] : memref<425984x128xf32, #tpu.memory_space<hbm>> -> memref<64x128xf32, #tpu.memory_space<hbm>>
        %dma_wait3A_1790 = arith.constant 0 : i32
        %dma_wait3A_1791 = arith.constant 0 : i32
        %dma_wait3A_1792 = tpu.memref_slice %arg6[%dma_wait3A_1779, %dma_wait3A_1790, %dma_wait3A_1791] : memref<8x64x128xf32, #tpu.memory_space<vmem>> -> memref<1x64x128xf32, #tpu.memory_space<vmem>>
        %dma_wait3A_1793 = tpu.memref_squeeze %dma_wait3A_1792 : memref<1x64x128xf32, #tpu.memory_space<vmem>> -> memref<64x128xf32, #tpu.memory_space<vmem>>
        tpu.wait_dma2 semaphore(%arg23 : memref<!tpu.dma_semaphore, #tpu.memory_space<semaphore_mem>>) src(%dma_wait3A_1793 : memref<64x128xf32, #tpu.memory_space<vmem>>) dst(%dma_wait3A_1789 : memref<64x128xf32, #tpu.memory_space<hbm>>)
        %add3A_1794 = arith.constant 8 : i32
        %add3A_1795 = arith.addi %add3A_1595, %add3A_1794 : i32
        %mul3A_1796 = arith.constant 64 : i32
        %mul3A_1797 = arith.muli %add3A_1795, %mul3A_1796 : i32
        %add3A_1798 = arith.addi %mul3A_4, %mul3A_1797 : i32
        %shift_right_logical3A_1799 = arith.constant 14 : i32
        %shift_right_logical3A_1800 = arith.shrui %add3A_1798, %shift_right_logical3A_1799 : i32
        %mul3A_1801 = arith.constant 13 : i32
        %mul3A_1802 = arith.muli %arg0, %mul3A_1801 : i32
        %sub3A_1803 = arith.subi %shift_right_logical3A_1800, %mul3A_1802 : i32
        %lt3A_1804 = arith.constant 6 : i32
        %lt3A_1805 = arith.cmpi slt, %sub3A_1803, %lt3A_1804 : i32
        %convert_element_type3A_1806 = arith.extui %lt3A_1805 : i1 to i32
        %cond3A_1807 = arith.constant 0 : i32
        %cond3A_1808 = arith.cmpi ne, %convert_element_type3A_1806, %cond3A_1807 : i32
        scf.if %cond3A_1808 {
          %mul3A_1822 = arith.constant 64 : i32
          %mul3A_1823 = arith.muli %add3A_1795, %mul3A_1822 : i32
          %dma_start3A_1824 = arith.constant 7 : i32
          %dma_start3A_1825 = arith.constant 0 : i32
          %dma_start3A_1826 = arith.constant 0 : i32
          %dma_start3A_1827 = tpu.memref_slice %arg6[%dma_start3A_1824, %dma_start3A_1825, %dma_start3A_1826] : memref<8x64x128xf32, #tpu.memory_space<vmem>> -> memref<1x64x128xf32, #tpu.memory_space<vmem>>
          %dma_start3A_1828 = tpu.memref_squeeze %dma_start3A_1827 : memref<1x64x128xf32, #tpu.memory_space<vmem>> -> memref<64x128xf32, #tpu.memory_space<vmem>>
          %dma_start3A_1829 = tpu.memref_slice %arg5[%mul3A_1823] : memref<13312xi32, #tpu.memory_space<vmem>> -> memref<64xi32, #tpu.memory_space<vmem>>
          %dma_start3A_1830 = arith.constant 0 : i32
          %dma_start3A_1831 = arith.constant 0 : i32
          %dma_start3A_1832 = tpu.memref_slice %arg7[%dma_start3A_1830, %dma_start3A_1831] : memref<6000x128xf32, #tpu.memory_space<vmem_shared>> -> memref<6000x128xf32, #tpu.memory_space<vmem_shared>>
          tpu.enqueue_indirect_dma source(%dma_start3A_1832 : memref<6000x128xf32, #tpu.memory_space<vmem_shared>>) target(%dma_start3A_1828 : memref<64x128xf32, #tpu.memory_space<vmem>>) offsets(%dma_start3A_1829 : memref<64xi32, #tpu.memory_space<vmem>>) semaphore(%arg15 : memref<!tpu.dma_semaphore, #tpu.memory_space<semaphore_mem>>)
        } else {
        }
        %mul3A_1809 = arith.constant 64 : i32
        %mul3A_1810 = arith.muli %add3A_1795, %mul3A_1809 : i32
        %add3A_1811 = arith.addi %mul3A_4, %mul3A_1810 : i32
        %shift_right_logical3A_1812 = arith.constant 14 : i32
        %shift_right_logical3A_1813 = arith.shrui %add3A_1811, %shift_right_logical3A_1812 : i32
        %mul3A_1814 = arith.constant 13 : i32
        %mul3A_1815 = arith.muli %arg0, %mul3A_1814 : i32
        %sub3A_1816 = arith.subi %shift_right_logical3A_1813, %mul3A_1815 : i32
        %ge3A_1817 = arith.constant 6 : i32
        %ge3A_1818 = arith.cmpi sge, %sub3A_1816, %ge3A_1817 : i32
        %convert_element_type3A_1819 = arith.extui %ge3A_1818 : i1 to i32
        %cond3A_1820 = arith.constant 0 : i32
        %cond3A_1821 = arith.cmpi ne, %convert_element_type3A_1819, %cond3A_1820 : i32
        scf.if %cond3A_1821 {
          %mul3A_1822 = arith.constant 64 : i32
          %mul3A_1823 = arith.muli %add3A_1795, %mul3A_1822 : i32
          %dma_start3A_1824 = arith.constant 7 : i32
          %dma_start3A_1825 = arith.constant 0 : i32
          %dma_start3A_1826 = arith.constant 0 : i32
          %dma_start3A_1827 = tpu.memref_slice %arg6[%dma_start3A_1824, %dma_start3A_1825, %dma_start3A_1826] : memref<8x64x128xf32, #tpu.memory_space<vmem>> -> memref<1x64x128xf32, #tpu.memory_space<vmem>>
          %dma_start3A_1828 = tpu.memref_squeeze %dma_start3A_1827 : memref<1x64x128xf32, #tpu.memory_space<vmem>> -> memref<64x128xf32, #tpu.memory_space<vmem>>
          %dma_start3A_1829 = tpu.memref_slice %arg5[%mul3A_1823] : memref<13312xi32, #tpu.memory_space<vmem>> -> memref<64xi32, #tpu.memory_space<vmem>>
          %dma_start3A_1830 = arith.constant 0 : i32
          %dma_start3A_1831 = arith.constant 0 : i32
          %dma_start3A_1832 = tpu.memref_slice %arg3[%dma_start3A_1830, %dma_start3A_1831] : memref<26000x128xf32, #tpu.memory_space<hbm>> -> memref<26000x128xf32, #tpu.memory_space<hbm>>
          tpu.enqueue_indirect_dma source(%dma_start3A_1832 : memref<26000x128xf32, #tpu.memory_space<hbm>>) target(%dma_start3A_1828 : memref<64x128xf32, #tpu.memory_space<vmem>>) offsets(%dma_start3A_1829 : memref<64xi32, #tpu.memory_space<vmem>>) semaphore(%arg15 : memref<!tpu.dma_semaphore, #tpu.memory_space<semaphore_mem>>)
        } else {
        }
      } else {
      }
    }
    %scan3A_1225 = arith.constant 26 : i32
    %dma_wait3A = arith.constant 0 : i32
    %dma_wait3A_1226 = arith.constant 0 : i32
    %dma_wait3A_1227 = arith.constant 0 : i32
    %dma_wait3A_1228 = tpu.memref_slice %arg6[%dma_wait3A, %dma_wait3A_1226, %dma_wait3A_1227] : memref<8x64x128xf32, #tpu.memory_space<vmem>> -> memref<1x64x128xf32, #tpu.memory_space<vmem>>
    %dma_wait3A_1229 = tpu.memref_squeeze %dma_wait3A_1228 : memref<1x64x128xf32, #tpu.memory_space<vmem>> -> memref<64x128xf32, #tpu.memory_space<vmem>>
    %dma_wait3A_1230 = arith.constant 0 : i32
    %dma_wait3A_1231 = arith.constant 0 : i32
    %dma_wait3A_1232 = tpu.memref_slice %arg4[%dma_wait3A_1230, %dma_wait3A_1231] : memref<425984x128xf32, #tpu.memory_space<hbm>> -> memref<64x128xf32, #tpu.memory_space<hbm>>
    %dma_wait3A_1233 = arith.constant 0 : i32
    %dma_wait3A_1234 = arith.constant 0 : i32
    %dma_wait3A_1235 = tpu.memref_slice %arg4[%dma_wait3A_1233, %dma_wait3A_1234] : memref<425984x128xf32, #tpu.memory_space<hbm>> -> memref<64x128xf32, #tpu.memory_space<hbm>>
    %dma_wait3A_1236 = arith.constant 0 : i32
    %dma_wait3A_1237 = arith.constant 0 : i32
    %dma_wait3A_1238 = tpu.memref_slice %arg6[%dma_wait3A, %dma_wait3A_1236, %dma_wait3A_1237] : memref<8x64x128xf32, #tpu.memory_space<vmem>> -> memref<1x64x128xf32, #tpu.memory_space<vmem>>
    %dma_wait3A_1239 = tpu.memref_squeeze %dma_wait3A_1238 : memref<1x64x128xf32, #tpu.memory_space<vmem>> -> memref<64x128xf32, #tpu.memory_space<vmem>>
    tpu.wait_dma2 semaphore(%arg16 : memref<!tpu.dma_semaphore, #tpu.memory_space<semaphore_mem>>) src(%dma_wait3A_1239 : memref<64x128xf32, #tpu.memory_space<vmem>>) dst(%dma_wait3A_1235 : memref<64x128xf32, #tpu.memory_space<hbm>>)
    %dma_wait3A_1240 = arith.constant 1 : i32
    %dma_wait3A_1241 = arith.constant 0 : i32
    %dma_wait3A_1242 = arith.constant 0 : i32
    %dma_wait3A_1243 = tpu.memref_slice %arg6[%dma_wait3A_1240, %dma_wait3A_1241, %dma_wait3A_1242] : memref<8x64x128xf32, #tpu.memory_space<vmem>> -> memref<1x64x128xf32, #tpu.memory_space<vmem>>
    %dma_wait3A_1244 = tpu.memref_squeeze %dma_wait3A_1243 : memref<1x64x128xf32, #tpu.memory_space<vmem>> -> memref<64x128xf32, #tpu.memory_space<vmem>>
    %dma_wait3A_1245 = arith.constant 0 : i32
    %dma_wait3A_1246 = arith.constant 0 : i32
    %dma_wait3A_1247 = tpu.memref_slice %arg4[%dma_wait3A_1245, %dma_wait3A_1246] : memref<425984x128xf32, #tpu.memory_space<hbm>> -> memref<64x128xf32, #tpu.memory_space<hbm>>
    %dma_wait3A_1248 = arith.constant 0 : i32
    %dma_wait3A_1249 = arith.constant 0 : i32
    %dma_wait3A_1250 = tpu.memref_slice %arg4[%dma_wait3A_1248, %dma_wait3A_1249] : memref<425984x128xf32, #tpu.memory_space<hbm>> -> memref<64x128xf32, #tpu.memory_space<hbm>>
    %dma_wait3A_1251 = arith.constant 0 : i32
    %dma_wait3A_1252 = arith.constant 0 : i32
    %dma_wait3A_1253 = tpu.memref_slice %arg6[%dma_wait3A_1240, %dma_wait3A_1251, %dma_wait3A_1252] : memref<8x64x128xf32, #tpu.memory_space<vmem>> -> memref<1x64x128xf32, #tpu.memory_space<vmem>>
    %dma_wait3A_1254 = tpu.memref_squeeze %dma_wait3A_1253 : memref<1x64x128xf32, #tpu.memory_space<vmem>> -> memref<64x128xf32, #tpu.memory_space<vmem>>
    tpu.wait_dma2 semaphore(%arg17 : memref<!tpu.dma_semaphore, #tpu.memory_space<semaphore_mem>>) src(%dma_wait3A_1254 : memref<64x128xf32, #tpu.memory_space<vmem>>) dst(%dma_wait3A_1250 : memref<64x128xf32, #tpu.memory_space<hbm>>)
    %dma_wait3A_1255 = arith.constant 2 : i32
    %dma_wait3A_1256 = arith.constant 0 : i32
    %dma_wait3A_1257 = arith.constant 0 : i32
    %dma_wait3A_1258 = tpu.memref_slice %arg6[%dma_wait3A_1255, %dma_wait3A_1256, %dma_wait3A_1257] : memref<8x64x128xf32, #tpu.memory_space<vmem>> -> memref<1x64x128xf32, #tpu.memory_space<vmem>>
    %dma_wait3A_1259 = tpu.memref_squeeze %dma_wait3A_1258 : memref<1x64x128xf32, #tpu.memory_space<vmem>> -> memref<64x128xf32, #tpu.memory_space<vmem>>
    %dma_wait3A_1260 = arith.constant 0 : i32
    %dma_wait3A_1261 = arith.constant 0 : i32
    %dma_wait3A_1262 = tpu.memref_slice %arg4[%dma_wait3A_1260, %dma_wait3A_1261] : memref<425984x128xf32, #tpu.memory_space<hbm>> -> memref<64x128xf32, #tpu.memory_space<hbm>>
    %dma_wait3A_1263 = arith.constant 0 : i32
    %dma_wait3A_1264 = arith.constant 0 : i32
    %dma_wait3A_1265 = tpu.memref_slice %arg4[%dma_wait3A_1263, %dma_wait3A_1264] : memref<425984x128xf32, #tpu.memory_space<hbm>> -> memref<64x128xf32, #tpu.memory_space<hbm>>
    %dma_wait3A_1266 = arith.constant 0 : i32
    %dma_wait3A_1267 = arith.constant 0 : i32
    %dma_wait3A_1268 = tpu.memref_slice %arg6[%dma_wait3A_1255, %dma_wait3A_1266, %dma_wait3A_1267] : memref<8x64x128xf32, #tpu.memory_space<vmem>> -> memref<1x64x128xf32, #tpu.memory_space<vmem>>
    %dma_wait3A_1269 = tpu.memref_squeeze %dma_wait3A_1268 : memref<1x64x128xf32, #tpu.memory_space<vmem>> -> memref<64x128xf32, #tpu.memory_space<vmem>>
    tpu.wait_dma2 semaphore(%arg18 : memref<!tpu.dma_semaphore, #tpu.memory_space<semaphore_mem>>) src(%dma_wait3A_1269 : memref<64x128xf32, #tpu.memory_space<vmem>>) dst(%dma_wait3A_1265 : memref<64x128xf32, #tpu.memory_space<hbm>>)
    %dma_wait3A_1270 = arith.constant 3 : i32
    %dma_wait3A_1271 = arith.constant 0 : i32
    %dma_wait3A_1272 = arith.constant 0 : i32
    %dma_wait3A_1273 = tpu.memref_slice %arg6[%dma_wait3A_1270, %dma_wait3A_1271, %dma_wait3A_1272] : memref<8x64x128xf32, #tpu.memory_space<vmem>> -> memref<1x64x128xf32, #tpu.memory_space<vmem>>
    %dma_wait3A_1274 = tpu.memref_squeeze %dma_wait3A_1273 : memref<1x64x128xf32, #tpu.memory_space<vmem>> -> memref<64x128xf32, #tpu.memory_space<vmem>>
    %dma_wait3A_1275 = arith.constant 0 : i32
    %dma_wait3A_1276 = arith.constant 0 : i32
    %dma_wait3A_1277 = tpu.memref_slice %arg4[%dma_wait3A_1275, %dma_wait3A_1276] : memref<425984x128xf32, #tpu.memory_space<hbm>> -> memref<64x128xf32, #tpu.memory_space<hbm>>
    %dma_wait3A_1278 = arith.constant 0 : i32
    %dma_wait3A_1279 = arith.constant 0 : i32
    %dma_wait3A_1280 = tpu.memref_slice %arg4[%dma_wait3A_1278, %dma_wait3A_1279] : memref<425984x128xf32, #tpu.memory_space<hbm>> -> memref<64x128xf32, #tpu.memory_space<hbm>>
    %dma_wait3A_1281 = arith.constant 0 : i32
    %dma_wait3A_1282 = arith.constant 0 : i32
    %dma_wait3A_1283 = tpu.memref_slice %arg6[%dma_wait3A_1270, %dma_wait3A_1281, %dma_wait3A_1282] : memref<8x64x128xf32, #tpu.memory_space<vmem>> -> memref<1x64x128xf32, #tpu.memory_space<vmem>>
    %dma_wait3A_1284 = tpu.memref_squeeze %dma_wait3A_1283 : memref<1x64x128xf32, #tpu.memory_space<vmem>> -> memref<64x128xf32, #tpu.memory_space<vmem>>
    tpu.wait_dma2 semaphore(%arg19 : memref<!tpu.dma_semaphore, #tpu.memory_space<semaphore_mem>>) src(%dma_wait3A_1284 : memref<64x128xf32, #tpu.memory_space<vmem>>) dst(%dma_wait3A_1280 : memref<64x128xf32, #tpu.memory_space<hbm>>)
    %dma_wait3A_1285 = arith.constant 4 : i32
    %dma_wait3A_1286 = arith.constant 0 : i32
    %dma_wait3A_1287 = arith.constant 0 : i32
    %dma_wait3A_1288 = tpu.memref_slice %arg6[%dma_wait3A_1285, %dma_wait3A_1286, %dma_wait3A_1287] : memref<8x64x128xf32, #tpu.memory_space<vmem>> -> memref<1x64x128xf32, #tpu.memory_space<vmem>>
    %dma_wait3A_1289 = tpu.memref_squeeze %dma_wait3A_1288 : memref<1x64x128xf32, #tpu.memory_space<vmem>> -> memref<64x128xf32, #tpu.memory_space<vmem>>
    %dma_wait3A_1290 = arith.constant 0 : i32
    %dma_wait3A_1291 = arith.constant 0 : i32
    %dma_wait3A_1292 = tpu.memref_slice %arg4[%dma_wait3A_1290, %dma_wait3A_1291] : memref<425984x128xf32, #tpu.memory_space<hbm>> -> memref<64x128xf32, #tpu.memory_space<hbm>>
    %dma_wait3A_1293 = arith.constant 0 : i32
    %dma_wait3A_1294 = arith.constant 0 : i32
    %dma_wait3A_1295 = tpu.memref_slice %arg4[%dma_wait3A_1293, %dma_wait3A_1294] : memref<425984x128xf32, #tpu.memory_space<hbm>> -> memref<64x128xf32, #tpu.memory_space<hbm>>
    %dma_wait3A_1296 = arith.constant 0 : i32
    %dma_wait3A_1297 = arith.constant 0 : i32
    %dma_wait3A_1298 = tpu.memref_slice %arg6[%dma_wait3A_1285, %dma_wait3A_1296, %dma_wait3A_1297] : memref<8x64x128xf32, #tpu.memory_space<vmem>> -> memref<1x64x128xf32, #tpu.memory_space<vmem>>
    %dma_wait3A_1299 = tpu.memref_squeeze %dma_wait3A_1298 : memref<1x64x128xf32, #tpu.memory_space<vmem>> -> memref<64x128xf32, #tpu.memory_space<vmem>>
    tpu.wait_dma2 semaphore(%arg20 : memref<!tpu.dma_semaphore, #tpu.memory_space<semaphore_mem>>) src(%dma_wait3A_1299 : memref<64x128xf32, #tpu.memory_space<vmem>>) dst(%dma_wait3A_1295 : memref<64x128xf32, #tpu.memory_space<hbm>>)
    %dma_wait3A_1300 = arith.constant 5 : i32
    %dma_wait3A_1301 = arith.constant 0 : i32
    %dma_wait3A_1302 = arith.constant 0 : i32
    %dma_wait3A_1303 = tpu.memref_slice %arg6[%dma_wait3A_1300, %dma_wait3A_1301, %dma_wait3A_1302] : memref<8x64x128xf32, #tpu.memory_space<vmem>> -> memref<1x64x128xf32, #tpu.memory_space<vmem>>
    %dma_wait3A_1304 = tpu.memref_squeeze %dma_wait3A_1303 : memref<1x64x128xf32, #tpu.memory_space<vmem>> -> memref<64x128xf32, #tpu.memory_space<vmem>>
    %dma_wait3A_1305 = arith.constant 0 : i32
    %dma_wait3A_1306 = arith.constant 0 : i32
    %dma_wait3A_1307 = tpu.memref_slice %arg4[%dma_wait3A_1305, %dma_wait3A_1306] : memref<425984x128xf32, #tpu.memory_space<hbm>> -> memref<64x128xf32, #tpu.memory_space<hbm>>
    %dma_wait3A_1308 = arith.constant 0 : i32
    %dma_wait3A_1309 = arith.constant 0 : i32
    %dma_wait3A_1310 = tpu.memref_slice %arg4[%dma_wait3A_1308, %dma_wait3A_1309] : memref<425984x128xf32, #tpu.memory_space<hbm>> -> memref<64x128xf32, #tpu.memory_space<hbm>>
    %dma_wait3A_1311 = arith.constant 0 : i32
    %dma_wait3A_1312 = arith.constant 0 : i32
    %dma_wait3A_1313 = tpu.memref_slice %arg6[%dma_wait3A_1300, %dma_wait3A_1311, %dma_wait3A_1312] : memref<8x64x128xf32, #tpu.memory_space<vmem>> -> memref<1x64x128xf32, #tpu.memory_space<vmem>>
    %dma_wait3A_1314 = tpu.memref_squeeze %dma_wait3A_1313 : memref<1x64x128xf32, #tpu.memory_space<vmem>> -> memref<64x128xf32, #tpu.memory_space<vmem>>
    tpu.wait_dma2 semaphore(%arg21 : memref<!tpu.dma_semaphore, #tpu.memory_space<semaphore_mem>>) src(%dma_wait3A_1314 : memref<64x128xf32, #tpu.memory_space<vmem>>) dst(%dma_wait3A_1310 : memref<64x128xf32, #tpu.memory_space<hbm>>)
    %dma_wait3A_1315 = arith.constant 6 : i32
    %dma_wait3A_1316 = arith.constant 0 : i32
    %dma_wait3A_1317 = arith.constant 0 : i32
    %dma_wait3A_1318 = tpu.memref_slice %arg6[%dma_wait3A_1315, %dma_wait3A_1316, %dma_wait3A_1317] : memref<8x64x128xf32, #tpu.memory_space<vmem>> -> memref<1x64x128xf32, #tpu.memory_space<vmem>>
    %dma_wait3A_1319 = tpu.memref_squeeze %dma_wait3A_1318 : memref<1x64x128xf32, #tpu.memory_space<vmem>> -> memref<64x128xf32, #tpu.memory_space<vmem>>
    %dma_wait3A_1320 = arith.constant 0 : i32
    %dma_wait3A_1321 = arith.constant 0 : i32
    %dma_wait3A_1322 = tpu.memref_slice %arg4[%dma_wait3A_1320, %dma_wait3A_1321] : memref<425984x128xf32, #tpu.memory_space<hbm>> -> memref<64x128xf32, #tpu.memory_space<hbm>>
    %dma_wait3A_1323 = arith.constant 0 : i32
    %dma_wait3A_1324 = arith.constant 0 : i32
    %dma_wait3A_1325 = tpu.memref_slice %arg4[%dma_wait3A_1323, %dma_wait3A_1324] : memref<425984x128xf32, #tpu.memory_space<hbm>> -> memref<64x128xf32, #tpu.memory_space<hbm>>
    %dma_wait3A_1326 = arith.constant 0 : i32
    %dma_wait3A_1327 = arith.constant 0 : i32
    %dma_wait3A_1328 = tpu.memref_slice %arg6[%dma_wait3A_1315, %dma_wait3A_1326, %dma_wait3A_1327] : memref<8x64x128xf32, #tpu.memory_space<vmem>> -> memref<1x64x128xf32, #tpu.memory_space<vmem>>
    %dma_wait3A_1329 = tpu.memref_squeeze %dma_wait3A_1328 : memref<1x64x128xf32, #tpu.memory_space<vmem>> -> memref<64x128xf32, #tpu.memory_space<vmem>>
    tpu.wait_dma2 semaphore(%arg22 : memref<!tpu.dma_semaphore, #tpu.memory_space<semaphore_mem>>) src(%dma_wait3A_1329 : memref<64x128xf32, #tpu.memory_space<vmem>>) dst(%dma_wait3A_1325 : memref<64x128xf32, #tpu.memory_space<hbm>>)
    %dma_wait3A_1330 = arith.constant 7 : i32
    %dma_wait3A_1331 = arith.constant 0 : i32
    %dma_wait3A_1332 = arith.constant 0 : i32
    %dma_wait3A_1333 = tpu.memref_slice %arg6[%dma_wait3A_1330, %dma_wait3A_1331, %dma_wait3A_1332] : memref<8x64x128xf32, #tpu.memory_space<vmem>> -> memref<1x64x128xf32, #tpu.memory_space<vmem>>
    %dma_wait3A_1334 = tpu.memref_squeeze %dma_wait3A_1333 : memref<1x64x128xf32, #tpu.memory_space<vmem>> -> memref<64x128xf32, #tpu.memory_space<vmem>>
    %dma_wait3A_1335 = arith.constant 0 : i32
    %dma_wait3A_1336 = arith.constant 0 : i32
    %dma_wait3A_1337 = tpu.memref_slice %arg4[%dma_wait3A_1335, %dma_wait3A_1336] : memref<425984x128xf32, #tpu.memory_space<hbm>> -> memref<64x128xf32, #tpu.memory_space<hbm>>
    %dma_wait3A_1338 = arith.constant 0 : i32
    %dma_wait3A_1339 = arith.constant 0 : i32
    %dma_wait3A_1340 = tpu.memref_slice %arg4[%dma_wait3A_1338, %dma_wait3A_1339] : memref<425984x128xf32, #tpu.memory_space<hbm>> -> memref<64x128xf32, #tpu.memory_space<hbm>>
    %dma_wait3A_1341 = arith.constant 0 : i32
    %dma_wait3A_1342 = arith.constant 0 : i32
    %dma_wait3A_1343 = tpu.memref_slice %arg6[%dma_wait3A_1330, %dma_wait3A_1341, %dma_wait3A_1342] : memref<8x64x128xf32, #tpu.memory_space<vmem>> -> memref<1x64x128xf32, #tpu.memory_space<vmem>>
    %dma_wait3A_1344 = tpu.memref_squeeze %dma_wait3A_1343 : memref<1x64x128xf32, #tpu.memory_space<vmem>> -> memref<64x128xf32, #tpu.memory_space<vmem>>
    tpu.wait_dma2 semaphore(%arg23 : memref<!tpu.dma_semaphore, #tpu.memory_space<semaphore_mem>>) src(%dma_wait3A_1344 : memref<64x128xf32, #tpu.memory_space<vmem>>) dst(%dma_wait3A_1340 : memref<64x128xf32, #tpu.memory_space<hbm>>)
    return
  }
}

</mosaic_0001>

<sc_bundles>
// kernel: kernel.3.cloned.1.call-start
scs
__scs_entry_jumppad:
0x0: {  	(pc) =	sbr.rel $0x88, $3  }
0x1: {  	(tag) =	ssettag $0x0;
	lr =	simm.s32 $0x1  }
0x2: {  	[smem:$0x3F9F] =	sst lr;
	_ =	strace $0xD0000000  }
0x3: {  	_ = 	snop  }
0x4: {  	_ = 	snop  }
0x5: {  	_ = 	snop  }
0x6: {  	_ = 	snop  }
0x7: {  	_ = 	snop  }
__scs_overlays_trampoline_lowered:
0x8: {  	[smem:$0x3FAE] =	sst s0  }
0x9: {  	[smem:$0x3FAF] =	sst s1  }
0xa: {  	[smem:$0x3FB0] =	sst s2  }
0xb: {  	[smem:$0x3FB1] =	sst s3  }
0xc: {  	[smem:$0x3FB2] =	sst s4  }
0xd: {  	[smem:$0x3FB3] =	sst s5  }
0xe: {  	[smem:$0x3FB4] =	sst s6  }
0xf: {  	[smem:$0x3FB5] =	sst s7  }
0x10: {  	[smem:$0x3FB6] =	sst s8  }
0x11: {  	[smem:$0x3FB7] =	sst s9;
	s0 =	simm.s32 @!p0 $0x0  }
0x12: {  	s1 =	sld [smem:$0x3F9D];
	s0 =	simm.s32 @p0 $0x1  }
0x13: {  	[smem:$0x3FB8] =	sst s0;
	s0 =	simm.s32 @!p1 $0x0  }
0x14: {  	s2 =	sld [smem:$0x3F9C];
	s0 =	simm.s32 @p1 $0x1  }
0x15: {  	[smem:$0x3FB9] =	sst s0;
	s0 =	simm.s32 @!p2 $0x0  }
0x16: {  	s3 =	sld [smem:$0x3FDB];
	s0 =	simm.s32 @p2 $0x1  }
0x17: {  	s4 =	simm.s32 $0x1BF5;
	[smem:$0x3FBB] =	sst s0  }
0x18: {  	s0 =	sld [smem:$0x3F9E];
	_ =	swait.ge [sflag:s4], $0x0  }
0x19: {  	s7 =	sld [smem:$0x3F9F]  }
0x1a: {  	s8 =	sadd.s32 $0xFFFFE003, lr  }
0x1b: {  	s9 =	sadd.s32 $0xFFFFFEF7, lr;
	s5 =	simm.s32 $0xFFFFFFFF;
	p2 =	slt.u32 s8, $0xFFFFF086  }
0x1c: {  	p1 =	slt.u32 s9, $0xF7A;
	s5 =	simm.s32 @!p2 $0x0  }
0x1d: {  	s5 =	simm.s32 @p1 $0x1;
	p0 =	seq.s32 s7, s2  }
0x1e: {  	s7 =	smul.u32 @!p0 $0xF7A, s2;
	p2 =	seq.s32 @!p0 s5, $0x0  }
0x1f: {  	s9 =	smul.u32 $0xF7A, s1;
	s8 =	simm.s32 @!p0 $0x1BF5;
	p2 =	por !p2, p0  }
0x20: {  	[sflag:s8] =	ssyncset.s32 @!p0 $0xFFFFF086;
	s6 =	sadd.s32 @!p0 s3, s7;
	s7 =	simm.s32 @!p0 $0x108  }
0x21: {  	s3 =	sadd.s32 s3, s9;
	s6 =	sadd.s32 @!p0 $0x88, s6;
	s7 =	simm.s32 @p2 $0x1082  }
0x22: {  	[simem:s7], [sflag:s8] =	dma.local @!p0 [hbm:s6], $0xF7A  }
0x23: {  	s9 =	sor.u32 $0xD0000000, s2;
	s6 =	simm.s32 $0x108;
	_ =	swait.ge @!p0 [sflag:s8], $0x0  }
0x24: {  	s3 =	sadd.s32 $0x88, s3;
	s6 =	simm.s32 @!p1 $0x1082;
	[sflag:s4] =	ssyncset.s32 $0xFFFFF086  }
0x25: {  	[simem:s6], [sflag:s4] =	dma.local [hbm:s3], $0xF7A  }
0x26: {  	[smem:$0x3F9F] =	sst s1;
	(tag) =	ssettag s2;
	_ =	strace s9  }
0x27: {  	s1 =	sld [smem:$0x3FAF]  }
0x28: {  	s2 =	sld [smem:$0x3FB0]  }
0x29: {  	s4 =	sld [smem:$0x3FB2]  }
0x2a: {  	p0 =	seq.s32 s5, $0x0;
	s5 =	sld [smem:$0x3FB3]  }
0x2b: {  	s6 =	sld [smem:$0x3FB4]  }
0x2c: {  	s7 =	sld [smem:$0x3FB5]  }
0x2d: {  	s3 =	simm.s32 $0x108;
	s8 =	sld [smem:$0x3FB6]  }
0x2e: {  	s3 =	simm.s32 @!p0 $0x1082;
	s9 =	sld [smem:$0x3FB7]  }
0x2f: {  	lr =	sadd.s32 s0, s3;
	s0 =	sld [smem:$0x3FAE]  }
0x30: {  	s3 =	sld [smem:$0x3FB1]  }
0x31: {  	[smem:$0x3FBA] =	sst s10  }
0x32: {  	s10 =	sld [smem:$0x3FB8];
	_ =	sdelay $0x3  }
0x33: {  	p0 =	seq.s32 s10, $0x1;
	s10 =	sld [smem:$0x3FBA];
	_ =	sdelay $0x3  }
0x34: {  	[smem:$0x3FBA] =	sst s10  }
0x35: {  	s10 =	sld [smem:$0x3FB9];
	_ =	sdelay $0x3  }
0x36: {  	p1 =	seq.s32 s10, $0x1;
	s10 =	sld [smem:$0x3FBA];
	_ =	sdelay $0x3  }
0x37: {  	[smem:$0x3FBA] =	sst s10  }
0x38: {  	s10 =	sld [smem:$0x3FBB]  }
0x39: {  	_ = 	snop;
	(pc) =	sbr.ind lr, $3  }
0x3a: {  	_ = 	snop  }
0x3b: {  	_ = 	snop  }
0x3c: {  	p2 =	seq.s32 s10, $0x1;
	s10 =	sld [smem:$0x3FBA]  }
0x3d: {  	_ =	shalt  }
0x3e: {  	_ =	shalt  }
0x3f: {  	_ =	shalt  }
0x40: {  	_ =	shalt  }
0x41: {  	_ =	shalt  }
0x42: {  	_ =	shalt  }
0x43: {  	_ =	shalt  }
0x44: {  	_ =	shalt  }
0x45: {  	_ =	shalt  }
0x46: {  	_ =	shalt  }
0x47: {  	_ =	shalt  }
0x48: {  	_ =	shalt  }
0x49: {  	_ =	shalt  }
0x4a: {  	_ =	shalt  }
0x4b: {  	_ =	shalt  }
0x4c: {  	_ =	shalt  }
0x4d: {  	_ =	shalt  }
0x4e: {  	_ =	shalt  }
0x4f: {  	_ =	shalt  }
0x50: {  	_ =	shalt  }
0x51: {  	_ =	shalt  }
0x52: {  	_ =	shalt  }
0x53: {  	_ =	shalt  }
0x54: {  	_ =	shalt  }
0x55: {  	_ =	shalt  }
0x56: {  	_ =	shalt  }
0x57: {  	_ =	shalt  }
0x58: {  	_ =	shalt  }
0x59: {  	_ =	shalt  }
0x5a: {  	_ =	shalt  }
0x5b: {  	_ =	shalt  }
0x5c: {  	_ =	shalt  }
0x5d: {  	_ =	shalt  }
0x5e: {  	_ =	shalt  }
0x5f: {  	_ =	shalt  }
0x60: {  	_ =	shalt  }
0x61: {  	_ =	shalt  }
0x62: {  	_ =	shalt  }
0x63: {  	_ =	shalt  }
0x64: {  	_ =	shalt  }
0x65: {  	_ =	shalt  }
0x66: {  	_ =	shalt  }
0x67: {  	_ =	shalt  }
0x68: {  	_ =	shalt  }
0x69: {  	_ =	shalt  }
0x6a: {  	_ =	shalt  }
0x6b: {  	_ =	shalt  }
0x6c: {  	_ =	shalt  }
0x6d: {  	_ =	shalt  }
0x6e: {  	_ =	shalt  }
0x6f: {  	_ =	shalt  }
0x70: {  	_ =	shalt  }
0x71: {  	_ =	shalt  }
0x72: {  	_ =	shalt  }
0x73: {  	_ =	shalt  }
0x74: {  	_ =	shalt  }
0x75: {  	_ =	shalt  }
0x76: {  	_ =	shalt  }
0x77: {  	_ =	shalt  }
0x78: {  	_ =	shalt  }
0x79: {  	_ =	shalt  }
0x7a: {  	_ =	shalt  }
0x7b: {  	_ =	shalt  }
0x7c: {  	_ =	shalt  }
0x7d: {  	_ =	shalt  }
0x7e: {  	_ =	shalt  }
0x7f: {  	_ =	shalt  }
0x80: {  	_ =	shalt  }
0x81: {  	_ =	shalt  }
0x82: {  	_ =	shalt  }
0x83: {  	_ =	shalt  }
0x84: {  	_ =	shalt  }
0x85: {  	_ =	shalt  }
0x86: {  	_ =	shalt  }
0x87: {  	_ =	shalt  }
.Lfunc_end0:
.L_simem_size_0:
called_computation_lowered:
.L_overlay_start_0:
0x88: {  	s2 =	sld [smem:$0x3FD9]  }
0x89: {  	s3 =	sld [smem:$0x3FFE];
	_ =	sdelay $0x1  }
0x8a: {  	s1 =	srdreg.scid  }
0x8b: {  	s0 =	sand.u32 $0x1, s1  }
0x8c: {  	s17 =	sshll.u32 s0, $0xA;
	s2 =	sadd.s32 s3, s2  }
0x8d: {  	s2 =	sadd.s32 s2, s17  }
0x8e: {  	[smem:$0x3FC6] =	sst s2  }
0x8f: {  	_ = 	snop  }
0x90: {  	s2 =	sld [smem:$0x3FC8]  }
0x91: {  	s18 =	sld [smem:$0x3FD0];
	(tm) =	ssettm $0x1  }
0x92: {  	s4 =	sld [smem:$0x3FFB];
	_ =	sdelay $0x3  }
0x93: {  	_ =	strace s4  }
0x94: {  	s4 =	sld [smem:$0x3FFC];
	_ =	sdelay $0x3  }
0x95: {  	_ =	strace s4  }
0x96: {  	s4 =	sld [smem:$0x3FFD];
	_ =	sdelay $0x3  }
0x97: {  	_ =	strace s4  }
0x98: {  	_ =	strace $0x8FFFFFFF  }
0x99: {  	s19 =	sld [smem:$0x3FDB];
	_ =	sdelay $0x1  }
0x9a: {  	s5 =	simm.s32 $_scs_section_size  }
0x9b: {  	s6 =	simm.s32 $_size__tile_overlayer_lowered;
	s7 =	simm.s32 $_tile_overlayer_lowered  }
0x9c: {  	s22 =	simm.s32 $0x1BFF;
	s21 =	sshll.u32 s7, $0x1;
	s4 =	sadd.s32 s5, s19  }
0x9d: {  	s8 =	simm.s32 $0x0;
	s20 =	sshll.u32 s6, $0x1;
	s6 =	sadd.s32 s21, s4  }
0x9e: {  	[timem:s8], [sflag:s22] =	dma.local [hbm:s6], s20  }
0x9f: {  	_ =	swait.ge [sflag:s22], s20  }
0xa0: {  	s5 =	ssub.s32 $0x0, s20;
	[sflag:s22] =	ssyncset.done $0x0  }
0xa1: {  	[sflag:s22] =	ssyncadd.s32 s5;
	_ =	sdelay $0x1  }
0xa2: {  	s23 =	simm.s32 $0x1B8B  }
0xa3: {  	_ =	swait.ge [sflag:s23], $0x1  }
0xa4: {  	[sflag:s23] =	ssyncset.done $0x0  }
0xa5: {  	s25 =	simm.s32 $0x1B8E;
	s24 =	sld [smem:$0x3FFE];
	[sflag:s23] =	ssyncadd.s32 $0xFFFFFFFF  }
0xa6: {  	s26 =	simm.s32 $execute0_lowered;
	[smem:$0x3FD2] =	sst s25  }
0xa7: {  	s6 =	sshll.u32 s26, $0x1;
	_ =	strace $0x80000046;
	[dreg:$0x1] =	wrdreg $0xFFFFFFFF  }
0xa8: {  	s28 =	simm.s32 $_size_execute0_lowered;
	s4 =	sadd.s32 s4, s6;
	[dreg:$0x0] =	wrdreg $0x0  }
0xa9: {  	s6 =	sshll.u32 s28, $0x1;
	[dreg:$0x2] =	wrdreg s4  }
0xaa: {  	[dreg:$0x3] =	wrdreg s6  }
0xab: {  	[dreg:$0x4] =	wrdreg $0xC0  }
0xac: {  	_ =	task [dreg:s8], $0x5FFFF  }
0xad: {  	[dreg:$0x1] =	wrdreg $0xFFFFFFFF  }
0xae: {  	[dreg:$0x0] =	wrdreg $0x60  }
0xaf: {  	[dreg:$0x2] =	wrdreg s24  }
0xb0: {  	[dreg:$0x3] =	wrdreg s2  }
0xb1: {  	[dreg:$0x4] =	wrdreg s18  }
0xb2: {  	[dreg:$0x5] =	wrdreg $0x134000  }
0xb3: {  	[dreg:$0x6] =	wrdreg $0x9  }
0xb4: {  	_ =	task.clear_ibuf [dreg:s8], $0x7FFFF;
	_ =	strace $0x90000046  }
0xb5: {  	s29 =	simm.s32 $0x9;
	_ =	strace $0x80000048  }
0xb6: {  	_ =	swait.ge [sflag:s29], $0x1  }
0xb7: {  	[sflag:s29] =	ssyncadd.s32 $0xFFFFFFFF  }
0xb8: {  	_ =	strace $0x90000048  }
0xb9: {  	_ =	sfence  }
0xba: {  	s30 =	sld [smem:$0x0];
	_ =	sdelay $0x2  }
0xbb: {  	s31 =	sshll.u32 s1, $0xD;
	s1 =	sshrl.u32 s1, $0x2  }
0xbc: {  	s3 =	sand.u32 $0x4000, s31;
	s1 =	sadd.s32 s1, s30  }
0xbd: {  	s0 =	sor.u32 s3, s0;
	s1 =	sshll.u32 s1, $0x11  }
0xbe: {  	s0 =	sor.u32 s1, s0  }
0xbf: {  	s0 =	sadd.s32 $0x8F2B, s0  }
0xc0: {  	[sflag:s0] =	ssyncadd.remote.s32 $0x1  }
0xc1: {  	_ =	sfence.sel $0xFFFF  }
0xc2: {  	[dreg:$0x0] =	wrdreg $0xFFFFFFFF;
	(pc) =	sbr.abs _section_cstart, $3  }
0xc3: {  	[dreg:$0x1] =	wrdreg $0xFFFFFFFF  }
0xc4: {  	_ =	task.clear_ibuf [dreg:s8], $0x2FFFF;
	_ =	strace $0x9FFFFFFF  }
0xc5: {  	(tm) =	ssettm $0x7FFFFFFF  }
tec
execute0_lowered:
.L_overlay_start_1:
0x0: {  	(tag) =	ssettag $0x1  }
0x1: {  	s0 =	srdreg.scid  }
0x2: {  	s0 =	sand.u32 $0x1, s0  }
0x3: {  	s18 =	stileid.u32;
	s3 =	sshll.u32 s0, $0x4  }
0x4: {  	s2 =	rddreg [dreg:$0x0];
	s8 =	sor.u32 s18, s3  }
0x5: {  	s1 =	rddreg [dreg:$0x1];
	s10 =	smul.u32 $0x7D000, s18;
	s5 =	sshrl.u32 s8, $0x3  }
0x6: {  	s4 =	rddreg [dreg:$0x3];
	s7 =	smul.u32 $0x1A000, s5  }
0x7: {  	s6 =	simm.s32 $0x0;
	s15 =	sshll.u32 s18, $0x7;
	s5 =	smul.u32 $0x3400, s8  }
0x8: {  	s29 =	simm.s32 $0x1;
	s9 =	sand.u32 $0x380, s15;
	s16 =	smul.u32 $0xD, s0  }
0x9: {  	s31 =	simm.s32 $0x2;
	s17 =	smul.u32 $0x3400, s18;
	s7 =	sor.u32 s9, s7;
	v0 =	vmov s5  }
0xa: {  	s25 =	smul.u32 $0x1A0000, s18;
	s11 =	ssub.s32 $0x2, s0;
	s7 =	sshrl.u32 s7, $0x3;
	v1 =	vshrl.u32 v0, $0xE;
	v0 =	vmov s16  }
0xb: {  	s13 =	sshrl.u32 s11, $0x1;
	s2 =	sadd.s32 s7, s2;
	v1 =	vsub.s32 v1, v0;
	s7 =	sor.u32 $0x40, s5  }
0xc: {  	s14 =	ssub.s32 s11, s13;
	s13 =	sor.u32 $0x140, s5;
	s15 =	sor.u32 $0x1C0, s5;
	v1 =	vbroadcast v1, $0x0;
	v2 =	vmov s7  }
0xd: {  	s30 =	simm.s32 $0x11400;
	[smem:$0x7FF] =	sst s6;
	s19 =	smul.u32 $0x32C8, s0;
	v9 =	vmov s13;
	v10 =	vmov s15;
	v2 =	vshrl.u32 v2, $0xE  }
0xe: {  	p0 =	sgt.u32 s18, $0x5;
	s23 =	smul.u32 $0x34000, s0;
	s21 =	sor.u32 $0x80, s5;
	v3 =	vmul.u32 $0x3E8, v1;
	vm0 =	vlt.s32 v1, $0x6;
	v2 =	vsub.s32 v2, v0  }
0xf: {  	s0 =	smul.u32 $0x1A00000, s0;
	s3 =	rddreg [dreg:$0x2];
	_ =	strace $0x80000047;
	v1 =	vmov s19;
	v4 =	vbroadcast v2, $0x0;
	v2 =	vmov s21  }
0x10: {  	s10 =	sshrl.u32 s10, $0x2;
	s12 =	sadd.s32 s18, s16;
	v10 =	vshrl.u32 v10, $0xE;
	s19 =	sor.u32 $0x100, s5;
	v5 =	vsel vm0, $0x0, v1;
	v6 =	vshrl.u32 v2, $0xE  }
0x11: {  	s10 =	sadd.s32 s10, s4;
	s0 =	sadd.s32 s25, s0;
	s12 =	smul.u32 $0x3E80, s12;
	v7 =	vmov s19;
	v2 =	vadd.s32 v3, v5;
	v5 =	vsub.s32 v6, v0  }
0x12: {  	s24 =	smax.u32 s14, $0x1;
	s0 =	sshrl.u32 s0, $0x3;
	s11 =	sor.u32 $0xC0, s5;
	v3 =	vmul.u32 $0x3E8, v4;
	vm9 =	vlt.s32 v4, $0x6;
	v4 =	vbroadcast v5, $0x0  }
0x13: {  	s8 =	smul.u32 $0x34000, s8;
	[dreg:$0xa] =	wrdreg s24;
	s0 =	sadd.s32 s0, s3;
	v10 =	vsub.s32 v10, v0;
	v7 =	vshrl.u32 v7, $0xE;
	v5 =	vmov s11  }
0x14: {  	s25 =	simm.s32 $0x10;
	s12 =	sadd.s32 s1, s12;
	[dreg:$0xe] =	wrdreg s0;
	v8 =	vmul.u32 $0x3E8, v4;
	vm10 =	vlt.s32 v4, $0x6;
	v4 =	vsub.s32 v7, v0  }
0x15: {  	s20 =	sshrl.u32 s5, $0xE;
	s8 =	sadd.s32 s3, s8;
	[dreg:$0x5] =	wrdreg s12;
	v6 =	vsel vm9, $0x0, v1;
	v5 =	vshrl.u32 v5, $0xE;
	v7 =	vbroadcast v4, $0x0  }
0x16: {  	s9 =	simm.s32 $0x8;
	s22 =	ssub.s32 s20, s16;
	[dreg:$0x6] =	wrdreg s21;
	v3 =	vadd.s32 v3, v6;
	v5 =	vsub.s32 v5, v0;
	v6 =	vsel vm10, $0x0, v1  }
0x17: {  	s20 =	sor.u32 $0x180, s5;
	s16 =	sadd.s32 $0x6, s16;
	s26 =	sadd.s32 $0x32800, s8;
	v5 =	vbroadcast v5, $0x0;
	v4 =	vadd.s32 v8, v6;
	v8 =	vmul.u32 $0x3E8, v7  }
0x18: {  	s12 =	sadd.s32 s17, s23;
	s28 =	sadd.s32 $0x33000, s8;
	[dreg:$0xb] =	wrdreg s26;
	vm12 =	vlt.s32 v7, $0x6;
	v7 =	vshrl.u32 v9, $0xE;
	v9 =	vmov s20  }
0x19: {  	s8 =	sadd.s32 $0x33800, s8;
	s23 =	simm.s32 $0x6;
	[dreg:$0xc] =	wrdreg s28;
	v6 =	vmul.u32 $0x3E8, v5;
	v7 =	vsub.s32 v7, v0;
	v9 =	vshrl.u32 v9, $0xE  }
0x1a: {  	[dreg:$0xd] =	wrdreg s8;
	s8 =	sshll.u32 @!p0 s18, $0x6;
	p1 =	slt.s32 s22, $0x6;
	vm11 =	vlt.s32 v5, $0x6;
	v7 =	vbroadcast v7, $0x0;
	v9 =	vsub.s32 v9, v0  }
0x1b: {  	p2 =	sgt.s32 s22, $0x5;
	[dreg:$0x9] =	wrdreg s20;
	s2 =	sadd.s32 $0x400, s2;
	v5 =	vsel vm11, $0x0, v1;
	v11 =	vsel vm12, $0x0, v1;
	v9 =	vbroadcast v9, $0x0  }
.Ltmp0:
0x1c: {  	s0 =	sor.u32 @!p0 $0x1C11, s8;
	[dreg:$0x7] =	wrdreg s2;
	v12 =	vmul.u32 $0x3E8, v7;
	vm13 =	vlt.s32 v7, $0x6;
	v7 =	vbroadcast v10, $0x0;
	(pc) =	sbr.rel .LBB2_1-.Ltmp0, $4  }
0x1d: {  	s26 =	simm.s32 $0x4;
	[dreg:$0xf] =	wrdreg s0;
	s0 =	sshrl.u32 @!p0 s10, $0x3;
	v5 =	vadd.s32 v6, v5;
	v6 =	vadd.s32 v8, v11;
	v13 =	vmul.u32 $0x3E8, v9  }
0x1e: {  	s22 =	simm.s32 $0x7;
	s10 =	simm.s32 $0x5;
	[dreg:$0x10] =	wrdreg s0;
	vm14 =	vlt.s32 v9, $0x6;
	vm15 =	vlt.s32 v7, $0x6;
	v14 =	vmul.u32 $0x3E8, v7  }
0x1f: {  	s2 =	simm.s32 $0x0;
	s0 =	simm.s32 $0x3;
	[dreg:$0x8] =	wrdreg s19;
	v10 =	vsel vm13, $0x0, v1;
	v9 =	vsel vm14, $0x0, v1;
	v11 =	vsel vm15, $0x0, v1  }
0x20: {  	s21 =	sor.u32 $0x200, s12;
	s19 =	simm.s32 $0x9400;
	s20 =	simm.s32 $0xD400;
	v7 =	vadd.s32 v12, v10;
	v8 =	vadd.s32 v13, v9;
	v9 =	vadd.s32 v14, v11  }
.LBB2_13:
0x21: {  	s8 =	simm.s32 $0x9  }
0x22: {  	_ =	swait.ge [sflag:s8], $0x2000  }
0x23: {  	[sflag:s8] =	ssyncset.done $0x0  }
0x24: {  	s2 =	simm.s32 $0xA;
	[sflag:s8] =	ssyncadd.s32 $0xFFFFE000  }
0x25: {  	_ =	swait.ge [sflag:s2], $0x2000  }
0x26: {  	[sflag:s2] =	ssyncset.done $0x0  }
0x27: {  	[sflag:s2] =	ssyncadd.s32 $0xFFFFE000;
	s2 =	simm.s32 $0xB  }
0x28: {  	_ =	swait.ge [sflag:s2], $0x2000  }
0x29: {  	[sflag:s2] =	ssyncset.done $0x0  }
0x2a: {  	s12 =	simm.s32 $0xC;
	[sflag:s2] =	ssyncadd.s32 $0xFFFFE000  }
0x2b: {  	_ =	swait.ge [sflag:s12], $0x2000  }
0x2c: {  	[sflag:s12] =	ssyncset.done $0x0  }
0x2d: {  	s14 =	simm.s32 $0xD;
	[sflag:s12] =	ssyncadd.s32 $0xFFFFE000  }
0x2e: {  	_ =	swait.ge [sflag:s14], $0x2000  }
0x2f: {  	[sflag:s14] =	ssyncset.done $0x0  }
0x30: {  	s17 =	simm.s32 $0xE;
	[sflag:s14] =	ssyncadd.s32 $0xFFFFE000  }
0x31: {  	_ =	swait.ge [sflag:s17], $0x2000  }
0x32: {  	[sflag:s17] =	ssyncset.done $0x0  }
0x33: {  	s18 =	simm.s32 $0xF;
	[sflag:s17] =	ssyncadd.s32 $0xFFFFE000  }
0x34: {  	_ =	swait.ge [sflag:s18], $0x2000  }
0x35: {  	[sflag:s18] =	ssyncset.done $0x0  }
0x36: {  	[sflag:s18] =	ssyncadd.s32 $0xFFFFE000  }
0x37: {  	_ =	swait.ge [sflag:s25], $0x2000  }
0x38: {  	s24 =	rddreg [dreg:$0x11]  }
0x39: {  	s28 =	rddreg [dreg:$0xa];
	s2 =	sadd.s32 $0x1, s24  }
0x3a: {  	p3 =	sne.s32 s2, s28  }
.Ltmp1:
0x3b: {  	_ = 	snop;
	(pc) =	sbr.rel @!p3 .LBB2_14-.Ltmp1, $3  }
0x3c: {  	_ =	sdelay $0x1  }
0x3d: {  	[sflag:s25] =	ssyncset.done $0x0  }
0x3e: {  	[sflag:s25] =	ssyncadd.s32 $0xFFFFE000  }
.LBB2_1:
0x3f: {  	[dreg:$0x11] =	wrdreg s2  }
0x40: {  	s8 =	rddreg [dreg:$0x5]  }
0x41: {  	s12 =	rddreg [dreg:$0xf]  }
0x42: {  	s14 =	rddreg [dreg:$0x10];
	s17 =	simm.s32 $0x80  }
0x43: {  	[spmem:s14], [sflag:s12] =	dma.local @!p0 [hbm:s8], $0x3E80  }
0x44: {  	s18 =	simm.s32 $0x400;
	s24 =	simm.s32 $0x12;
	s8 =	rddreg [dreg:$0x7]  }
0x45: {  	[tilespmem:s6], [sflag:$0x12] =	stream.strided.gather [hbm4b:s8+s17], $0x3400, s18, s17, $0x38;
	[tilespmem:$0x1EF80] =	vst v63  }
0x46: {  	_ =	swait.ge [sflag:s24], $0x3400  }
0x47: {  	[sflag:s24] =	ssyncset.done $0x0  }
0x48: {  	[sflag:s24] =	ssyncadd.s32 $0xFFFFCC00  }
0x49: {  	v10 =	vld [tilespmem:$0x0]  }
0x4a: {  	v11 =	vld [tilespmem:$0x10]  }
0x4b: {  	v12 =	vld [tilespmem:$0x20]  }
0x4c: {  	v13 =	vld [tilespmem:$0x30];
	_ =	sdelay $0x1  }
0x4d: {  	v10 =	vadd.s32 v10, v2  }
0x4e: {  	[tilespmem:$0x0] =	vst v10;
	v10 =	vadd.s32 v11, v2  }
0x4f: {  	[tilespmem:$0x10] =	vst v10;
	v10 =	vadd.s32 v12, v2  }
0x50: {  	[tilespmem:$0x20] =	vst v10;
	v10 =	vadd.s32 v13, v2  }
0x51: {  	s8 =	simm.s32 @!p1 $0x40;
	s17 =	simm.s32 @!p1 $0x0;
	s24 =	simm.s32 @!p1 $0x3400;
	[tilespmem:$0x30] =	vst v10  }
0x52: {  	[tilespmem:s24], [sflag:$0x1] =	stream.indirect.gather @!p1 [hbm4b:s1+s8], $0x80, s17, s8, $0xb8;
	[tilespmem:$0x1EF80] =	vst v63  }
0x53: {  	v10 =	vld [tilespmem:$0x40]  }
0x54: {  	v11 =	vld [tilespmem:$0x50]  }
0x55: {  	v50 =	vld [tilespmem:$0x60]  }
0x56: {  	v51 =	vld [tilespmem:$0x70];
	_ =	sdelay $0x1  }
0x57: {  	v10 =	vadd.s32 v10, v3  }
0x58: {  	[tilespmem:$0x40] =	vst v10;
	v10 =	vadd.s32 v11, v2  }
0x59: {  	[tilespmem:$0x50] =	vst v10;
	v10 =	vadd.s32 v50, v2  }
0x5a: {  	[tilespmem:$0x60] =	vst v10;
	v10 =	vadd.s32 v51, v2  }
0x5b: {  	s17 =	simm.s32 @!p1 $0x5400;
	[tilespmem:$0x70] =	vst v10  }
0x5c: {  	[tilespmem:s17], [sflag:$0x2] =	stream.indirect.gather @!p1 [hbm4b:s1+s8], $0x80, s8, s8, $0xb8;
	[tilespmem:$0x1EF80] =	vst v63  }
0x5d: {  	v10 =	vld [tilespmem:$0x80]  }
0x5e: {  	v11 =	vld [tilespmem:$0x90]  }
0x5f: {  	v52 =	vld [tilespmem:$0xA0]  }
0x60: {  	v53 =	vld [tilespmem:$0xB0];
	_ =	sdelay $0x1  }
0x61: {  	v10 =	vadd.s32 v10, v4  }
0x62: {  	[tilespmem:$0x80] =	vst v10;
	v10 =	vadd.s32 v11, v2  }
0x63: {  	[tilespmem:$0x90] =	vst v10;
	v10 =	vadd.s32 v52, v2  }
0x64: {  	[tilespmem:$0xA0] =	vst v10;
	v10 =	vadd.s32 v53, v2  }
0x65: {  	s24 =	simm.s32 @!p1 $0x7400;
	s17 =	simm.s32 @!p1 $0x80;
	[tilespmem:$0xB0] =	vst v10  }
0x66: {  	[tilespmem:s24], [sflag:$0x3] =	stream.indirect.gather @!p1 [hbm4b:s1+s8], $0x80, s17, s8, $0xb8;
	[tilespmem:$0x1EF80] =	vst v63  }
0x67: {  	v10 =	vld [tilespmem:$0xC0]  }
0x68: {  	v11 =	vld [tilespmem:$0xD0]  }
0x69: {  	v54 =	vld [tilespmem:$0xE0]  }
0x6a: {  	v55 =	vld [tilespmem:$0xF0];
	_ =	sdelay $0x1  }
0x6b: {  	v10 =	vadd.s32 v10, v5  }
0x6c: {  	[tilespmem:$0xC0] =	vst v10;
	v10 =	vadd.s32 v11, v2  }
0x6d: {  	[tilespmem:$0xD0] =	vst v10;
	v10 =	vadd.s32 v54, v2  }
0x6e: {  	[tilespmem:$0xE0] =	vst v10;
	v10 =	vadd.s32 v55, v2  }
0x6f: {  	s17 =	simm.s32 @!p1 $0xC0;
	s24 =	simm.s32 @!p1 $0x9400;
	[tilespmem:$0xF0] =	vst v10  }
0x70: {  	[tilespmem:s24], [sflag:$0x4] =	stream.indirect.gather @!p1 [hbm4b:s1+s8], $0x80, s17, s8, $0xb8;
	[tilespmem:$0x1EF80] =	vst v63  }
0x71: {  	v10 =	vld [tilespmem:$0x100]  }
0x72: {  	v11 =	vld [tilespmem:$0x110]  }
0x73: {  	v56 =	vld [tilespmem:$0x120]  }
0x74: {  	v57 =	vld [tilespmem:$0x130];
	_ =	sdelay $0x1  }
0x75: {  	v10 =	vadd.s32 v10, v6  }
0x76: {  	[tilespmem:$0x100] =	vst v10;
	v10 =	vadd.s32 v11, v2  }
0x77: {  	[tilespmem:$0x110] =	vst v10;
	v10 =	vadd.s32 v56, v2  }
0x78: {  	[tilespmem:$0x120] =	vst v10;
	v10 =	vadd.s32 v57, v2  }
0x79: {  	s17 =	simm.s32 @!p1 $0x100;
	s24 =	simm.s32 @!p1 $0xB400;
	[tilespmem:$0x130] =	vst v10  }
0x7a: {  	[tilespmem:s24], [sflag:$0x5] =	stream.indirect.gather @!p1 [hbm4b:s1+s8], $0x80, s17, s8, $0xb8;
	[tilespmem:$0x1EF80] =	vst v63  }
0x7b: {  	v10 =	vld [tilespmem:$0x140]  }
0x7c: {  	v11 =	vld [tilespmem:$0x150]  }
0x7d: {  	v58 =	vld [tilespmem:$0x160]  }
0x7e: {  	v59 =	vld [tilespmem:$0x170];
	_ =	sdelay $0x1  }
0x7f: {  	v10 =	vadd.s32 v10, v7  }
0x80: {  	[tilespmem:$0x140] =	vst v10;
	v10 =	vadd.s32 v11, v2  }
0x81: {  	[tilespmem:$0x150] =	vst v10;
	v10 =	vadd.s32 v58, v2  }
0x82: {  	[tilespmem:$0x160] =	vst v10;
	v10 =	vadd.s32 v59, v2  }
0x83: {  	s17 =	simm.s32 @!p1 $0x140;
	s24 =	simm.s32 @!p1 $0xD400;
	[tilespmem:$0x170] =	vst v10  }
0x84: {  	[tilespmem:s24], [sflag:$0x6] =	stream.indirect.gather @!p1 [hbm4b:s1+s8], $0x80, s17, s8, $0xb8;
	[tilespmem:$0x1EF80] =	vst v63  }
0x85: {  	v10 =	vld [tilespmem:$0x180]  }
0x86: {  	v11 =	vld [tilespmem:$0x190]  }
0x87: {  	v60 =	vld [tilespmem:$0x1A0]  }
0x88: {  	v61 =	vld [tilespmem:$0x1B0];
	_ =	sdelay $0x1  }
0x89: {  	v10 =	vadd.s32 v10, v8  }
0x8a: {  	[tilespmem:$0x180] =	vst v10;
	v10 =	vadd.s32 v11, v2  }
0x8b: {  	[tilespmem:$0x190] =	vst v10;
	v10 =	vadd.s32 v60, v2  }
0x8c: {  	[tilespmem:$0x1A0] =	vst v10;
	v10 =	vadd.s32 v61, v2  }
0x8d: {  	s17 =	simm.s32 @!p1 $0x180;
	s24 =	simm.s32 @!p1 $0xF400;
	[tilespmem:$0x1B0] =	vst v10  }
0x8e: {  	[tilespmem:s24], [sflag:$0x7] =	stream.indirect.gather @!p1 [hbm4b:s1+s8], $0x80, s17, s8, $0xb8;
	[tilespmem:$0x1EF80] =	vst v63  }
0x8f: {  	v10 =	vld [tilespmem:$0x1C0]  }
0x90: {  	v11 =	vld [tilespmem:$0x1D0]  }
0x91: {  	v62 =	vld [tilespmem:$0x1E0]  }
0x92: {  	v63 =	vld [tilespmem:$0x1F0];
	_ =	sdelay $0x1  }
0x93: {  	v10 =	vadd.s32 v10, v9  }
0x94: {  	[tilespmem:$0x1C0] =	vst v10;
	v10 =	vadd.s32 v11, v2  }
0x95: {  	[tilespmem:$0x1D0] =	vst v10;
	v10 =	vadd.s32 v62, v2  }
0x96: {  	[tilespmem:$0x1E0] =	vst v10;
	v10 =	vadd.s32 v63, v2  }
0x97: {  	s17 =	simm.s32 @!p1 $0x1C0;
	s24 =	simm.s32 @!p1 $0x11400;
	[tilespmem:$0x1F0] =	vst v10  }
0x98: {  	[tilespmem:s24], [sflag:$0x8] =	stream.indirect.gather @!p1 [hbm4b:s1+s8], $0x80, s17, s8, $0xb8;
	[tilespmem:$0x1EF80] =	vst v63  }
0x99: {  	s8 =	simm.s32 @!p0 $0x11  }
0x9a: {  	_ =	swait.ge @!p0 [sflag:s8], $0x3E80  }
0x9b: {  	[sflag:s8] =	ssyncset.done @!p0 $0x0  }
0x9c: {  	s17 =	simm.s32 @!p2 $0x0;
	[sflag:s8] =	ssyncadd.s32 @!p0 $0xFFFFC180  }
0x9d: {  	s24 =	simm.s32 @!p2 $0x3400;
	s8 =	simm.s32 @!p2 $0x40;
	[bflag:$0x0] =	sbarrier.arrive $0xFFFF  }
0x9e: {  	[tilespmem:s24], [sflag:$0x1] =	stream.indirect.gather @!p2 [spmem:s4], $0x80, s17, s8, $0xb8;
	[tilespmem:$0x1EF80] =	vst v63  }
0x9f: {  	s17 =	simm.s32 @!p2 $0x5400  }
0xa0: {  	[tilespmem:s17], [sflag:$0x2] =	stream.indirect.gather @!p2 [spmem:s4], $0x80, s8, s8, $0xb8;
	[tilespmem:$0x1EF80] =	vst v63  }
0xa1: {  	s24 =	simm.s32 @!p2 $0x7400;
	s17 =	simm.s32 @!p2 $0x80  }
0xa2: {  	[tilespmem:s24], [sflag:$0x3] =	stream.indirect.gather @!p2 [spmem:s4], $0x80, s17, s8, $0xb8;
	[tilespmem:$0x1EF80] =	vst v63  }
0xa3: {  	s17 =	simm.s32 @!p2 $0xC0;
	s24 =	simm.s32 @!p2 $0x9400  }
0xa4: {  	[tilespmem:s24], [sflag:$0x4] =	stream.indirect.gather @!p2 [spmem:s4], $0x80, s17, s8, $0xb8;
	[tilespmem:$0x1EF80] =	vst v63  }
0xa5: {  	s17 =	simm.s32 @!p2 $0x100;
	s24 =	simm.s32 @!p2 $0xB400  }
0xa6: {  	[tilespmem:s24], [sflag:$0x5] =	stream.indirect.gather @!p2 [spmem:s4], $0x80, s17, s8, $0xb8;
	[tilespmem:$0x1EF80] =	vst v63  }
0xa7: {  	s17 =	simm.s32 @!p2 $0x140;
	s24 =	simm.s32 @!p2 $0xD400  }
0xa8: {  	[tilespmem:s24], [sflag:$0x6] =	stream.indirect.gather @!p2 [spmem:s4], $0x80, s17, s8, $0xb8;
	[tilespmem:$0x1EF80] =	vst v63  }
0xa9: {  	s17 =	simm.s32 @!p2 $0x180;
	s24 =	simm.s32 @!p2 $0xF400  }
0xaa: {  	[tilespmem:s24], [sflag:$0x7] =	stream.indirect.gather @!p2 [spmem:s4], $0x80, s17, s8, $0xb8;
	[tilespmem:$0x1EF80] =	vst v63  }
0xab: {  	s17 =	simm.s32 @!p2 $0x1C0;
	s24 =	simm.s32 @!p2 $0x11400  }
0xac: {  	[tilespmem:s24], [sflag:$0x8] =	stream.indirect.gather @!p2 [spmem:s4], $0x80, s17, s8, $0xb8;
	[tilespmem:$0x1EF80] =	vst v63  }
0xad: {  	s28 =	simm.s32 $0x0;
	s8 =	simm.s32 $0x200;
	s17 =	rddreg [dreg:$0xe]  }
.LBB2_2:
0xae: {  	p3 =	seq.s32 s28, $0x3200  }
0xaf: {  	_ =	swait.ge [sflag:s29], $0x2000;
	s24 =	sadd.s32 @!p3 s28, s21  }
0xb0: {  	[sflag:s29] =	ssyncset.done $0x0;
	v10 =	vmov @!p3 s24  }
0xb1: {  	s12 =	simm.s32 $0x3400;
	[sflag:s29] =	ssyncadd.s32 $0xFFFFE000;
	v10 =	vshrl.u32 @!p3 v10, $0xE  }
0xb2: {  	[hbm4b:s17+s6] =	stream.linear.scatter [tilespmem:s12], [sflag:$0x9], $0x2000, $0x38;
	v10 =	vsub.s32 @!p3 v10, v0;
	[tilespmem:$0x1EF80] =	vst v63  }
0xb3: {  	v11 =	vld @!p3 [tilespmem:s8+$0x0];
	v10 =	vbroadcast @!p3 v10, $0x0;
	_ =	sdelay $0x1  }
0xb4: {  	v12 =	vmul.u32 @!p3 $0x3E8, v10;
	vm0 =	vlt.s32 @!p3 v10, $0x6  }
0xb5: {  	v10 =	vsel @!p3 vm0, $0x0, v1  }
0xb6: {  	v10 =	vadd.s32 @!p3 v12, v10  }
0xb7: {  	v11 =	vadd.s32 @!p3 v11, v10  }
0xb8: {  	[tilespmem:s8+$0x0] =	vst @!p3 v11;
	v11 =	vld @!p3 [tilespmem:s8+$0x10];
	_ =	sdelay $0x4  }
0xb9: {  	v11 =	vadd.s32 @!p3 v11, v10  }
0xba: {  	[tilespmem:s8+$0x10] =	vst @!p3 v11;
	v11 =	vld @!p3 [tilespmem:s8+$0x20];
	_ =	sdelay $0x4  }
0xbb: {  	v11 =	vadd.s32 @!p3 v11, v10  }
0xbc: {  	[tilespmem:s8+$0x20] =	vst @!p3 v11;
	v11 =	vld @!p3 [tilespmem:s8+$0x30];
	_ =	sdelay $0x4  }
0xbd: {  	v10 =	vadd.s32 @!p3 v11, v10  }
0xbe: {  	s24 =	sshrl.u32 @!p3 s24, $0xE;
	s12 =	simm.s32 @!p3 $0x9;
	[tilespmem:s8+$0x30] =	vst @!p3 v10  }
0xbf: {  	p4 =	sge.u32 @!p3 s24, s16;
	_ =	swait.ge @!p3 [sflag:s12], $0x2000  }
0xc0: {  	p5 =	por !p4, p3;
	p4 =	por p4, p3;
	[sflag:s12] =	ssyncset.done @!p3 $0x0  }
0xc1: {  	s24 =	simm.s32 @!p5 $0x3400;
	[sflag:s12] =	ssyncadd.s32 @!p3 $0xFFFFE000;
	s12 =	simm.s32 @!p5 $0x40  }
0xc2: {  	[tilespmem:s24], [sflag:$0x1] =	stream.indirect.gather @!p5 [hbm4b:s1+s12], $0x80, s8, s12, $0xb8;
	[tilespmem:$0x1EF80] =	vst v63  }
0xc3: {  	s12 =	simm.s32 @!p4 $0x40;
	s24 =	simm.s32 @!p4 $0x3400  }
0xc4: {  	[tilespmem:s24], [sflag:$0x1] =	stream.indirect.gather @!p4 [spmem:s4], $0x80, s8, s12, $0xb8;
	[tilespmem:$0x1EF80] =	vst v63  }
0xc5: {  	s24 =	smov.u32 s28  }
.Ltmp2:
0xc6: {  	s24 =	simm.s32 @p3 $0x3200;
	(pc) =	sbr.rel @!p3 .LBB2_3-.Ltmp2, $4  }
0xc7: {  	_ =	swait.ge [sflag:s31], $0x2000;
	s18 =	sadd.s32 s24, s7  }
0xc8: {  	[sflag:s31] =	ssyncset.done $0x0;
	s12 =	sshll.u32 s18, $0x4  }
0xc9: {  	s14 =	simm.s32 $0x5400;
	[sflag:s31] =	ssyncadd.s32 $0xFFFFE000;
	s12 =	sadd.s32 s3, s12  }
0xca: {  	[hbm4b:s12+s6] =	stream.linear.scatter [tilespmem:s14], [sflag:$0xA], $0x2000, $0x38;
	[tilespmem:$0x1EF80] =	vst v63  }
.Ltmp3:
0xcb: {  	(pc) =	sbr.rel .LBB2_5-.Ltmp3, $4  }
0xcc: {  	_ =	swait.ge [sflag:s0], $0x2000  }
0xcd: {  	[sflag:s0] =	ssyncset.done $0x0  }
0xce: {  	s14 =	simm.s32 $0x7400;
	s12 =	rddreg [dreg:$0xb];
	[sflag:s0] =	ssyncadd.s32 $0xFFFFE000  }
0xcf: {  	[hbm4b:s12+s6] =	stream.linear.scatter [tilespmem:s14], [sflag:$0xB], $0x2000, $0x38;
	[tilespmem:$0x1EF80] =	vst v63  }
.LBB2_3:
0xd0: {  	s12 =	sadd.s32 $0x240, s24  }
0xd1: {  	s14 =	sadd.s32 s5, s12  }
0xd2: {  	v10 =	vmov s14  }
0xd3: {  	v10 =	vshrl.u32 v10, $0xE  }
0xd4: {  	v10 =	vsub.s32 v10, v0  }
0xd5: {  	v11 =	vld [tilespmem:s24+$0x240];
	v10 =	vbroadcast v10, $0x0;
	_ =	sdelay $0x1  }
0xd6: {  	v12 =	vmul.u32 $0x3E8, v10;
	vm0 =	vlt.s32 v10, $0x6  }
0xd7: {  	v10 =	vsel vm0, $0x0, v1  }
0xd8: {  	v10 =	vadd.s32 v12, v10  }
0xd9: {  	v11 =	vadd.s32 v11, v10  }
0xda: {  	[tilespmem:s24+$0x240] =	vst v11;
	v11 =	vld [tilespmem:s24+$0x250];
	_ =	sdelay $0x4  }
0xdb: {  	v11 =	vadd.s32 v11, v10  }
0xdc: {  	[tilespmem:s24+$0x250] =	vst v11;
	v11 =	vld [tilespmem:s24+$0x260];
	_ =	sdelay $0x4  }
0xdd: {  	v11 =	vadd.s32 v11, v10  }
0xde: {  	[tilespmem:s24+$0x260] =	vst v11;
	v11 =	vld [tilespmem:s24+$0x270];
	_ =	sdelay $0x4  }
0xdf: {  	v10 =	vadd.s32 v11, v10  }
0xe0: {  	s18 =	simm.s32 $0xA;
	[tilespmem:s24+$0x270] =	vst v10  }
0xe1: {  	s14 =	sshrl.u32 s14, $0xE;
	_ =	swait.ge [sflag:s18], $0x2000  }
0xe2: {  	p4 =	sge.u32 s14, s16;
	[sflag:s18] =	ssyncset.done $0x0  }
0xe3: {  	s14 =	simm.s32 @p4 $0x40;
	[sflag:s18] =	ssyncadd.s32 $0xFFFFE000;
	s18 =	simm.s32 @p4 $0x5400  }
0xe4: {  	[tilespmem:s18], [sflag:$0x2] =	stream.indirect.gather @p4 [hbm4b:s1+s14], $0x80, s12, s14, $0xb8;
	[tilespmem:$0x1EF80] =	vst v63  }
0xe5: {  	s14 =	simm.s32 @!p4 $0x40;
	s18 =	simm.s32 @!p4 $0x5400  }
0xe6: {  	[tilespmem:s18], [sflag:$0x2] =	stream.indirect.gather @!p4 [spmem:s4], $0x80, s12, s14, $0xb8;
	[tilespmem:$0x1EF80] =	vst v63  }
0xe7: {  	_ =	swait.ge [sflag:s0], $0x2000  }
0xe8: {  	s12 =	sadd.s32 $0x280, s24;
	s2 =	rddreg [dreg:$0x6]  }
0xe9: {  	s18 =	sadd.s32 s5, s12;
	s14 =	sadd.s32 s24, s2  }
0xea: {  	[sflag:s0] =	ssyncset.done $0x0;
	v10 =	vmov s18;
	s14 =	sshll.u32 s14, $0x4  }
0xeb: {  	s19 =	simm.s32 $0x7400;
	[sflag:s0] =	ssyncadd.s32 $0xFFFFE000;
	v10 =	vshrl.u32 v10, $0xE;
	s14 =	sadd.s32 s3, s14  }
0xec: {  	v10 =	vsub.s32 v10, v0;
	[hbm4b:s14+s6] =	stream.linear.scatter [tilespmem:s19], [sflag:$0xB], $0x2000, $0x38;
	[tilespmem:$0x1EF80] =	vst v63  }
0xed: {  	v10 =	vbroadcast v10, $0x0;
	v11 =	vld [tilespmem:s24+$0x280];
	_ =	sdelay $0x1  }
0xee: {  	v63 =	vmul.u32 $0x3E8, v10;
	vm15 =	vlt.s32 v10, $0x6  }
0xef: {  	v10 =	vsel vm15, $0x0, v1  }
0xf0: {  	v10 =	vadd.s32 v63, v10  }
0xf1: {  	v11 =	vadd.s32 v11, v10  }
0xf2: {  	[tilespmem:s24+$0x280] =	vst v11;
	v11 =	vld [tilespmem:s24+$0x290];
	_ =	sdelay $0x4  }
0xf3: {  	v11 =	vadd.s32 v11, v10  }
0xf4: {  	[tilespmem:s24+$0x290] =	vst v11;
	v11 =	vld [tilespmem:s24+$0x2A0];
	_ =	sdelay $0x4  }
0xf5: {  	v11 =	vadd.s32 v11, v10  }
0xf6: {  	[tilespmem:s24+$0x2A0] =	vst v11;
	v11 =	vld [tilespmem:s24+$0x2B0];
	_ =	sdelay $0x4  }
0xf7: {  	v10 =	vadd.s32 v11, v10  }
0xf8: {  	s2 =	simm.s32 $0xB;
	[tilespmem:s24+$0x2B0] =	vst v10  }
0xf9: {  	s18 =	sshrl.u32 s18, $0xE;
	_ =	swait.ge [sflag:s2], $0x2000  }
0xfa: {  	p4 =	sge.u32 s18, s16;
	[sflag:s2] =	ssyncset.done $0x0  }
0xfb: {  	s18 =	simm.s32 @p4 $0x7400;
	s14 =	simm.s32 @p4 $0x40;
	[sflag:s2] =	ssyncadd.s32 $0xFFFFE000  }
0xfc: {  	[tilespmem:s18], [sflag:$0x3] =	stream.indirect.gather @p4 [hbm4b:s1+s14], $0x80, s12, s14, $0xb8;
	[tilespmem:$0x1EF80] =	vst v63  }
0xfd: {  	s19 =	simm.s32 $0x9400;
	s14 =	simm.s32 @!p4 $0x40;
	s18 =	simm.s32 @!p4 $0x7400  }
0xfe: {  	[tilespmem:s18], [sflag:$0x3] =	stream.indirect.gather @!p4 [spmem:s4], $0x80, s12, s14, $0xb8;
	[tilespmem:$0x1EF80] =	vst v63  }
.LBB2_5:
.Ltmp4:
0xff: {  	(pc) =	sbr.rel @!p3 .LBB2_6-.Ltmp4, $4  }
0x100: {  	_ =	swait.ge [sflag:s26], $0x2000;
	s12 =	sadd.s32 s24, s11  }
0x101: {  	[sflag:s26] =	ssyncset.done $0x0;
	s12 =	sshll.u32 s12, $0x4  }
0x102: {  	[sflag:s26] =	ssyncadd.s32 $0xFFFFE000;
	s12 =	sadd.s32 s3, s12  }
0x103: {  	[hbm4b:s12+s6] =	stream.linear.scatter [tilespmem:s19], [sflag:$0xC], $0x2000, $0x38;
	[tilespmem:$0x1EF80] =	vst v63  }
.Ltmp5:
0x104: {  	(pc) =	sbr.rel .LBB2_8-.Ltmp5, $4  }
0x105: {  	_ =	swait.ge [sflag:s10], $0x2000  }
0x106: {  	[sflag:s10] =	ssyncset.done $0x0  }
0x107: {  	s14 =	simm.s32 $0xB400;
	s12 =	rddreg [dreg:$0xc];
	[sflag:s10] =	ssyncadd.s32 $0xFFFFE000  }
0x108: {  	[hbm4b:s12+s6] =	stream.linear.scatter [tilespmem:s14], [sflag:$0xD], $0x2000, $0x38;
	[tilespmem:$0x1EF80] =	vst v63  }
.LBB2_6:
0x109: {  	s12 =	sadd.s32 $0x2C0, s24  }
0x10a: {  	s14 =	sadd.s32 s5, s12  }
0x10b: {  	v10 =	vmov s14  }
0x10c: {  	v10 =	vshrl.u32 v10, $0xE  }
0x10d: {  	v10 =	vsub.s32 v10, v0  }
0x10e: {  	v11 =	vld [tilespmem:s24+$0x2C0];
	v10 =	vbroadcast v10, $0x0;
	_ =	sdelay $0x1  }
0x10f: {  	v12 =	vmul.u32 $0x3E8, v10;
	vm0 =	vlt.s32 v10, $0x6  }
0x110: {  	v10 =	vsel vm0, $0x0, v1  }
0x111: {  	v10 =	vadd.s32 v12, v10  }
0x112: {  	v11 =	vadd.s32 v11, v10  }
0x113: {  	[tilespmem:s24+$0x2C0] =	vst v11;
	v11 =	vld [tilespmem:s24+$0x2D0];
	_ =	sdelay $0x4  }
0x114: {  	v11 =	vadd.s32 v11, v10  }
0x115: {  	[tilespmem:s24+$0x2D0] =	vst v11;
	v11 =	vld [tilespmem:s24+$0x2E0];
	_ =	sdelay $0x4  }
0x116: {  	v11 =	vadd.s32 v11, v10  }
0x117: {  	[tilespmem:s24+$0x2E0] =	vst v11;
	v11 =	vld [tilespmem:s24+$0x2F0];
	_ =	sdelay $0x4  }
0x118: {  	v10 =	vadd.s32 v11, v10  }
0x119: {  	s2 =	simm.s32 $0xC;
	[tilespmem:s24+$0x2F0] =	vst v10  }
0x11a: {  	s14 =	sshrl.u32 s14, $0xE;
	_ =	swait.ge [sflag:s2], $0x2000  }
0x11b: {  	p4 =	sge.u32 s14, s16;
	[sflag:s2] =	ssyncset.done $0x0  }
0x11c: {  	s14 =	simm.s32 @p4 $0x40;
	s18 =	simm.s32 @p4 $0x9400;
	[sflag:s2] =	ssyncadd.s32 $0xFFFFE000  }
0x11d: {  	[tilespmem:s18], [sflag:$0x4] =	stream.indirect.gather @p4 [hbm4b:s1+s14], $0x80, s12, s14, $0xb8;
	[tilespmem:$0x1EF80] =	vst v63  }
0x11e: {  	s14 =	simm.s32 @!p4 $0x40;
	s18 =	simm.s32 @!p4 $0x9400  }
0x11f: {  	[tilespmem:s18], [sflag:$0x4] =	stream.indirect.gather @!p4 [spmem:s4], $0x80, s12, s14, $0xb8;
	[tilespmem:$0x1EF80] =	vst v63  }
0x120: {  	_ =	swait.ge [sflag:s10], $0x2000  }
0x121: {  	s12 =	sadd.s32 $0x300, s24;
	s2 =	rddreg [dreg:$0x8]  }
0x122: {  	s18 =	sadd.s32 s5, s12;
	s14 =	sadd.s32 s24, s2  }
0x123: {  	[sflag:s10] =	ssyncset.done $0x0;
	v10 =	vmov s18;
	s14 =	sshll.u32 s14, $0x4  }
0x124: {  	s20 =	simm.s32 $0xB400;
	[sflag:s10] =	ssyncadd.s32 $0xFFFFE000;
	v10 =	vshrl.u32 v10, $0xE;
	s14 =	sadd.s32 s3, s14  }
0x125: {  	v10 =	vsub.s32 v10, v0;
	[hbm4b:s14+s6] =	stream.linear.scatter [tilespmem:s20], [sflag:$0xD], $0x2000, $0x38;
	[tilespmem:$0x1EF80] =	vst v63  }
0x126: {  	v10 =	vbroadcast v10, $0x0;
	v11 =	vld [tilespmem:s24+$0x300];
	_ =	sdelay $0x1  }
0x127: {  	v63 =	vmul.u32 $0x3E8, v10;
	vm15 =	vlt.s32 v10, $0x6  }
0x128: {  	v10 =	vsel vm15, $0x0, v1  }
0x129: {  	v10 =	vadd.s32 v63, v10  }
0x12a: {  	v11 =	vadd.s32 v11, v10  }
0x12b: {  	[tilespmem:s24+$0x300] =	vst v11;
	v11 =	vld [tilespmem:s24+$0x310];
	_ =	sdelay $0x4  }
0x12c: {  	v11 =	vadd.s32 v11, v10  }
0x12d: {  	[tilespmem:s24+$0x310] =	vst v11;
	v11 =	vld [tilespmem:s24+$0x320];
	_ =	sdelay $0x4  }
0x12e: {  	v11 =	vadd.s32 v11, v10  }
0x12f: {  	[tilespmem:s24+$0x320] =	vst v11;
	v11 =	vld [tilespmem:s24+$0x330];
	_ =	sdelay $0x4  }
0x130: {  	v10 =	vadd.s32 v11, v10  }
0x131: {  	s2 =	simm.s32 $0xD;
	[tilespmem:s24+$0x330] =	vst v10  }
0x132: {  	s18 =	sshrl.u32 s18, $0xE;
	_ =	swait.ge [sflag:s2], $0x2000  }
0x133: {  	p4 =	sge.u32 s18, s16;
	[sflag:s2] =	ssyncset.done $0x0  }
0x134: {  	s18 =	simm.s32 @p4 $0xB400;
	s14 =	simm.s32 @p4 $0x40;
	[sflag:s2] =	ssyncadd.s32 $0xFFFFE000  }
0x135: {  	[tilespmem:s18], [sflag:$0x5] =	stream.indirect.gather @p4 [hbm4b:s1+s14], $0x80, s12, s14, $0xb8;
	[tilespmem:$0x1EF80] =	vst v63  }
0x136: {  	s20 =	simm.s32 $0xD400;
	s14 =	simm.s32 @!p4 $0x40;
	s18 =	simm.s32 @!p4 $0xB400  }
0x137: {  	[tilespmem:s18], [sflag:$0x5] =	stream.indirect.gather @!p4 [spmem:s4], $0x80, s12, s14, $0xb8;
	[tilespmem:$0x1EF80] =	vst v63  }
.LBB2_8:
.Ltmp6:
0x138: {  	(pc) =	sbr.rel @!p3 .LBB2_9-.Ltmp6, $4  }
0x139: {  	_ =	swait.ge [sflag:s23], $0x2000;
	s12 =	sadd.s32 s24, s13  }
0x13a: {  	[sflag:s23] =	ssyncset.done $0x0;
	s12 =	sshll.u32 s12, $0x4  }
0x13b: {  	[sflag:s23] =	ssyncadd.s32 $0xFFFFE000;
	s12 =	sadd.s32 s3, s12  }
0x13c: {  	[hbm4b:s12+s6] =	stream.linear.scatter [tilespmem:s20], [sflag:$0xE], $0x2000, $0x38;
	[tilespmem:$0x1EF80] =	vst v63  }
.Ltmp7:
0x13d: {  	(pc) =	sbr.rel .LBB2_11-.Ltmp7, $4  }
0x13e: {  	_ =	swait.ge [sflag:s22], $0x2000  }
0x13f: {  	[sflag:s22] =	ssyncset.done $0x0  }
0x140: {  	s14 =	simm.s32 $0xF400;
	s12 =	rddreg [dreg:$0xd];
	[sflag:s22] =	ssyncadd.s32 $0xFFFFE000  }
0x141: {  	[hbm4b:s12+s6] =	stream.linear.scatter [tilespmem:s14], [sflag:$0xF], $0x2000, $0x38;
	[tilespmem:$0x1EF80] =	vst v63  }
.LBB2_9:
0x142: {  	s12 =	sadd.s32 $0x340, s24  }
0x143: {  	s14 =	sadd.s32 s5, s12  }
0x144: {  	v10 =	vmov s14  }
0x145: {  	v10 =	vshrl.u32 v10, $0xE  }
0x146: {  	v10 =	vsub.s32 v10, v0  }
0x147: {  	v11 =	vld [tilespmem:s24+$0x340];
	v10 =	vbroadcast v10, $0x0;
	_ =	sdelay $0x1  }
0x148: {  	v12 =	vmul.u32 $0x3E8, v10;
	vm0 =	vlt.s32 v10, $0x6  }
0x149: {  	v10 =	vsel vm0, $0x0, v1  }
0x14a: {  	v10 =	vadd.s32 v12, v10  }
0x14b: {  	v11 =	vadd.s32 v11, v10  }
0x14c: {  	[tilespmem:s24+$0x340] =	vst v11;
	v11 =	vld [tilespmem:s24+$0x350];
	_ =	sdelay $0x4  }
0x14d: {  	v11 =	vadd.s32 v11, v10  }
0x14e: {  	[tilespmem:s24+$0x350] =	vst v11;
	v11 =	vld [tilespmem:s24+$0x360];
	_ =	sdelay $0x4  }
0x14f: {  	v11 =	vadd.s32 v11, v10  }
0x150: {  	[tilespmem:s24+$0x360] =	vst v11;
	v11 =	vld [tilespmem:s24+$0x370];
	_ =	sdelay $0x4  }
0x151: {  	v10 =	vadd.s32 v11, v10  }
0x152: {  	s2 =	simm.s32 $0xE;
	[tilespmem:s24+$0x370] =	vst v10  }
0x153: {  	s14 =	sshrl.u32 s14, $0xE;
	_ =	swait.ge [sflag:s2], $0x2000  }
0x154: {  	p4 =	sge.u32 s14, s16;
	[sflag:s2] =	ssyncset.done $0x0  }
0x155: {  	s14 =	simm.s32 @p4 $0x40;
	s18 =	simm.s32 @p4 $0xD400;
	[sflag:s2] =	ssyncadd.s32 $0xFFFFE000  }
0x156: {  	[tilespmem:s18], [sflag:$0x6] =	stream.indirect.gather @p4 [hbm4b:s1+s14], $0x80, s12, s14, $0xb8;
	[tilespmem:$0x1EF80] =	vst v63  }
0x157: {  	s14 =	simm.s32 @!p4 $0x40;
	s18 =	simm.s32 @!p4 $0xD400  }
0x158: {  	[tilespmem:s18], [sflag:$0x6] =	stream.indirect.gather @!p4 [spmem:s4], $0x80, s12, s14, $0xb8;
	[tilespmem:$0x1EF80] =	vst v63  }
0x159: {  	_ =	swait.ge [sflag:s22], $0x2000  }
0x15a: {  	s12 =	sadd.s32 $0x380, s24;
	s2 =	rddreg [dreg:$0x9]  }
0x15b: {  	s18 =	sadd.s32 s5, s12;
	s14 =	sadd.s32 s24, s2  }
0x15c: {  	[sflag:s22] =	ssyncset.done $0x0;
	v10 =	vmov s18;
	s14 =	sshll.u32 s14, $0x4  }
0x15d: {  	s30 =	simm.s32 $0xF400;
	[sflag:s22] =	ssyncadd.s32 $0xFFFFE000;
	v10 =	vshrl.u32 v10, $0xE;
	s14 =	sadd.s32 s3, s14  }
0x15e: {  	v10 =	vsub.s32 v10, v0;
	[hbm4b:s14+s6] =	stream.linear.scatter [tilespmem:s30], [sflag:$0xF], $0x2000, $0x38;
	[tilespmem:$0x1EF80] =	vst v63  }
0x15f: {  	v10 =	vbroadcast v10, $0x0;
	v11 =	vld [tilespmem:s24+$0x380];
	_ =	sdelay $0x1  }
0x160: {  	v63 =	vmul.u32 $0x3E8, v10;
	vm15 =	vlt.s32 v10, $0x6  }
0x161: {  	v10 =	vsel vm15, $0x0, v1  }
0x162: {  	v10 =	vadd.s32 v63, v10  }
0x163: {  	v11 =	vadd.s32 v11, v10  }
0x164: {  	[tilespmem:s24+$0x380] =	vst v11;
	v11 =	vld [tilespmem:s24+$0x390];
	_ =	sdelay $0x4  }
0x165: {  	v11 =	vadd.s32 v11, v10  }
0x166: {  	[tilespmem:s24+$0x390] =	vst v11;
	v11 =	vld [tilespmem:s24+$0x3A0];
	_ =	sdelay $0x4  }
0x167: {  	v11 =	vadd.s32 v11, v10  }
0x168: {  	[tilespmem:s24+$0x3A0] =	vst v11;
	v11 =	vld [tilespmem:s24+$0x3B0];
	_ =	sdelay $0x4  }
0x169: {  	v10 =	vadd.s32 v11, v10  }
0x16a: {  	s2 =	simm.s32 $0xF;
	[tilespmem:s24+$0x3B0] =	vst v10  }
0x16b: {  	s18 =	sshrl.u32 s18, $0xE;
	_ =	swait.ge [sflag:s2], $0x2000  }
0x16c: {  	p4 =	sge.u32 s18, s16;
	[sflag:s2] =	ssyncset.done $0x0  }
0x16d: {  	s18 =	simm.s32 @p4 $0xF400;
	s14 =	simm.s32 @p4 $0x40;
	[sflag:s2] =	ssyncadd.s32 $0xFFFFE000  }
0x16e: {  	[tilespmem:s18], [sflag:$0x7] =	stream.indirect.gather @p4 [hbm4b:s1+s14], $0x80, s12, s14, $0xb8;
	[tilespmem:$0x1EF80] =	vst v63  }
0x16f: {  	s30 =	simm.s32 $0x11400;
	s14 =	simm.s32 @!p4 $0x40;
	s18 =	simm.s32 @!p4 $0xF400  }
0x170: {  	[tilespmem:s18], [sflag:$0x7] =	stream.indirect.gather @!p4 [spmem:s4], $0x80, s12, s14, $0xb8;
	[tilespmem:$0x1EF80] =	vst v63  }
.LBB2_11:
.Ltmp8:
0x171: {  	(pc) =	sbr.rel @p3 .LBB2_13-.Ltmp8, $4  }
0x172: {  	_ =	swait.ge [sflag:s9], $0x2000;
	s12 =	sadd.s32 s24, s15  }
0x173: {  	[sflag:s9] =	ssyncset.done $0x0;
	s12 =	sshll.u32 s12, $0x4  }
0x174: {  	[sflag:s9] =	ssyncadd.s32 $0xFFFFE000;
	s12 =	sadd.s32 s3, s12  }
0x175: {  	[hbm4b:s12+s6] =	stream.linear.scatter [tilespmem:s30], [sflag:$0x10], $0x2000, $0x38;
	[tilespmem:$0x1EF80] =	vst v63  }
0x176: {  	s12 =	sadd.s32 $0x3C0, s24  }
0x177: {  	s14 =	sadd.s32 s5, s12  }
0x178: {  	v10 =	vmov s14  }
0x179: {  	v10 =	vshrl.u32 v10, $0xE  }
0x17a: {  	v10 =	vsub.s32 v10, v0  }
0x17b: {  	v11 =	vld [tilespmem:s24+$0x3C0];
	v10 =	vbroadcast v10, $0x0;
	_ =	sdelay $0x1  }
0x17c: {  	v12 =	vmul.u32 $0x3E8, v10;
	vm0 =	vlt.s32 v10, $0x6  }
0x17d: {  	v10 =	vsel vm0, $0x0, v1  }
0x17e: {  	v10 =	vadd.s32 v12, v10  }
0x17f: {  	v11 =	vadd.s32 v11, v10  }
0x180: {  	[tilespmem:s24+$0x3C0] =	vst v11;
	v11 =	vld [tilespmem:s24+$0x3D0];
	_ =	sdelay $0x4  }
0x181: {  	v11 =	vadd.s32 v11, v10  }
0x182: {  	[tilespmem:s24+$0x3D0] =	vst v11;
	v11 =	vld [tilespmem:s24+$0x3E0];
	_ =	sdelay $0x4  }
0x183: {  	v11 =	vadd.s32 v11, v10  }
0x184: {  	[tilespmem:s24+$0x3E0] =	vst v11;
	v11 =	vld [tilespmem:s24+$0x3F0];
	_ =	sdelay $0x4  }
0x185: {  	v10 =	vadd.s32 v11, v10  }
0x186: {  	s28 =	sadd.s32 $0x200, s28;
	[tilespmem:s24+$0x3F0] =	vst v10  }
0x187: {  	s8 =	sadd.s32 $0x200, s8;
	s14 =	sshrl.u32 s14, $0xE;
	_ =	swait.ge [sflag:s25], $0x2000  }
.Ltmp9:
0x188: {  	p3 =	sge.u32 s14, s16;
	[sflag:s25] =	ssyncset.done $0x0;
	(pc) =	sbr.rel .LBB2_2-.Ltmp9, $4  }
0x189: {  	s14 =	simm.s32 @p3 $0x40;
	s18 =	simm.s32 @p3 $0x11400;
	[sflag:s25] =	ssyncadd.s32 $0xFFFFE000  }
0x18a: {  	[tilespmem:s18], [sflag:$0x8] =	stream.indirect.gather @p3 [hbm4b:s1+s14], $0x80, s12, s14, $0xb8;
	[tilespmem:$0x1EF80] =	vst v63  }
0x18b: {  	s17 =	sadd.s32 $0x2000, s17;
	s14 =	simm.s32 @!p3 $0x40;
	s18 =	simm.s32 @!p3 $0x11400  }
0x18c: {  	[tilespmem:s18], [sflag:$0x8] =	stream.indirect.gather @!p3 [spmem:s4], $0x80, s12, s14, $0xb8;
	[tilespmem:$0x1EF80] =	vst v63  }
.LBB2_14:
0x18d: {  	_ =	sfence.sel $0x180000  }
0x18e: {  	[bflag:$0x0] =	sbarrier.arrive $0xFFFF  }
0x18f: {  	_ =	strace $0x90000047  }
0x190: {  	s0 =	stileid.u32;
	[bflag:$0x2] =	sbarrier.arrive $0xFFFF  }
0x191: {  	p0 =	sne.s32 s0, $0x0;
	s0 =	rddreg [dreg:$0x4]  }
0x192: {  	s0 =	sadd.s32 @!p0 $0x100000, s0  }
0x193: {  	[sflag:s0] =	ssyncadd.tile.s32 @!p0 $0x1;
	_ =	shalt  }
.Lfunc_end2:
_tile_overlayer_lowered:
.L_overlay_start_2:
0x194: {  	(tag) =	ssettag $0x2  }
0x195: {  	s0 =	rddreg [dreg:$0x0];
	s2 =	stileid.u32  }
0x196: {  	s1 =	rddreg [dreg:$0x1];
	p0 =	sne.s32 s2, $0x0  }
0x197: {  	s3 =	rddreg [dreg:$0x2];
	[bflag:$0x3] =	sbarrier.arrive $0xFFFF;
	s2 =	simm.s32 @!p0 $0x1C12  }
0x198: {  	[timem:s3], [sflag:s2] =	dma.local @!p0 [hbm:s0], s1  }
0x199: {  	s0 =	simm.s32 @!p0 $0x12  }
0x19a: {  	_ =	swait.ge @!p0 [sflag:s0], s1  }
0x19b: {  	s1 =	ssub.s32 @!p0 $0x0, s1;
	[sflag:s0] =	ssyncset.done @!p0 $0x0  }
0x19c: {  	[sflag:s0] =	ssyncadd.s32 @!p0 s1  }
0x19d: {  	[bflag:$0x3] =	sbarrier.arrive $0xFFFF  }
0x19e: {  	_ =	shalt  }

</sc_bundles>
